<compile_context>
chip_gen: v7x
topology: tpu7x:2x2x1
jax: 0.10.2.dev20260603
libtpu: 0.0.44.dev20260713+nightly
codegen_flags: <defaults>
</compile_context>

<pallas_src>
import functools

import jax
import jax.numpy as jnp
from jax import lax
from jax.experimental import pallas as pl
from jax.experimental.pallas import tpu as pltpu
from jax.experimental.pallas import tpu_sc as plsc

N = 33
N2 = N * N
NLUT = N * N * N
NPAD = 35944
B = 8
H = 512
W = 512
NWORKERS = 32
ROWS = 8
COLS = 256
CHUNK = ROWS * COLS
ROWGROUPS = H // ROWS
COLHALVES = W // COLS
CHUNKS_PER_B = ROWGROUPS * COLHALVES
NCHUNKS = B * CHUNKS_PER_B // NWORKERS
VECS = CHUNK // 16
VECS_PER_ROW = COLS // 16


def _body(img, lut_hbm, out,
          lutr, lutg, lutb,
          r0_, g0_, b0_, r1_, g1_, b1_, r2_, g2_, b2_,
          sin0, sin1, sin2, sout0, sout1, sout2):
    nc = 2
    wid = lax.axis_index("s") * nc + lax.axis_index("c")

    insets = ((r0_, g0_, b0_), (r1_, g1_, b1_), (r2_, g2_, b2_))
    insems = (sin0, sin1, sin2)
    outsems = (sout0, sout1, sout2)

    def descs(k, bufs, sem, to_hbm):
        g = wid * NCHUNKS + k
        bb = lax.shift_right_logical(g, 7)
        rem = lax.bitwise_and(g, 127)
        row0 = lax.shift_right_logical(rem, 1) * ROWS
        col0 = lax.bitwise_and(rem, 1) * COLS
        res = []
        for c, buf in enumerate(bufs):
            hbm = (out if to_hbm else img).at[bb, c, pl.ds(row0, ROWS),
                                             pl.ds(col0, COLS)]
            res.append(pltpu.make_async_copy(buf if to_hbm else hbm,
                                             hbm if to_hbm else buf, sem))
        return res

    def compute(rin, gin, bin_):
        @plsc.parallel_loop(0, VECS, 1, unroll=1)
        def vec(i):
            j = lax.shift_right_logical(i, 4)
            off = lax.bitwise_and(i, VECS_PER_ROW - 1) * 16
            r = rin[j, pl.ds(off, 16)]
            g = gin[j, pl.ds(off, 16)]
            bl = bin_[j, pl.ds(off, 16)]

            tx = r * 32.0
            ty = g * 32.0
            tz = bl * 32.0
            x0 = tx.astype(jnp.int32)
            y0 = ty.astype(jnp.int32)
            z0 = tz.astype(jnp.int32)
            wx = tx - x0.astype(jnp.float32)
            wy = ty - y0.astype(jnp.float32)
            wz = tz - z0.astype(jnp.float32)

            b00 = z0 * N2 + y0 * N
            i000 = b00 + x0
            i010 = i000 + N
            i100 = i000 + N2
            i110 = i010 + N2
            idxs = (i000, i000 + 1, i010, i010 + 1,
                    i100, i100 + 1, i110, i110 + 1)

            for lut, oref in ((lutr, rin), (lutg, gin), (lutb, bin_)):
                c = [plsc.load_gather(lut, [ix]) for ix in idxs]
                e0 = c[0] + wx * (c[1] - c[0])
                e1 = c[2] + wx * (c[3] - c[2])
                e2 = c[4] + wx * (c[5] - c[4])
                e3 = c[6] + wx * (c[7] - c[6])
                lo = e0 + wy * (e1 - e0)
                hi = e2 + wy * (e3 - e2)
                oref[j, pl.ds(off, 16)] = lo + wz * (hi - lo)

    for h in descs(0, insets[0], insems[0], False):
        h.start()
    for h in descs(1, insets[1], insems[1], False):
        h.start()
    lut_copies = [
        pltpu.make_async_copy(lut_hbm.at[pl.ds(0, NLUT)], lutr, sout0),
        pltpu.make_async_copy(lut_hbm.at[pl.ds(NPAD, NLUT)], lutg, sout0),
        pltpu.make_async_copy(lut_hbm.at[pl.ds(2 * NPAD, NLUT)], lutb, sout0),
    ]
    for h in lut_copies:
        h.start()
    for h in lut_copies:
        h.wait()

    def triple(i, _):
        for s in range(3):
            k = 3 * i + s
            bufs = insets[s]
            for h in descs(k, bufs, insems[s], False):
                h.wait()
            compute(*bufs)
            for h in descs(k, bufs, outsems[s], True):
                h.start()
            nxt = (s + 2) % 3

            @pl.when(k >= 1)
            def _w(k=k, nxt=nxt):
                for h in descs(k - 1, insets[nxt], outsems[nxt], True):
                    h.wait()

            @pl.when(k < NCHUNKS - 2)
            def _s(k=k, nxt=nxt):
                for h in descs(k + 2, insets[nxt], insems[nxt], False):
                    h.start()
        return _

    lax.fori_loop(0, NCHUNKS // 3, triple, None)
    for k in (NCHUNKS - 2, NCHUNKS - 1):
        s = k % 3
        bufs = insets[s]
        for h in descs(k, bufs, insems[s], False):
            h.wait()
        compute(*bufs)
        for h in descs(k, bufs, outsems[s], True):
            h.start()
        for h in descs(k - 1, insets[(k - 1) % 3], outsems[(k - 1) % 3], True):
            h.wait()
    for h in descs(NCHUNKS - 1, insets[(NCHUNKS - 1) % 3],
                   outsems[(NCHUNKS - 1) % 3], True):
        h.wait()


@jax.jit
def _lut3d(img, lut_flat):
    mesh = plsc.VectorSubcoreMesh(core_axis_name="c", subcore_axis_name="s")
    blk = pltpu.VMEM((ROWS, COLS), jnp.float32)
    f = functools.partial(
        pl.kernel,
        mesh=mesh,
        out_type=jax.ShapeDtypeStruct((B, 3, H, W), jnp.float32),
        compiler_params=pltpu.CompilerParams(needs_layout_passes=False),
        scratch_types=[
            pltpu.VMEM((NLUT,), jnp.float32),
            pltpu.VMEM((NLUT,), jnp.float32),
            pltpu.VMEM((NLUT,), jnp.float32),
            blk, blk, blk, blk, blk, blk, blk, blk, blk,
            pltpu.SemaphoreType.DMA,
            pltpu.SemaphoreType.DMA,
            pltpu.SemaphoreType.DMA,
            pltpu.SemaphoreType.DMA,
            pltpu.SemaphoreType.DMA,
            pltpu.SemaphoreType.DMA,
        ],
    )(_body)
    return f(img, lut_flat)


def kernel(img, LUT):
    lut_flat = jnp.pad(LUT.reshape(3, NLUT), ((0, 0), (0, NPAD - NLUT))).reshape(3 * NPAD)
    return _lut3d(img, lut_flat)

# --- scband reference (transcript-rebuilt; emitter-appended) ---
"""Pipeline reference for scband-three-dimensional-lut-3126736192196 (READ-ONLY COPY).

The authoritative reference and input builder live on the scoring server;
editing this copy changes nothing except your own understanding.
"""

import jax, jax.numpy as jnp
import numpy as np

N_POINTS = 33


def make_identity_lut(n):
    coords = jnp.linspace(0.0, 1.0, n)
    z, y, x = jnp.meshgrid(coords, coords, coords, indexing='ij')
    return jnp.stack([x, y, z], axis=0)  # [3, N, N, N] (C, D, H, W)


def setup_inputs(seed: int = 0) -> dict:
    key = jax.random.key(seed)
    img = jax.random.uniform(key, (8, 3, 512, 512), dtype=jnp.float32)
    LUT = make_identity_lut(N_POINTS).astype(jnp.float32)
    return {"img": img, "LUT": LUT}


def _trilinear(img, LUT):
    # Faithful port of BaseModel.TrilinearInterpolation:
    #   img -> (img - 0.5) * 2 ; permute to [B, H, W, 3] grid coords (x, y, z)
    #   F.grid_sample(LUT[None->B], grid[:, None], bilinear, border, align_corners=True)
    g = (img - 0.5) * 2.0
    g = jnp.transpose(g, (0, 2, 3, 1))  # [B, H, W, 3], last dim = (x, y, z)
    n = LUT.shape[1]
    # align_corners=True: map [-1, 1] -> [0, n-1]
    idx = (g + 1.0) * 0.5 * (n - 1)
    # padding_mode='border': clamp unnormalized coords to valid range
    idx = jnp.clip(idx, 0.0, float(n - 1))
    ix, iy, iz = idx[..., 0], idx[..., 1], idx[..., 2]  # x->W, y->H, z->D
    x0f = jnp.floor(ix); y0f = jnp.floor(iy); z0f = jnp.floor(iz)
    wx = ix - x0f; wy = iy - y0f; wz = iz - z0f
    x0 = jnp.clip(x0f.astype(jnp.int32), 0, n - 1)
    y0 = jnp.clip(y0f.astype(jnp.int32), 0, n - 1)
    z0 = jnp.clip(z0f.astype(jnp.int32), 0, n - 1)
    x1 = jnp.clip(x0 + 1, 0, n - 1)
    y1 = jnp.clip(y0 + 1, 0, n - 1)
    z1 = jnp.clip(z0 + 1, 0, n - 1)

    def gather(zz, yy, xx):
        # LUT [3, D, H, W]; indices [B, H, W] -> output [3, B, H, W]
        return LUT[:, zz, yy, xx]

    c000 = gather(z0, y0, x0); c001 = gather(z0, y0, x1)
    c010 = gather(z0, y1, x0); c011 = gather(z0, y1, x1)
    c100 = gather(z1, y0, x0); c101 = gather(z1, y0, x1)
    c110 = gather(z1, y1, x0); c111 = gather(z1, y1, x1)

    lo = (c000 * (1.0 - wx) + c001 * wx) * (1.0 - wy) + (c010 * (1.0 - wx) + c011 * wx) * wy
    hi = (c100 * (1.0 - wx) + c101 * wx) * (1.0 - wy) + (c110 * (1.0 - wx) + c111 * wx) * wy
    out = lo * (1.0 - wz) + hi * wz  # [3, B, H, W]
    return jnp.transpose(out, (1, 0, 2, 3))  # [B, 3, H, W]


def reference(img, LUT):
    return _trilinear(img, LUT)

if __name__ == "__main__":
    import jax
    _d = setup_inputs()
    print(jax.jit(kernel)(*tuple(_d.values())))

</pallas_src>

<mosaic_0001>
#map = affine_map<(d0, d1) -> (0, 0, 0, 0)>
#map1 = affine_map<(d0, d1) -> (0)>
module attributes {stable_mosaic.version = 14 : i64} {
  func.func @_body(%arg0: i32, %arg1: i32, %arg2: memref<8x3x512x512xf32, #tpu.memory_space<hbm>>, %arg3: memref<107832xf32, #tpu.memory_space<hbm>>, %arg4: memref<8x3x512x512xf32, #tpu.memory_space<hbm>>, %arg5: memref<35937xf32, #tpu.memory_space<vmem>>, %arg6: memref<35937xf32, #tpu.memory_space<vmem>>, %arg7: memref<35937xf32, #tpu.memory_space<vmem>>, %arg8: memref<8x256xf32, #tpu.memory_space<vmem>>, %arg9: memref<8x256xf32, #tpu.memory_space<vmem>>, %arg10: memref<8x256xf32, #tpu.memory_space<vmem>>, %arg11: memref<8x256xf32, #tpu.memory_space<vmem>>, %arg12: memref<8x256xf32, #tpu.memory_space<vmem>>, %arg13: memref<8x256xf32, #tpu.memory_space<vmem>>, %arg14: memref<8x256xf32, #tpu.memory_space<vmem>>, %arg15: memref<8x256xf32, #tpu.memory_space<vmem>>, %arg16: memref<8x256xf32, #tpu.memory_space<vmem>>, %arg17: memref<!tpu.dma_semaphore, #tpu.memory_space<semaphore_mem>>, %arg18: memref<!tpu.dma_semaphore, #tpu.memory_space<semaphore_mem>>, %arg19: memref<!tpu.dma_semaphore, #tpu.memory_space<semaphore_mem>>, %arg20: memref<!tpu.dma_semaphore, #tpu.memory_space<semaphore_mem>>, %arg21: memref<!tpu.dma_semaphore, #tpu.memory_space<semaphore_mem>>, %arg22: memref<!tpu.dma_semaphore, #tpu.memory_space<semaphore_mem>>) attributes {dimension_semantics = [#tpu.dimension_semantics<core_parallel>, #tpu.dimension_semantics<subcore_parallel>], iteration_bounds = array<i64: 2, 16>, scalar_prefetch = 0 : i64, scratch_operands = 18 : i64, tpu.core_type = #tpu.core_type<sc_vector_subcore>, window_params = [{transform_indices = #map}, {transform_indices = #map1}, {transform_indices = #map}]} {
    %mul3A = arith.constant 2 : i32
    %mul3A_0 = arith.muli %arg1, %mul3A : i32
    %add3A = arith.addi %mul3A_0, %arg0 : i32
    %mul3A_1 = arith.constant 32 : i32
    %mul3A_2 = arith.muli %add3A, %mul3A_1 : i32
    %add3A_3 = arith.constant 0 : i32
    %add3A_4 = arith.addi %mul3A_2, %add3A_3 : i32
    %shift_right_logical3A = arith.constant 7 : i32
    %shift_right_logical3A_5 = arith.shrui %add3A_4, %shift_right_logical3A : i32
    %and3A = arith.constant 127 : i32
    %and3A_6 = arith.andi %add3A_4, %and3A : i32
    %shift_right_logical3A_7 = arith.constant 1 : i32
    %shift_right_logical3A_8 = arith.shrui %and3A_6, %shift_right_logical3A_7 : i32
    %mul3A_9 = arith.constant 8 : i32
    %mul3A_10 = arith.muli %shift_right_logical3A_8, %mul3A_9 : i32
    %and3A_11 = arith.constant 1 : i32
    %and3A_12 = arith.andi %and3A_6, %and3A_11 : i32
    %mul3A_13 = arith.constant 256 : i32
    %mul3A_14 = arith.muli %and3A_12, %mul3A_13 : i32
    %dma_start3A = arith.constant 0 : i32
    %dma_start3A_15 = tpu.memref_slice %arg2[%shift_right_logical3A_5, %dma_start3A, %mul3A_10, %mul3A_14] : memref<8x3x512x512xf32, #tpu.memory_space<hbm>> -> memref<1x1x8x256xf32, #tpu.memory_space<hbm>>
    %dma_start3A_16 = tpu.memref_squeeze %dma_start3A_15 : memref<1x1x8x256xf32, #tpu.memory_space<hbm>> -> memref<8x256xf32, #tpu.memory_space<hbm>>
    %dma_start3A_17 = tpu.memref_slice %arg2[%shift_right_logical3A_5, %dma_start3A, %mul3A_10, %mul3A_14] : memref<8x3x512x512xf32, #tpu.memory_space<hbm>> -> memref<1x1x8x256xf32, #tpu.memory_space<hbm>>
    %dma_start3A_18 = tpu.memref_squeeze %dma_start3A_17 : memref<1x1x8x256xf32, #tpu.memory_space<hbm>> -> memref<8x256xf32, #tpu.memory_space<hbm>>
    tpu.enqueue_dma source(%dma_start3A_18 : memref<8x256xf32, #tpu.memory_space<hbm>>) target(%arg8 : memref<8x256xf32, #tpu.memory_space<vmem>>) target_semaphore(%arg17 : memref<!tpu.dma_semaphore, #tpu.memory_space<semaphore_mem>>)
    %dma_start3A_19 = arith.constant 1 : i32
    %dma_start3A_20 = tpu.memref_slice %arg2[%shift_right_logical3A_5, %dma_start3A_19, %mul3A_10, %mul3A_14] : memref<8x3x512x512xf32, #tpu.memory_space<hbm>> -> memref<1x1x8x256xf32, #tpu.memory_space<hbm>>
    %dma_start3A_21 = tpu.memref_squeeze %dma_start3A_20 : memref<1x1x8x256xf32, #tpu.memory_space<hbm>> -> memref<8x256xf32, #tpu.memory_space<hbm>>
    %dma_start3A_22 = tpu.memref_slice %arg2[%shift_right_logical3A_5, %dma_start3A_19, %mul3A_10, %mul3A_14] : memref<8x3x512x512xf32, #tpu.memory_space<hbm>> -> memref<1x1x8x256xf32, #tpu.memory_space<hbm>>
    %dma_start3A_23 = tpu.memref_squeeze %dma_start3A_22 : memref<1x1x8x256xf32, #tpu.memory_space<hbm>> -> memref<8x256xf32, #tpu.memory_space<hbm>>
    tpu.enqueue_dma source(%dma_start3A_23 : memref<8x256xf32, #tpu.memory_space<hbm>>) target(%arg9 : memref<8x256xf32, #tpu.memory_space<vmem>>) target_semaphore(%arg17 : memref<!tpu.dma_semaphore, #tpu.memory_space<semaphore_mem>>)
    %dma_start3A_24 = arith.constant 2 : i32
    %dma_start3A_25 = tpu.memref_slice %arg2[%shift_right_logical3A_5, %dma_start3A_24, %mul3A_10, %mul3A_14] : memref<8x3x512x512xf32, #tpu.memory_space<hbm>> -> memref<1x1x8x256xf32, #tpu.memory_space<hbm>>
    %dma_start3A_26 = tpu.memref_squeeze %dma_start3A_25 : memref<1x1x8x256xf32, #tpu.memory_space<hbm>> -> memref<8x256xf32, #tpu.memory_space<hbm>>
    %dma_start3A_27 = tpu.memref_slice %arg2[%shift_right_logical3A_5, %dma_start3A_24, %mul3A_10, %mul3A_14] : memref<8x3x512x512xf32, #tpu.memory_space<hbm>> -> memref<1x1x8x256xf32, #tpu.memory_space<hbm>>
    %dma_start3A_28 = tpu.memref_squeeze %dma_start3A_27 : memref<1x1x8x256xf32, #tpu.memory_space<hbm>> -> memref<8x256xf32, #tpu.memory_space<hbm>>
    tpu.enqueue_dma source(%dma_start3A_28 : memref<8x256xf32, #tpu.memory_space<hbm>>) target(%arg10 : memref<8x256xf32, #tpu.memory_space<vmem>>) target_semaphore(%arg17 : memref<!tpu.dma_semaphore, #tpu.memory_space<semaphore_mem>>)
    %mul3A_29 = arith.constant 32 : i32
    %mul3A_30 = arith.muli %add3A, %mul3A_29 : i32
    %add3A_31 = arith.constant 1 : i32
    %add3A_32 = arith.addi %mul3A_30, %add3A_31 : i32
    %shift_right_logical3A_33 = arith.constant 7 : i32
    %shift_right_logical3A_34 = arith.shrui %add3A_32, %shift_right_logical3A_33 : i32
    %and3A_35 = arith.constant 127 : i32
    %and3A_36 = arith.andi %add3A_32, %and3A_35 : i32
    %shift_right_logical3A_37 = arith.constant 1 : i32
    %shift_right_logical3A_38 = arith.shrui %and3A_36, %shift_right_logical3A_37 : i32
    %mul3A_39 = arith.constant 8 : i32
    %mul3A_40 = arith.muli %shift_right_logical3A_38, %mul3A_39 : i32
    %and3A_41 = arith.constant 1 : i32
    %and3A_42 = arith.andi %and3A_36, %and3A_41 : i32
    %mul3A_43 = arith.constant 256 : i32
    %mul3A_44 = arith.muli %and3A_42, %mul3A_43 : i32
    %dma_start3A_45 = arith.constant 0 : i32
    %dma_start3A_46 = tpu.memref_slice %arg2[%shift_right_logical3A_34, %dma_start3A_45, %mul3A_40, %mul3A_44] : memref<8x3x512x512xf32, #tpu.memory_space<hbm>> -> memref<1x1x8x256xf32, #tpu.memory_space<hbm>>
    %dma_start3A_47 = tpu.memref_squeeze %dma_start3A_46 : memref<1x1x8x256xf32, #tpu.memory_space<hbm>> -> memref<8x256xf32, #tpu.memory_space<hbm>>
    %dma_start3A_48 = tpu.memref_slice %arg2[%shift_right_logical3A_34, %dma_start3A_45, %mul3A_40, %mul3A_44] : memref<8x3x512x512xf32, #tpu.memory_space<hbm>> -> memref<1x1x8x256xf32, #tpu.memory_space<hbm>>
    %dma_start3A_49 = tpu.memref_squeeze %dma_start3A_48 : memref<1x1x8x256xf32, #tpu.memory_space<hbm>> -> memref<8x256xf32, #tpu.memory_space<hbm>>
    tpu.enqueue_dma source(%dma_start3A_49 : memref<8x256xf32, #tpu.memory_space<hbm>>) target(%arg11 : memref<8x256xf32, #tpu.memory_space<vmem>>) target_semaphore(%arg18 : memref<!tpu.dma_semaphore, #tpu.memory_space<semaphore_mem>>)
    %dma_start3A_50 = arith.constant 1 : i32
    %dma_start3A_51 = tpu.memref_slice %arg2[%shift_right_logical3A_34, %dma_start3A_50, %mul3A_40, %mul3A_44] : memref<8x3x512x512xf32, #tpu.memory_space<hbm>> -> memref<1x1x8x256xf32, #tpu.memory_space<hbm>>
    %dma_start3A_52 = tpu.memref_squeeze %dma_start3A_51 : memref<1x1x8x256xf32, #tpu.memory_space<hbm>> -> memref<8x256xf32, #tpu.memory_space<hbm>>
    %dma_start3A_53 = tpu.memref_slice %arg2[%shift_right_logical3A_34, %dma_start3A_50, %mul3A_40, %mul3A_44] : memref<8x3x512x512xf32, #tpu.memory_space<hbm>> -> memref<1x1x8x256xf32, #tpu.memory_space<hbm>>
    %dma_start3A_54 = tpu.memref_squeeze %dma_start3A_53 : memref<1x1x8x256xf32, #tpu.memory_space<hbm>> -> memref<8x256xf32, #tpu.memory_space<hbm>>
    tpu.enqueue_dma source(%dma_start3A_54 : memref<8x256xf32, #tpu.memory_space<hbm>>) target(%arg12 : memref<8x256xf32, #tpu.memory_space<vmem>>) target_semaphore(%arg18 : memref<!tpu.dma_semaphore, #tpu.memory_space<semaphore_mem>>)
    %dma_start3A_55 = arith.constant 2 : i32
    %dma_start3A_56 = tpu.memref_slice %arg2[%shift_right_logical3A_34, %dma_start3A_55, %mul3A_40, %mul3A_44] : memref<8x3x512x512xf32, #tpu.memory_space<hbm>> -> memref<1x1x8x256xf32, #tpu.memory_space<hbm>>
    %dma_start3A_57 = tpu.memref_squeeze %dma_start3A_56 : memref<1x1x8x256xf32, #tpu.memory_space<hbm>> -> memref<8x256xf32, #tpu.memory_space<hbm>>
    %dma_start3A_58 = tpu.memref_slice %arg2[%shift_right_logical3A_34, %dma_start3A_55, %mul3A_40, %mul3A_44] : memref<8x3x512x512xf32, #tpu.memory_space<hbm>> -> memref<1x1x8x256xf32, #tpu.memory_space<hbm>>
    %dma_start3A_59 = tpu.memref_squeeze %dma_start3A_58 : memref<1x1x8x256xf32, #tpu.memory_space<hbm>> -> memref<8x256xf32, #tpu.memory_space<hbm>>
    tpu.enqueue_dma source(%dma_start3A_59 : memref<8x256xf32, #tpu.memory_space<hbm>>) target(%arg13 : memref<8x256xf32, #tpu.memory_space<vmem>>) target_semaphore(%arg18 : memref<!tpu.dma_semaphore, #tpu.memory_space<semaphore_mem>>)
    %dma_start3A_60 = arith.constant 0 : i32
    %dma_start3A_61 = tpu.memref_slice %arg3[%dma_start3A_60] : memref<107832xf32, #tpu.memory_space<hbm>> -> memref<35937xf32, #tpu.memory_space<hbm>>
    %dma_start3A_62 = arith.constant 0 : i32
    %dma_start3A_63 = tpu.memref_slice %arg3[%dma_start3A_62] : memref<107832xf32, #tpu.memory_space<hbm>> -> memref<35937xf32, #tpu.memory_space<hbm>>
    tpu.enqueue_dma source(%dma_start3A_63 : memref<35937xf32, #tpu.memory_space<hbm>>) target(%arg5 : memref<35937xf32, #tpu.memory_space<vmem>>) target_semaphore(%arg20 : memref<!tpu.dma_semaphore, #tpu.memory_space<semaphore_mem>>)
    %dma_start3A_64 = arith.constant 35944 : i32
    %dma_start3A_65 = tpu.memref_slice %arg3[%dma_start3A_64] : memref<107832xf32, #tpu.memory_space<hbm>> -> memref<35937xf32, #tpu.memory_space<hbm>>
    %dma_start3A_66 = arith.constant 35944 : i32
    %dma_start3A_67 = tpu.memref_slice %arg3[%dma_start3A_66] : memref<107832xf32, #tpu.memory_space<hbm>> -> memref<35937xf32, #tpu.memory_space<hbm>>
    tpu.enqueue_dma source(%dma_start3A_67 : memref<35937xf32, #tpu.memory_space<hbm>>) target(%arg6 : memref<35937xf32, #tpu.memory_space<vmem>>) target_semaphore(%arg20 : memref<!tpu.dma_semaphore, #tpu.memory_space<semaphore_mem>>)
    %dma_start3A_68 = arith.constant 71888 : i32
    %dma_start3A_69 = tpu.memref_slice %arg3[%dma_start3A_68] : memref<107832xf32, #tpu.memory_space<hbm>> -> memref<35937xf32, #tpu.memory_space<hbm>>
    %dma_start3A_70 = arith.constant 71888 : i32
    %dma_start3A_71 = tpu.memref_slice %arg3[%dma_start3A_70] : memref<107832xf32, #tpu.memory_space<hbm>> -> memref<35937xf32, #tpu.memory_space<hbm>>
    tpu.enqueue_dma source(%dma_start3A_71 : memref<35937xf32, #tpu.memory_space<hbm>>) target(%arg7 : memref<35937xf32, #tpu.memory_space<vmem>>) target_semaphore(%arg20 : memref<!tpu.dma_semaphore, #tpu.memory_space<semaphore_mem>>)
    %dma_wait3A = arith.constant 0 : i32
    %dma_wait3A_72 = tpu.memref_slice %arg3[%dma_wait3A] : memref<107832xf32, #tpu.memory_space<hbm>> -> memref<35937xf32, #tpu.memory_space<hbm>>
    %dma_wait3A_73 = arith.constant 0 : i32
    %dma_wait3A_74 = tpu.memref_slice %arg3[%dma_wait3A_73] : memref<107832xf32, #tpu.memory_space<hbm>> -> memref<35937xf32, #tpu.memory_space<hbm>>
    tpu.wait_dma2 semaphore(%arg20 : memref<!tpu.dma_semaphore, #tpu.memory_space<semaphore_mem>>) src(%dma_wait3A_74 : memref<35937xf32, #tpu.memory_space<hbm>>) dst(%arg5 : memref<35937xf32, #tpu.memory_space<vmem>>)
    %dma_wait3A_75 = arith.constant 35944 : i32
    %dma_wait3A_76 = tpu.memref_slice %arg3[%dma_wait3A_75] : memref<107832xf32, #tpu.memory_space<hbm>> -> memref<35937xf32, #tpu.memory_space<hbm>>
    %dma_wait3A_77 = arith.constant 35944 : i32
    %dma_wait3A_78 = tpu.memref_slice %arg3[%dma_wait3A_77] : memref<107832xf32, #tpu.memory_space<hbm>> -> memref<35937xf32, #tpu.memory_space<hbm>>
    tpu.wait_dma2 semaphore(%arg20 : memref<!tpu.dma_semaphore, #tpu.memory_space<semaphore_mem>>) src(%dma_wait3A_78 : memref<35937xf32, #tpu.memory_space<hbm>>) dst(%arg6 : memref<35937xf32, #tpu.memory_space<vmem>>)
    %dma_wait3A_79 = arith.constant 71888 : i32
    %dma_wait3A_80 = tpu.memref_slice %arg3[%dma_wait3A_79] : memref<107832xf32, #tpu.memory_space<hbm>> -> memref<35937xf32, #tpu.memory_space<hbm>>
    %dma_wait3A_81 = arith.constant 71888 : i32
    %dma_wait3A_82 = tpu.memref_slice %arg3[%dma_wait3A_81] : memref<107832xf32, #tpu.memory_space<hbm>> -> memref<35937xf32, #tpu.memory_space<hbm>>
    tpu.wait_dma2 semaphore(%arg20 : memref<!tpu.dma_semaphore, #tpu.memory_space<semaphore_mem>>) src(%dma_wait3A_82 : memref<35937xf32, #tpu.memory_space<hbm>>) dst(%arg7 : memref<35937xf32, #tpu.memory_space<vmem>>)
    %scan3A = arith.constant 0 : i32
    %scan3A_83 = arith.constant 10 : i32
    %scan3A_84 = arith.addi %scan3A, %scan3A_83 : i32
    %scan3A_85 = arith.constant 1 : i32
    scf.for %scan3A_309 = %scan3A to %scan3A_84 step %scan3A_85  : i32 {
      %mul3A_310 = arith.constant 3 : i32
      %mul3A_311 = arith.muli %mul3A_310, %scan3A_309 : i32
      %add3A_312 = arith.constant 0 : i32
      %add3A_313 = arith.addi %mul3A_311, %add3A_312 : i32
      %mul3A_314 = arith.constant 32 : i32
      %mul3A_315 = arith.muli %add3A, %mul3A_314 : i32
      %add3A_316 = arith.addi %mul3A_315, %add3A_313 : i32
      %shift_right_logical3A_317 = arith.constant 7 : i32
      %shift_right_logical3A_318 = arith.shrui %add3A_316, %shift_right_logical3A_317 : i32
      %and3A_319 = arith.constant 127 : i32
      %and3A_320 = arith.andi %add3A_316, %and3A_319 : i32
      %shift_right_logical3A_321 = arith.constant 1 : i32
      %shift_right_logical3A_322 = arith.shrui %and3A_320, %shift_right_logical3A_321 : i32
      %mul3A_323 = arith.constant 8 : i32
      %mul3A_324 = arith.muli %shift_right_logical3A_322, %mul3A_323 : i32
      %and3A_325 = arith.constant 1 : i32
      %and3A_326 = arith.andi %and3A_320, %and3A_325 : i32
      %mul3A_327 = arith.constant 256 : i32
      %mul3A_328 = arith.muli %and3A_326, %mul3A_327 : i32
      %dma_wait3A_329 = arith.constant 0 : i32
      %dma_wait3A_330 = tpu.memref_slice %arg2[%shift_right_logical3A_318, %dma_wait3A_329, %mul3A_324, %mul3A_328] : memref<8x3x512x512xf32, #tpu.memory_space<hbm>> -> memref<1x1x8x256xf32, #tpu.memory_space<hbm>>
      %dma_wait3A_331 = tpu.memref_squeeze %dma_wait3A_330 : memref<1x1x8x256xf32, #tpu.memory_space<hbm>> -> memref<8x256xf32, #tpu.memory_space<hbm>>
      %dma_wait3A_332 = tpu.memref_slice %arg2[%shift_right_logical3A_318, %dma_wait3A_329, %mul3A_324, %mul3A_328] : memref<8x3x512x512xf32, #tpu.memory_space<hbm>> -> memref<1x1x8x256xf32, #tpu.memory_space<hbm>>
      %dma_wait3A_333 = tpu.memref_squeeze %dma_wait3A_332 : memref<1x1x8x256xf32, #tpu.memory_space<hbm>> -> memref<8x256xf32, #tpu.memory_space<hbm>>
      tpu.wait_dma2 semaphore(%arg17 : memref<!tpu.dma_semaphore, #tpu.memory_space<semaphore_mem>>) src(%dma_wait3A_333 : memref<8x256xf32, #tpu.memory_space<hbm>>) dst(%arg8 : memref<8x256xf32, #tpu.memory_space<vmem>>)
      %dma_wait3A_334 = arith.constant 1 : i32
      %dma_wait3A_335 = tpu.memref_slice %arg2[%shift_right_logical3A_318, %dma_wait3A_334, %mul3A_324, %mul3A_328] : memref<8x3x512x512xf32, #tpu.memory_space<hbm>> -> memref<1x1x8x256xf32, #tpu.memory_space<hbm>>
      %dma_wait3A_336 = tpu.memref_squeeze %dma_wait3A_335 : memref<1x1x8x256xf32, #tpu.memory_space<hbm>> -> memref<8x256xf32, #tpu.memory_space<hbm>>
      %dma_wait3A_337 = tpu.memref_slice %arg2[%shift_right_logical3A_318, %dma_wait3A_334, %mul3A_324, %mul3A_328] : memref<8x3x512x512xf32, #tpu.memory_space<hbm>> -> memref<1x1x8x256xf32, #tpu.memory_space<hbm>>
      %dma_wait3A_338 = tpu.memref_squeeze %dma_wait3A_337 : memref<1x1x8x256xf32, #tpu.memory_space<hbm>> -> memref<8x256xf32, #tpu.memory_space<hbm>>
      tpu.wait_dma2 semaphore(%arg17 : memref<!tpu.dma_semaphore, #tpu.memory_space<semaphore_mem>>) src(%dma_wait3A_338 : memref<8x256xf32, #tpu.memory_space<hbm>>) dst(%arg9 : memref<8x256xf32, #tpu.memory_space<vmem>>)
      %dma_wait3A_339 = arith.constant 2 : i32
      %dma_wait3A_340 = tpu.memref_slice %arg2[%shift_right_logical3A_318, %dma_wait3A_339, %mul3A_324, %mul3A_328] : memref<8x3x512x512xf32, #tpu.memory_space<hbm>> -> memref<1x1x8x256xf32, #tpu.memory_space<hbm>>
      %dma_wait3A_341 = tpu.memref_squeeze %dma_wait3A_340 : memref<1x1x8x256xf32, #tpu.memory_space<hbm>> -> memref<8x256xf32, #tpu.memory_space<hbm>>
      %dma_wait3A_342 = tpu.memref_slice %arg2[%shift_right_logical3A_318, %dma_wait3A_339, %mul3A_324, %mul3A_328] : memref<8x3x512x512xf32, #tpu.memory_space<hbm>> -> memref<1x1x8x256xf32, #tpu.memory_space<hbm>>
      %dma_wait3A_343 = tpu.memref_squeeze %dma_wait3A_342 : memref<1x1x8x256xf32, #tpu.memory_space<hbm>> -> memref<8x256xf32, #tpu.memory_space<hbm>>
      tpu.wait_dma2 semaphore(%arg17 : memref<!tpu.dma_semaphore, #tpu.memory_space<semaphore_mem>>) src(%dma_wait3A_343 : memref<8x256xf32, #tpu.memory_space<hbm>>) dst(%arg10 : memref<8x256xf32, #tpu.memory_space<vmem>>)
      %parallel_loop3A_344 = arith.constant 0 : i32
      %parallel_loop3A_345 = arith.constant 128 : i32
      %parallel_loop3A_346 = arith.constant 1 : i32
      scf.for %parallel_loop3A_537 = %parallel_loop3A_344 to %parallel_loop3A_345 step %parallel_loop3A_346  : i32 {
        %parallel_loop3A_538 = arith.constant 4 : i32
        %parallel_loop3A_539 = arith.shrui %parallel_loop3A_537, %parallel_loop3A_538 : i32
        %parallel_loop3A_540 = arith.constant 15 : i32
        %parallel_loop3A_541 = arith.andi %parallel_loop3A_537, %parallel_loop3A_540 : i32
        %parallel_loop3A_542 = arith.constant 16 : i32
        %parallel_loop3A_543 = arith.muli %parallel_loop3A_541, %parallel_loop3A_542 : i32
        %parallel_loop3A_544 = arith.index_cast %parallel_loop3A_539 : i32 to index
        %parallel_loop3A_545 = arith.index_cast %parallel_loop3A_543 : i32 to index
        %parallel_loop3A_546 = tpu.vector_load %arg8[%parallel_loop3A_544, %parallel_loop3A_545] {strides = array<i32>} : memref<8x256xf32, #tpu.memory_space<vmem>>, vector<16xf32>,
        %parallel_loop3A_547 = arith.index_cast %parallel_loop3A_539 : i32 to index
        %parallel_loop3A_548 = arith.index_cast %parallel_loop3A_543 : i32 to index
        %parallel_loop3A_549 = tpu.vector_load %arg9[%parallel_loop3A_547, %parallel_loop3A_548] {strides = array<i32>} : memref<8x256xf32, #tpu.memory_space<vmem>>, vector<16xf32>,
        %parallel_loop3A_550 = arith.index_cast %parallel_loop3A_539 : i32 to index
        %parallel_loop3A_551 = arith.index_cast %parallel_loop3A_543 : i32 to index
        %parallel_loop3A_552 = tpu.vector_load %arg10[%parallel_loop3A_550, %parallel_loop3A_551] {strides = array<i32>} : memref<8x256xf32, #tpu.memory_space<vmem>>, vector<16xf32>,
        %parallel_loop3A_553 = arith.constant 3.200000e+01 : f32
        %parallel_loop3A_554 = vector.broadcast %parallel_loop3A_553 : f32 to vector<16xf32>
        %parallel_loop3A_555 = arith.mulf %parallel_loop3A_546, %parallel_loop3A_554 : vector<16xf32>
        %parallel_loop3A_556 = arith.constant 3.200000e+01 : f32
        %parallel_loop3A_557 = vector.broadcast %parallel_loop3A_556 : f32 to vector<16xf32>
        %parallel_loop3A_558 = arith.mulf %parallel_loop3A_549, %parallel_loop3A_557 : vector<16xf32>
        %parallel_loop3A_559 = arith.constant 3.200000e+01 : f32
        %parallel_loop3A_560 = vector.broadcast %parallel_loop3A_559 : f32 to vector<16xf32>
        %parallel_loop3A_561 = arith.mulf %parallel_loop3A_552, %parallel_loop3A_560 : vector<16xf32>
        %parallel_loop3A_562 = arith.fptosi %parallel_loop3A_555 : vector<16xf32> to vector<16xi32>
        %parallel_loop3A_563 = arith.fptosi %parallel_loop3A_558 : vector<16xf32> to vector<16xi32>
        %parallel_loop3A_564 = arith.fptosi %parallel_loop3A_561 : vector<16xf32> to vector<16xi32>
        %parallel_loop3A_565 = arith.sitofp %parallel_loop3A_562 : vector<16xi32> to vector<16xf32>
        %parallel_loop3A_566 = arith.subf %parallel_loop3A_555, %parallel_loop3A_565 : vector<16xf32>
        %parallel_loop3A_567 = arith.sitofp %parallel_loop3A_563 : vector<16xi32> to vector<16xf32>
        %parallel_loop3A_568 = arith.subf %parallel_loop3A_558, %parallel_loop3A_567 : vector<16xf32>
        %parallel_loop3A_569 = arith.sitofp %parallel_loop3A_564 : vector<16xi32> to vector<16xf32>
        %parallel_loop3A_570 = arith.subf %parallel_loop3A_561, %parallel_loop3A_569 : vector<16xf32>
        %parallel_loop3A_571 = arith.constant 1089 : i32
        %parallel_loop3A_572 = vector.broadcast %parallel_loop3A_571 : i32 to vector<16xi32>
        %parallel_loop3A_573 = arith.muli %parallel_loop3A_564, %parallel_loop3A_572 : vector<16xi32>
        %parallel_loop3A_574 = arith.constant 33 : i32
        %parallel_loop3A_575 = vector.broadcast %parallel_loop3A_574 : i32 to vector<16xi32>
        %parallel_loop3A_576 = arith.muli %parallel_loop3A_563, %parallel_loop3A_575 : vector<16xi32>
        %parallel_loop3A_577 = arith.addi %parallel_loop3A_573, %parallel_loop3A_576 : vector<16xi32>
        %parallel_loop3A_578 = arith.addi %parallel_loop3A_577, %parallel_loop3A_562 : vector<16xi32>
        %parallel_loop3A_579 = arith.constant 33 : i32
        %parallel_loop3A_580 = vector.broadcast %parallel_loop3A_579 : i32 to vector<16xi32>
        %parallel_loop3A_581 = arith.addi %parallel_loop3A_578, %parallel_loop3A_580 : vector<16xi32>
        %parallel_loop3A_582 = arith.constant 1089 : i32
        %parallel_loop3A_583 = vector.broadcast %parallel_loop3A_582 : i32 to vector<16xi32>
        %parallel_loop3A_584 = arith.addi %parallel_loop3A_578, %parallel_loop3A_583 : vector<16xi32>
        %parallel_loop3A_585 = arith.constant 1089 : i32
        %parallel_loop3A_586 = vector.broadcast %parallel_loop3A_585 : i32 to vector<16xi32>
        %parallel_loop3A_587 = arith.addi %parallel_loop3A_581, %parallel_loop3A_586 : vector<16xi32>
        %parallel_loop3A_588 = arith.constant 1 : i32
        %parallel_loop3A_589 = vector.broadcast %parallel_loop3A_588 : i32 to vector<16xi32>
        %parallel_loop3A_590 = arith.addi %parallel_loop3A_578, %parallel_loop3A_589 : vector<16xi32>
        %parallel_loop3A_591 = arith.constant 1 : i32
        %parallel_loop3A_592 = vector.broadcast %parallel_loop3A_591 : i32 to vector<16xi32>
        %parallel_loop3A_593 = arith.addi %parallel_loop3A_581, %parallel_loop3A_592 : vector<16xi32>
        %parallel_loop3A_594 = arith.constant 1 : i32
        %parallel_loop3A_595 = vector.broadcast %parallel_loop3A_594 : i32 to vector<16xi32>
        %parallel_loop3A_596 = arith.addi %parallel_loop3A_584, %parallel_loop3A_595 : vector<16xi32>
        %parallel_loop3A_597 = arith.constant 1 : i32
        %parallel_loop3A_598 = vector.broadcast %parallel_loop3A_597 : i32 to vector<16xi32>
        %parallel_loop3A_599 = arith.addi %parallel_loop3A_587, %parallel_loop3A_598 : vector<16xi32>
        %parallel_loop3A_600 = tpu.vector_load_idx %arg5[%parallel_loop3A_578] : memref<35937xf32, #tpu.memory_space<vmem>>[vector<16xi32>], vector<16xf32>,
        %parallel_loop3A_601 = tpu.vector_load_idx %arg5[%parallel_loop3A_590] : memref<35937xf32, #tpu.memory_space<vmem>>[vector<16xi32>], vector<16xf32>,
        %parallel_loop3A_602 = tpu.vector_load_idx %arg5[%parallel_loop3A_581] : memref<35937xf32, #tpu.memory_space<vmem>>[vector<16xi32>], vector<16xf32>,
        %parallel_loop3A_603 = tpu.vector_load_idx %arg5[%parallel_loop3A_593] : memref<35937xf32, #tpu.memory_space<vmem>>[vector<16xi32>], vector<16xf32>,
        %parallel_loop3A_604 = tpu.vector_load_idx %arg5[%parallel_loop3A_584] : memref<35937xf32, #tpu.memory_space<vmem>>[vector<16xi32>], vector<16xf32>,
        %parallel_loop3A_605 = tpu.vector_load_idx %arg5[%parallel_loop3A_596] : memref<35937xf32, #tpu.memory_space<vmem>>[vector<16xi32>], vector<16xf32>,
        %parallel_loop3A_606 = tpu.vector_load_idx %arg5[%parallel_loop3A_587] : memref<35937xf32, #tpu.memory_space<vmem>>[vector<16xi32>], vector<16xf32>,
        %parallel_loop3A_607 = tpu.vector_load_idx %arg5[%parallel_loop3A_599] : memref<35937xf32, #tpu.memory_space<vmem>>[vector<16xi32>], vector<16xf32>,
        %parallel_loop3A_608 = arith.subf %parallel_loop3A_601, %parallel_loop3A_600 : vector<16xf32>
        %parallel_loop3A_609 = arith.mulf %parallel_loop3A_566, %parallel_loop3A_608 : vector<16xf32>
        %parallel_loop3A_610 = arith.addf %parallel_loop3A_600, %parallel_loop3A_609 : vector<16xf32>
        %parallel_loop3A_611 = arith.subf %parallel_loop3A_603, %parallel_loop3A_602 : vector<16xf32>
        %parallel_loop3A_612 = arith.mulf %parallel_loop3A_566, %parallel_loop3A_611 : vector<16xf32>
        %parallel_loop3A_613 = arith.addf %parallel_loop3A_602, %parallel_loop3A_612 : vector<16xf32>
        %parallel_loop3A_614 = arith.subf %parallel_loop3A_605, %parallel_loop3A_604 : vector<16xf32>
        %parallel_loop3A_615 = arith.mulf %parallel_loop3A_566, %parallel_loop3A_614 : vector<16xf32>
        %parallel_loop3A_616 = arith.addf %parallel_loop3A_604, %parallel_loop3A_615 : vector<16xf32>
        %parallel_loop3A_617 = arith.subf %parallel_loop3A_607, %parallel_loop3A_606 : vector<16xf32>
        %parallel_loop3A_618 = arith.mulf %parallel_loop3A_566, %parallel_loop3A_617 : vector<16xf32>
        %parallel_loop3A_619 = arith.addf %parallel_loop3A_606, %parallel_loop3A_618 : vector<16xf32>
        %parallel_loop3A_620 = arith.subf %parallel_loop3A_613, %parallel_loop3A_610 : vector<16xf32>
        %parallel_loop3A_621 = arith.mulf %parallel_loop3A_568, %parallel_loop3A_620 : vector<16xf32>
        %parallel_loop3A_622 = arith.addf %parallel_loop3A_610, %parallel_loop3A_621 : vector<16xf32>
        %parallel_loop3A_623 = arith.subf %parallel_loop3A_619, %parallel_loop3A_616 : vector<16xf32>
        %parallel_loop3A_624 = arith.mulf %parallel_loop3A_568, %parallel_loop3A_623 : vector<16xf32>
        %parallel_loop3A_625 = arith.addf %parallel_loop3A_616, %parallel_loop3A_624 : vector<16xf32>
        %parallel_loop3A_626 = arith.subf %parallel_loop3A_625, %parallel_loop3A_622 : vector<16xf32>
        %parallel_loop3A_627 = arith.mulf %parallel_loop3A_570, %parallel_loop3A_626 : vector<16xf32>
        %parallel_loop3A_628 = arith.addf %parallel_loop3A_622, %parallel_loop3A_627 : vector<16xf32>
        %parallel_loop3A_629 = arith.index_cast %parallel_loop3A_539 : i32 to index
        %parallel_loop3A_630 = arith.index_cast %parallel_loop3A_543 : i32 to index
        %parallel_loop3A_631 = tpu.vector_load %arg8[%parallel_loop3A_629, %parallel_loop3A_630] {strides = array<i32>} : memref<8x256xf32, #tpu.memory_space<vmem>>, vector<16xf32>,
        tpu.vector_store %arg8[%parallel_loop3A_629, %parallel_loop3A_630], %parallel_loop3A_628 {strides = array<i32>} : memref<8x256xf32, #tpu.memory_space<vmem>>, vector<16xf32>,
        %parallel_loop3A_632 = tpu.vector_load_idx %arg6[%parallel_loop3A_578] : memref<35937xf32, #tpu.memory_space<vmem>>[vector<16xi32>], vector<16xf32>,
        %parallel_loop3A_633 = tpu.vector_load_idx %arg6[%parallel_loop3A_590] : memref<35937xf32, #tpu.memory_space<vmem>>[vector<16xi32>], vector<16xf32>,
        %parallel_loop3A_634 = tpu.vector_load_idx %arg6[%parallel_loop3A_581] : memref<35937xf32, #tpu.memory_space<vmem>>[vector<16xi32>], vector<16xf32>,
        %parallel_loop3A_635 = tpu.vector_load_idx %arg6[%parallel_loop3A_593] : memref<35937xf32, #tpu.memory_space<vmem>>[vector<16xi32>], vector<16xf32>,
        %parallel_loop3A_636 = tpu.vector_load_idx %arg6[%parallel_loop3A_584] : memref<35937xf32, #tpu.memory_space<vmem>>[vector<16xi32>], vector<16xf32>,
        %parallel_loop3A_637 = tpu.vector_load_idx %arg6[%parallel_loop3A_596] : memref<35937xf32, #tpu.memory_space<vmem>>[vector<16xi32>], vector<16xf32>,
        %parallel_loop3A_638 = tpu.vector_load_idx %arg6[%parallel_loop3A_587] : memref<35937xf32, #tpu.memory_space<vmem>>[vector<16xi32>], vector<16xf32>,
        %parallel_loop3A_639 = tpu.vector_load_idx %arg6[%parallel_loop3A_599] : memref<35937xf32, #tpu.memory_space<vmem>>[vector<16xi32>], vector<16xf32>,
        %parallel_loop3A_640 = arith.subf %parallel_loop3A_633, %parallel_loop3A_632 : vector<16xf32>
        %parallel_loop3A_641 = arith.mulf %parallel_loop3A_566, %parallel_loop3A_640 : vector<16xf32>
        %parallel_loop3A_642 = arith.addf %parallel_loop3A_632, %parallel_loop3A_641 : vector<16xf32>
        %parallel_loop3A_643 = arith.subf %parallel_loop3A_635, %parallel_loop3A_634 : vector<16xf32>
        %parallel_loop3A_644 = arith.mulf %parallel_loop3A_566, %parallel_loop3A_643 : vector<16xf32>
        %parallel_loop3A_645 = arith.addf %parallel_loop3A_634, %parallel_loop3A_644 : vector<16xf32>
        %parallel_loop3A_646 = arith.subf %parallel_loop3A_637, %parallel_loop3A_636 : vector<16xf32>
        %parallel_loop3A_647 = arith.mulf %parallel_loop3A_566, %parallel_loop3A_646 : vector<16xf32>
        %parallel_loop3A_648 = arith.addf %parallel_loop3A_636, %parallel_loop3A_647 : vector<16xf32>
        %parallel_loop3A_649 = arith.subf %parallel_loop3A_639, %parallel_loop3A_638 : vector<16xf32>
        %parallel_loop3A_650 = arith.mulf %parallel_loop3A_566, %parallel_loop3A_649 : vector<16xf32>
        %parallel_loop3A_651 = arith.addf %parallel_loop3A_638, %parallel_loop3A_650 : vector<16xf32>
        %parallel_loop3A_652 = arith.subf %parallel_loop3A_645, %parallel_loop3A_642 : vector<16xf32>
        %parallel_loop3A_653 = arith.mulf %parallel_loop3A_568, %parallel_loop3A_652 : vector<16xf32>
        %parallel_loop3A_654 = arith.addf %parallel_loop3A_642, %parallel_loop3A_653 : vector<16xf32>
        %parallel_loop3A_655 = arith.subf %parallel_loop3A_651, %parallel_loop3A_648 : vector<16xf32>
        %parallel_loop3A_656 = arith.mulf %parallel_loop3A_568, %parallel_loop3A_655 : vector<16xf32>
        %parallel_loop3A_657 = arith.addf %parallel_loop3A_648, %parallel_loop3A_656 : vector<16xf32>
        %parallel_loop3A_658 = arith.subf %parallel_loop3A_657, %parallel_loop3A_654 : vector<16xf32>
        %parallel_loop3A_659 = arith.mulf %parallel_loop3A_570, %parallel_loop3A_658 : vector<16xf32>
        %parallel_loop3A_660 = arith.addf %parallel_loop3A_654, %parallel_loop3A_659 : vector<16xf32>
        %parallel_loop3A_661 = arith.index_cast %parallel_loop3A_539 : i32 to index
        %parallel_loop3A_662 = arith.index_cast %parallel_loop3A_543 : i32 to index
        %parallel_loop3A_663 = tpu.vector_load %arg9[%parallel_loop3A_661, %parallel_loop3A_662] {strides = array<i32>} : memref<8x256xf32, #tpu.memory_space<vmem>>, vector<16xf32>,
        tpu.vector_store %arg9[%parallel_loop3A_661, %parallel_loop3A_662], %parallel_loop3A_660 {strides = array<i32>} : memref<8x256xf32, #tpu.memory_space<vmem>>, vector<16xf32>,
        %parallel_loop3A_664 = tpu.vector_load_idx %arg7[%parallel_loop3A_578] : memref<35937xf32, #tpu.memory_space<vmem>>[vector<16xi32>], vector<16xf32>,
        %parallel_loop3A_665 = tpu.vector_load_idx %arg7[%parallel_loop3A_590] : memref<35937xf32, #tpu.memory_space<vmem>>[vector<16xi32>], vector<16xf32>,
        %parallel_loop3A_666 = tpu.vector_load_idx %arg7[%parallel_loop3A_581] : memref<35937xf32, #tpu.memory_space<vmem>>[vector<16xi32>], vector<16xf32>,
        %parallel_loop3A_667 = tpu.vector_load_idx %arg7[%parallel_loop3A_593] : memref<35937xf32, #tpu.memory_space<vmem>>[vector<16xi32>], vector<16xf32>,
        %parallel_loop3A_668 = tpu.vector_load_idx %arg7[%parallel_loop3A_584] : memref<35937xf32, #tpu.memory_space<vmem>>[vector<16xi32>], vector<16xf32>,
        %parallel_loop3A_669 = tpu.vector_load_idx %arg7[%parallel_loop3A_596] : memref<35937xf32, #tpu.memory_space<vmem>>[vector<16xi32>], vector<16xf32>,
        %parallel_loop3A_670 = tpu.vector_load_idx %arg7[%parallel_loop3A_587] : memref<35937xf32, #tpu.memory_space<vmem>>[vector<16xi32>], vector<16xf32>,
        %parallel_loop3A_671 = tpu.vector_load_idx %arg7[%parallel_loop3A_599] : memref<35937xf32, #tpu.memory_space<vmem>>[vector<16xi32>], vector<16xf32>,
        %parallel_loop3A_672 = arith.subf %parallel_loop3A_665, %parallel_loop3A_664 : vector<16xf32>
        %parallel_loop3A_673 = arith.mulf %parallel_loop3A_566, %parallel_loop3A_672 : vector<16xf32>
        %parallel_loop3A_674 = arith.addf %parallel_loop3A_664, %parallel_loop3A_673 : vector<16xf32>
        %parallel_loop3A_675 = arith.subf %parallel_loop3A_667, %parallel_loop3A_666 : vector<16xf32>
        %parallel_loop3A_676 = arith.mulf %parallel_loop3A_566, %parallel_loop3A_675 : vector<16xf32>
        %parallel_loop3A_677 = arith.addf %parallel_loop3A_666, %parallel_loop3A_676 : vector<16xf32>
        %parallel_loop3A_678 = arith.subf %parallel_loop3A_669, %parallel_loop3A_668 : vector<16xf32>
        %parallel_loop3A_679 = arith.mulf %parallel_loop3A_566, %parallel_loop3A_678 : vector<16xf32>
        %parallel_loop3A_680 = arith.addf %parallel_loop3A_668, %parallel_loop3A_679 : vector<16xf32>
        %parallel_loop3A_681 = arith.subf %parallel_loop3A_671, %parallel_loop3A_670 : vector<16xf32>
        %parallel_loop3A_682 = arith.mulf %parallel_loop3A_566, %parallel_loop3A_681 : vector<16xf32>
        %parallel_loop3A_683 = arith.addf %parallel_loop3A_670, %parallel_loop3A_682 : vector<16xf32>
        %parallel_loop3A_684 = arith.subf %parallel_loop3A_677, %parallel_loop3A_674 : vector<16xf32>
        %parallel_loop3A_685 = arith.mulf %parallel_loop3A_568, %parallel_loop3A_684 : vector<16xf32>
        %parallel_loop3A_686 = arith.addf %parallel_loop3A_674, %parallel_loop3A_685 : vector<16xf32>
        %parallel_loop3A_687 = arith.subf %parallel_loop3A_683, %parallel_loop3A_680 : vector<16xf32>
        %parallel_loop3A_688 = arith.mulf %parallel_loop3A_568, %parallel_loop3A_687 : vector<16xf32>
        %parallel_loop3A_689 = arith.addf %parallel_loop3A_680, %parallel_loop3A_688 : vector<16xf32>
        %parallel_loop3A_690 = arith.subf %parallel_loop3A_689, %parallel_loop3A_686 : vector<16xf32>
        %parallel_loop3A_691 = arith.mulf %parallel_loop3A_570, %parallel_loop3A_690 : vector<16xf32>
        %parallel_loop3A_692 = arith.addf %parallel_loop3A_686, %parallel_loop3A_691 : vector<16xf32>
        %parallel_loop3A_693 = arith.index_cast %parallel_loop3A_539 : i32 to index
        %parallel_loop3A_694 = arith.index_cast %parallel_loop3A_543 : i32 to index
        %parallel_loop3A_695 = tpu.vector_load %arg10[%parallel_loop3A_693, %parallel_loop3A_694] {strides = array<i32>} : memref<8x256xf32, #tpu.memory_space<vmem>>, vector<16xf32>,
        tpu.vector_store %arg10[%parallel_loop3A_693, %parallel_loop3A_694], %parallel_loop3A_692 {strides = array<i32>} : memref<8x256xf32, #tpu.memory_space<vmem>>, vector<16xf32>,
      } {sc.loop_unroll_factor = 1 : i64, sc.parallel_access}
      %mul3A_347 = arith.constant 32 : i32
      %mul3A_348 = arith.muli %add3A, %mul3A_347 : i32
      %add3A_349 = arith.addi %mul3A_348, %add3A_313 : i32
      %shift_right_logical3A_350 = arith.constant 7 : i32
      %shift_right_logical3A_351 = arith.shrui %add3A_349, %shift_right_logical3A_350 : i32
      %and3A_352 = arith.constant 127 : i32
      %and3A_353 = arith.andi %add3A_349, %and3A_352 : i32
      %shift_right_logical3A_354 = arith.constant 1 : i32
      %shift_right_logical3A_355 = arith.shrui %and3A_353, %shift_right_logical3A_354 : i32
      %mul3A_356 = arith.constant 8 : i32
      %mul3A_357 = arith.muli %shift_right_logical3A_355, %mul3A_356 : i32
      %and3A_358 = arith.constant 1 : i32
      %and3A_359 = arith.andi %and3A_353, %and3A_358 : i32
      %mul3A_360 = arith.constant 256 : i32
      %mul3A_361 = arith.muli %and3A_359, %mul3A_360 : i32
      %dma_start3A_362 = arith.constant 0 : i32
      %dma_start3A_363 = tpu.memref_slice %arg4[%shift_right_logical3A_351, %dma_start3A_362, %mul3A_357, %mul3A_361] : memref<8x3x512x512xf32, #tpu.memory_space<hbm>> -> memref<1x1x8x256xf32, #tpu.memory_space<hbm>>
      %dma_start3A_364 = tpu.memref_squeeze %dma_start3A_363 : memref<1x1x8x256xf32, #tpu.memory_space<hbm>> -> memref<8x256xf32, #tpu.memory_space<hbm>>
      %dma_start3A_365 = tpu.memref_slice %arg4[%shift_right_logical3A_351, %dma_start3A_362, %mul3A_357, %mul3A_361] : memref<8x3x512x512xf32, #tpu.memory_space<hbm>> -> memref<1x1x8x256xf32, #tpu.memory_space<hbm>>
      %dma_start3A_366 = tpu.memref_squeeze %dma_start3A_365 : memref<1x1x8x256xf32, #tpu.memory_space<hbm>> -> memref<8x256xf32, #tpu.memory_space<hbm>>
      tpu.enqueue_dma source(%arg8 : memref<8x256xf32, #tpu.memory_space<vmem>>) target(%dma_start3A_366 : memref<8x256xf32, #tpu.memory_space<hbm>>) target_semaphore(%arg20 : memref<!tpu.dma_semaphore, #tpu.memory_space<semaphore_mem>>)
      %dma_start3A_367 = arith.constant 1 : i32
      %dma_start3A_368 = tpu.memref_slice %arg4[%shift_right_logical3A_351, %dma_start3A_367, %mul3A_357, %mul3A_361] : memref<8x3x512x512xf32, #tpu.memory_space<hbm>> -> memref<1x1x8x256xf32, #tpu.memory_space<hbm>>
      %dma_start3A_369 = tpu.memref_squeeze %dma_start3A_368 : memref<1x1x8x256xf32, #tpu.memory_space<hbm>> -> memref<8x256xf32, #tpu.memory_space<hbm>>
      %dma_start3A_370 = tpu.memref_slice %arg4[%shift_right_logical3A_351, %dma_start3A_367, %mul3A_357, %mul3A_361] : memref<8x3x512x512xf32, #tpu.memory_space<hbm>> -> memref<1x1x8x256xf32, #tpu.memory_space<hbm>>
      %dma_start3A_371 = tpu.memref_squeeze %dma_start3A_370 : memref<1x1x8x256xf32, #tpu.memory_space<hbm>> -> memref<8x256xf32, #tpu.memory_space<hbm>>
      tpu.enqueue_dma source(%arg9 : memref<8x256xf32, #tpu.memory_space<vmem>>) target(%dma_start3A_371 : memref<8x256xf32, #tpu.memory_space<hbm>>) target_semaphore(%arg20 : memref<!tpu.dma_semaphore, #tpu.memory_space<semaphore_mem>>)
      %dma_start3A_372 = arith.constant 2 : i32
      %dma_start3A_373 = tpu.memref_slice %arg4[%shift_right_logical3A_351, %dma_start3A_372, %mul3A_357, %mul3A_361] : memref<8x3x512x512xf32, #tpu.memory_space<hbm>> -> memref<1x1x8x256xf32, #tpu.memory_space<hbm>>
      %dma_start3A_374 = tpu.memref_squeeze %dma_start3A_373 : memref<1x1x8x256xf32, #tpu.memory_space<hbm>> -> memref<8x256xf32, #tpu.memory_space<hbm>>
      %dma_start3A_375 = tpu.memref_slice %arg4[%shift_right_logical3A_351, %dma_start3A_372, %mul3A_357, %mul3A_361] : memref<8x3x512x512xf32, #tpu.memory_space<hbm>> -> memref<1x1x8x256xf32, #tpu.memory_space<hbm>>
      %dma_start3A_376 = tpu.memref_squeeze %dma_start3A_375 : memref<1x1x8x256xf32, #tpu.memory_space<hbm>> -> memref<8x256xf32, #tpu.memory_space<hbm>>
      tpu.enqueue_dma source(%arg10 : memref<8x256xf32, #tpu.memory_space<vmem>>) target(%dma_start3A_376 : memref<8x256xf32, #tpu.memory_space<hbm>>) target_semaphore(%arg20 : memref<!tpu.dma_semaphore, #tpu.memory_space<semaphore_mem>>)
      %ge3A = arith.constant 1 : i32
      %ge3A_377 = arith.cmpi sge, %add3A_313, %ge3A : i32
      %convert_element_type3A = arith.extui %ge3A_377 : i1 to i32
      %cond3A = arith.constant 0 : i32
      %cond3A_378 = arith.cmpi ne, %convert_element_type3A, %cond3A : i32
      scf.if %cond3A_378 {
        %sub3A = arith.constant 1 : i32
        %sub3A_537 = arith.subi %add3A_313, %sub3A : i32
        %mul3A_538 = arith.constant 32 : i32
        %mul3A_539 = arith.muli %add3A, %mul3A_538 : i32
        %add3A_540 = arith.addi %mul3A_539, %sub3A_537 : i32
        %shift_right_logical3A_541 = arith.constant 7 : i32
        %shift_right_logical3A_542 = arith.shrui %add3A_540, %shift_right_logical3A_541 : i32
        %and3A_543 = arith.constant 127 : i32
        %and3A_544 = arith.andi %add3A_540, %and3A_543 : i32
        %shift_right_logical3A_545 = arith.constant 1 : i32
        %shift_right_logical3A_546 = arith.shrui %and3A_544, %shift_right_logical3A_545 : i32
        %mul3A_547 = arith.constant 8 : i32
        %mul3A_548 = arith.muli %shift_right_logical3A_546, %mul3A_547 : i32
        %and3A_549 = arith.constant 1 : i32
        %and3A_550 = arith.andi %and3A_544, %and3A_549 : i32
        %mul3A_551 = arith.constant 256 : i32
        %mul3A_552 = arith.muli %and3A_550, %mul3A_551 : i32
        %dma_wait3A_553 = arith.constant 0 : i32
        %dma_wait3A_554 = tpu.memref_slice %arg4[%shift_right_logical3A_542, %dma_wait3A_553, %mul3A_548, %mul3A_552] : memref<8x3x512x512xf32, #tpu.memory_space<hbm>> -> memref<1x1x8x256xf32, #tpu.memory_space<hbm>>
        %dma_wait3A_555 = tpu.memref_squeeze %dma_wait3A_554 : memref<1x1x8x256xf32, #tpu.memory_space<hbm>> -> memref<8x256xf32, #tpu.memory_space<hbm>>
        %dma_wait3A_556 = tpu.memref_slice %arg4[%shift_right_logical3A_542, %dma_wait3A_553, %mul3A_548, %mul3A_552] : memref<8x3x512x512xf32, #tpu.memory_space<hbm>> -> memref<1x1x8x256xf32, #tpu.memory_space<hbm>>
        %dma_wait3A_557 = tpu.memref_squeeze %dma_wait3A_556 : memref<1x1x8x256xf32, #tpu.memory_space<hbm>> -> memref<8x256xf32, #tpu.memory_space<hbm>>
        tpu.wait_dma2 semaphore(%arg22 : memref<!tpu.dma_semaphore, #tpu.memory_space<semaphore_mem>>) src(%arg14 : memref<8x256xf32, #tpu.memory_space<vmem>>) dst(%dma_wait3A_557 : memref<8x256xf32, #tpu.memory_space<hbm>>)
        %dma_wait3A_558 = arith.constant 1 : i32
        %dma_wait3A_559 = tpu.memref_slice %arg4[%shift_right_logical3A_542, %dma_wait3A_558, %mul3A_548, %mul3A_552] : memref<8x3x512x512xf32, #tpu.memory_space<hbm>> -> memref<1x1x8x256xf32, #tpu.memory_space<hbm>>
        %dma_wait3A_560 = tpu.memref_squeeze %dma_wait3A_559 : memref<1x1x8x256xf32, #tpu.memory_space<hbm>> -> memref<8x256xf32, #tpu.memory_space<hbm>>
        %dma_wait3A_561 = tpu.memref_slice %arg4[%shift_right_logical3A_542, %dma_wait3A_558, %mul3A_548, %mul3A_552] : memref<8x3x512x512xf32, #tpu.memory_space<hbm>> -> memref<1x1x8x256xf32, #tpu.memory_space<hbm>>
        %dma_wait3A_562 = tpu.memref_squeeze %dma_wait3A_561 : memref<1x1x8x256xf32, #tpu.memory_space<hbm>> -> memref<8x256xf32, #tpu.memory_space<hbm>>
        tpu.wait_dma2 semaphore(%arg22 : memref<!tpu.dma_semaphore, #tpu.memory_space<semaphore_mem>>) src(%arg15 : memref<8x256xf32, #tpu.memory_space<vmem>>) dst(%dma_wait3A_562 : memref<8x256xf32, #tpu.memory_space<hbm>>)
        %dma_wait3A_563 = arith.constant 2 : i32
        %dma_wait3A_564 = tpu.memref_slice %arg4[%shift_right_logical3A_542, %dma_wait3A_563, %mul3A_548, %mul3A_552] : memref<8x3x512x512xf32, #tpu.memory_space<hbm>> -> memref<1x1x8x256xf32, #tpu.memory_space<hbm>>
        %dma_wait3A_565 = tpu.memref_squeeze %dma_wait3A_564 : memref<1x1x8x256xf32, #tpu.memory_space<hbm>> -> memref<8x256xf32, #tpu.memory_space<hbm>>
        %dma_wait3A_566 = tpu.memref_slice %arg4[%shift_right_logical3A_542, %dma_wait3A_563, %mul3A_548, %mul3A_552] : memref<8x3x512x512xf32, #tpu.memory_space<hbm>> -> memref<1x1x8x256xf32, #tpu.memory_space<hbm>>
        %dma_wait3A_567 = tpu.memref_squeeze %dma_wait3A_566 : memref<1x1x8x256xf32, #tpu.memory_space<hbm>> -> memref<8x256xf32, #tpu.memory_space<hbm>>
        tpu.wait_dma2 semaphore(%arg22 : memref<!tpu.dma_semaphore, #tpu.memory_space<semaphore_mem>>) src(%arg16 : memref<8x256xf32, #tpu.memory_space<vmem>>) dst(%dma_wait3A_567 : memref<8x256xf32, #tpu.memory_space<hbm>>)
      } else {
      }
      %lt3A = arith.constant 30 : i32
      %lt3A_379 = arith.cmpi slt, %add3A_313, %lt3A : i32
      %convert_element_type3A_380 = arith.extui %lt3A_379 : i1 to i32
      %cond3A_381 = arith.constant 0 : i32
      %cond3A_382 = arith.cmpi ne, %convert_element_type3A_380, %cond3A_381 : i32
      scf.if %cond3A_382 {
        %add3A_537 = arith.constant 2 : i32
        %add3A_538 = arith.addi %add3A_313, %add3A_537 : i32
        %mul3A_539 = arith.constant 32 : i32
        %mul3A_540 = arith.muli %add3A, %mul3A_539 : i32
        %add3A_541 = arith.addi %mul3A_540, %add3A_538 : i32
        %shift_right_logical3A_542 = arith.constant 7 : i32
        %shift_right_logical3A_543 = arith.shrui %add3A_541, %shift_right_logical3A_542 : i32
        %and3A_544 = arith.constant 127 : i32
        %and3A_545 = arith.andi %add3A_541, %and3A_544 : i32
        %shift_right_logical3A_546 = arith.constant 1 : i32
        %shift_right_logical3A_547 = arith.shrui %and3A_545, %shift_right_logical3A_546 : i32
        %mul3A_548 = arith.constant 8 : i32
        %mul3A_549 = arith.muli %shift_right_logical3A_547, %mul3A_548 : i32
        %and3A_550 = arith.constant 1 : i32
        %and3A_551 = arith.andi %and3A_545, %and3A_550 : i32
        %mul3A_552 = arith.constant 256 : i32
        %mul3A_553 = arith.muli %and3A_551, %mul3A_552 : i32
        %dma_start3A_554 = arith.constant 0 : i32
        %dma_start3A_555 = tpu.memref_slice %arg2[%shift_right_logical3A_543, %dma_start3A_554, %mul3A_549, %mul3A_553] : memref<8x3x512x512xf32, #tpu.memory_space<hbm>> -> memref<1x1x8x256xf32, #tpu.memory_space<hbm>>
        %dma_start3A_556 = tpu.memref_squeeze %dma_start3A_555 : memref<1x1x8x256xf32, #tpu.memory_space<hbm>> -> memref<8x256xf32, #tpu.memory_space<hbm>>
        %dma_start3A_557 = tpu.memref_slice %arg2[%shift_right_logical3A_543, %dma_start3A_554, %mul3A_549, %mul3A_553] : memref<8x3x512x512xf32, #tpu.memory_space<hbm>> -> memref<1x1x8x256xf32, #tpu.memory_space<hbm>>
        %dma_start3A_558 = tpu.memref_squeeze %dma_start3A_557 : memref<1x1x8x256xf32, #tpu.memory_space<hbm>> -> memref<8x256xf32, #tpu.memory_space<hbm>>
        tpu.enqueue_dma source(%dma_start3A_558 : memref<8x256xf32, #tpu.memory_space<hbm>>) target(%arg14 : memref<8x256xf32, #tpu.memory_space<vmem>>) target_semaphore(%arg19 : memref<!tpu.dma_semaphore, #tpu.memory_space<semaphore_mem>>)
        %dma_start3A_559 = arith.constant 1 : i32
        %dma_start3A_560 = tpu.memref_slice %arg2[%shift_right_logical3A_543, %dma_start3A_559, %mul3A_549, %mul3A_553] : memref<8x3x512x512xf32, #tpu.memory_space<hbm>> -> memref<1x1x8x256xf32, #tpu.memory_space<hbm>>
        %dma_start3A_561 = tpu.memref_squeeze %dma_start3A_560 : memref<1x1x8x256xf32, #tpu.memory_space<hbm>> -> memref<8x256xf32, #tpu.memory_space<hbm>>
        %dma_start3A_562 = tpu.memref_slice %arg2[%shift_right_logical3A_543, %dma_start3A_559, %mul3A_549, %mul3A_553] : memref<8x3x512x512xf32, #tpu.memory_space<hbm>> -> memref<1x1x8x256xf32, #tpu.memory_space<hbm>>
        %dma_start3A_563 = tpu.memref_squeeze %dma_start3A_562 : memref<1x1x8x256xf32, #tpu.memory_space<hbm>> -> memref<8x256xf32, #tpu.memory_space<hbm>>
        tpu.enqueue_dma source(%dma_start3A_563 : memref<8x256xf32, #tpu.memory_space<hbm>>) target(%arg15 : memref<8x256xf32, #tpu.memory_space<vmem>>) target_semaphore(%arg19 : memref<!tpu.dma_semaphore, #tpu.memory_space<semaphore_mem>>)
        %dma_start3A_564 = arith.constant 2 : i32
        %dma_start3A_565 = tpu.memref_slice %arg2[%shift_right_logical3A_543, %dma_start3A_564, %mul3A_549, %mul3A_553] : memref<8x3x512x512xf32, #tpu.memory_space<hbm>> -> memref<1x1x8x256xf32, #tpu.memory_space<hbm>>
        %dma_start3A_566 = tpu.memref_squeeze %dma_start3A_565 : memref<1x1x8x256xf32, #tpu.memory_space<hbm>> -> memref<8x256xf32, #tpu.memory_space<hbm>>
        %dma_start3A_567 = tpu.memref_slice %arg2[%shift_right_logical3A_543, %dma_start3A_564, %mul3A_549, %mul3A_553] : memref<8x3x512x512xf32, #tpu.memory_space<hbm>> -> memref<1x1x8x256xf32, #tpu.memory_space<hbm>>
        %dma_start3A_568 = tpu.memref_squeeze %dma_start3A_567 : memref<1x1x8x256xf32, #tpu.memory_space<hbm>> -> memref<8x256xf32, #tpu.memory_space<hbm>>
        tpu.enqueue_dma source(%dma_start3A_568 : memref<8x256xf32, #tpu.memory_space<hbm>>) target(%arg16 : memref<8x256xf32, #tpu.memory_space<vmem>>) target_semaphore(%arg19 : memref<!tpu.dma_semaphore, #tpu.memory_space<semaphore_mem>>)
      } else {
      }
      %mul3A_383 = arith.constant 3 : i32
      %mul3A_384 = arith.muli %mul3A_383, %scan3A_309 : i32
      %add3A_385 = arith.constant 1 : i32
      %add3A_386 = arith.addi %mul3A_384, %add3A_385 : i32
      %mul3A_387 = arith.constant 32 : i32
      %mul3A_388 = arith.muli %add3A, %mul3A_387 : i32
      %add3A_389 = arith.addi %mul3A_388, %add3A_386 : i32
      %shift_right_logical3A_390 = arith.constant 7 : i32
      %shift_right_logical3A_391 = arith.shrui %add3A_389, %shift_right_logical3A_390 : i32
      %and3A_392 = arith.constant 127 : i32
      %and3A_393 = arith.andi %add3A_389, %and3A_392 : i32
      %shift_right_logical3A_394 = arith.constant 1 : i32
      %shift_right_logical3A_395 = arith.shrui %and3A_393, %shift_right_logical3A_394 : i32
      %mul3A_396 = arith.constant 8 : i32
      %mul3A_397 = arith.muli %shift_right_logical3A_395, %mul3A_396 : i32
      %and3A_398 = arith.constant 1 : i32
      %and3A_399 = arith.andi %and3A_393, %and3A_398 : i32
      %mul3A_400 = arith.constant 256 : i32
      %mul3A_401 = arith.muli %and3A_399, %mul3A_400 : i32
      %dma_wait3A_402 = arith.constant 0 : i32
      %dma_wait3A_403 = tpu.memref_slice %arg2[%shift_right_logical3A_391, %dma_wait3A_402, %mul3A_397, %mul3A_401] : memref<8x3x512x512xf32, #tpu.memory_space<hbm>> -> memref<1x1x8x256xf32, #tpu.memory_space<hbm>>
      %dma_wait3A_404 = tpu.memref_squeeze %dma_wait3A_403 : memref<1x1x8x256xf32, #tpu.memory_space<hbm>> -> memref<8x256xf32, #tpu.memory_space<hbm>>
      %dma_wait3A_405 = tpu.memref_slice %arg2[%shift_right_logical3A_391, %dma_wait3A_402, %mul3A_397, %mul3A_401] : memref<8x3x512x512xf32, #tpu.memory_space<hbm>> -> memref<1x1x8x256xf32, #tpu.memory_space<hbm>>
      %dma_wait3A_406 = tpu.memref_squeeze %dma_wait3A_405 : memref<1x1x8x256xf32, #tpu.memory_space<hbm>> -> memref<8x256xf32, #tpu.memory_space<hbm>>
      tpu.wait_dma2 semaphore(%arg18 : memref<!tpu.dma_semaphore, #tpu.memory_space<semaphore_mem>>) src(%dma_wait3A_406 : memref<8x256xf32, #tpu.memory_space<hbm>>) dst(%arg11 : memref<8x256xf32, #tpu.memory_space<vmem>>)
      %dma_wait3A_407 = arith.constant 1 : i32
      %dma_wait3A_408 = tpu.memref_slice %arg2[%shift_right_logical3A_391, %dma_wait3A_407, %mul3A_397, %mul3A_401] : memref<8x3x512x512xf32, #tpu.memory_space<hbm>> -> memref<1x1x8x256xf32, #tpu.memory_space<hbm>>
      %dma_wait3A_409 = tpu.memref_squeeze %dma_wait3A_408 : memref<1x1x8x256xf32, #tpu.memory_space<hbm>> -> memref<8x256xf32, #tpu.memory_space<hbm>>
      %dma_wait3A_410 = tpu.memref_slice %arg2[%shift_right_logical3A_391, %dma_wait3A_407, %mul3A_397, %mul3A_401] : memref<8x3x512x512xf32, #tpu.memory_space<hbm>> -> memref<1x1x8x256xf32, #tpu.memory_space<hbm>>
      %dma_wait3A_411 = tpu.memref_squeeze %dma_wait3A_410 : memref<1x1x8x256xf32, #tpu.memory_space<hbm>> -> memref<8x256xf32, #tpu.memory_space<hbm>>
      tpu.wait_dma2 semaphore(%arg18 : memref<!tpu.dma_semaphore, #tpu.memory_space<semaphore_mem>>) src(%dma_wait3A_411 : memref<8x256xf32, #tpu.memory_space<hbm>>) dst(%arg12 : memref<8x256xf32, #tpu.memory_space<vmem>>)
      %dma_wait3A_412 = arith.constant 2 : i32
      %dma_wait3A_413 = tpu.memref_slice %arg2[%shift_right_logical3A_391, %dma_wait3A_412, %mul3A_397, %mul3A_401] : memref<8x3x512x512xf32, #tpu.memory_space<hbm>> -> memref<1x1x8x256xf32, #tpu.memory_space<hbm>>
      %dma_wait3A_414 = tpu.memref_squeeze %dma_wait3A_413 : memref<1x1x8x256xf32, #tpu.memory_space<hbm>> -> memref<8x256xf32, #tpu.memory_space<hbm>>
      %dma_wait3A_415 = tpu.memref_slice %arg2[%shift_right_logical3A_391, %dma_wait3A_412, %mul3A_397, %mul3A_401] : memref<8x3x512x512xf32, #tpu.memory_space<hbm>> -> memref<1x1x8x256xf32, #tpu.memory_space<hbm>>
      %dma_wait3A_416 = tpu.memref_squeeze %dma_wait3A_415 : memref<1x1x8x256xf32, #tpu.memory_space<hbm>> -> memref<8x256xf32, #tpu.memory_space<hbm>>
      tpu.wait_dma2 semaphore(%arg18 : memref<!tpu.dma_semaphore, #tpu.memory_space<semaphore_mem>>) src(%dma_wait3A_416 : memref<8x256xf32, #tpu.memory_space<hbm>>) dst(%arg13 : memref<8x256xf32, #tpu.memory_space<vmem>>)
      %parallel_loop3A_417 = arith.constant 0 : i32
      %parallel_loop3A_418 = arith.constant 128 : i32
      %parallel_loop3A_419 = arith.constant 1 : i32
      scf.for %parallel_loop3A_537 = %parallel_loop3A_417 to %parallel_loop3A_418 step %parallel_loop3A_419  : i32 {
        %parallel_loop3A_538 = arith.constant 4 : i32
        %parallel_loop3A_539 = arith.shrui %parallel_loop3A_537, %parallel_loop3A_538 : i32
        %parallel_loop3A_540 = arith.constant 15 : i32
        %parallel_loop3A_541 = arith.andi %parallel_loop3A_537, %parallel_loop3A_540 : i32
        %parallel_loop3A_542 = arith.constant 16 : i32
        %parallel_loop3A_543 = arith.muli %parallel_loop3A_541, %parallel_loop3A_542 : i32
        %parallel_loop3A_544 = arith.index_cast %parallel_loop3A_539 : i32 to index
        %parallel_loop3A_545 = arith.index_cast %parallel_loop3A_543 : i32 to index
        %parallel_loop3A_546 = tpu.vector_load %arg11[%parallel_loop3A_544, %parallel_loop3A_545] {strides = array<i32>} : memref<8x256xf32, #tpu.memory_space<vmem>>, vector<16xf32>,
        %parallel_loop3A_547 = arith.index_cast %parallel_loop3A_539 : i32 to index
        %parallel_loop3A_548 = arith.index_cast %parallel_loop3A_543 : i32 to index
        %parallel_loop3A_549 = tpu.vector_load %arg12[%parallel_loop3A_547, %parallel_loop3A_548] {strides = array<i32>} : memref<8x256xf32, #tpu.memory_space<vmem>>, vector<16xf32>,
        %parallel_loop3A_550 = arith.index_cast %parallel_loop3A_539 : i32 to index
        %parallel_loop3A_551 = arith.index_cast %parallel_loop3A_543 : i32 to index
        %parallel_loop3A_552 = tpu.vector_load %arg13[%parallel_loop3A_550, %parallel_loop3A_551] {strides = array<i32>} : memref<8x256xf32, #tpu.memory_space<vmem>>, vector<16xf32>,
        %parallel_loop3A_553 = arith.constant 3.200000e+01 : f32
        %parallel_loop3A_554 = vector.broadcast %parallel_loop3A_553 : f32 to vector<16xf32>
        %parallel_loop3A_555 = arith.mulf %parallel_loop3A_546, %parallel_loop3A_554 : vector<16xf32>
        %parallel_loop3A_556 = arith.constant 3.200000e+01 : f32
        %parallel_loop3A_557 = vector.broadcast %parallel_loop3A_556 : f32 to vector<16xf32>
        %parallel_loop3A_558 = arith.mulf %parallel_loop3A_549, %parallel_loop3A_557 : vector<16xf32>
        %parallel_loop3A_559 = arith.constant 3.200000e+01 : f32
        %parallel_loop3A_560 = vector.broadcast %parallel_loop3A_559 : f32 to vector<16xf32>
        %parallel_loop3A_561 = arith.mulf %parallel_loop3A_552, %parallel_loop3A_560 : vector<16xf32>
        %parallel_loop3A_562 = arith.fptosi %parallel_loop3A_555 : vector<16xf32> to vector<16xi32>
        %parallel_loop3A_563 = arith.fptosi %parallel_loop3A_558 : vector<16xf32> to vector<16xi32>
        %parallel_loop3A_564 = arith.fptosi %parallel_loop3A_561 : vector<16xf32> to vector<16xi32>
        %parallel_loop3A_565 = arith.sitofp %parallel_loop3A_562 : vector<16xi32> to vector<16xf32>
        %parallel_loop3A_566 = arith.subf %parallel_loop3A_555, %parallel_loop3A_565 : vector<16xf32>
        %parallel_loop3A_567 = arith.sitofp %parallel_loop3A_563 : vector<16xi32> to vector<16xf32>
        %parallel_loop3A_568 = arith.subf %parallel_loop3A_558, %parallel_loop3A_567 : vector<16xf32>
        %parallel_loop3A_569 = arith.sitofp %parallel_loop3A_564 : vector<16xi32> to vector<16xf32>
        %parallel_loop3A_570 = arith.subf %parallel_loop3A_561, %parallel_loop3A_569 : vector<16xf32>
        %parallel_loop3A_571 = arith.constant 1089 : i32
        %parallel_loop3A_572 = vector.broadcast %parallel_loop3A_571 : i32 to vector<16xi32>
        %parallel_loop3A_573 = arith.muli %parallel_loop3A_564, %parallel_loop3A_572 : vector<16xi32>
        %parallel_loop3A_574 = arith.constant 33 : i32
        %parallel_loop3A_575 = vector.broadcast %parallel_loop3A_574 : i32 to vector<16xi32>
        %parallel_loop3A_576 = arith.muli %parallel_loop3A_563, %parallel_loop3A_575 : vector<16xi32>
        %parallel_loop3A_577 = arith.addi %parallel_loop3A_573, %parallel_loop3A_576 : vector<16xi32>
        %parallel_loop3A_578 = arith.addi %parallel_loop3A_577, %parallel_loop3A_562 : vector<16xi32>
        %parallel_loop3A_579 = arith.constant 33 : i32
        %parallel_loop3A_580 = vector.broadcast %parallel_loop3A_579 : i32 to vector<16xi32>
        %parallel_loop3A_581 = arith.addi %parallel_loop3A_578, %parallel_loop3A_580 : vector<16xi32>
        %parallel_loop3A_582 = arith.constant 1089 : i32
        %parallel_loop3A_583 = vector.broadcast %parallel_loop3A_582 : i32 to vector<16xi32>
        %parallel_loop3A_584 = arith.addi %parallel_loop3A_578, %parallel_loop3A_583 : vector<16xi32>
        %parallel_loop3A_585 = arith.constant 1089 : i32
        %parallel_loop3A_586 = vector.broadcast %parallel_loop3A_585 : i32 to vector<16xi32>
        %parallel_loop3A_587 = arith.addi %parallel_loop3A_581, %parallel_loop3A_586 : vector<16xi32>
        %parallel_loop3A_588 = arith.constant 1 : i32
        %parallel_loop3A_589 = vector.broadcast %parallel_loop3A_588 : i32 to vector<16xi32>
        %parallel_loop3A_590 = arith.addi %parallel_loop3A_578, %parallel_loop3A_589 : vector<16xi32>
        %parallel_loop3A_591 = arith.constant 1 : i32
        %parallel_loop3A_592 = vector.broadcast %parallel_loop3A_591 : i32 to vector<16xi32>
        %parallel_loop3A_593 = arith.addi %parallel_loop3A_581, %parallel_loop3A_592 : vector<16xi32>
        %parallel_loop3A_594 = arith.constant 1 : i32
        %parallel_loop3A_595 = vector.broadcast %parallel_loop3A_594 : i32 to vector<16xi32>
        %parallel_loop3A_596 = arith.addi %parallel_loop3A_584, %parallel_loop3A_595 : vector<16xi32>
        %parallel_loop3A_597 = arith.constant 1 : i32
        %parallel_loop3A_598 = vector.broadcast %parallel_loop3A_597 : i32 to vector<16xi32>
        %parallel_loop3A_599 = arith.addi %parallel_loop3A_587, %parallel_loop3A_598 : vector<16xi32>
        %parallel_loop3A_600 = tpu.vector_load_idx %arg5[%parallel_loop3A_578] : memref<35937xf32, #tpu.memory_space<vmem>>[vector<16xi32>], vector<16xf32>,
        %parallel_loop3A_601 = tpu.vector_load_idx %arg5[%parallel_loop3A_590] : memref<35937xf32, #tpu.memory_space<vmem>>[vector<16xi32>], vector<16xf32>,
        %parallel_loop3A_602 = tpu.vector_load_idx %arg5[%parallel_loop3A_581] : memref<35937xf32, #tpu.memory_space<vmem>>[vector<16xi32>], vector<16xf32>,
        %parallel_loop3A_603 = tpu.vector_load_idx %arg5[%parallel_loop3A_593] : memref<35937xf32, #tpu.memory_space<vmem>>[vector<16xi32>], vector<16xf32>,
        %parallel_loop3A_604 = tpu.vector_load_idx %arg5[%parallel_loop3A_584] : memref<35937xf32, #tpu.memory_space<vmem>>[vector<16xi32>], vector<16xf32>,
        %parallel_loop3A_605 = tpu.vector_load_idx %arg5[%parallel_loop3A_596] : memref<35937xf32, #tpu.memory_space<vmem>>[vector<16xi32>], vector<16xf32>,
        %parallel_loop3A_606 = tpu.vector_load_idx %arg5[%parallel_loop3A_587] : memref<35937xf32, #tpu.memory_space<vmem>>[vector<16xi32>], vector<16xf32>,
        %parallel_loop3A_607 = tpu.vector_load_idx %arg5[%parallel_loop3A_599] : memref<35937xf32, #tpu.memory_space<vmem>>[vector<16xi32>], vector<16xf32>,
        %parallel_loop3A_608 = arith.subf %parallel_loop3A_601, %parallel_loop3A_600 : vector<16xf32>
        %parallel_loop3A_609 = arith.mulf %parallel_loop3A_566, %parallel_loop3A_608 : vector<16xf32>
        %parallel_loop3A_610 = arith.addf %parallel_loop3A_600, %parallel_loop3A_609 : vector<16xf32>
        %parallel_loop3A_611 = arith.subf %parallel_loop3A_603, %parallel_loop3A_602 : vector<16xf32>
        %parallel_loop3A_612 = arith.mulf %parallel_loop3A_566, %parallel_loop3A_611 : vector<16xf32>
        %parallel_loop3A_613 = arith.addf %parallel_loop3A_602, %parallel_loop3A_612 : vector<16xf32>
        %parallel_loop3A_614 = arith.subf %parallel_loop3A_605, %parallel_loop3A_604 : vector<16xf32>
        %parallel_loop3A_615 = arith.mulf %parallel_loop3A_566, %parallel_loop3A_614 : vector<16xf32>
        %parallel_loop3A_616 = arith.addf %parallel_loop3A_604, %parallel_loop3A_615 : vector<16xf32>
        %parallel_loop3A_617 = arith.subf %parallel_loop3A_607, %parallel_loop3A_606 : vector<16xf32>
        %parallel_loop3A_618 = arith.mulf %parallel_loop3A_566, %parallel_loop3A_617 : vector<16xf32>
        %parallel_loop3A_619 = arith.addf %parallel_loop3A_606, %parallel_loop3A_618 : vector<16xf32>
        %parallel_loop3A_620 = arith.subf %parallel_loop3A_613, %parallel_loop3A_610 : vector<16xf32>
        %parallel_loop3A_621 = arith.mulf %parallel_loop3A_568, %parallel_loop3A_620 : vector<16xf32>
        %parallel_loop3A_622 = arith.addf %parallel_loop3A_610, %parallel_loop3A_621 : vector<16xf32>
        %parallel_loop3A_623 = arith.subf %parallel_loop3A_619, %parallel_loop3A_616 : vector<16xf32>
        %parallel_loop3A_624 = arith.mulf %parallel_loop3A_568, %parallel_loop3A_623 : vector<16xf32>
        %parallel_loop3A_625 = arith.addf %parallel_loop3A_616, %parallel_loop3A_624 : vector<16xf32>
        %parallel_loop3A_626 = arith.subf %parallel_loop3A_625, %parallel_loop3A_622 : vector<16xf32>
        %parallel_loop3A_627 = arith.mulf %parallel_loop3A_570, %parallel_loop3A_626 : vector<16xf32>
        %parallel_loop3A_628 = arith.addf %parallel_loop3A_622, %parallel_loop3A_627 : vector<16xf32>
        %parallel_loop3A_629 = arith.index_cast %parallel_loop3A_539 : i32 to index
        %parallel_loop3A_630 = arith.index_cast %parallel_loop3A_543 : i32 to index
        %parallel_loop3A_631 = tpu.vector_load %arg11[%parallel_loop3A_629, %parallel_loop3A_630] {strides = array<i32>} : memref<8x256xf32, #tpu.memory_space<vmem>>, vector<16xf32>,
        tpu.vector_store %arg11[%parallel_loop3A_629, %parallel_loop3A_630], %parallel_loop3A_628 {strides = array<i32>} : memref<8x256xf32, #tpu.memory_space<vmem>>, vector<16xf32>,
        %parallel_loop3A_632 = tpu.vector_load_idx %arg6[%parallel_loop3A_578] : memref<35937xf32, #tpu.memory_space<vmem>>[vector<16xi32>], vector<16xf32>,
        %parallel_loop3A_633 = tpu.vector_load_idx %arg6[%parallel_loop3A_590] : memref<35937xf32, #tpu.memory_space<vmem>>[vector<16xi32>], vector<16xf32>,
        %parallel_loop3A_634 = tpu.vector_load_idx %arg6[%parallel_loop3A_581] : memref<35937xf32, #tpu.memory_space<vmem>>[vector<16xi32>], vector<16xf32>,
        %parallel_loop3A_635 = tpu.vector_load_idx %arg6[%parallel_loop3A_593] : memref<35937xf32, #tpu.memory_space<vmem>>[vector<16xi32>], vector<16xf32>,
        %parallel_loop3A_636 = tpu.vector_load_idx %arg6[%parallel_loop3A_584] : memref<35937xf32, #tpu.memory_space<vmem>>[vector<16xi32>], vector<16xf32>,
        %parallel_loop3A_637 = tpu.vector_load_idx %arg6[%parallel_loop3A_596] : memref<35937xf32, #tpu.memory_space<vmem>>[vector<16xi32>], vector<16xf32>,
        %parallel_loop3A_638 = tpu.vector_load_idx %arg6[%parallel_loop3A_587] : memref<35937xf32, #tpu.memory_space<vmem>>[vector<16xi32>], vector<16xf32>,
        %parallel_loop3A_639 = tpu.vector_load_idx %arg6[%parallel_loop3A_599] : memref<35937xf32, #tpu.memory_space<vmem>>[vector<16xi32>], vector<16xf32>,
        %parallel_loop3A_640 = arith.subf %parallel_loop3A_633, %parallel_loop3A_632 : vector<16xf32>
        %parallel_loop3A_641 = arith.mulf %parallel_loop3A_566, %parallel_loop3A_640 : vector<16xf32>
        %parallel_loop3A_642 = arith.addf %parallel_loop3A_632, %parallel_loop3A_641 : vector<16xf32>
        %parallel_loop3A_643 = arith.subf %parallel_loop3A_635, %parallel_loop3A_634 : vector<16xf32>
        %parallel_loop3A_644 = arith.mulf %parallel_loop3A_566, %parallel_loop3A_643 : vector<16xf32>
        %parallel_loop3A_645 = arith.addf %parallel_loop3A_634, %parallel_loop3A_644 : vector<16xf32>
        %parallel_loop3A_646 = arith.subf %parallel_loop3A_637, %parallel_loop3A_636 : vector<16xf32>
        %parallel_loop3A_647 = arith.mulf %parallel_loop3A_566, %parallel_loop3A_646 : vector<16xf32>
        %parallel_loop3A_648 = arith.addf %parallel_loop3A_636, %parallel_loop3A_647 : vector<16xf32>
        %parallel_loop3A_649 = arith.subf %parallel_loop3A_639, %parallel_loop3A_638 : vector<16xf32>
        %parallel_loop3A_650 = arith.mulf %parallel_loop3A_566, %parallel_loop3A_649 : vector<16xf32>
        %parallel_loop3A_651 = arith.addf %parallel_loop3A_638, %parallel_loop3A_650 : vector<16xf32>
        %parallel_loop3A_652 = arith.subf %parallel_loop3A_645, %parallel_loop3A_642 : vector<16xf32>
        %parallel_loop3A_653 = arith.mulf %parallel_loop3A_568, %parallel_loop3A_652 : vector<16xf32>
        %parallel_loop3A_654 = arith.addf %parallel_loop3A_642, %parallel_loop3A_653 : vector<16xf32>
        %parallel_loop3A_655 = arith.subf %parallel_loop3A_651, %parallel_loop3A_648 : vector<16xf32>
        %parallel_loop3A_656 = arith.mulf %parallel_loop3A_568, %parallel_loop3A_655 : vector<16xf32>
        %parallel_loop3A_657 = arith.addf %parallel_loop3A_648, %parallel_loop3A_656 : vector<16xf32>
        %parallel_loop3A_658 = arith.subf %parallel_loop3A_657, %parallel_loop3A_654 : vector<16xf32>
        %parallel_loop3A_659 = arith.mulf %parallel_loop3A_570, %parallel_loop3A_658 : vector<16xf32>
        %parallel_loop3A_660 = arith.addf %parallel_loop3A_654, %parallel_loop3A_659 : vector<16xf32>
        %parallel_loop3A_661 = arith.index_cast %parallel_loop3A_539 : i32 to index
        %parallel_loop3A_662 = arith.index_cast %parallel_loop3A_543 : i32 to index
        %parallel_loop3A_663 = tpu.vector_load %arg12[%parallel_loop3A_661, %parallel_loop3A_662] {strides = array<i32>} : memref<8x256xf32, #tpu.memory_space<vmem>>, vector<16xf32>,
        tpu.vector_store %arg12[%parallel_loop3A_661, %parallel_loop3A_662], %parallel_loop3A_660 {strides = array<i32>} : memref<8x256xf32, #tpu.memory_space<vmem>>, vector<16xf32>,
        %parallel_loop3A_664 = tpu.vector_load_idx %arg7[%parallel_loop3A_578] : memref<35937xf32, #tpu.memory_space<vmem>>[vector<16xi32>], vector<16xf32>,
        %parallel_loop3A_665 = tpu.vector_load_idx %arg7[%parallel_loop3A_590] : memref<35937xf32, #tpu.memory_space<vmem>>[vector<16xi32>], vector<16xf32>,
        %parallel_loop3A_666 = tpu.vector_load_idx %arg7[%parallel_loop3A_581] : memref<35937xf32, #tpu.memory_space<vmem>>[vector<16xi32>], vector<16xf32>,
        %parallel_loop3A_667 = tpu.vector_load_idx %arg7[%parallel_loop3A_593] : memref<35937xf32, #tpu.memory_space<vmem>>[vector<16xi32>], vector<16xf32>,
        %parallel_loop3A_668 = tpu.vector_load_idx %arg7[%parallel_loop3A_584] : memref<35937xf32, #tpu.memory_space<vmem>>[vector<16xi32>], vector<16xf32>,
        %parallel_loop3A_669 = tpu.vector_load_idx %arg7[%parallel_loop3A_596] : memref<35937xf32, #tpu.memory_space<vmem>>[vector<16xi32>], vector<16xf32>,
        %parallel_loop3A_670 = tpu.vector_load_idx %arg7[%parallel_loop3A_587] : memref<35937xf32, #tpu.memory_space<vmem>>[vector<16xi32>], vector<16xf32>,
        %parallel_loop3A_671 = tpu.vector_load_idx %arg7[%parallel_loop3A_599] : memref<35937xf32, #tpu.memory_space<vmem>>[vector<16xi32>], vector<16xf32>,
        %parallel_loop3A_672 = arith.subf %parallel_loop3A_665, %parallel_loop3A_664 : vector<16xf32>
        %parallel_loop3A_673 = arith.mulf %parallel_loop3A_566, %parallel_loop3A_672 : vector<16xf32>
        %parallel_loop3A_674 = arith.addf %parallel_loop3A_664, %parallel_loop3A_673 : vector<16xf32>
        %parallel_loop3A_675 = arith.subf %parallel_loop3A_667, %parallel_loop3A_666 : vector<16xf32>
        %parallel_loop3A_676 = arith.mulf %parallel_loop3A_566, %parallel_loop3A_675 : vector<16xf32>
        %parallel_loop3A_677 = arith.addf %parallel_loop3A_666, %parallel_loop3A_676 : vector<16xf32>
        %parallel_loop3A_678 = arith.subf %parallel_loop3A_669, %parallel_loop3A_668 : vector<16xf32>
        %parallel_loop3A_679 = arith.mulf %parallel_loop3A_566, %parallel_loop3A_678 : vector<16xf32>
        %parallel_loop3A_680 = arith.addf %parallel_loop3A_668, %parallel_loop3A_679 : vector<16xf32>
        %parallel_loop3A_681 = arith.subf %parallel_loop3A_671, %parallel_loop3A_670 : vector<16xf32>
        %parallel_loop3A_682 = arith.mulf %parallel_loop3A_566, %parallel_loop3A_681 : vector<16xf32>
        %parallel_loop3A_683 = arith.addf %parallel_loop3A_670, %parallel_loop3A_682 : vector<16xf32>
        %parallel_loop3A_684 = arith.subf %parallel_loop3A_677, %parallel_loop3A_674 : vector<16xf32>
        %parallel_loop3A_685 = arith.mulf %parallel_loop3A_568, %parallel_loop3A_684 : vector<16xf32>
        %parallel_loop3A_686 = arith.addf %parallel_loop3A_674, %parallel_loop3A_685 : vector<16xf32>
        %parallel_loop3A_687 = arith.subf %parallel_loop3A_683, %parallel_loop3A_680 : vector<16xf32>
        %parallel_loop3A_688 = arith.mulf %parallel_loop3A_568, %parallel_loop3A_687 : vector<16xf32>
        %parallel_loop3A_689 = arith.addf %parallel_loop3A_680, %parallel_loop3A_688 : vector<16xf32>
        %parallel_loop3A_690 = arith.subf %parallel_loop3A_689, %parallel_loop3A_686 : vector<16xf32>
        %parallel_loop3A_691 = arith.mulf %parallel_loop3A_570, %parallel_loop3A_690 : vector<16xf32>
        %parallel_loop3A_692 = arith.addf %parallel_loop3A_686, %parallel_loop3A_691 : vector<16xf32>
        %parallel_loop3A_693 = arith.index_cast %parallel_loop3A_539 : i32 to index
        %parallel_loop3A_694 = arith.index_cast %parallel_loop3A_543 : i32 to index
        %parallel_loop3A_695 = tpu.vector_load %arg13[%parallel_loop3A_693, %parallel_loop3A_694] {strides = array<i32>} : memref<8x256xf32, #tpu.memory_space<vmem>>, vector<16xf32>,
        tpu.vector_store %arg13[%parallel_loop3A_693, %parallel_loop3A_694], %parallel_loop3A_692 {strides = array<i32>} : memref<8x256xf32, #tpu.memory_space<vmem>>, vector<16xf32>,
      } {sc.loop_unroll_factor = 1 : i64, sc.parallel_access}
      %mul3A_420 = arith.constant 32 : i32
      %mul3A_421 = arith.muli %add3A, %mul3A_420 : i32
      %add3A_422 = arith.addi %mul3A_421, %add3A_386 : i32
      %shift_right_logical3A_423 = arith.constant 7 : i32
      %shift_right_logical3A_424 = arith.shrui %add3A_422, %shift_right_logical3A_423 : i32
      %and3A_425 = arith.constant 127 : i32
      %and3A_426 = arith.andi %add3A_422, %and3A_425 : i32
      %shift_right_logical3A_427 = arith.constant 1 : i32
      %shift_right_logical3A_428 = arith.shrui %and3A_426, %shift_right_logical3A_427 : i32
      %mul3A_429 = arith.constant 8 : i32
      %mul3A_430 = arith.muli %shift_right_logical3A_428, %mul3A_429 : i32
      %and3A_431 = arith.constant 1 : i32
      %and3A_432 = arith.andi %and3A_426, %and3A_431 : i32
      %mul3A_433 = arith.constant 256 : i32
      %mul3A_434 = arith.muli %and3A_432, %mul3A_433 : i32
      %dma_start3A_435 = arith.constant 0 : i32
      %dma_start3A_436 = tpu.memref_slice %arg4[%shift_right_logical3A_424, %dma_start3A_435, %mul3A_430, %mul3A_434] : memref<8x3x512x512xf32, #tpu.memory_space<hbm>> -> memref<1x1x8x256xf32, #tpu.memory_space<hbm>>
      %dma_start3A_437 = tpu.memref_squeeze %dma_start3A_436 : memref<1x1x8x256xf32, #tpu.memory_space<hbm>> -> memref<8x256xf32, #tpu.memory_space<hbm>>
      %dma_start3A_438 = tpu.memref_slice %arg4[%shift_right_logical3A_424, %dma_start3A_435, %mul3A_430, %mul3A_434] : memref<8x3x512x512xf32, #tpu.memory_space<hbm>> -> memref<1x1x8x256xf32, #tpu.memory_space<hbm>>
      %dma_start3A_439 = tpu.memref_squeeze %dma_start3A_438 : memref<1x1x8x256xf32, #tpu.memory_space<hbm>> -> memref<8x256xf32, #tpu.memory_space<hbm>>
      tpu.enqueue_dma source(%arg11 : memref<8x256xf32, #tpu.memory_space<vmem>>) target(%dma_start3A_439 : memref<8x256xf32, #tpu.memory_space<hbm>>) target_semaphore(%arg21 : memref<!tpu.dma_semaphore, #tpu.memory_space<semaphore_mem>>)
      %dma_start3A_440 = arith.constant 1 : i32
      %dma_start3A_441 = tpu.memref_slice %arg4[%shift_right_logical3A_424, %dma_start3A_440, %mul3A_430, %mul3A_434] : memref<8x3x512x512xf32, #tpu.memory_space<hbm>> -> memref<1x1x8x256xf32, #tpu.memory_space<hbm>>
      %dma_start3A_442 = tpu.memref_squeeze %dma_start3A_441 : memref<1x1x8x256xf32, #tpu.memory_space<hbm>> -> memref<8x256xf32, #tpu.memory_space<hbm>>
      %dma_start3A_443 = tpu.memref_slice %arg4[%shift_right_logical3A_424, %dma_start3A_440, %mul3A_430, %mul3A_434] : memref<8x3x512x512xf32, #tpu.memory_space<hbm>> -> memref<1x1x8x256xf32, #tpu.memory_space<hbm>>
      %dma_start3A_444 = tpu.memref_squeeze %dma_start3A_443 : memref<1x1x8x256xf32, #tpu.memory_space<hbm>> -> memref<8x256xf32, #tpu.memory_space<hbm>>
      tpu.enqueue_dma source(%arg12 : memref<8x256xf32, #tpu.memory_space<vmem>>) target(%dma_start3A_444 : memref<8x256xf32, #tpu.memory_space<hbm>>) target_semaphore(%arg21 : memref<!tpu.dma_semaphore, #tpu.memory_space<semaphore_mem>>)
      %dma_start3A_445 = arith.constant 2 : i32
      %dma_start3A_446 = tpu.memref_slice %arg4[%shift_right_logical3A_424, %dma_start3A_445, %mul3A_430, %mul3A_434] : memref<8x3x512x512xf32, #tpu.memory_space<hbm>> -> memref<1x1x8x256xf32, #tpu.memory_space<hbm>>
      %dma_start3A_447 = tpu.memref_squeeze %dma_start3A_446 : memref<1x1x8x256xf32, #tpu.memory_space<hbm>> -> memref<8x256xf32, #tpu.memory_space<hbm>>
      %dma_start3A_448 = tpu.memref_slice %arg4[%shift_right_logical3A_424, %dma_start3A_445, %mul3A_430, %mul3A_434] : memref<8x3x512x512xf32, #tpu.memory_space<hbm>> -> memref<1x1x8x256xf32, #tpu.memory_space<hbm>>
      %dma_start3A_449 = tpu.memref_squeeze %dma_start3A_448 : memref<1x1x8x256xf32, #tpu.memory_space<hbm>> -> memref<8x256xf32, #tpu.memory_space<hbm>>
      tpu.enqueue_dma source(%arg13 : memref<8x256xf32, #tpu.memory_space<vmem>>) target(%dma_start3A_449 : memref<8x256xf32, #tpu.memory_space<hbm>>) target_semaphore(%arg21 : memref<!tpu.dma_semaphore, #tpu.memory_space<semaphore_mem>>)
      %ge3A_450 = arith.constant 1 : i32
      %ge3A_451 = arith.cmpi sge, %add3A_386, %ge3A_450 : i32
      %convert_element_type3A_452 = arith.extui %ge3A_451 : i1 to i32
      %cond3A_453 = arith.constant 0 : i32
      %cond3A_454 = arith.cmpi ne, %convert_element_type3A_452, %cond3A_453 : i32
      scf.if %cond3A_454 {
        %sub3A = arith.constant 1 : i32
        %sub3A_537 = arith.subi %add3A_386, %sub3A : i32
        %mul3A_538 = arith.constant 32 : i32
        %mul3A_539 = arith.muli %add3A, %mul3A_538 : i32
        %add3A_540 = arith.addi %mul3A_539, %sub3A_537 : i32
        %shift_right_logical3A_541 = arith.constant 7 : i32
        %shift_right_logical3A_542 = arith.shrui %add3A_540, %shift_right_logical3A_541 : i32
        %and3A_543 = arith.constant 127 : i32
        %and3A_544 = arith.andi %add3A_540, %and3A_543 : i32
        %shift_right_logical3A_545 = arith.constant 1 : i32
        %shift_right_logical3A_546 = arith.shrui %and3A_544, %shift_right_logical3A_545 : i32
        %mul3A_547 = arith.constant 8 : i32
        %mul3A_548 = arith.muli %shift_right_logical3A_546, %mul3A_547 : i32
        %and3A_549 = arith.constant 1 : i32
        %and3A_550 = arith.andi %and3A_544, %and3A_549 : i32
        %mul3A_551 = arith.constant 256 : i32
        %mul3A_552 = arith.muli %and3A_550, %mul3A_551 : i32
        %dma_wait3A_553 = arith.constant 0 : i32
        %dma_wait3A_554 = tpu.memref_slice %arg4[%shift_right_logical3A_542, %dma_wait3A_553, %mul3A_548, %mul3A_552] : memref<8x3x512x512xf32, #tpu.memory_space<hbm>> -> memref<1x1x8x256xf32, #tpu.memory_space<hbm>>
        %dma_wait3A_555 = tpu.memref_squeeze %dma_wait3A_554 : memref<1x1x8x256xf32, #tpu.memory_space<hbm>> -> memref<8x256xf32, #tpu.memory_space<hbm>>
        %dma_wait3A_556 = tpu.memref_slice %arg4[%shift_right_logical3A_542, %dma_wait3A_553, %mul3A_548, %mul3A_552] : memref<8x3x512x512xf32, #tpu.memory_space<hbm>> -> memref<1x1x8x256xf32, #tpu.memory_space<hbm>>
        %dma_wait3A_557 = tpu.memref_squeeze %dma_wait3A_556 : memref<1x1x8x256xf32, #tpu.memory_space<hbm>> -> memref<8x256xf32, #tpu.memory_space<hbm>>
        tpu.wait_dma2 semaphore(%arg20 : memref<!tpu.dma_semaphore, #tpu.memory_space<semaphore_mem>>) src(%arg8 : memref<8x256xf32, #tpu.memory_space<vmem>>) dst(%dma_wait3A_557 : memref<8x256xf32, #tpu.memory_space<hbm>>)
        %dma_wait3A_558 = arith.constant 1 : i32
        %dma_wait3A_559 = tpu.memref_slice %arg4[%shift_right_logical3A_542, %dma_wait3A_558, %mul3A_548, %mul3A_552] : memref<8x3x512x512xf32, #tpu.memory_space<hbm>> -> memref<1x1x8x256xf32, #tpu.memory_space<hbm>>
        %dma_wait3A_560 = tpu.memref_squeeze %dma_wait3A_559 : memref<1x1x8x256xf32, #tpu.memory_space<hbm>> -> memref<8x256xf32, #tpu.memory_space<hbm>>
        %dma_wait3A_561 = tpu.memref_slice %arg4[%shift_right_logical3A_542, %dma_wait3A_558, %mul3A_548, %mul3A_552] : memref<8x3x512x512xf32, #tpu.memory_space<hbm>> -> memref<1x1x8x256xf32, #tpu.memory_space<hbm>>
        %dma_wait3A_562 = tpu.memref_squeeze %dma_wait3A_561 : memref<1x1x8x256xf32, #tpu.memory_space<hbm>> -> memref<8x256xf32, #tpu.memory_space<hbm>>
        tpu.wait_dma2 semaphore(%arg20 : memref<!tpu.dma_semaphore, #tpu.memory_space<semaphore_mem>>) src(%arg9 : memref<8x256xf32, #tpu.memory_space<vmem>>) dst(%dma_wait3A_562 : memref<8x256xf32, #tpu.memory_space<hbm>>)
        %dma_wait3A_563 = arith.constant 2 : i32
        %dma_wait3A_564 = tpu.memref_slice %arg4[%shift_right_logical3A_542, %dma_wait3A_563, %mul3A_548, %mul3A_552] : memref<8x3x512x512xf32, #tpu.memory_space<hbm>> -> memref<1x1x8x256xf32, #tpu.memory_space<hbm>>
        %dma_wait3A_565 = tpu.memref_squeeze %dma_wait3A_564 : memref<1x1x8x256xf32, #tpu.memory_space<hbm>> -> memref<8x256xf32, #tpu.memory_space<hbm>>
        %dma_wait3A_566 = tpu.memref_slice %arg4[%shift_right_logical3A_542, %dma_wait3A_563, %mul3A_548, %mul3A_552] : memref<8x3x512x512xf32, #tpu.memory_space<hbm>> -> memref<1x1x8x256xf32, #tpu.memory_space<hbm>>
        %dma_wait3A_567 = tpu.memref_squeeze %dma_wait3A_566 : memref<1x1x8x256xf32, #tpu.memory_space<hbm>> -> memref<8x256xf32, #tpu.memory_space<hbm>>
        tpu.wait_dma2 semaphore(%arg20 : memref<!tpu.dma_semaphore, #tpu.memory_space<semaphore_mem>>) src(%arg10 : memref<8x256xf32, #tpu.memory_space<vmem>>) dst(%dma_wait3A_567 : memref<8x256xf32, #tpu.memory_space<hbm>>)
      } else {
      }
      %lt3A_455 = arith.constant 30 : i32
      %lt3A_456 = arith.cmpi slt, %add3A_386, %lt3A_455 : i32
      %convert_element_type3A_457 = arith.extui %lt3A_456 : i1 to i32
      %cond3A_458 = arith.constant 0 : i32
      %cond3A_459 = arith.cmpi ne, %convert_element_type3A_457, %cond3A_458 : i32
      scf.if %cond3A_459 {
        %add3A_537 = arith.constant 2 : i32
        %add3A_538 = arith.addi %add3A_386, %add3A_537 : i32
        %mul3A_539 = arith.constant 32 : i32
        %mul3A_540 = arith.muli %add3A, %mul3A_539 : i32
        %add3A_541 = arith.addi %mul3A_540, %add3A_538 : i32
        %shift_right_logical3A_542 = arith.constant 7 : i32
        %shift_right_logical3A_543 = arith.shrui %add3A_541, %shift_right_logical3A_542 : i32
        %and3A_544 = arith.constant 127 : i32
        %and3A_545 = arith.andi %add3A_541, %and3A_544 : i32
        %shift_right_logical3A_546 = arith.constant 1 : i32
        %shift_right_logical3A_547 = arith.shrui %and3A_545, %shift_right_logical3A_546 : i32
        %mul3A_548 = arith.constant 8 : i32
        %mul3A_549 = arith.muli %shift_right_logical3A_547, %mul3A_548 : i32
        %and3A_550 = arith.constant 1 : i32
        %and3A_551 = arith.andi %and3A_545, %and3A_550 : i32
        %mul3A_552 = arith.constant 256 : i32
        %mul3A_553 = arith.muli %and3A_551, %mul3A_552 : i32
        %dma_start3A_554 = arith.constant 0 : i32
        %dma_start3A_555 = tpu.memref_slice %arg2[%shift_right_logical3A_543, %dma_start3A_554, %mul3A_549, %mul3A_553] : memref<8x3x512x512xf32, #tpu.memory_space<hbm>> -> memref<1x1x8x256xf32, #tpu.memory_space<hbm>>
        %dma_start3A_556 = tpu.memref_squeeze %dma_start3A_555 : memref<1x1x8x256xf32, #tpu.memory_space<hbm>> -> memref<8x256xf32, #tpu.memory_space<hbm>>
        %dma_start3A_557 = tpu.memref_slice %arg2[%shift_right_logical3A_543, %dma_start3A_554, %mul3A_549, %mul3A_553] : memref<8x3x512x512xf32, #tpu.memory_space<hbm>> -> memref<1x1x8x256xf32, #tpu.memory_space<hbm>>
        %dma_start3A_558 = tpu.memref_squeeze %dma_start3A_557 : memref<1x1x8x256xf32, #tpu.memory_space<hbm>> -> memref<8x256xf32, #tpu.memory_space<hbm>>
        tpu.enqueue_dma source(%dma_start3A_558 : memref<8x256xf32, #tpu.memory_space<hbm>>) target(%arg8 : memref<8x256xf32, #tpu.memory_space<vmem>>) target_semaphore(%arg17 : memref<!tpu.dma_semaphore, #tpu.memory_space<semaphore_mem>>)
        %dma_start3A_559 = arith.constant 1 : i32
        %dma_start3A_560 = tpu.memref_slice %arg2[%shift_right_logical3A_543, %dma_start3A_559, %mul3A_549, %mul3A_553] : memref<8x3x512x512xf32, #tpu.memory_space<hbm>> -> memref<1x1x8x256xf32, #tpu.memory_space<hbm>>
        %dma_start3A_561 = tpu.memref_squeeze %dma_start3A_560 : memref<1x1x8x256xf32, #tpu.memory_space<hbm>> -> memref<8x256xf32, #tpu.memory_space<hbm>>
        %dma_start3A_562 = tpu.memref_slice %arg2[%shift_right_logical3A_543, %dma_start3A_559, %mul3A_549, %mul3A_553] : memref<8x3x512x512xf32, #tpu.memory_space<hbm>> -> memref<1x1x8x256xf32, #tpu.memory_space<hbm>>
        %dma_start3A_563 = tpu.memref_squeeze %dma_start3A_562 : memref<1x1x8x256xf32, #tpu.memory_space<hbm>> -> memref<8x256xf32, #tpu.memory_space<hbm>>
        tpu.enqueue_dma source(%dma_start3A_563 : memref<8x256xf32, #tpu.memory_space<hbm>>) target(%arg9 : memref<8x256xf32, #tpu.memory_space<vmem>>) target_semaphore(%arg17 : memref<!tpu.dma_semaphore, #tpu.memory_space<semaphore_mem>>)
        %dma_start3A_564 = arith.constant 2 : i32
        %dma_start3A_565 = tpu.memref_slice %arg2[%shift_right_logical3A_543, %dma_start3A_564, %mul3A_549, %mul3A_553] : memref<8x3x512x512xf32, #tpu.memory_space<hbm>> -> memref<1x1x8x256xf32, #tpu.memory_space<hbm>>
        %dma_start3A_566 = tpu.memref_squeeze %dma_start3A_565 : memref<1x1x8x256xf32, #tpu.memory_space<hbm>> -> memref<8x256xf32, #tpu.memory_space<hbm>>
        %dma_start3A_567 = tpu.memref_slice %arg2[%shift_right_logical3A_543, %dma_start3A_564, %mul3A_549, %mul3A_553] : memref<8x3x512x512xf32, #tpu.memory_space<hbm>> -> memref<1x1x8x256xf32, #tpu.memory_space<hbm>>
        %dma_start3A_568 = tpu.memref_squeeze %dma_start3A_567 : memref<1x1x8x256xf32, #tpu.memory_space<hbm>> -> memref<8x256xf32, #tpu.memory_space<hbm>>
        tpu.enqueue_dma source(%dma_start3A_568 : memref<8x256xf32, #tpu.memory_space<hbm>>) target(%arg10 : memref<8x256xf32, #tpu.memory_space<vmem>>) target_semaphore(%arg17 : memref<!tpu.dma_semaphore, #tpu.memory_space<semaphore_mem>>)
      } else {
      }
      %mul3A_460 = arith.constant 3 : i32
      %mul3A_461 = arith.muli %mul3A_460, %scan3A_309 : i32
      %add3A_462 = arith.constant 2 : i32
      %add3A_463 = arith.addi %mul3A_461, %add3A_462 : i32
      %mul3A_464 = arith.constant 32 : i32
      %mul3A_465 = arith.muli %add3A, %mul3A_464 : i32
      %add3A_466 = arith.addi %mul3A_465, %add3A_463 : i32
      %shift_right_logical3A_467 = arith.constant 7 : i32
      %shift_right_logical3A_468 = arith.shrui %add3A_466, %shift_right_logical3A_467 : i32
      %and3A_469 = arith.constant 127 : i32
      %and3A_470 = arith.andi %add3A_466, %and3A_469 : i32
      %shift_right_logical3A_471 = arith.constant 1 : i32
      %shift_right_logical3A_472 = arith.shrui %and3A_470, %shift_right_logical3A_471 : i32
      %mul3A_473 = arith.constant 8 : i32
      %mul3A_474 = arith.muli %shift_right_logical3A_472, %mul3A_473 : i32
      %and3A_475 = arith.constant 1 : i32
      %and3A_476 = arith.andi %and3A_470, %and3A_475 : i32
      %mul3A_477 = arith.constant 256 : i32
      %mul3A_478 = arith.muli %and3A_476, %mul3A_477 : i32
      %dma_wait3A_479 = arith.constant 0 : i32
      %dma_wait3A_480 = tpu.memref_slice %arg2[%shift_right_logical3A_468, %dma_wait3A_479, %mul3A_474, %mul3A_478] : memref<8x3x512x512xf32, #tpu.memory_space<hbm>> -> memref<1x1x8x256xf32, #tpu.memory_space<hbm>>
      %dma_wait3A_481 = tpu.memref_squeeze %dma_wait3A_480 : memref<1x1x8x256xf32, #tpu.memory_space<hbm>> -> memref<8x256xf32, #tpu.memory_space<hbm>>
      %dma_wait3A_482 = tpu.memref_slice %arg2[%shift_right_logical3A_468, %dma_wait3A_479, %mul3A_474, %mul3A_478] : memref<8x3x512x512xf32, #tpu.memory_space<hbm>> -> memref<1x1x8x256xf32, #tpu.memory_space<hbm>>
      %dma_wait3A_483 = tpu.memref_squeeze %dma_wait3A_482 : memref<1x1x8x256xf32, #tpu.memory_space<hbm>> -> memref<8x256xf32, #tpu.memory_space<hbm>>
      tpu.wait_dma2 semaphore(%arg19 : memref<!tpu.dma_semaphore, #tpu.memory_space<semaphore_mem>>) src(%dma_wait3A_483 : memref<8x256xf32, #tpu.memory_space<hbm>>) dst(%arg14 : memref<8x256xf32, #tpu.memory_space<vmem>>)
      %dma_wait3A_484 = arith.constant 1 : i32
      %dma_wait3A_485 = tpu.memref_slice %arg2[%shift_right_logical3A_468, %dma_wait3A_484, %mul3A_474, %mul3A_478] : memref<8x3x512x512xf32, #tpu.memory_space<hbm>> -> memref<1x1x8x256xf32, #tpu.memory_space<hbm>>
      %dma_wait3A_486 = tpu.memref_squeeze %dma_wait3A_485 : memref<1x1x8x256xf32, #tpu.memory_space<hbm>> -> memref<8x256xf32, #tpu.memory_space<hbm>>
      %dma_wait3A_487 = tpu.memref_slice %arg2[%shift_right_logical3A_468, %dma_wait3A_484, %mul3A_474, %mul3A_478] : memref<8x3x512x512xf32, #tpu.memory_space<hbm>> -> memref<1x1x8x256xf32, #tpu.memory_space<hbm>>
      %dma_wait3A_488 = tpu.memref_squeeze %dma_wait3A_487 : memref<1x1x8x256xf32, #tpu.memory_space<hbm>> -> memref<8x256xf32, #tpu.memory_space<hbm>>
      tpu.wait_dma2 semaphore(%arg19 : memref<!tpu.dma_semaphore, #tpu.memory_space<semaphore_mem>>) src(%dma_wait3A_488 : memref<8x256xf32, #tpu.memory_space<hbm>>) dst(%arg15 : memref<8x256xf32, #tpu.memory_space<vmem>>)
      %dma_wait3A_489 = arith.constant 2 : i32
      %dma_wait3A_490 = tpu.memref_slice %arg2[%shift_right_logical3A_468, %dma_wait3A_489, %mul3A_474, %mul3A_478] : memref<8x3x512x512xf32, #tpu.memory_space<hbm>> -> memref<1x1x8x256xf32, #tpu.memory_space<hbm>>
      %dma_wait3A_491 = tpu.memref_squeeze %dma_wait3A_490 : memref<1x1x8x256xf32, #tpu.memory_space<hbm>> -> memref<8x256xf32, #tpu.memory_space<hbm>>
      %dma_wait3A_492 = tpu.memref_slice %arg2[%shift_right_logical3A_468, %dma_wait3A_489, %mul3A_474, %mul3A_478] : memref<8x3x512x512xf32, #tpu.memory_space<hbm>> -> memref<1x1x8x256xf32, #tpu.memory_space<hbm>>
      %dma_wait3A_493 = tpu.memref_squeeze %dma_wait3A_492 : memref<1x1x8x256xf32, #tpu.memory_space<hbm>> -> memref<8x256xf32, #tpu.memory_space<hbm>>
      tpu.wait_dma2 semaphore(%arg19 : memref<!tpu.dma_semaphore, #tpu.memory_space<semaphore_mem>>) src(%dma_wait3A_493 : memref<8x256xf32, #tpu.memory_space<hbm>>) dst(%arg16 : memref<8x256xf32, #tpu.memory_space<vmem>>)
      %parallel_loop3A_494 = arith.constant 0 : i32
      %parallel_loop3A_495 = arith.constant 128 : i32
      %parallel_loop3A_496 = arith.constant 1 : i32
      scf.for %parallel_loop3A_537 = %parallel_loop3A_494 to %parallel_loop3A_495 step %parallel_loop3A_496  : i32 {
        %parallel_loop3A_538 = arith.constant 4 : i32
        %parallel_loop3A_539 = arith.shrui %parallel_loop3A_537, %parallel_loop3A_538 : i32
        %parallel_loop3A_540 = arith.constant 15 : i32
        %parallel_loop3A_541 = arith.andi %parallel_loop3A_537, %parallel_loop3A_540 : i32
        %parallel_loop3A_542 = arith.constant 16 : i32
        %parallel_loop3A_543 = arith.muli %parallel_loop3A_541, %parallel_loop3A_542 : i32
        %parallel_loop3A_544 = arith.index_cast %parallel_loop3A_539 : i32 to index
        %parallel_loop3A_545 = arith.index_cast %parallel_loop3A_543 : i32 to index
        %parallel_loop3A_546 = tpu.vector_load %arg14[%parallel_loop3A_544, %parallel_loop3A_545] {strides = array<i32>} : memref<8x256xf32, #tpu.memory_space<vmem>>, vector<16xf32>,
        %parallel_loop3A_547 = arith.index_cast %parallel_loop3A_539 : i32 to index
        %parallel_loop3A_548 = arith.index_cast %parallel_loop3A_543 : i32 to index
        %parallel_loop3A_549 = tpu.vector_load %arg15[%parallel_loop3A_547, %parallel_loop3A_548] {strides = array<i32>} : memref<8x256xf32, #tpu.memory_space<vmem>>, vector<16xf32>,
        %parallel_loop3A_550 = arith.index_cast %parallel_loop3A_539 : i32 to index
        %parallel_loop3A_551 = arith.index_cast %parallel_loop3A_543 : i32 to index
        %parallel_loop3A_552 = tpu.vector_load %arg16[%parallel_loop3A_550, %parallel_loop3A_551] {strides = array<i32>} : memref<8x256xf32, #tpu.memory_space<vmem>>, vector<16xf32>,
        %parallel_loop3A_553 = arith.constant 3.200000e+01 : f32
        %parallel_loop3A_554 = vector.broadcast %parallel_loop3A_553 : f32 to vector<16xf32>
        %parallel_loop3A_555 = arith.mulf %parallel_loop3A_546, %parallel_loop3A_554 : vector<16xf32>
        %parallel_loop3A_556 = arith.constant 3.200000e+01 : f32
        %parallel_loop3A_557 = vector.broadcast %parallel_loop3A_556 : f32 to vector<16xf32>
        %parallel_loop3A_558 = arith.mulf %parallel_loop3A_549, %parallel_loop3A_557 : vector<16xf32>
        %parallel_loop3A_559 = arith.constant 3.200000e+01 : f32
        %parallel_loop3A_560 = vector.broadcast %parallel_loop3A_559 : f32 to vector<16xf32>
        %parallel_loop3A_561 = arith.mulf %parallel_loop3A_552, %parallel_loop3A_560 : vector<16xf32>
        %parallel_loop3A_562 = arith.fptosi %parallel_loop3A_555 : vector<16xf32> to vector<16xi32>
        %parallel_loop3A_563 = arith.fptosi %parallel_loop3A_558 : vector<16xf32> to vector<16xi32>
        %parallel_loop3A_564 = arith.fptosi %parallel_loop3A_561 : vector<16xf32> to vector<16xi32>
        %parallel_loop3A_565 = arith.sitofp %parallel_loop3A_562 : vector<16xi32> to vector<16xf32>
        %parallel_loop3A_566 = arith.subf %parallel_loop3A_555, %parallel_loop3A_565 : vector<16xf32>
        %parallel_loop3A_567 = arith.sitofp %parallel_loop3A_563 : vector<16xi32> to vector<16xf32>
        %parallel_loop3A_568 = arith.subf %parallel_loop3A_558, %parallel_loop3A_567 : vector<16xf32>
        %parallel_loop3A_569 = arith.sitofp %parallel_loop3A_564 : vector<16xi32> to vector<16xf32>
        %parallel_loop3A_570 = arith.subf %parallel_loop3A_561, %parallel_loop3A_569 : vector<16xf32>
        %parallel_loop3A_571 = arith.constant 1089 : i32
        %parallel_loop3A_572 = vector.broadcast %parallel_loop3A_571 : i32 to vector<16xi32>
        %parallel_loop3A_573 = arith.muli %parallel_loop3A_564, %parallel_loop3A_572 : vector<16xi32>
        %parallel_loop3A_574 = arith.constant 33 : i32
        %parallel_loop3A_575 = vector.broadcast %parallel_loop3A_574 : i32 to vector<16xi32>
        %parallel_loop3A_576 = arith.muli %parallel_loop3A_563, %parallel_loop3A_575 : vector<16xi32>
        %parallel_loop3A_577 = arith.addi %parallel_loop3A_573, %parallel_loop3A_576 : vector<16xi32>
        %parallel_loop3A_578 = arith.addi %parallel_loop3A_577, %parallel_loop3A_562 : vector<16xi32>
        %parallel_loop3A_579 = arith.constant 33 : i32
        %parallel_loop3A_580 = vector.broadcast %parallel_loop3A_579 : i32 to vector<16xi32>
        %parallel_loop3A_581 = arith.addi %parallel_loop3A_578, %parallel_loop3A_580 : vector<16xi32>
        %parallel_loop3A_582 = arith.constant 1089 : i32
        %parallel_loop3A_583 = vector.broadcast %parallel_loop3A_582 : i32 to vector<16xi32>
        %parallel_loop3A_584 = arith.addi %parallel_loop3A_578, %parallel_loop3A_583 : vector<16xi32>
        %parallel_loop3A_585 = arith.constant 1089 : i32
        %parallel_loop3A_586 = vector.broadcast %parallel_loop3A_585 : i32 to vector<16xi32>
        %parallel_loop3A_587 = arith.addi %parallel_loop3A_581, %parallel_loop3A_586 : vector<16xi32>
        %parallel_loop3A_588 = arith.constant 1 : i32
        %parallel_loop3A_589 = vector.broadcast %parallel_loop3A_588 : i32 to vector<16xi32>
        %parallel_loop3A_590 = arith.addi %parallel_loop3A_578, %parallel_loop3A_589 : vector<16xi32>
        %parallel_loop3A_591 = arith.constant 1 : i32
        %parallel_loop3A_592 = vector.broadcast %parallel_loop3A_591 : i32 to vector<16xi32>
        %parallel_loop3A_593 = arith.addi %parallel_loop3A_581, %parallel_loop3A_592 : vector<16xi32>
        %parallel_loop3A_594 = arith.constant 1 : i32
        %parallel_loop3A_595 = vector.broadcast %parallel_loop3A_594 : i32 to vector<16xi32>
        %parallel_loop3A_596 = arith.addi %parallel_loop3A_584, %parallel_loop3A_595 : vector<16xi32>
        %parallel_loop3A_597 = arith.constant 1 : i32
        %parallel_loop3A_598 = vector.broadcast %parallel_loop3A_597 : i32 to vector<16xi32>
        %parallel_loop3A_599 = arith.addi %parallel_loop3A_587, %parallel_loop3A_598 : vector<16xi32>
        %parallel_loop3A_600 = tpu.vector_load_idx %arg5[%parallel_loop3A_578] : memref<35937xf32, #tpu.memory_space<vmem>>[vector<16xi32>], vector<16xf32>,
        %parallel_loop3A_601 = tpu.vector_load_idx %arg5[%parallel_loop3A_590] : memref<35937xf32, #tpu.memory_space<vmem>>[vector<16xi32>], vector<16xf32>,
        %parallel_loop3A_602 = tpu.vector_load_idx %arg5[%parallel_loop3A_581] : memref<35937xf32, #tpu.memory_space<vmem>>[vector<16xi32>], vector<16xf32>,
        %parallel_loop3A_603 = tpu.vector_load_idx %arg5[%parallel_loop3A_593] : memref<35937xf32, #tpu.memory_space<vmem>>[vector<16xi32>], vector<16xf32>,
        %parallel_loop3A_604 = tpu.vector_load_idx %arg5[%parallel_loop3A_584] : memref<35937xf32, #tpu.memory_space<vmem>>[vector<16xi32>], vector<16xf32>,
        %parallel_loop3A_605 = tpu.vector_load_idx %arg5[%parallel_loop3A_596] : memref<35937xf32, #tpu.memory_space<vmem>>[vector<16xi32>], vector<16xf32>,
        %parallel_loop3A_606 = tpu.vector_load_idx %arg5[%parallel_loop3A_587] : memref<35937xf32, #tpu.memory_space<vmem>>[vector<16xi32>], vector<16xf32>,
        %parallel_loop3A_607 = tpu.vector_load_idx %arg5[%parallel_loop3A_599] : memref<35937xf32, #tpu.memory_space<vmem>>[vector<16xi32>], vector<16xf32>,
        %parallel_loop3A_608 = arith.subf %parallel_loop3A_601, %parallel_loop3A_600 : vector<16xf32>
        %parallel_loop3A_609 = arith.mulf %parallel_loop3A_566, %parallel_loop3A_608 : vector<16xf32>
        %parallel_loop3A_610 = arith.addf %parallel_loop3A_600, %parallel_loop3A_609 : vector<16xf32>
        %parallel_loop3A_611 = arith.subf %parallel_loop3A_603, %parallel_loop3A_602 : vector<16xf32>
        %parallel_loop3A_612 = arith.mulf %parallel_loop3A_566, %parallel_loop3A_611 : vector<16xf32>
        %parallel_loop3A_613 = arith.addf %parallel_loop3A_602, %parallel_loop3A_612 : vector<16xf32>
        %parallel_loop3A_614 = arith.subf %parallel_loop3A_605, %parallel_loop3A_604 : vector<16xf32>
        %parallel_loop3A_615 = arith.mulf %parallel_loop3A_566, %parallel_loop3A_614 : vector<16xf32>
        %parallel_loop3A_616 = arith.addf %parallel_loop3A_604, %parallel_loop3A_615 : vector<16xf32>
        %parallel_loop3A_617 = arith.subf %parallel_loop3A_607, %parallel_loop3A_606 : vector<16xf32>
        %parallel_loop3A_618 = arith.mulf %parallel_loop3A_566, %parallel_loop3A_617 : vector<16xf32>
        %parallel_loop3A_619 = arith.addf %parallel_loop3A_606, %parallel_loop3A_618 : vector<16xf32>
        %parallel_loop3A_620 = arith.subf %parallel_loop3A_613, %parallel_loop3A_610 : vector<16xf32>
        %parallel_loop3A_621 = arith.mulf %parallel_loop3A_568, %parallel_loop3A_620 : vector<16xf32>
        %parallel_loop3A_622 = arith.addf %parallel_loop3A_610, %parallel_loop3A_621 : vector<16xf32>
        %parallel_loop3A_623 = arith.subf %parallel_loop3A_619, %parallel_loop3A_616 : vector<16xf32>
        %parallel_loop3A_624 = arith.mulf %parallel_loop3A_568, %parallel_loop3A_623 : vector<16xf32>
        %parallel_loop3A_625 = arith.addf %parallel_loop3A_616, %parallel_loop3A_624 : vector<16xf32>
        %parallel_loop3A_626 = arith.subf %parallel_loop3A_625, %parallel_loop3A_622 : vector<16xf32>
        %parallel_loop3A_627 = arith.mulf %parallel_loop3A_570, %parallel_loop3A_626 : vector<16xf32>
        %parallel_loop3A_628 = arith.addf %parallel_loop3A_622, %parallel_loop3A_627 : vector<16xf32>
        %parallel_loop3A_629 = arith.index_cast %parallel_loop3A_539 : i32 to index
        %parallel_loop3A_630 = arith.index_cast %parallel_loop3A_543 : i32 to index
        %parallel_loop3A_631 = tpu.vector_load %arg14[%parallel_loop3A_629, %parallel_loop3A_630] {strides = array<i32>} : memref<8x256xf32, #tpu.memory_space<vmem>>, vector<16xf32>,
        tpu.vector_store %arg14[%parallel_loop3A_629, %parallel_loop3A_630], %parallel_loop3A_628 {strides = array<i32>} : memref<8x256xf32, #tpu.memory_space<vmem>>, vector<16xf32>,
        %parallel_loop3A_632 = tpu.vector_load_idx %arg6[%parallel_loop3A_578] : memref<35937xf32, #tpu.memory_space<vmem>>[vector<16xi32>], vector<16xf32>,
        %parallel_loop3A_633 = tpu.vector_load_idx %arg6[%parallel_loop3A_590] : memref<35937xf32, #tpu.memory_space<vmem>>[vector<16xi32>], vector<16xf32>,
        %parallel_loop3A_634 = tpu.vector_load_idx %arg6[%parallel_loop3A_581] : memref<35937xf32, #tpu.memory_space<vmem>>[vector<16xi32>], vector<16xf32>,
        %parallel_loop3A_635 = tpu.vector_load_idx %arg6[%parallel_loop3A_593] : memref<35937xf32, #tpu.memory_space<vmem>>[vector<16xi32>], vector<16xf32>,
        %parallel_loop3A_636 = tpu.vector_load_idx %arg6[%parallel_loop3A_584] : memref<35937xf32, #tpu.memory_space<vmem>>[vector<16xi32>], vector<16xf32>,
        %parallel_loop3A_637 = tpu.vector_load_idx %arg6[%parallel_loop3A_596] : memref<35937xf32, #tpu.memory_space<vmem>>[vector<16xi32>], vector<16xf32>,
        %parallel_loop3A_638 = tpu.vector_load_idx %arg6[%parallel_loop3A_587] : memref<35937xf32, #tpu.memory_space<vmem>>[vector<16xi32>], vector<16xf32>,
        %parallel_loop3A_639 = tpu.vector_load_idx %arg6[%parallel_loop3A_599] : memref<35937xf32, #tpu.memory_space<vmem>>[vector<16xi32>], vector<16xf32>,
        %parallel_loop3A_640 = arith.subf %parallel_loop3A_633, %parallel_loop3A_632 : vector<16xf32>
        %parallel_loop3A_641 = arith.mulf %parallel_loop3A_566, %parallel_loop3A_640 : vector<16xf32>
        %parallel_loop3A_642 = arith.addf %parallel_loop3A_632, %parallel_loop3A_641 : vector<16xf32>
        %parallel_loop3A_643 = arith.subf %parallel_loop3A_635, %parallel_loop3A_634 : vector<16xf32>
        %parallel_loop3A_644 = arith.mulf %parallel_loop3A_566, %parallel_loop3A_643 : vector<16xf32>
        %parallel_loop3A_645 = arith.addf %parallel_loop3A_634, %parallel_loop3A_644 : vector<16xf32>
        %parallel_loop3A_646 = arith.subf %parallel_loop3A_637, %parallel_loop3A_636 : vector<16xf32>
        %parallel_loop3A_647 = arith.mulf %parallel_loop3A_566, %parallel_loop3A_646 : vector<16xf32>
        %parallel_loop3A_648 = arith.addf %parallel_loop3A_636, %parallel_loop3A_647 : vector<16xf32>
        %parallel_loop3A_649 = arith.subf %parallel_loop3A_639, %parallel_loop3A_638 : vector<16xf32>
        %parallel_loop3A_650 = arith.mulf %parallel_loop3A_566, %parallel_loop3A_649 : vector<16xf32>
        %parallel_loop3A_651 = arith.addf %parallel_loop3A_638, %parallel_loop3A_650 : vector<16xf32>
        %parallel_loop3A_652 = arith.subf %parallel_loop3A_645, %parallel_loop3A_642 : vector<16xf32>
        %parallel_loop3A_653 = arith.mulf %parallel_loop3A_568, %parallel_loop3A_652 : vector<16xf32>
        %parallel_loop3A_654 = arith.addf %parallel_loop3A_642, %parallel_loop3A_653 : vector<16xf32>
        %parallel_loop3A_655 = arith.subf %parallel_loop3A_651, %parallel_loop3A_648 : vector<16xf32>
        %parallel_loop3A_656 = arith.mulf %parallel_loop3A_568, %parallel_loop3A_655 : vector<16xf32>
        %parallel_loop3A_657 = arith.addf %parallel_loop3A_648, %parallel_loop3A_656 : vector<16xf32>
        %parallel_loop3A_658 = arith.subf %parallel_loop3A_657, %parallel_loop3A_654 : vector<16xf32>
        %parallel_loop3A_659 = arith.mulf %parallel_loop3A_570, %parallel_loop3A_658 : vector<16xf32>
        %parallel_loop3A_660 = arith.addf %parallel_loop3A_654, %parallel_loop3A_659 : vector<16xf32>
        %parallel_loop3A_661 = arith.index_cast %parallel_loop3A_539 : i32 to index
        %parallel_loop3A_662 = arith.index_cast %parallel_loop3A_543 : i32 to index
        %parallel_loop3A_663 = tpu.vector_load %arg15[%parallel_loop3A_661, %parallel_loop3A_662] {strides = array<i32>} : memref<8x256xf32, #tpu.memory_space<vmem>>, vector<16xf32>,
        tpu.vector_store %arg15[%parallel_loop3A_661, %parallel_loop3A_662], %parallel_loop3A_660 {strides = array<i32>} : memref<8x256xf32, #tpu.memory_space<vmem>>, vector<16xf32>,
        %parallel_loop3A_664 = tpu.vector_load_idx %arg7[%parallel_loop3A_578] : memref<35937xf32, #tpu.memory_space<vmem>>[vector<16xi32>], vector<16xf32>,
        %parallel_loop3A_665 = tpu.vector_load_idx %arg7[%parallel_loop3A_590] : memref<35937xf32, #tpu.memory_space<vmem>>[vector<16xi32>], vector<16xf32>,
        %parallel_loop3A_666 = tpu.vector_load_idx %arg7[%parallel_loop3A_581] : memref<35937xf32, #tpu.memory_space<vmem>>[vector<16xi32>], vector<16xf32>,
        %parallel_loop3A_667 = tpu.vector_load_idx %arg7[%parallel_loop3A_593] : memref<35937xf32, #tpu.memory_space<vmem>>[vector<16xi32>], vector<16xf32>,
        %parallel_loop3A_668 = tpu.vector_load_idx %arg7[%parallel_loop3A_584] : memref<35937xf32, #tpu.memory_space<vmem>>[vector<16xi32>], vector<16xf32>,
        %parallel_loop3A_669 = tpu.vector_load_idx %arg7[%parallel_loop3A_596] : memref<35937xf32, #tpu.memory_space<vmem>>[vector<16xi32>], vector<16xf32>,
        %parallel_loop3A_670 = tpu.vector_load_idx %arg7[%parallel_loop3A_587] : memref<35937xf32, #tpu.memory_space<vmem>>[vector<16xi32>], vector<16xf32>,
        %parallel_loop3A_671 = tpu.vector_load_idx %arg7[%parallel_loop3A_599] : memref<35937xf32, #tpu.memory_space<vmem>>[vector<16xi32>], vector<16xf32>,
        %parallel_loop3A_672 = arith.subf %parallel_loop3A_665, %parallel_loop3A_664 : vector<16xf32>
        %parallel_loop3A_673 = arith.mulf %parallel_loop3A_566, %parallel_loop3A_672 : vector<16xf32>
        %parallel_loop3A_674 = arith.addf %parallel_loop3A_664, %parallel_loop3A_673 : vector<16xf32>
        %parallel_loop3A_675 = arith.subf %parallel_loop3A_667, %parallel_loop3A_666 : vector<16xf32>
        %parallel_loop3A_676 = arith.mulf %parallel_loop3A_566, %parallel_loop3A_675 : vector<16xf32>
        %parallel_loop3A_677 = arith.addf %parallel_loop3A_666, %parallel_loop3A_676 : vector<16xf32>
        %parallel_loop3A_678 = arith.subf %parallel_loop3A_669, %parallel_loop3A_668 : vector<16xf32>
        %parallel_loop3A_679 = arith.mulf %parallel_loop3A_566, %parallel_loop3A_678 : vector<16xf32>
        %parallel_loop3A_680 = arith.addf %parallel_loop3A_668, %parallel_loop3A_679 : vector<16xf32>
        %parallel_loop3A_681 = arith.subf %parallel_loop3A_671, %parallel_loop3A_670 : vector<16xf32>
        %parallel_loop3A_682 = arith.mulf %parallel_loop3A_566, %parallel_loop3A_681 : vector<16xf32>
        %parallel_loop3A_683 = arith.addf %parallel_loop3A_670, %parallel_loop3A_682 : vector<16xf32>
        %parallel_loop3A_684 = arith.subf %parallel_loop3A_677, %parallel_loop3A_674 : vector<16xf32>
        %parallel_loop3A_685 = arith.mulf %parallel_loop3A_568, %parallel_loop3A_684 : vector<16xf32>
        %parallel_loop3A_686 = arith.addf %parallel_loop3A_674, %parallel_loop3A_685 : vector<16xf32>
        %parallel_loop3A_687 = arith.subf %parallel_loop3A_683, %parallel_loop3A_680 : vector<16xf32>
        %parallel_loop3A_688 = arith.mulf %parallel_loop3A_568, %parallel_loop3A_687 : vector<16xf32>
        %parallel_loop3A_689 = arith.addf %parallel_loop3A_680, %parallel_loop3A_688 : vector<16xf32>
        %parallel_loop3A_690 = arith.subf %parallel_loop3A_689, %parallel_loop3A_686 : vector<16xf32>
        %parallel_loop3A_691 = arith.mulf %parallel_loop3A_570, %parallel_loop3A_690 : vector<16xf32>
        %parallel_loop3A_692 = arith.addf %parallel_loop3A_686, %parallel_loop3A_691 : vector<16xf32>
        %parallel_loop3A_693 = arith.index_cast %parallel_loop3A_539 : i32 to index
        %parallel_loop3A_694 = arith.index_cast %parallel_loop3A_543 : i32 to index
        %parallel_loop3A_695 = tpu.vector_load %arg16[%parallel_loop3A_693, %parallel_loop3A_694] {strides = array<i32>} : memref<8x256xf32, #tpu.memory_space<vmem>>, vector<16xf32>,
        tpu.vector_store %arg16[%parallel_loop3A_693, %parallel_loop3A_694], %parallel_loop3A_692 {strides = array<i32>} : memref<8x256xf32, #tpu.memory_space<vmem>>, vector<16xf32>,
      } {sc.loop_unroll_factor = 1 : i64, sc.parallel_access}
      %mul3A_497 = arith.constant 32 : i32
      %mul3A_498 = arith.muli %add3A, %mul3A_497 : i32
      %add3A_499 = arith.addi %mul3A_498, %add3A_463 : i32
      %shift_right_logical3A_500 = arith.constant 7 : i32
      %shift_right_logical3A_501 = arith.shrui %add3A_499, %shift_right_logical3A_500 : i32
      %and3A_502 = arith.constant 127 : i32
      %and3A_503 = arith.andi %add3A_499, %and3A_502 : i32
      %shift_right_logical3A_504 = arith.constant 1 : i32
      %shift_right_logical3A_505 = arith.shrui %and3A_503, %shift_right_logical3A_504 : i32
      %mul3A_506 = arith.constant 8 : i32
      %mul3A_507 = arith.muli %shift_right_logical3A_505, %mul3A_506 : i32
      %and3A_508 = arith.constant 1 : i32
      %and3A_509 = arith.andi %and3A_503, %and3A_508 : i32
      %mul3A_510 = arith.constant 256 : i32
      %mul3A_511 = arith.muli %and3A_509, %mul3A_510 : i32
      %dma_start3A_512 = arith.constant 0 : i32
      %dma_start3A_513 = tpu.memref_slice %arg4[%shift_right_logical3A_501, %dma_start3A_512, %mul3A_507, %mul3A_511] : memref<8x3x512x512xf32, #tpu.memory_space<hbm>> -> memref<1x1x8x256xf32, #tpu.memory_space<hbm>>
      %dma_start3A_514 = tpu.memref_squeeze %dma_start3A_513 : memref<1x1x8x256xf32, #tpu.memory_space<hbm>> -> memref<8x256xf32, #tpu.memory_space<hbm>>
      %dma_start3A_515 = tpu.memref_slice %arg4[%shift_right_logical3A_501, %dma_start3A_512, %mul3A_507, %mul3A_511] : memref<8x3x512x512xf32, #tpu.memory_space<hbm>> -> memref<1x1x8x256xf32, #tpu.memory_space<hbm>>
      %dma_start3A_516 = tpu.memref_squeeze %dma_start3A_515 : memref<1x1x8x256xf32, #tpu.memory_space<hbm>> -> memref<8x256xf32, #tpu.memory_space<hbm>>
      tpu.enqueue_dma source(%arg14 : memref<8x256xf32, #tpu.memory_space<vmem>>) target(%dma_start3A_516 : memref<8x256xf32, #tpu.memory_space<hbm>>) target_semaphore(%arg22 : memref<!tpu.dma_semaphore, #tpu.memory_space<semaphore_mem>>)
      %dma_start3A_517 = arith.constant 1 : i32
      %dma_start3A_518 = tpu.memref_slice %arg4[%shift_right_logical3A_501, %dma_start3A_517, %mul3A_507, %mul3A_511] : memref<8x3x512x512xf32, #tpu.memory_space<hbm>> -> memref<1x1x8x256xf32, #tpu.memory_space<hbm>>
      %dma_start3A_519 = tpu.memref_squeeze %dma_start3A_518 : memref<1x1x8x256xf32, #tpu.memory_space<hbm>> -> memref<8x256xf32, #tpu.memory_space<hbm>>
      %dma_start3A_520 = tpu.memref_slice %arg4[%shift_right_logical3A_501, %dma_start3A_517, %mul3A_507, %mul3A_511] : memref<8x3x512x512xf32, #tpu.memory_space<hbm>> -> memref<1x1x8x256xf32, #tpu.memory_space<hbm>>
      %dma_start3A_521 = tpu.memref_squeeze %dma_start3A_520 : memref<1x1x8x256xf32, #tpu.memory_space<hbm>> -> memref<8x256xf32, #tpu.memory_space<hbm>>
      tpu.enqueue_dma source(%arg15 : memref<8x256xf32, #tpu.memory_space<vmem>>) target(%dma_start3A_521 : memref<8x256xf32, #tpu.memory_space<hbm>>) target_semaphore(%arg22 : memref<!tpu.dma_semaphore, #tpu.memory_space<semaphore_mem>>)
      %dma_start3A_522 = arith.constant 2 : i32
      %dma_start3A_523 = tpu.memref_slice %arg4[%shift_right_logical3A_501, %dma_start3A_522, %mul3A_507, %mul3A_511] : memref<8x3x512x512xf32, #tpu.memory_space<hbm>> -> memref<1x1x8x256xf32, #tpu.memory_space<hbm>>
      %dma_start3A_524 = tpu.memref_squeeze %dma_start3A_523 : memref<1x1x8x256xf32, #tpu.memory_space<hbm>> -> memref<8x256xf32, #tpu.memory_space<hbm>>
      %dma_start3A_525 = tpu.memref_slice %arg4[%shift_right_logical3A_501, %dma_start3A_522, %mul3A_507, %mul3A_511] : memref<8x3x512x512xf32, #tpu.memory_space<hbm>> -> memref<1x1x8x256xf32, #tpu.memory_space<hbm>>
      %dma_start3A_526 = tpu.memref_squeeze %dma_start3A_525 : memref<1x1x8x256xf32, #tpu.memory_space<hbm>> -> memref<8x256xf32, #tpu.memory_space<hbm>>
      tpu.enqueue_dma source(%arg16 : memref<8x256xf32, #tpu.memory_space<vmem>>) target(%dma_start3A_526 : memref<8x256xf32, #tpu.memory_space<hbm>>) target_semaphore(%arg22 : memref<!tpu.dma_semaphore, #tpu.memory_space<semaphore_mem>>)
      %ge3A_527 = arith.constant 1 : i32
      %ge3A_528 = arith.cmpi sge, %add3A_463, %ge3A_527 : i32
      %convert_element_type3A_529 = arith.extui %ge3A_528 : i1 to i32
      %cond3A_530 = arith.constant 0 : i32
      %cond3A_531 = arith.cmpi ne, %convert_element_type3A_529, %cond3A_530 : i32
      scf.if %cond3A_531 {
        %sub3A = arith.constant 1 : i32
        %sub3A_537 = arith.subi %add3A_463, %sub3A : i32
        %mul3A_538 = arith.constant 32 : i32
        %mul3A_539 = arith.muli %add3A, %mul3A_538 : i32
        %add3A_540 = arith.addi %mul3A_539, %sub3A_537 : i32
        %shift_right_logical3A_541 = arith.constant 7 : i32
        %shift_right_logical3A_542 = arith.shrui %add3A_540, %shift_right_logical3A_541 : i32
        %and3A_543 = arith.constant 127 : i32
        %and3A_544 = arith.andi %add3A_540, %and3A_543 : i32
        %shift_right_logical3A_545 = arith.constant 1 : i32
        %shift_right_logical3A_546 = arith.shrui %and3A_544, %shift_right_logical3A_545 : i32
        %mul3A_547 = arith.constant 8 : i32
        %mul3A_548 = arith.muli %shift_right_logical3A_546, %mul3A_547 : i32
        %and3A_549 = arith.constant 1 : i32
        %and3A_550 = arith.andi %and3A_544, %and3A_549 : i32
        %mul3A_551 = arith.constant 256 : i32
        %mul3A_552 = arith.muli %and3A_550, %mul3A_551 : i32
        %dma_wait3A_553 = arith.constant 0 : i32
        %dma_wait3A_554 = tpu.memref_slice %arg4[%shift_right_logical3A_542, %dma_wait3A_553, %mul3A_548, %mul3A_552] : memref<8x3x512x512xf32, #tpu.memory_space<hbm>> -> memref<1x1x8x256xf32, #tpu.memory_space<hbm>>
        %dma_wait3A_555 = tpu.memref_squeeze %dma_wait3A_554 : memref<1x1x8x256xf32, #tpu.memory_space<hbm>> -> memref<8x256xf32, #tpu.memory_space<hbm>>
        %dma_wait3A_556 = tpu.memref_slice %arg4[%shift_right_logical3A_542, %dma_wait3A_553, %mul3A_548, %mul3A_552] : memref<8x3x512x512xf32, #tpu.memory_space<hbm>> -> memref<1x1x8x256xf32, #tpu.memory_space<hbm>>
        %dma_wait3A_557 = tpu.memref_squeeze %dma_wait3A_556 : memref<1x1x8x256xf32, #tpu.memory_space<hbm>> -> memref<8x256xf32, #tpu.memory_space<hbm>>
        tpu.wait_dma2 semaphore(%arg21 : memref<!tpu.dma_semaphore, #tpu.memory_space<semaphore_mem>>) src(%arg11 : memref<8x256xf32, #tpu.memory_space<vmem>>) dst(%dma_wait3A_557 : memref<8x256xf32, #tpu.memory_space<hbm>>)
        %dma_wait3A_558 = arith.constant 1 : i32
        %dma_wait3A_559 = tpu.memref_slice %arg4[%shift_right_logical3A_542, %dma_wait3A_558, %mul3A_548, %mul3A_552] : memref<8x3x512x512xf32, #tpu.memory_space<hbm>> -> memref<1x1x8x256xf32, #tpu.memory_space<hbm>>
        %dma_wait3A_560 = tpu.memref_squeeze %dma_wait3A_559 : memref<1x1x8x256xf32, #tpu.memory_space<hbm>> -> memref<8x256xf32, #tpu.memory_space<hbm>>
        %dma_wait3A_561 = tpu.memref_slice %arg4[%shift_right_logical3A_542, %dma_wait3A_558, %mul3A_548, %mul3A_552] : memref<8x3x512x512xf32, #tpu.memory_space<hbm>> -> memref<1x1x8x256xf32, #tpu.memory_space<hbm>>
        %dma_wait3A_562 = tpu.memref_squeeze %dma_wait3A_561 : memref<1x1x8x256xf32, #tpu.memory_space<hbm>> -> memref<8x256xf32, #tpu.memory_space<hbm>>
        tpu.wait_dma2 semaphore(%arg21 : memref<!tpu.dma_semaphore, #tpu.memory_space<semaphore_mem>>) src(%arg12 : memref<8x256xf32, #tpu.memory_space<vmem>>) dst(%dma_wait3A_562 : memref<8x256xf32, #tpu.memory_space<hbm>>)
        %dma_wait3A_563 = arith.constant 2 : i32
        %dma_wait3A_564 = tpu.memref_slice %arg4[%shift_right_logical3A_542, %dma_wait3A_563, %mul3A_548, %mul3A_552] : memref<8x3x512x512xf32, #tpu.memory_space<hbm>> -> memref<1x1x8x256xf32, #tpu.memory_space<hbm>>
        %dma_wait3A_565 = tpu.memref_squeeze %dma_wait3A_564 : memref<1x1x8x256xf32, #tpu.memory_space<hbm>> -> memref<8x256xf32, #tpu.memory_space<hbm>>
        %dma_wait3A_566 = tpu.memref_slice %arg4[%shift_right_logical3A_542, %dma_wait3A_563, %mul3A_548, %mul3A_552] : memref<8x3x512x512xf32, #tpu.memory_space<hbm>> -> memref<1x1x8x256xf32, #tpu.memory_space<hbm>>
        %dma_wait3A_567 = tpu.memref_squeeze %dma_wait3A_566 : memref<1x1x8x256xf32, #tpu.memory_space<hbm>> -> memref<8x256xf32, #tpu.memory_space<hbm>>
        tpu.wait_dma2 semaphore(%arg21 : memref<!tpu.dma_semaphore, #tpu.memory_space<semaphore_mem>>) src(%arg13 : memref<8x256xf32, #tpu.memory_space<vmem>>) dst(%dma_wait3A_567 : memref<8x256xf32, #tpu.memory_space<hbm>>)
      } else {
      }
      %lt3A_532 = arith.constant 30 : i32
      %lt3A_533 = arith.cmpi slt, %add3A_463, %lt3A_532 : i32
      %convert_element_type3A_534 = arith.extui %lt3A_533 : i1 to i32
      %cond3A_535 = arith.constant 0 : i32
      %cond3A_536 = arith.cmpi ne, %convert_element_type3A_534, %cond3A_535 : i32
      scf.if %cond3A_536 {
        %add3A_537 = arith.constant 2 : i32
        %add3A_538 = arith.addi %add3A_463, %add3A_537 : i32
        %mul3A_539 = arith.constant 32 : i32
        %mul3A_540 = arith.muli %add3A, %mul3A_539 : i32
        %add3A_541 = arith.addi %mul3A_540, %add3A_538 : i32
        %shift_right_logical3A_542 = arith.constant 7 : i32
        %shift_right_logical3A_543 = arith.shrui %add3A_541, %shift_right_logical3A_542 : i32
        %and3A_544 = arith.constant 127 : i32
        %and3A_545 = arith.andi %add3A_541, %and3A_544 : i32
        %shift_right_logical3A_546 = arith.constant 1 : i32
        %shift_right_logical3A_547 = arith.shrui %and3A_545, %shift_right_logical3A_546 : i32
        %mul3A_548 = arith.constant 8 : i32
        %mul3A_549 = arith.muli %shift_right_logical3A_547, %mul3A_548 : i32
        %and3A_550 = arith.constant 1 : i32
        %and3A_551 = arith.andi %and3A_545, %and3A_550 : i32
        %mul3A_552 = arith.constant 256 : i32
        %mul3A_553 = arith.muli %and3A_551, %mul3A_552 : i32
        %dma_start3A_554 = arith.constant 0 : i32
        %dma_start3A_555 = tpu.memref_slice %arg2[%shift_right_logical3A_543, %dma_start3A_554, %mul3A_549, %mul3A_553] : memref<8x3x512x512xf32, #tpu.memory_space<hbm>> -> memref<1x1x8x256xf32, #tpu.memory_space<hbm>>
        %dma_start3A_556 = tpu.memref_squeeze %dma_start3A_555 : memref<1x1x8x256xf32, #tpu.memory_space<hbm>> -> memref<8x256xf32, #tpu.memory_space<hbm>>
        %dma_start3A_557 = tpu.memref_slice %arg2[%shift_right_logical3A_543, %dma_start3A_554, %mul3A_549, %mul3A_553] : memref<8x3x512x512xf32, #tpu.memory_space<hbm>> -> memref<1x1x8x256xf32, #tpu.memory_space<hbm>>
        %dma_start3A_558 = tpu.memref_squeeze %dma_start3A_557 : memref<1x1x8x256xf32, #tpu.memory_space<hbm>> -> memref<8x256xf32, #tpu.memory_space<hbm>>
        tpu.enqueue_dma source(%dma_start3A_558 : memref<8x256xf32, #tpu.memory_space<hbm>>) target(%arg11 : memref<8x256xf32, #tpu.memory_space<vmem>>) target_semaphore(%arg18 : memref<!tpu.dma_semaphore, #tpu.memory_space<semaphore_mem>>)
        %dma_start3A_559 = arith.constant 1 : i32
        %dma_start3A_560 = tpu.memref_slice %arg2[%shift_right_logical3A_543, %dma_start3A_559, %mul3A_549, %mul3A_553] : memref<8x3x512x512xf32, #tpu.memory_space<hbm>> -> memref<1x1x8x256xf32, #tpu.memory_space<hbm>>
        %dma_start3A_561 = tpu.memref_squeeze %dma_start3A_560 : memref<1x1x8x256xf32, #tpu.memory_space<hbm>> -> memref<8x256xf32, #tpu.memory_space<hbm>>
        %dma_start3A_562 = tpu.memref_slice %arg2[%shift_right_logical3A_543, %dma_start3A_559, %mul3A_549, %mul3A_553] : memref<8x3x512x512xf32, #tpu.memory_space<hbm>> -> memref<1x1x8x256xf32, #tpu.memory_space<hbm>>
        %dma_start3A_563 = tpu.memref_squeeze %dma_start3A_562 : memref<1x1x8x256xf32, #tpu.memory_space<hbm>> -> memref<8x256xf32, #tpu.memory_space<hbm>>
        tpu.enqueue_dma source(%dma_start3A_563 : memref<8x256xf32, #tpu.memory_space<hbm>>) target(%arg12 : memref<8x256xf32, #tpu.memory_space<vmem>>) target_semaphore(%arg18 : memref<!tpu.dma_semaphore, #tpu.memory_space<semaphore_mem>>)
        %dma_start3A_564 = arith.constant 2 : i32
        %dma_start3A_565 = tpu.memref_slice %arg2[%shift_right_logical3A_543, %dma_start3A_564, %mul3A_549, %mul3A_553] : memref<8x3x512x512xf32, #tpu.memory_space<hbm>> -> memref<1x1x8x256xf32, #tpu.memory_space<hbm>>
        %dma_start3A_566 = tpu.memref_squeeze %dma_start3A_565 : memref<1x1x8x256xf32, #tpu.memory_space<hbm>> -> memref<8x256xf32, #tpu.memory_space<hbm>>
        %dma_start3A_567 = tpu.memref_slice %arg2[%shift_right_logical3A_543, %dma_start3A_564, %mul3A_549, %mul3A_553] : memref<8x3x512x512xf32, #tpu.memory_space<hbm>> -> memref<1x1x8x256xf32, #tpu.memory_space<hbm>>
        %dma_start3A_568 = tpu.memref_squeeze %dma_start3A_567 : memref<1x1x8x256xf32, #tpu.memory_space<hbm>> -> memref<8x256xf32, #tpu.memory_space<hbm>>
        tpu.enqueue_dma source(%dma_start3A_568 : memref<8x256xf32, #tpu.memory_space<hbm>>) target(%arg13 : memref<8x256xf32, #tpu.memory_space<vmem>>) target_semaphore(%arg18 : memref<!tpu.dma_semaphore, #tpu.memory_space<semaphore_mem>>)
      } else {
      }
    }
    %scan3A_86 = arith.constant 10 : i32
    %mul3A_87 = arith.constant 32 : i32
    %mul3A_88 = arith.muli %add3A, %mul3A_87 : i32
    %add3A_89 = arith.constant 30 : i32
    %add3A_90 = arith.addi %mul3A_88, %add3A_89 : i32
    %shift_right_logical3A_91 = arith.constant 7 : i32
    %shift_right_logical3A_92 = arith.shrui %add3A_90, %shift_right_logical3A_91 : i32
    %and3A_93 = arith.constant 127 : i32
    %and3A_94 = arith.andi %add3A_90, %and3A_93 : i32
    %shift_right_logical3A_95 = arith.constant 1 : i32
    %shift_right_logical3A_96 = arith.shrui %and3A_94, %shift_right_logical3A_95 : i32
    %mul3A_97 = arith.constant 8 : i32
    %mul3A_98 = arith.muli %shift_right_logical3A_96, %mul3A_97 : i32
    %and3A_99 = arith.constant 1 : i32
    %and3A_100 = arith.andi %and3A_94, %and3A_99 : i32
    %mul3A_101 = arith.constant 256 : i32
    %mul3A_102 = arith.muli %and3A_100, %mul3A_101 : i32
    %dma_wait3A_103 = arith.constant 0 : i32
    %dma_wait3A_104 = tpu.memref_slice %arg2[%shift_right_logical3A_92, %dma_wait3A_103, %mul3A_98, %mul3A_102] : memref<8x3x512x512xf32, #tpu.memory_space<hbm>> -> memref<1x1x8x256xf32, #tpu.memory_space<hbm>>
    %dma_wait3A_105 = tpu.memref_squeeze %dma_wait3A_104 : memref<1x1x8x256xf32, #tpu.memory_space<hbm>> -> memref<8x256xf32, #tpu.memory_space<hbm>>
    %dma_wait3A_106 = tpu.memref_slice %arg2[%shift_right_logical3A_92, %dma_wait3A_103, %mul3A_98, %mul3A_102] : memref<8x3x512x512xf32, #tpu.memory_space<hbm>> -> memref<1x1x8x256xf32, #tpu.memory_space<hbm>>
    %dma_wait3A_107 = tpu.memref_squeeze %dma_wait3A_106 : memref<1x1x8x256xf32, #tpu.memory_space<hbm>> -> memref<8x256xf32, #tpu.memory_space<hbm>>
    tpu.wait_dma2 semaphore(%arg17 : memref<!tpu.dma_semaphore, #tpu.memory_space<semaphore_mem>>) src(%dma_wait3A_107 : memref<8x256xf32, #tpu.memory_space<hbm>>) dst(%arg8 : memref<8x256xf32, #tpu.memory_space<vmem>>)
    %dma_wait3A_108 = arith.constant 1 : i32
    %dma_wait3A_109 = tpu.memref_slice %arg2[%shift_right_logical3A_92, %dma_wait3A_108, %mul3A_98, %mul3A_102] : memref<8x3x512x512xf32, #tpu.memory_space<hbm>> -> memref<1x1x8x256xf32, #tpu.memory_space<hbm>>
    %dma_wait3A_110 = tpu.memref_squeeze %dma_wait3A_109 : memref<1x1x8x256xf32, #tpu.memory_space<hbm>> -> memref<8x256xf32, #tpu.memory_space<hbm>>
    %dma_wait3A_111 = tpu.memref_slice %arg2[%shift_right_logical3A_92, %dma_wait3A_108, %mul3A_98, %mul3A_102] : memref<8x3x512x512xf32, #tpu.memory_space<hbm>> -> memref<1x1x8x256xf32, #tpu.memory_space<hbm>>
    %dma_wait3A_112 = tpu.memref_squeeze %dma_wait3A_111 : memref<1x1x8x256xf32, #tpu.memory_space<hbm>> -> memref<8x256xf32, #tpu.memory_space<hbm>>
    tpu.wait_dma2 semaphore(%arg17 : memref<!tpu.dma_semaphore, #tpu.memory_space<semaphore_mem>>) src(%dma_wait3A_112 : memref<8x256xf32, #tpu.memory_space<hbm>>) dst(%arg9 : memref<8x256xf32, #tpu.memory_space<vmem>>)
    %dma_wait3A_113 = arith.constant 2 : i32
    %dma_wait3A_114 = tpu.memref_slice %arg2[%shift_right_logical3A_92, %dma_wait3A_113, %mul3A_98, %mul3A_102] : memref<8x3x512x512xf32, #tpu.memory_space<hbm>> -> memref<1x1x8x256xf32, #tpu.memory_space<hbm>>
    %dma_wait3A_115 = tpu.memref_squeeze %dma_wait3A_114 : memref<1x1x8x256xf32, #tpu.memory_space<hbm>> -> memref<8x256xf32, #tpu.memory_space<hbm>>
    %dma_wait3A_116 = tpu.memref_slice %arg2[%shift_right_logical3A_92, %dma_wait3A_113, %mul3A_98, %mul3A_102] : memref<8x3x512x512xf32, #tpu.memory_space<hbm>> -> memref<1x1x8x256xf32, #tpu.memory_space<hbm>>
    %dma_wait3A_117 = tpu.memref_squeeze %dma_wait3A_116 : memref<1x1x8x256xf32, #tpu.memory_space<hbm>> -> memref<8x256xf32, #tpu.memory_space<hbm>>
    tpu.wait_dma2 semaphore(%arg17 : memref<!tpu.dma_semaphore, #tpu.memory_space<semaphore_mem>>) src(%dma_wait3A_117 : memref<8x256xf32, #tpu.memory_space<hbm>>) dst(%arg10 : memref<8x256xf32, #tpu.memory_space<vmem>>)
    %parallel_loop3A = arith.constant 0 : i32
    %parallel_loop3A_118 = arith.constant 128 : i32
    %parallel_loop3A_119 = arith.constant 1 : i32
    scf.for %parallel_loop3A_309 = %parallel_loop3A to %parallel_loop3A_118 step %parallel_loop3A_119  : i32 {
      %parallel_loop3A_310 = arith.constant 4 : i32
      %parallel_loop3A_311 = arith.shrui %parallel_loop3A_309, %parallel_loop3A_310 : i32
      %parallel_loop3A_312 = arith.constant 15 : i32
      %parallel_loop3A_313 = arith.andi %parallel_loop3A_309, %parallel_loop3A_312 : i32
      %parallel_loop3A_314 = arith.constant 16 : i32
      %parallel_loop3A_315 = arith.muli %parallel_loop3A_313, %parallel_loop3A_314 : i32
      %parallel_loop3A_316 = arith.index_cast %parallel_loop3A_311 : i32 to index
      %parallel_loop3A_317 = arith.index_cast %parallel_loop3A_315 : i32 to index
      %parallel_loop3A_318 = tpu.vector_load %arg8[%parallel_loop3A_316, %parallel_loop3A_317] {strides = array<i32>} : memref<8x256xf32, #tpu.memory_space<vmem>>, vector<16xf32>,
      %parallel_loop3A_319 = arith.index_cast %parallel_loop3A_311 : i32 to index
      %parallel_loop3A_320 = arith.index_cast %parallel_loop3A_315 : i32 to index
      %parallel_loop3A_321 = tpu.vector_load %arg9[%parallel_loop3A_319, %parallel_loop3A_320] {strides = array<i32>} : memref<8x256xf32, #tpu.memory_space<vmem>>, vector<16xf32>,
      %parallel_loop3A_322 = arith.index_cast %parallel_loop3A_311 : i32 to index
      %parallel_loop3A_323 = arith.index_cast %parallel_loop3A_315 : i32 to index
      %parallel_loop3A_324 = tpu.vector_load %arg10[%parallel_loop3A_322, %parallel_loop3A_323] {strides = array<i32>} : memref<8x256xf32, #tpu.memory_space<vmem>>, vector<16xf32>,
      %parallel_loop3A_325 = arith.constant 3.200000e+01 : f32
      %parallel_loop3A_326 = vector.broadcast %parallel_loop3A_325 : f32 to vector<16xf32>
      %parallel_loop3A_327 = arith.mulf %parallel_loop3A_318, %parallel_loop3A_326 : vector<16xf32>
      %parallel_loop3A_328 = arith.constant 3.200000e+01 : f32
      %parallel_loop3A_329 = vector.broadcast %parallel_loop3A_328 : f32 to vector<16xf32>
      %parallel_loop3A_330 = arith.mulf %parallel_loop3A_321, %parallel_loop3A_329 : vector<16xf32>
      %parallel_loop3A_331 = arith.constant 3.200000e+01 : f32
      %parallel_loop3A_332 = vector.broadcast %parallel_loop3A_331 : f32 to vector<16xf32>
      %parallel_loop3A_333 = arith.mulf %parallel_loop3A_324, %parallel_loop3A_332 : vector<16xf32>
      %parallel_loop3A_334 = arith.fptosi %parallel_loop3A_327 : vector<16xf32> to vector<16xi32>
      %parallel_loop3A_335 = arith.fptosi %parallel_loop3A_330 : vector<16xf32> to vector<16xi32>
      %parallel_loop3A_336 = arith.fptosi %parallel_loop3A_333 : vector<16xf32> to vector<16xi32>
      %parallel_loop3A_337 = arith.sitofp %parallel_loop3A_334 : vector<16xi32> to vector<16xf32>
      %parallel_loop3A_338 = arith.subf %parallel_loop3A_327, %parallel_loop3A_337 : vector<16xf32>
      %parallel_loop3A_339 = arith.sitofp %parallel_loop3A_335 : vector<16xi32> to vector<16xf32>
      %parallel_loop3A_340 = arith.subf %parallel_loop3A_330, %parallel_loop3A_339 : vector<16xf32>
      %parallel_loop3A_341 = arith.sitofp %parallel_loop3A_336 : vector<16xi32> to vector<16xf32>
      %parallel_loop3A_342 = arith.subf %parallel_loop3A_333, %parallel_loop3A_341 : vector<16xf32>
      %parallel_loop3A_343 = arith.constant 1089 : i32
      %parallel_loop3A_344 = vector.broadcast %parallel_loop3A_343 : i32 to vector<16xi32>
      %parallel_loop3A_345 = arith.muli %parallel_loop3A_336, %parallel_loop3A_344 : vector<16xi32>
      %parallel_loop3A_346 = arith.constant 33 : i32
      %parallel_loop3A_347 = vector.broadcast %parallel_loop3A_346 : i32 to vector<16xi32>
      %parallel_loop3A_348 = arith.muli %parallel_loop3A_335, %parallel_loop3A_347 : vector<16xi32>
      %parallel_loop3A_349 = arith.addi %parallel_loop3A_345, %parallel_loop3A_348 : vector<16xi32>
      %parallel_loop3A_350 = arith.addi %parallel_loop3A_349, %parallel_loop3A_334 : vector<16xi32>
      %parallel_loop3A_351 = arith.constant 33 : i32
      %parallel_loop3A_352 = vector.broadcast %parallel_loop3A_351 : i32 to vector<16xi32>
      %parallel_loop3A_353 = arith.addi %parallel_loop3A_350, %parallel_loop3A_352 : vector<16xi32>
      %parallel_loop3A_354 = arith.constant 1089 : i32
      %parallel_loop3A_355 = vector.broadcast %parallel_loop3A_354 : i32 to vector<16xi32>
      %parallel_loop3A_356 = arith.addi %parallel_loop3A_350, %parallel_loop3A_355 : vector<16xi32>
      %parallel_loop3A_357 = arith.constant 1089 : i32
      %parallel_loop3A_358 = vector.broadcast %parallel_loop3A_357 : i32 to vector<16xi32>
      %parallel_loop3A_359 = arith.addi %parallel_loop3A_353, %parallel_loop3A_358 : vector<16xi32>
      %parallel_loop3A_360 = arith.constant 1 : i32
      %parallel_loop3A_361 = vector.broadcast %parallel_loop3A_360 : i32 to vector<16xi32>
      %parallel_loop3A_362 = arith.addi %parallel_loop3A_350, %parallel_loop3A_361 : vector<16xi32>
      %parallel_loop3A_363 = arith.constant 1 : i32
      %parallel_loop3A_364 = vector.broadcast %parallel_loop3A_363 : i32 to vector<16xi32>
      %parallel_loop3A_365 = arith.addi %parallel_loop3A_353, %parallel_loop3A_364 : vector<16xi32>
      %parallel_loop3A_366 = arith.constant 1 : i32
      %parallel_loop3A_367 = vector.broadcast %parallel_loop3A_366 : i32 to vector<16xi32>
      %parallel_loop3A_368 = arith.addi %parallel_loop3A_356, %parallel_loop3A_367 : vector<16xi32>
      %parallel_loop3A_369 = arith.constant 1 : i32
      %parallel_loop3A_370 = vector.broadcast %parallel_loop3A_369 : i32 to vector<16xi32>
      %parallel_loop3A_371 = arith.addi %parallel_loop3A_359, %parallel_loop3A_370 : vector<16xi32>
      %parallel_loop3A_372 = tpu.vector_load_idx %arg5[%parallel_loop3A_350] : memref<35937xf32, #tpu.memory_space<vmem>>[vector<16xi32>], vector<16xf32>,
      %parallel_loop3A_373 = tpu.vector_load_idx %arg5[%parallel_loop3A_362] : memref<35937xf32, #tpu.memory_space<vmem>>[vector<16xi32>], vector<16xf32>,
      %parallel_loop3A_374 = tpu.vector_load_idx %arg5[%parallel_loop3A_353] : memref<35937xf32, #tpu.memory_space<vmem>>[vector<16xi32>], vector<16xf32>,
      %parallel_loop3A_375 = tpu.vector_load_idx %arg5[%parallel_loop3A_365] : memref<35937xf32, #tpu.memory_space<vmem>>[vector<16xi32>], vector<16xf32>,
      %parallel_loop3A_376 = tpu.vector_load_idx %arg5[%parallel_loop3A_356] : memref<35937xf32, #tpu.memory_space<vmem>>[vector<16xi32>], vector<16xf32>,
      %parallel_loop3A_377 = tpu.vector_load_idx %arg5[%parallel_loop3A_368] : memref<35937xf32, #tpu.memory_space<vmem>>[vector<16xi32>], vector<16xf32>,
      %parallel_loop3A_378 = tpu.vector_load_idx %arg5[%parallel_loop3A_359] : memref<35937xf32, #tpu.memory_space<vmem>>[vector<16xi32>], vector<16xf32>,
      %parallel_loop3A_379 = tpu.vector_load_idx %arg5[%parallel_loop3A_371] : memref<35937xf32, #tpu.memory_space<vmem>>[vector<16xi32>], vector<16xf32>,
      %parallel_loop3A_380 = arith.subf %parallel_loop3A_373, %parallel_loop3A_372 : vector<16xf32>
      %parallel_loop3A_381 = arith.mulf %parallel_loop3A_338, %parallel_loop3A_380 : vector<16xf32>
      %parallel_loop3A_382 = arith.addf %parallel_loop3A_372, %parallel_loop3A_381 : vector<16xf32>
      %parallel_loop3A_383 = arith.subf %parallel_loop3A_375, %parallel_loop3A_374 : vector<16xf32>
      %parallel_loop3A_384 = arith.mulf %parallel_loop3A_338, %parallel_loop3A_383 : vector<16xf32>
      %parallel_loop3A_385 = arith.addf %parallel_loop3A_374, %parallel_loop3A_384 : vector<16xf32>
      %parallel_loop3A_386 = arith.subf %parallel_loop3A_377, %parallel_loop3A_376 : vector<16xf32>
      %parallel_loop3A_387 = arith.mulf %parallel_loop3A_338, %parallel_loop3A_386 : vector<16xf32>
      %parallel_loop3A_388 = arith.addf %parallel_loop3A_376, %parallel_loop3A_387 : vector<16xf32>
      %parallel_loop3A_389 = arith.subf %parallel_loop3A_379, %parallel_loop3A_378 : vector<16xf32>
      %parallel_loop3A_390 = arith.mulf %parallel_loop3A_338, %parallel_loop3A_389 : vector<16xf32>
      %parallel_loop3A_391 = arith.addf %parallel_loop3A_378, %parallel_loop3A_390 : vector<16xf32>
      %parallel_loop3A_392 = arith.subf %parallel_loop3A_385, %parallel_loop3A_382 : vector<16xf32>
      %parallel_loop3A_393 = arith.mulf %parallel_loop3A_340, %parallel_loop3A_392 : vector<16xf32>
      %parallel_loop3A_394 = arith.addf %parallel_loop3A_382, %parallel_loop3A_393 : vector<16xf32>
      %parallel_loop3A_395 = arith.subf %parallel_loop3A_391, %parallel_loop3A_388 : vector<16xf32>
      %parallel_loop3A_396 = arith.mulf %parallel_loop3A_340, %parallel_loop3A_395 : vector<16xf32>
      %parallel_loop3A_397 = arith.addf %parallel_loop3A_388, %parallel_loop3A_396 : vector<16xf32>
      %parallel_loop3A_398 = arith.subf %parallel_loop3A_397, %parallel_loop3A_394 : vector<16xf32>
      %parallel_loop3A_399 = arith.mulf %parallel_loop3A_342, %parallel_loop3A_398 : vector<16xf32>
      %parallel_loop3A_400 = arith.addf %parallel_loop3A_394, %parallel_loop3A_399 : vector<16xf32>
      %parallel_loop3A_401 = arith.index_cast %parallel_loop3A_311 : i32 to index
      %parallel_loop3A_402 = arith.index_cast %parallel_loop3A_315 : i32 to index
      %parallel_loop3A_403 = tpu.vector_load %arg8[%parallel_loop3A_401, %parallel_loop3A_402] {strides = array<i32>} : memref<8x256xf32, #tpu.memory_space<vmem>>, vector<16xf32>,
      tpu.vector_store %arg8[%parallel_loop3A_401, %parallel_loop3A_402], %parallel_loop3A_400 {strides = array<i32>} : memref<8x256xf32, #tpu.memory_space<vmem>>, vector<16xf32>,
      %parallel_loop3A_404 = tpu.vector_load_idx %arg6[%parallel_loop3A_350] : memref<35937xf32, #tpu.memory_space<vmem>>[vector<16xi32>], vector<16xf32>,
      %parallel_loop3A_405 = tpu.vector_load_idx %arg6[%parallel_loop3A_362] : memref<35937xf32, #tpu.memory_space<vmem>>[vector<16xi32>], vector<16xf32>,
      %parallel_loop3A_406 = tpu.vector_load_idx %arg6[%parallel_loop3A_353] : memref<35937xf32, #tpu.memory_space<vmem>>[vector<16xi32>], vector<16xf32>,
      %parallel_loop3A_407 = tpu.vector_load_idx %arg6[%parallel_loop3A_365] : memref<35937xf32, #tpu.memory_space<vmem>>[vector<16xi32>], vector<16xf32>,
      %parallel_loop3A_408 = tpu.vector_load_idx %arg6[%parallel_loop3A_356] : memref<35937xf32, #tpu.memory_space<vmem>>[vector<16xi32>], vector<16xf32>,
      %parallel_loop3A_409 = tpu.vector_load_idx %arg6[%parallel_loop3A_368] : memref<35937xf32, #tpu.memory_space<vmem>>[vector<16xi32>], vector<16xf32>,
      %parallel_loop3A_410 = tpu.vector_load_idx %arg6[%parallel_loop3A_359] : memref<35937xf32, #tpu.memory_space<vmem>>[vector<16xi32>], vector<16xf32>,
      %parallel_loop3A_411 = tpu.vector_load_idx %arg6[%parallel_loop3A_371] : memref<35937xf32, #tpu.memory_space<vmem>>[vector<16xi32>], vector<16xf32>,
      %parallel_loop3A_412 = arith.subf %parallel_loop3A_405, %parallel_loop3A_404 : vector<16xf32>
      %parallel_loop3A_413 = arith.mulf %parallel_loop3A_338, %parallel_loop3A_412 : vector<16xf32>
      %parallel_loop3A_414 = arith.addf %parallel_loop3A_404, %parallel_loop3A_413 : vector<16xf32>
      %parallel_loop3A_415 = arith.subf %parallel_loop3A_407, %parallel_loop3A_406 : vector<16xf32>
      %parallel_loop3A_416 = arith.mulf %parallel_loop3A_338, %parallel_loop3A_415 : vector<16xf32>
      %parallel_loop3A_417 = arith.addf %parallel_loop3A_406, %parallel_loop3A_416 : vector<16xf32>
      %parallel_loop3A_418 = arith.subf %parallel_loop3A_409, %parallel_loop3A_408 : vector<16xf32>
      %parallel_loop3A_419 = arith.mulf %parallel_loop3A_338, %parallel_loop3A_418 : vector<16xf32>
      %parallel_loop3A_420 = arith.addf %parallel_loop3A_408, %parallel_loop3A_419 : vector<16xf32>
      %parallel_loop3A_421 = arith.subf %parallel_loop3A_411, %parallel_loop3A_410 : vector<16xf32>
      %parallel_loop3A_422 = arith.mulf %parallel_loop3A_338, %parallel_loop3A_421 : vector<16xf32>
      %parallel_loop3A_423 = arith.addf %parallel_loop3A_410, %parallel_loop3A_422 : vector<16xf32>
      %parallel_loop3A_424 = arith.subf %parallel_loop3A_417, %parallel_loop3A_414 : vector<16xf32>
      %parallel_loop3A_425 = arith.mulf %parallel_loop3A_340, %parallel_loop3A_424 : vector<16xf32>
      %parallel_loop3A_426 = arith.addf %parallel_loop3A_414, %parallel_loop3A_425 : vector<16xf32>
      %parallel_loop3A_427 = arith.subf %parallel_loop3A_423, %parallel_loop3A_420 : vector<16xf32>
      %parallel_loop3A_428 = arith.mulf %parallel_loop3A_340, %parallel_loop3A_427 : vector<16xf32>
      %parallel_loop3A_429 = arith.addf %parallel_loop3A_420, %parallel_loop3A_428 : vector<16xf32>
      %parallel_loop3A_430 = arith.subf %parallel_loop3A_429, %parallel_loop3A_426 : vector<16xf32>
      %parallel_loop3A_431 = arith.mulf %parallel_loop3A_342, %parallel_loop3A_430 : vector<16xf32>
      %parallel_loop3A_432 = arith.addf %parallel_loop3A_426, %parallel_loop3A_431 : vector<16xf32>
      %parallel_loop3A_433 = arith.index_cast %parallel_loop3A_311 : i32 to index
      %parallel_loop3A_434 = arith.index_cast %parallel_loop3A_315 : i32 to index
      %parallel_loop3A_435 = tpu.vector_load %arg9[%parallel_loop3A_433, %parallel_loop3A_434] {strides = array<i32>} : memref<8x256xf32, #tpu.memory_space<vmem>>, vector<16xf32>,
      tpu.vector_store %arg9[%parallel_loop3A_433, %parallel_loop3A_434], %parallel_loop3A_432 {strides = array<i32>} : memref<8x256xf32, #tpu.memory_space<vmem>>, vector<16xf32>,
      %parallel_loop3A_436 = tpu.vector_load_idx %arg7[%parallel_loop3A_350] : memref<35937xf32, #tpu.memory_space<vmem>>[vector<16xi32>], vector<16xf32>,
      %parallel_loop3A_437 = tpu.vector_load_idx %arg7[%parallel_loop3A_362] : memref<35937xf32, #tpu.memory_space<vmem>>[vector<16xi32>], vector<16xf32>,
      %parallel_loop3A_438 = tpu.vector_load_idx %arg7[%parallel_loop3A_353] : memref<35937xf32, #tpu.memory_space<vmem>>[vector<16xi32>], vector<16xf32>,
      %parallel_loop3A_439 = tpu.vector_load_idx %arg7[%parallel_loop3A_365] : memref<35937xf32, #tpu.memory_space<vmem>>[vector<16xi32>], vector<16xf32>,
      %parallel_loop3A_440 = tpu.vector_load_idx %arg7[%parallel_loop3A_356] : memref<35937xf32, #tpu.memory_space<vmem>>[vector<16xi32>], vector<16xf32>,
      %parallel_loop3A_441 = tpu.vector_load_idx %arg7[%parallel_loop3A_368] : memref<35937xf32, #tpu.memory_space<vmem>>[vector<16xi32>], vector<16xf32>,
      %parallel_loop3A_442 = tpu.vector_load_idx %arg7[%parallel_loop3A_359] : memref<35937xf32, #tpu.memory_space<vmem>>[vector<16xi32>], vector<16xf32>,
      %parallel_loop3A_443 = tpu.vector_load_idx %arg7[%parallel_loop3A_371] : memref<35937xf32, #tpu.memory_space<vmem>>[vector<16xi32>], vector<16xf32>,
      %parallel_loop3A_444 = arith.subf %parallel_loop3A_437, %parallel_loop3A_436 : vector<16xf32>
      %parallel_loop3A_445 = arith.mulf %parallel_loop3A_338, %parallel_loop3A_444 : vector<16xf32>
      %parallel_loop3A_446 = arith.addf %parallel_loop3A_436, %parallel_loop3A_445 : vector<16xf32>
      %parallel_loop3A_447 = arith.subf %parallel_loop3A_439, %parallel_loop3A_438 : vector<16xf32>
      %parallel_loop3A_448 = arith.mulf %parallel_loop3A_338, %parallel_loop3A_447 : vector<16xf32>
      %parallel_loop3A_449 = arith.addf %parallel_loop3A_438, %parallel_loop3A_448 : vector<16xf32>
      %parallel_loop3A_450 = arith.subf %parallel_loop3A_441, %parallel_loop3A_440 : vector<16xf32>
      %parallel_loop3A_451 = arith.mulf %parallel_loop3A_338, %parallel_loop3A_450 : vector<16xf32>
      %parallel_loop3A_452 = arith.addf %parallel_loop3A_440, %parallel_loop3A_451 : vector<16xf32>
      %parallel_loop3A_453 = arith.subf %parallel_loop3A_443, %parallel_loop3A_442 : vector<16xf32>
      %parallel_loop3A_454 = arith.mulf %parallel_loop3A_338, %parallel_loop3A_453 : vector<16xf32>
      %parallel_loop3A_455 = arith.addf %parallel_loop3A_442, %parallel_loop3A_454 : vector<16xf32>
      %parallel_loop3A_456 = arith.subf %parallel_loop3A_449, %parallel_loop3A_446 : vector<16xf32>
      %parallel_loop3A_457 = arith.mulf %parallel_loop3A_340, %parallel_loop3A_456 : vector<16xf32>
      %parallel_loop3A_458 = arith.addf %parallel_loop3A_446, %parallel_loop3A_457 : vector<16xf32>
      %parallel_loop3A_459 = arith.subf %parallel_loop3A_455, %parallel_loop3A_452 : vector<16xf32>
      %parallel_loop3A_460 = arith.mulf %parallel_loop3A_340, %parallel_loop3A_459 : vector<16xf32>
      %parallel_loop3A_461 = arith.addf %parallel_loop3A_452, %parallel_loop3A_460 : vector<16xf32>
      %parallel_loop3A_462 = arith.subf %parallel_loop3A_461, %parallel_loop3A_458 : vector<16xf32>
      %parallel_loop3A_463 = arith.mulf %parallel_loop3A_342, %parallel_loop3A_462 : vector<16xf32>
      %parallel_loop3A_464 = arith.addf %parallel_loop3A_458, %parallel_loop3A_463 : vector<16xf32>
      %parallel_loop3A_465 = arith.index_cast %parallel_loop3A_311 : i32 to index
      %parallel_loop3A_466 = arith.index_cast %parallel_loop3A_315 : i32 to index
      %parallel_loop3A_467 = tpu.vector_load %arg10[%parallel_loop3A_465, %parallel_loop3A_466] {strides = array<i32>} : memref<8x256xf32, #tpu.memory_space<vmem>>, vector<16xf32>,
      tpu.vector_store %arg10[%parallel_loop3A_465, %parallel_loop3A_466], %parallel_loop3A_464 {strides = array<i32>} : memref<8x256xf32, #tpu.memory_space<vmem>>, vector<16xf32>,
    } {sc.loop_unroll_factor = 1 : i64, sc.parallel_access}
    %mul3A_120 = arith.constant 32 : i32
    %mul3A_121 = arith.muli %add3A, %mul3A_120 : i32
    %add3A_122 = arith.constant 30 : i32
    %add3A_123 = arith.addi %mul3A_121, %add3A_122 : i32
    %shift_right_logical3A_124 = arith.constant 7 : i32
    %shift_right_logical3A_125 = arith.shrui %add3A_123, %shift_right_logical3A_124 : i32
    %and3A_126 = arith.constant 127 : i32
    %and3A_127 = arith.andi %add3A_123, %and3A_126 : i32
    %shift_right_logical3A_128 = arith.constant 1 : i32
    %shift_right_logical3A_129 = arith.shrui %and3A_127, %shift_right_logical3A_128 : i32
    %mul3A_130 = arith.constant 8 : i32
    %mul3A_131 = arith.muli %shift_right_logical3A_129, %mul3A_130 : i32
    %and3A_132 = arith.constant 1 : i32
    %and3A_133 = arith.andi %and3A_127, %and3A_132 : i32
    %mul3A_134 = arith.constant 256 : i32
    %mul3A_135 = arith.muli %and3A_133, %mul3A_134 : i32
    %dma_start3A_136 = arith.constant 0 : i32
    %dma_start3A_137 = tpu.memref_slice %arg4[%shift_right_logical3A_125, %dma_start3A_136, %mul3A_131, %mul3A_135] : memref<8x3x512x512xf32, #tpu.memory_space<hbm>> -> memref<1x1x8x256xf32, #tpu.memory_space<hbm>>
    %dma_start3A_138 = tpu.memref_squeeze %dma_start3A_137 : memref<1x1x8x256xf32, #tpu.memory_space<hbm>> -> memref<8x256xf32, #tpu.memory_space<hbm>>
    %dma_start3A_139 = tpu.memref_slice %arg4[%shift_right_logical3A_125, %dma_start3A_136, %mul3A_131, %mul3A_135] : memref<8x3x512x512xf32, #tpu.memory_space<hbm>> -> memref<1x1x8x256xf32, #tpu.memory_space<hbm>>
    %dma_start3A_140 = tpu.memref_squeeze %dma_start3A_139 : memref<1x1x8x256xf32, #tpu.memory_space<hbm>> -> memref<8x256xf32, #tpu.memory_space<hbm>>
    tpu.enqueue_dma source(%arg8 : memref<8x256xf32, #tpu.memory_space<vmem>>) target(%dma_start3A_140 : memref<8x256xf32, #tpu.memory_space<hbm>>) target_semaphore(%arg20 : memref<!tpu.dma_semaphore, #tpu.memory_space<semaphore_mem>>)
    %dma_start3A_141 = arith.constant 1 : i32
    %dma_start3A_142 = tpu.memref_slice %arg4[%shift_right_logical3A_125, %dma_start3A_141, %mul3A_131, %mul3A_135] : memref<8x3x512x512xf32, #tpu.memory_space<hbm>> -> memref<1x1x8x256xf32, #tpu.memory_space<hbm>>
    %dma_start3A_143 = tpu.memref_squeeze %dma_start3A_142 : memref<1x1x8x256xf32, #tpu.memory_space<hbm>> -> memref<8x256xf32, #tpu.memory_space<hbm>>
    %dma_start3A_144 = tpu.memref_slice %arg4[%shift_right_logical3A_125, %dma_start3A_141, %mul3A_131, %mul3A_135] : memref<8x3x512x512xf32, #tpu.memory_space<hbm>> -> memref<1x1x8x256xf32, #tpu.memory_space<hbm>>
    %dma_start3A_145 = tpu.memref_squeeze %dma_start3A_144 : memref<1x1x8x256xf32, #tpu.memory_space<hbm>> -> memref<8x256xf32, #tpu.memory_space<hbm>>
    tpu.enqueue_dma source(%arg9 : memref<8x256xf32, #tpu.memory_space<vmem>>) target(%dma_start3A_145 : memref<8x256xf32, #tpu.memory_space<hbm>>) target_semaphore(%arg20 : memref<!tpu.dma_semaphore, #tpu.memory_space<semaphore_mem>>)
    %dma_start3A_146 = arith.constant 2 : i32
    %dma_start3A_147 = tpu.memref_slice %arg4[%shift_right_logical3A_125, %dma_start3A_146, %mul3A_131, %mul3A_135] : memref<8x3x512x512xf32, #tpu.memory_space<hbm>> -> memref<1x1x8x256xf32, #tpu.memory_space<hbm>>
    %dma_start3A_148 = tpu.memref_squeeze %dma_start3A_147 : memref<1x1x8x256xf32, #tpu.memory_space<hbm>> -> memref<8x256xf32, #tpu.memory_space<hbm>>
    %dma_start3A_149 = tpu.memref_slice %arg4[%shift_right_logical3A_125, %dma_start3A_146, %mul3A_131, %mul3A_135] : memref<8x3x512x512xf32, #tpu.memory_space<hbm>> -> memref<1x1x8x256xf32, #tpu.memory_space<hbm>>
    %dma_start3A_150 = tpu.memref_squeeze %dma_start3A_149 : memref<1x1x8x256xf32, #tpu.memory_space<hbm>> -> memref<8x256xf32, #tpu.memory_space<hbm>>
    tpu.enqueue_dma source(%arg10 : memref<8x256xf32, #tpu.memory_space<vmem>>) target(%dma_start3A_150 : memref<8x256xf32, #tpu.memory_space<hbm>>) target_semaphore(%arg20 : memref<!tpu.dma_semaphore, #tpu.memory_space<semaphore_mem>>)
    %mul3A_151 = arith.constant 32 : i32
    %mul3A_152 = arith.muli %add3A, %mul3A_151 : i32
    %add3A_153 = arith.constant 29 : i32
    %add3A_154 = arith.addi %mul3A_152, %add3A_153 : i32
    %shift_right_logical3A_155 = arith.constant 7 : i32
    %shift_right_logical3A_156 = arith.shrui %add3A_154, %shift_right_logical3A_155 : i32
    %and3A_157 = arith.constant 127 : i32
    %and3A_158 = arith.andi %add3A_154, %and3A_157 : i32
    %shift_right_logical3A_159 = arith.constant 1 : i32
    %shift_right_logical3A_160 = arith.shrui %and3A_158, %shift_right_logical3A_159 : i32
    %mul3A_161 = arith.constant 8 : i32
    %mul3A_162 = arith.muli %shift_right_logical3A_160, %mul3A_161 : i32
    %and3A_163 = arith.constant 1 : i32
    %and3A_164 = arith.andi %and3A_158, %and3A_163 : i32
    %mul3A_165 = arith.constant 256 : i32
    %mul3A_166 = arith.muli %and3A_164, %mul3A_165 : i32
    %dma_wait3A_167 = arith.constant 0 : i32
    %dma_wait3A_168 = tpu.memref_slice %arg4[%shift_right_logical3A_156, %dma_wait3A_167, %mul3A_162, %mul3A_166] : memref<8x3x512x512xf32, #tpu.memory_space<hbm>> -> memref<1x1x8x256xf32, #tpu.memory_space<hbm>>
    %dma_wait3A_169 = tpu.memref_squeeze %dma_wait3A_168 : memref<1x1x8x256xf32, #tpu.memory_space<hbm>> -> memref<8x256xf32, #tpu.memory_space<hbm>>
    %dma_wait3A_170 = tpu.memref_slice %arg4[%shift_right_logical3A_156, %dma_wait3A_167, %mul3A_162, %mul3A_166] : memref<8x3x512x512xf32, #tpu.memory_space<hbm>> -> memref<1x1x8x256xf32, #tpu.memory_space<hbm>>
    %dma_wait3A_171 = tpu.memref_squeeze %dma_wait3A_170 : memref<1x1x8x256xf32, #tpu.memory_space<hbm>> -> memref<8x256xf32, #tpu.memory_space<hbm>>
    tpu.wait_dma2 semaphore(%arg22 : memref<!tpu.dma_semaphore, #tpu.memory_space<semaphore_mem>>) src(%arg14 : memref<8x256xf32, #tpu.memory_space<vmem>>) dst(%dma_wait3A_171 : memref<8x256xf32, #tpu.memory_space<hbm>>)
    %dma_wait3A_172 = arith.constant 1 : i32
    %dma_wait3A_173 = tpu.memref_slice %arg4[%shift_right_logical3A_156, %dma_wait3A_172, %mul3A_162, %mul3A_166] : memref<8x3x512x512xf32, #tpu.memory_space<hbm>> -> memref<1x1x8x256xf32, #tpu.memory_space<hbm>>
    %dma_wait3A_174 = tpu.memref_squeeze %dma_wait3A_173 : memref<1x1x8x256xf32, #tpu.memory_space<hbm>> -> memref<8x256xf32, #tpu.memory_space<hbm>>
    %dma_wait3A_175 = tpu.memref_slice %arg4[%shift_right_logical3A_156, %dma_wait3A_172, %mul3A_162, %mul3A_166] : memref<8x3x512x512xf32, #tpu.memory_space<hbm>> -> memref<1x1x8x256xf32, #tpu.memory_space<hbm>>
    %dma_wait3A_176 = tpu.memref_squeeze %dma_wait3A_175 : memref<1x1x8x256xf32, #tpu.memory_space<hbm>> -> memref<8x256xf32, #tpu.memory_space<hbm>>
    tpu.wait_dma2 semaphore(%arg22 : memref<!tpu.dma_semaphore, #tpu.memory_space<semaphore_mem>>) src(%arg15 : memref<8x256xf32, #tpu.memory_space<vmem>>) dst(%dma_wait3A_176 : memref<8x256xf32, #tpu.memory_space<hbm>>)
    %dma_wait3A_177 = arith.constant 2 : i32
    %dma_wait3A_178 = tpu.memref_slice %arg4[%shift_right_logical3A_156, %dma_wait3A_177, %mul3A_162, %mul3A_166] : memref<8x3x512x512xf32, #tpu.memory_space<hbm>> -> memref<1x1x8x256xf32, #tpu.memory_space<hbm>>
    %dma_wait3A_179 = tpu.memref_squeeze %dma_wait3A_178 : memref<1x1x8x256xf32, #tpu.memory_space<hbm>> -> memref<8x256xf32, #tpu.memory_space<hbm>>
    %dma_wait3A_180 = tpu.memref_slice %arg4[%shift_right_logical3A_156, %dma_wait3A_177, %mul3A_162, %mul3A_166] : memref<8x3x512x512xf32, #tpu.memory_space<hbm>> -> memref<1x1x8x256xf32, #tpu.memory_space<hbm>>
    %dma_wait3A_181 = tpu.memref_squeeze %dma_wait3A_180 : memref<1x1x8x256xf32, #tpu.memory_space<hbm>> -> memref<8x256xf32, #tpu.memory_space<hbm>>
    tpu.wait_dma2 semaphore(%arg22 : memref<!tpu.dma_semaphore, #tpu.memory_space<semaphore_mem>>) src(%arg16 : memref<8x256xf32, #tpu.memory_space<vmem>>) dst(%dma_wait3A_181 : memref<8x256xf32, #tpu.memory_space<hbm>>)
    %mul3A_182 = arith.constant 32 : i32
    %mul3A_183 = arith.muli %add3A, %mul3A_182 : i32
    %add3A_184 = arith.constant 31 : i32
    %add3A_185 = arith.addi %mul3A_183, %add3A_184 : i32
    %shift_right_logical3A_186 = arith.constant 7 : i32
    %shift_right_logical3A_187 = arith.shrui %add3A_185, %shift_right_logical3A_186 : i32
    %and3A_188 = arith.constant 127 : i32
    %and3A_189 = arith.andi %add3A_185, %and3A_188 : i32
    %shift_right_logical3A_190 = arith.constant 1 : i32
    %shift_right_logical3A_191 = arith.shrui %and3A_189, %shift_right_logical3A_190 : i32
    %mul3A_192 = arith.constant 8 : i32
    %mul3A_193 = arith.muli %shift_right_logical3A_191, %mul3A_192 : i32
    %and3A_194 = arith.constant 1 : i32
    %and3A_195 = arith.andi %and3A_189, %and3A_194 : i32
    %mul3A_196 = arith.constant 256 : i32
    %mul3A_197 = arith.muli %and3A_195, %mul3A_196 : i32
    %dma_wait3A_198 = arith.constant 0 : i32
    %dma_wait3A_199 = tpu.memref_slice %arg2[%shift_right_logical3A_187, %dma_wait3A_198, %mul3A_193, %mul3A_197] : memref<8x3x512x512xf32, #tpu.memory_space<hbm>> -> memref<1x1x8x256xf32, #tpu.memory_space<hbm>>
    %dma_wait3A_200 = tpu.memref_squeeze %dma_wait3A_199 : memref<1x1x8x256xf32, #tpu.memory_space<hbm>> -> memref<8x256xf32, #tpu.memory_space<hbm>>
    %dma_wait3A_201 = tpu.memref_slice %arg2[%shift_right_logical3A_187, %dma_wait3A_198, %mul3A_193, %mul3A_197] : memref<8x3x512x512xf32, #tpu.memory_space<hbm>> -> memref<1x1x8x256xf32, #tpu.memory_space<hbm>>
    %dma_wait3A_202 = tpu.memref_squeeze %dma_wait3A_201 : memref<1x1x8x256xf32, #tpu.memory_space<hbm>> -> memref<8x256xf32, #tpu.memory_space<hbm>>
    tpu.wait_dma2 semaphore(%arg18 : memref<!tpu.dma_semaphore, #tpu.memory_space<semaphore_mem>>) src(%dma_wait3A_202 : memref<8x256xf32, #tpu.memory_space<hbm>>) dst(%arg11 : memref<8x256xf32, #tpu.memory_space<vmem>>)
    %dma_wait3A_203 = arith.constant 1 : i32
    %dma_wait3A_204 = tpu.memref_slice %arg2[%shift_right_logical3A_187, %dma_wait3A_203, %mul3A_193, %mul3A_197] : memref<8x3x512x512xf32, #tpu.memory_space<hbm>> -> memref<1x1x8x256xf32, #tpu.memory_space<hbm>>
    %dma_wait3A_205 = tpu.memref_squeeze %dma_wait3A_204 : memref<1x1x8x256xf32, #tpu.memory_space<hbm>> -> memref<8x256xf32, #tpu.memory_space<hbm>>
    %dma_wait3A_206 = tpu.memref_slice %arg2[%shift_right_logical3A_187, %dma_wait3A_203, %mul3A_193, %mul3A_197] : memref<8x3x512x512xf32, #tpu.memory_space<hbm>> -> memref<1x1x8x256xf32, #tpu.memory_space<hbm>>
    %dma_wait3A_207 = tpu.memref_squeeze %dma_wait3A_206 : memref<1x1x8x256xf32, #tpu.memory_space<hbm>> -> memref<8x256xf32, #tpu.memory_space<hbm>>
    tpu.wait_dma2 semaphore(%arg18 : memref<!tpu.dma_semaphore, #tpu.memory_space<semaphore_mem>>) src(%dma_wait3A_207 : memref<8x256xf32, #tpu.memory_space<hbm>>) dst(%arg12 : memref<8x256xf32, #tpu.memory_space<vmem>>)
    %dma_wait3A_208 = arith.constant 2 : i32
    %dma_wait3A_209 = tpu.memref_slice %arg2[%shift_right_logical3A_187, %dma_wait3A_208, %mul3A_193, %mul3A_197] : memref<8x3x512x512xf32, #tpu.memory_space<hbm>> -> memref<1x1x8x256xf32, #tpu.memory_space<hbm>>
    %dma_wait3A_210 = tpu.memref_squeeze %dma_wait3A_209 : memref<1x1x8x256xf32, #tpu.memory_space<hbm>> -> memref<8x256xf32, #tpu.memory_space<hbm>>
    %dma_wait3A_211 = tpu.memref_slice %arg2[%shift_right_logical3A_187, %dma_wait3A_208, %mul3A_193, %mul3A_197] : memref<8x3x512x512xf32, #tpu.memory_space<hbm>> -> memref<1x1x8x256xf32, #tpu.memory_space<hbm>>
    %dma_wait3A_212 = tpu.memref_squeeze %dma_wait3A_211 : memref<1x1x8x256xf32, #tpu.memory_space<hbm>> -> memref<8x256xf32, #tpu.memory_space<hbm>>
    tpu.wait_dma2 semaphore(%arg18 : memref<!tpu.dma_semaphore, #tpu.memory_space<semaphore_mem>>) src(%dma_wait3A_212 : memref<8x256xf32, #tpu.memory_space<hbm>>) dst(%arg13 : memref<8x256xf32, #tpu.memory_space<vmem>>)
    %parallel_loop3A_213 = arith.constant 0 : i32
    %parallel_loop3A_214 = arith.constant 128 : i32
    %parallel_loop3A_215 = arith.constant 1 : i32
    scf.for %parallel_loop3A_309 = %parallel_loop3A_213 to %parallel_loop3A_214 step %parallel_loop3A_215  : i32 {
      %parallel_loop3A_310 = arith.constant 4 : i32
      %parallel_loop3A_311 = arith.shrui %parallel_loop3A_309, %parallel_loop3A_310 : i32
      %parallel_loop3A_312 = arith.constant 15 : i32
      %parallel_loop3A_313 = arith.andi %parallel_loop3A_309, %parallel_loop3A_312 : i32
      %parallel_loop3A_314 = arith.constant 16 : i32
      %parallel_loop3A_315 = arith.muli %parallel_loop3A_313, %parallel_loop3A_314 : i32
      %parallel_loop3A_316 = arith.index_cast %parallel_loop3A_311 : i32 to index
      %parallel_loop3A_317 = arith.index_cast %parallel_loop3A_315 : i32 to index
      %parallel_loop3A_318 = tpu.vector_load %arg11[%parallel_loop3A_316, %parallel_loop3A_317] {strides = array<i32>} : memref<8x256xf32, #tpu.memory_space<vmem>>, vector<16xf32>,
      %parallel_loop3A_319 = arith.index_cast %parallel_loop3A_311 : i32 to index
      %parallel_loop3A_320 = arith.index_cast %parallel_loop3A_315 : i32 to index
      %parallel_loop3A_321 = tpu.vector_load %arg12[%parallel_loop3A_319, %parallel_loop3A_320] {strides = array<i32>} : memref<8x256xf32, #tpu.memory_space<vmem>>, vector<16xf32>,
      %parallel_loop3A_322 = arith.index_cast %parallel_loop3A_311 : i32 to index
      %parallel_loop3A_323 = arith.index_cast %parallel_loop3A_315 : i32 to index
      %parallel_loop3A_324 = tpu.vector_load %arg13[%parallel_loop3A_322, %parallel_loop3A_323] {strides = array<i32>} : memref<8x256xf32, #tpu.memory_space<vmem>>, vector<16xf32>,
      %parallel_loop3A_325 = arith.constant 3.200000e+01 : f32
      %parallel_loop3A_326 = vector.broadcast %parallel_loop3A_325 : f32 to vector<16xf32>
      %parallel_loop3A_327 = arith.mulf %parallel_loop3A_318, %parallel_loop3A_326 : vector<16xf32>
      %parallel_loop3A_328 = arith.constant 3.200000e+01 : f32
      %parallel_loop3A_329 = vector.broadcast %parallel_loop3A_328 : f32 to vector<16xf32>
      %parallel_loop3A_330 = arith.mulf %parallel_loop3A_321, %parallel_loop3A_329 : vector<16xf32>
      %parallel_loop3A_331 = arith.constant 3.200000e+01 : f32
      %parallel_loop3A_332 = vector.broadcast %parallel_loop3A_331 : f32 to vector<16xf32>
      %parallel_loop3A_333 = arith.mulf %parallel_loop3A_324, %parallel_loop3A_332 : vector<16xf32>
      %parallel_loop3A_334 = arith.fptosi %parallel_loop3A_327 : vector<16xf32> to vector<16xi32>
      %parallel_loop3A_335 = arith.fptosi %parallel_loop3A_330 : vector<16xf32> to vector<16xi32>
      %parallel_loop3A_336 = arith.fptosi %parallel_loop3A_333 : vector<16xf32> to vector<16xi32>
      %parallel_loop3A_337 = arith.sitofp %parallel_loop3A_334 : vector<16xi32> to vector<16xf32>
      %parallel_loop3A_338 = arith.subf %parallel_loop3A_327, %parallel_loop3A_337 : vector<16xf32>
      %parallel_loop3A_339 = arith.sitofp %parallel_loop3A_335 : vector<16xi32> to vector<16xf32>
      %parallel_loop3A_340 = arith.subf %parallel_loop3A_330, %parallel_loop3A_339 : vector<16xf32>
      %parallel_loop3A_341 = arith.sitofp %parallel_loop3A_336 : vector<16xi32> to vector<16xf32>
      %parallel_loop3A_342 = arith.subf %parallel_loop3A_333, %parallel_loop3A_341 : vector<16xf32>
      %parallel_loop3A_343 = arith.constant 1089 : i32
      %parallel_loop3A_344 = vector.broadcast %parallel_loop3A_343 : i32 to vector<16xi32>
      %parallel_loop3A_345 = arith.muli %parallel_loop3A_336, %parallel_loop3A_344 : vector<16xi32>
      %parallel_loop3A_346 = arith.constant 33 : i32
      %parallel_loop3A_347 = vector.broadcast %parallel_loop3A_346 : i32 to vector<16xi32>
      %parallel_loop3A_348 = arith.muli %parallel_loop3A_335, %parallel_loop3A_347 : vector<16xi32>
      %parallel_loop3A_349 = arith.addi %parallel_loop3A_345, %parallel_loop3A_348 : vector<16xi32>
      %parallel_loop3A_350 = arith.addi %parallel_loop3A_349, %parallel_loop3A_334 : vector<16xi32>
      %parallel_loop3A_351 = arith.constant 33 : i32
      %parallel_loop3A_352 = vector.broadcast %parallel_loop3A_351 : i32 to vector<16xi32>
      %parallel_loop3A_353 = arith.addi %parallel_loop3A_350, %parallel_loop3A_352 : vector<16xi32>
      %parallel_loop3A_354 = arith.constant 1089 : i32
      %parallel_loop3A_355 = vector.broadcast %parallel_loop3A_354 : i32 to vector<16xi32>
      %parallel_loop3A_356 = arith.addi %parallel_loop3A_350, %parallel_loop3A_355 : vector<16xi32>
      %parallel_loop3A_357 = arith.constant 1089 : i32
      %parallel_loop3A_358 = vector.broadcast %parallel_loop3A_357 : i32 to vector<16xi32>
      %parallel_loop3A_359 = arith.addi %parallel_loop3A_353, %parallel_loop3A_358 : vector<16xi32>
      %parallel_loop3A_360 = arith.constant 1 : i32
      %parallel_loop3A_361 = vector.broadcast %parallel_loop3A_360 : i32 to vector<16xi32>
      %parallel_loop3A_362 = arith.addi %parallel_loop3A_350, %parallel_loop3A_361 : vector<16xi32>
      %parallel_loop3A_363 = arith.constant 1 : i32
      %parallel_loop3A_364 = vector.broadcast %parallel_loop3A_363 : i32 to vector<16xi32>
      %parallel_loop3A_365 = arith.addi %parallel_loop3A_353, %parallel_loop3A_364 : vector<16xi32>
      %parallel_loop3A_366 = arith.constant 1 : i32
      %parallel_loop3A_367 = vector.broadcast %parallel_loop3A_366 : i32 to vector<16xi32>
      %parallel_loop3A_368 = arith.addi %parallel_loop3A_356, %parallel_loop3A_367 : vector<16xi32>
      %parallel_loop3A_369 = arith.constant 1 : i32
      %parallel_loop3A_370 = vector.broadcast %parallel_loop3A_369 : i32 to vector<16xi32>
      %parallel_loop3A_371 = arith.addi %parallel_loop3A_359, %parallel_loop3A_370 : vector<16xi32>
      %parallel_loop3A_372 = tpu.vector_load_idx %arg5[%parallel_loop3A_350] : memref<35937xf32, #tpu.memory_space<vmem>>[vector<16xi32>], vector<16xf32>,
      %parallel_loop3A_373 = tpu.vector_load_idx %arg5[%parallel_loop3A_362] : memref<35937xf32, #tpu.memory_space<vmem>>[vector<16xi32>], vector<16xf32>,
      %parallel_loop3A_374 = tpu.vector_load_idx %arg5[%parallel_loop3A_353] : memref<35937xf32, #tpu.memory_space<vmem>>[vector<16xi32>], vector<16xf32>,
      %parallel_loop3A_375 = tpu.vector_load_idx %arg5[%parallel_loop3A_365] : memref<35937xf32, #tpu.memory_space<vmem>>[vector<16xi32>], vector<16xf32>,
      %parallel_loop3A_376 = tpu.vector_load_idx %arg5[%parallel_loop3A_356] : memref<35937xf32, #tpu.memory_space<vmem>>[vector<16xi32>], vector<16xf32>,
      %parallel_loop3A_377 = tpu.vector_load_idx %arg5[%parallel_loop3A_368] : memref<35937xf32, #tpu.memory_space<vmem>>[vector<16xi32>], vector<16xf32>,
      %parallel_loop3A_378 = tpu.vector_load_idx %arg5[%parallel_loop3A_359] : memref<35937xf32, #tpu.memory_space<vmem>>[vector<16xi32>], vector<16xf32>,
      %parallel_loop3A_379 = tpu.vector_load_idx %arg5[%parallel_loop3A_371] : memref<35937xf32, #tpu.memory_space<vmem>>[vector<16xi32>], vector<16xf32>,
      %parallel_loop3A_380 = arith.subf %parallel_loop3A_373, %parallel_loop3A_372 : vector<16xf32>
      %parallel_loop3A_381 = arith.mulf %parallel_loop3A_338, %parallel_loop3A_380 : vector<16xf32>
      %parallel_loop3A_382 = arith.addf %parallel_loop3A_372, %parallel_loop3A_381 : vector<16xf32>
      %parallel_loop3A_383 = arith.subf %parallel_loop3A_375, %parallel_loop3A_374 : vector<16xf32>
      %parallel_loop3A_384 = arith.mulf %parallel_loop3A_338, %parallel_loop3A_383 : vector<16xf32>
      %parallel_loop3A_385 = arith.addf %parallel_loop3A_374, %parallel_loop3A_384 : vector<16xf32>
      %parallel_loop3A_386 = arith.subf %parallel_loop3A_377, %parallel_loop3A_376 : vector<16xf32>
      %parallel_loop3A_387 = arith.mulf %parallel_loop3A_338, %parallel_loop3A_386 : vector<16xf32>
      %parallel_loop3A_388 = arith.addf %parallel_loop3A_376, %parallel_loop3A_387 : vector<16xf32>
      %parallel_loop3A_389 = arith.subf %parallel_loop3A_379, %parallel_loop3A_378 : vector<16xf32>
      %parallel_loop3A_390 = arith.mulf %parallel_loop3A_338, %parallel_loop3A_389 : vector<16xf32>
      %parallel_loop3A_391 = arith.addf %parallel_loop3A_378, %parallel_loop3A_390 : vector<16xf32>
      %parallel_loop3A_392 = arith.subf %parallel_loop3A_385, %parallel_loop3A_382 : vector<16xf32>
      %parallel_loop3A_393 = arith.mulf %parallel_loop3A_340, %parallel_loop3A_392 : vector<16xf32>
      %parallel_loop3A_394 = arith.addf %parallel_loop3A_382, %parallel_loop3A_393 : vector<16xf32>
      %parallel_loop3A_395 = arith.subf %parallel_loop3A_391, %parallel_loop3A_388 : vector<16xf32>
      %parallel_loop3A_396 = arith.mulf %parallel_loop3A_340, %parallel_loop3A_395 : vector<16xf32>
      %parallel_loop3A_397 = arith.addf %parallel_loop3A_388, %parallel_loop3A_396 : vector<16xf32>
      %parallel_loop3A_398 = arith.subf %parallel_loop3A_397, %parallel_loop3A_394 : vector<16xf32>
      %parallel_loop3A_399 = arith.mulf %parallel_loop3A_342, %parallel_loop3A_398 : vector<16xf32>
      %parallel_loop3A_400 = arith.addf %parallel_loop3A_394, %parallel_loop3A_399 : vector<16xf32>
      %parallel_loop3A_401 = arith.index_cast %parallel_loop3A_311 : i32 to index
      %parallel_loop3A_402 = arith.index_cast %parallel_loop3A_315 : i32 to index
      %parallel_loop3A_403 = tpu.vector_load %arg11[%parallel_loop3A_401, %parallel_loop3A_402] {strides = array<i32>} : memref<8x256xf32, #tpu.memory_space<vmem>>, vector<16xf32>,
      tpu.vector_store %arg11[%parallel_loop3A_401, %parallel_loop3A_402], %parallel_loop3A_400 {strides = array<i32>} : memref<8x256xf32, #tpu.memory_space<vmem>>, vector<16xf32>,
      %parallel_loop3A_404 = tpu.vector_load_idx %arg6[%parallel_loop3A_350] : memref<35937xf32, #tpu.memory_space<vmem>>[vector<16xi32>], vector<16xf32>,
      %parallel_loop3A_405 = tpu.vector_load_idx %arg6[%parallel_loop3A_362] : memref<35937xf32, #tpu.memory_space<vmem>>[vector<16xi32>], vector<16xf32>,
      %parallel_loop3A_406 = tpu.vector_load_idx %arg6[%parallel_loop3A_353] : memref<35937xf32, #tpu.memory_space<vmem>>[vector<16xi32>], vector<16xf32>,
      %parallel_loop3A_407 = tpu.vector_load_idx %arg6[%parallel_loop3A_365] : memref<35937xf32, #tpu.memory_space<vmem>>[vector<16xi32>], vector<16xf32>,
      %parallel_loop3A_408 = tpu.vector_load_idx %arg6[%parallel_loop3A_356] : memref<35937xf32, #tpu.memory_space<vmem>>[vector<16xi32>], vector<16xf32>,
      %parallel_loop3A_409 = tpu.vector_load_idx %arg6[%parallel_loop3A_368] : memref<35937xf32, #tpu.memory_space<vmem>>[vector<16xi32>], vector<16xf32>,
      %parallel_loop3A_410 = tpu.vector_load_idx %arg6[%parallel_loop3A_359] : memref<35937xf32, #tpu.memory_space<vmem>>[vector<16xi32>], vector<16xf32>,
      %parallel_loop3A_411 = tpu.vector_load_idx %arg6[%parallel_loop3A_371] : memref<35937xf32, #tpu.memory_space<vmem>>[vector<16xi32>], vector<16xf32>,
      %parallel_loop3A_412 = arith.subf %parallel_loop3A_405, %parallel_loop3A_404 : vector<16xf32>
      %parallel_loop3A_413 = arith.mulf %parallel_loop3A_338, %parallel_loop3A_412 : vector<16xf32>
      %parallel_loop3A_414 = arith.addf %parallel_loop3A_404, %parallel_loop3A_413 : vector<16xf32>
      %parallel_loop3A_415 = arith.subf %parallel_loop3A_407, %parallel_loop3A_406 : vector<16xf32>
      %parallel_loop3A_416 = arith.mulf %parallel_loop3A_338, %parallel_loop3A_415 : vector<16xf32>
      %parallel_loop3A_417 = arith.addf %parallel_loop3A_406, %parallel_loop3A_416 : vector<16xf32>
      %parallel_loop3A_418 = arith.subf %parallel_loop3A_409, %parallel_loop3A_408 : vector<16xf32>
      %parallel_loop3A_419 = arith.mulf %parallel_loop3A_338, %parallel_loop3A_418 : vector<16xf32>
      %parallel_loop3A_420 = arith.addf %parallel_loop3A_408, %parallel_loop3A_419 : vector<16xf32>
      %parallel_loop3A_421 = arith.subf %parallel_loop3A_411, %parallel_loop3A_410 : vector<16xf32>
      %parallel_loop3A_422 = arith.mulf %parallel_loop3A_338, %parallel_loop3A_421 : vector<16xf32>
      %parallel_loop3A_423 = arith.addf %parallel_loop3A_410, %parallel_loop3A_422 : vector<16xf32>
      %parallel_loop3A_424 = arith.subf %parallel_loop3A_417, %parallel_loop3A_414 : vector<16xf32>
      %parallel_loop3A_425 = arith.mulf %parallel_loop3A_340, %parallel_loop3A_424 : vector<16xf32>
      %parallel_loop3A_426 = arith.addf %parallel_loop3A_414, %parallel_loop3A_425 : vector<16xf32>
      %parallel_loop3A_427 = arith.subf %parallel_loop3A_423, %parallel_loop3A_420 : vector<16xf32>
      %parallel_loop3A_428 = arith.mulf %parallel_loop3A_340, %parallel_loop3A_427 : vector<16xf32>
      %parallel_loop3A_429 = arith.addf %parallel_loop3A_420, %parallel_loop3A_428 : vector<16xf32>
      %parallel_loop3A_430 = arith.subf %parallel_loop3A_429, %parallel_loop3A_426 : vector<16xf32>
      %parallel_loop3A_431 = arith.mulf %parallel_loop3A_342, %parallel_loop3A_430 : vector<16xf32>
      %parallel_loop3A_432 = arith.addf %parallel_loop3A_426, %parallel_loop3A_431 : vector<16xf32>
      %parallel_loop3A_433 = arith.index_cast %parallel_loop3A_311 : i32 to index
      %parallel_loop3A_434 = arith.index_cast %parallel_loop3A_315 : i32 to index
      %parallel_loop3A_435 = tpu.vector_load %arg12[%parallel_loop3A_433, %parallel_loop3A_434] {strides = array<i32>} : memref<8x256xf32, #tpu.memory_space<vmem>>, vector<16xf32>,
      tpu.vector_store %arg12[%parallel_loop3A_433, %parallel_loop3A_434], %parallel_loop3A_432 {strides = array<i32>} : memref<8x256xf32, #tpu.memory_space<vmem>>, vector<16xf32>,
      %parallel_loop3A_436 = tpu.vector_load_idx %arg7[%parallel_loop3A_350] : memref<35937xf32, #tpu.memory_space<vmem>>[vector<16xi32>], vector<16xf32>,
      %parallel_loop3A_437 = tpu.vector_load_idx %arg7[%parallel_loop3A_362] : memref<35937xf32, #tpu.memory_space<vmem>>[vector<16xi32>], vector<16xf32>,
      %parallel_loop3A_438 = tpu.vector_load_idx %arg7[%parallel_loop3A_353] : memref<35937xf32, #tpu.memory_space<vmem>>[vector<16xi32>], vector<16xf32>,
      %parallel_loop3A_439 = tpu.vector_load_idx %arg7[%parallel_loop3A_365] : memref<35937xf32, #tpu.memory_space<vmem>>[vector<16xi32>], vector<16xf32>,
      %parallel_loop3A_440 = tpu.vector_load_idx %arg7[%parallel_loop3A_356] : memref<35937xf32, #tpu.memory_space<vmem>>[vector<16xi32>], vector<16xf32>,
      %parallel_loop3A_441 = tpu.vector_load_idx %arg7[%parallel_loop3A_368] : memref<35937xf32, #tpu.memory_space<vmem>>[vector<16xi32>], vector<16xf32>,
      %parallel_loop3A_442 = tpu.vector_load_idx %arg7[%parallel_loop3A_359] : memref<35937xf32, #tpu.memory_space<vmem>>[vector<16xi32>], vector<16xf32>,
      %parallel_loop3A_443 = tpu.vector_load_idx %arg7[%parallel_loop3A_371] : memref<35937xf32, #tpu.memory_space<vmem>>[vector<16xi32>], vector<16xf32>,
      %parallel_loop3A_444 = arith.subf %parallel_loop3A_437, %parallel_loop3A_436 : vector<16xf32>
      %parallel_loop3A_445 = arith.mulf %parallel_loop3A_338, %parallel_loop3A_444 : vector<16xf32>
      %parallel_loop3A_446 = arith.addf %parallel_loop3A_436, %parallel_loop3A_445 : vector<16xf32>
      %parallel_loop3A_447 = arith.subf %parallel_loop3A_439, %parallel_loop3A_438 : vector<16xf32>
      %parallel_loop3A_448 = arith.mulf %parallel_loop3A_338, %parallel_loop3A_447 : vector<16xf32>
      %parallel_loop3A_449 = arith.addf %parallel_loop3A_438, %parallel_loop3A_448 : vector<16xf32>
      %parallel_loop3A_450 = arith.subf %parallel_loop3A_441, %parallel_loop3A_440 : vector<16xf32>
      %parallel_loop3A_451 = arith.mulf %parallel_loop3A_338, %parallel_loop3A_450 : vector<16xf32>
      %parallel_loop3A_452 = arith.addf %parallel_loop3A_440, %parallel_loop3A_451 : vector<16xf32>
      %parallel_loop3A_453 = arith.subf %parallel_loop3A_443, %parallel_loop3A_442 : vector<16xf32>
      %parallel_loop3A_454 = arith.mulf %parallel_loop3A_338, %parallel_loop3A_453 : vector<16xf32>
      %parallel_loop3A_455 = arith.addf %parallel_loop3A_442, %parallel_loop3A_454 : vector<16xf32>
      %parallel_loop3A_456 = arith.subf %parallel_loop3A_449, %parallel_loop3A_446 : vector<16xf32>
      %parallel_loop3A_457 = arith.mulf %parallel_loop3A_340, %parallel_loop3A_456 : vector<16xf32>
      %parallel_loop3A_458 = arith.addf %parallel_loop3A_446, %parallel_loop3A_457 : vector<16xf32>
      %parallel_loop3A_459 = arith.subf %parallel_loop3A_455, %parallel_loop3A_452 : vector<16xf32>
      %parallel_loop3A_460 = arith.mulf %parallel_loop3A_340, %parallel_loop3A_459 : vector<16xf32>
      %parallel_loop3A_461 = arith.addf %parallel_loop3A_452, %parallel_loop3A_460 : vector<16xf32>
      %parallel_loop3A_462 = arith.subf %parallel_loop3A_461, %parallel_loop3A_458 : vector<16xf32>
      %parallel_loop3A_463 = arith.mulf %parallel_loop3A_342, %parallel_loop3A_462 : vector<16xf32>
      %parallel_loop3A_464 = arith.addf %parallel_loop3A_458, %parallel_loop3A_463 : vector<16xf32>
      %parallel_loop3A_465 = arith.index_cast %parallel_loop3A_311 : i32 to index
      %parallel_loop3A_466 = arith.index_cast %parallel_loop3A_315 : i32 to index
      %parallel_loop3A_467 = tpu.vector_load %arg13[%parallel_loop3A_465, %parallel_loop3A_466] {strides = array<i32>} : memref<8x256xf32, #tpu.memory_space<vmem>>, vector<16xf32>,
      tpu.vector_store %arg13[%parallel_loop3A_465, %parallel_loop3A_466], %parallel_loop3A_464 {strides = array<i32>} : memref<8x256xf32, #tpu.memory_space<vmem>>, vector<16xf32>,
    } {sc.loop_unroll_factor = 1 : i64, sc.parallel_access}
    %mul3A_216 = arith.constant 32 : i32
    %mul3A_217 = arith.muli %add3A, %mul3A_216 : i32
    %add3A_218 = arith.constant 31 : i32
    %add3A_219 = arith.addi %mul3A_217, %add3A_218 : i32
    %shift_right_logical3A_220 = arith.constant 7 : i32
    %shift_right_logical3A_221 = arith.shrui %add3A_219, %shift_right_logical3A_220 : i32
    %and3A_222 = arith.constant 127 : i32
    %and3A_223 = arith.andi %add3A_219, %and3A_222 : i32
    %shift_right_logical3A_224 = arith.constant 1 : i32
    %shift_right_logical3A_225 = arith.shrui %and3A_223, %shift_right_logical3A_224 : i32
    %mul3A_226 = arith.constant 8 : i32
    %mul3A_227 = arith.muli %shift_right_logical3A_225, %mul3A_226 : i32
    %and3A_228 = arith.constant 1 : i32
    %and3A_229 = arith.andi %and3A_223, %and3A_228 : i32
    %mul3A_230 = arith.constant 256 : i32
    %mul3A_231 = arith.muli %and3A_229, %mul3A_230 : i32
    %dma_start3A_232 = arith.constant 0 : i32
    %dma_start3A_233 = tpu.memref_slice %arg4[%shift_right_logical3A_221, %dma_start3A_232, %mul3A_227, %mul3A_231] : memref<8x3x512x512xf32, #tpu.memory_space<hbm>> -> memref<1x1x8x256xf32, #tpu.memory_space<hbm>>
    %dma_start3A_234 = tpu.memref_squeeze %dma_start3A_233 : memref<1x1x8x256xf32, #tpu.memory_space<hbm>> -> memref<8x256xf32, #tpu.memory_space<hbm>>
    %dma_start3A_235 = tpu.memref_slice %arg4[%shift_right_logical3A_221, %dma_start3A_232, %mul3A_227, %mul3A_231] : memref<8x3x512x512xf32, #tpu.memory_space<hbm>> -> memref<1x1x8x256xf32, #tpu.memory_space<hbm>>
    %dma_start3A_236 = tpu.memref_squeeze %dma_start3A_235 : memref<1x1x8x256xf32, #tpu.memory_space<hbm>> -> memref<8x256xf32, #tpu.memory_space<hbm>>
    tpu.enqueue_dma source(%arg11 : memref<8x256xf32, #tpu.memory_space<vmem>>) target(%dma_start3A_236 : memref<8x256xf32, #tpu.memory_space<hbm>>) target_semaphore(%arg21 : memref<!tpu.dma_semaphore, #tpu.memory_space<semaphore_mem>>)
    %dma_start3A_237 = arith.constant 1 : i32
    %dma_start3A_238 = tpu.memref_slice %arg4[%shift_right_logical3A_221, %dma_start3A_237, %mul3A_227, %mul3A_231] : memref<8x3x512x512xf32, #tpu.memory_space<hbm>> -> memref<1x1x8x256xf32, #tpu.memory_space<hbm>>
    %dma_start3A_239 = tpu.memref_squeeze %dma_start3A_238 : memref<1x1x8x256xf32, #tpu.memory_space<hbm>> -> memref<8x256xf32, #tpu.memory_space<hbm>>
    %dma_start3A_240 = tpu.memref_slice %arg4[%shift_right_logical3A_221, %dma_start3A_237, %mul3A_227, %mul3A_231] : memref<8x3x512x512xf32, #tpu.memory_space<hbm>> -> memref<1x1x8x256xf32, #tpu.memory_space<hbm>>
    %dma_start3A_241 = tpu.memref_squeeze %dma_start3A_240 : memref<1x1x8x256xf32, #tpu.memory_space<hbm>> -> memref<8x256xf32, #tpu.memory_space<hbm>>
    tpu.enqueue_dma source(%arg12 : memref<8x256xf32, #tpu.memory_space<vmem>>) target(%dma_start3A_241 : memref<8x256xf32, #tpu.memory_space<hbm>>) target_semaphore(%arg21 : memref<!tpu.dma_semaphore, #tpu.memory_space<semaphore_mem>>)
    %dma_start3A_242 = arith.constant 2 : i32
    %dma_start3A_243 = tpu.memref_slice %arg4[%shift_right_logical3A_221, %dma_start3A_242, %mul3A_227, %mul3A_231] : memref<8x3x512x512xf32, #tpu.memory_space<hbm>> -> memref<1x1x8x256xf32, #tpu.memory_space<hbm>>
    %dma_start3A_244 = tpu.memref_squeeze %dma_start3A_243 : memref<1x1x8x256xf32, #tpu.memory_space<hbm>> -> memref<8x256xf32, #tpu.memory_space<hbm>>
    %dma_start3A_245 = tpu.memref_slice %arg4[%shift_right_logical3A_221, %dma_start3A_242, %mul3A_227, %mul3A_231] : memref<8x3x512x512xf32, #tpu.memory_space<hbm>> -> memref<1x1x8x256xf32, #tpu.memory_space<hbm>>
    %dma_start3A_246 = tpu.memref_squeeze %dma_start3A_245 : memref<1x1x8x256xf32, #tpu.memory_space<hbm>> -> memref<8x256xf32, #tpu.memory_space<hbm>>
    tpu.enqueue_dma source(%arg13 : memref<8x256xf32, #tpu.memory_space<vmem>>) target(%dma_start3A_246 : memref<8x256xf32, #tpu.memory_space<hbm>>) target_semaphore(%arg21 : memref<!tpu.dma_semaphore, #tpu.memory_space<semaphore_mem>>)
    %mul3A_247 = arith.constant 32 : i32
    %mul3A_248 = arith.muli %add3A, %mul3A_247 : i32
    %add3A_249 = arith.constant 30 : i32
    %add3A_250 = arith.addi %mul3A_248, %add3A_249 : i32
    %shift_right_logical3A_251 = arith.constant 7 : i32
    %shift_right_logical3A_252 = arith.shrui %add3A_250, %shift_right_logical3A_251 : i32
    %and3A_253 = arith.constant 127 : i32
    %and3A_254 = arith.andi %add3A_250, %and3A_253 : i32
    %shift_right_logical3A_255 = arith.constant 1 : i32
    %shift_right_logical3A_256 = arith.shrui %and3A_254, %shift_right_logical3A_255 : i32
    %mul3A_257 = arith.constant 8 : i32
    %mul3A_258 = arith.muli %shift_right_logical3A_256, %mul3A_257 : i32
    %and3A_259 = arith.constant 1 : i32
    %and3A_260 = arith.andi %and3A_254, %and3A_259 : i32
    %mul3A_261 = arith.constant 256 : i32
    %mul3A_262 = arith.muli %and3A_260, %mul3A_261 : i32
    %dma_wait3A_263 = arith.constant 0 : i32
    %dma_wait3A_264 = tpu.memref_slice %arg4[%shift_right_logical3A_252, %dma_wait3A_263, %mul3A_258, %mul3A_262] : memref<8x3x512x512xf32, #tpu.memory_space<hbm>> -> memref<1x1x8x256xf32, #tpu.memory_space<hbm>>
    %dma_wait3A_265 = tpu.memref_squeeze %dma_wait3A_264 : memref<1x1x8x256xf32, #tpu.memory_space<hbm>> -> memref<8x256xf32, #tpu.memory_space<hbm>>
    %dma_wait3A_266 = tpu.memref_slice %arg4[%shift_right_logical3A_252, %dma_wait3A_263, %mul3A_258, %mul3A_262] : memref<8x3x512x512xf32, #tpu.memory_space<hbm>> -> memref<1x1x8x256xf32, #tpu.memory_space<hbm>>
    %dma_wait3A_267 = tpu.memref_squeeze %dma_wait3A_266 : memref<1x1x8x256xf32, #tpu.memory_space<hbm>> -> memref<8x256xf32, #tpu.memory_space<hbm>>
    tpu.wait_dma2 semaphore(%arg20 : memref<!tpu.dma_semaphore, #tpu.memory_space<semaphore_mem>>) src(%arg8 : memref<8x256xf32, #tpu.memory_space<vmem>>) dst(%dma_wait3A_267 : memref<8x256xf32, #tpu.memory_space<hbm>>)
    %dma_wait3A_268 = arith.constant 1 : i32
    %dma_wait3A_269 = tpu.memref_slice %arg4[%shift_right_logical3A_252, %dma_wait3A_268, %mul3A_258, %mul3A_262] : memref<8x3x512x512xf32, #tpu.memory_space<hbm>> -> memref<1x1x8x256xf32, #tpu.memory_space<hbm>>
    %dma_wait3A_270 = tpu.memref_squeeze %dma_wait3A_269 : memref<1x1x8x256xf32, #tpu.memory_space<hbm>> -> memref<8x256xf32, #tpu.memory_space<hbm>>
    %dma_wait3A_271 = tpu.memref_slice %arg4[%shift_right_logical3A_252, %dma_wait3A_268, %mul3A_258, %mul3A_262] : memref<8x3x512x512xf32, #tpu.memory_space<hbm>> -> memref<1x1x8x256xf32, #tpu.memory_space<hbm>>
    %dma_wait3A_272 = tpu.memref_squeeze %dma_wait3A_271 : memref<1x1x8x256xf32, #tpu.memory_space<hbm>> -> memref<8x256xf32, #tpu.memory_space<hbm>>
    tpu.wait_dma2 semaphore(%arg20 : memref<!tpu.dma_semaphore, #tpu.memory_space<semaphore_mem>>) src(%arg9 : memref<8x256xf32, #tpu.memory_space<vmem>>) dst(%dma_wait3A_272 : memref<8x256xf32, #tpu.memory_space<hbm>>)
    %dma_wait3A_273 = arith.constant 2 : i32
    %dma_wait3A_274 = tpu.memref_slice %arg4[%shift_right_logical3A_252, %dma_wait3A_273, %mul3A_258, %mul3A_262] : memref<8x3x512x512xf32, #tpu.memory_space<hbm>> -> memref<1x1x8x256xf32, #tpu.memory_space<hbm>>
    %dma_wait3A_275 = tpu.memref_squeeze %dma_wait3A_274 : memref<1x1x8x256xf32, #tpu.memory_space<hbm>> -> memref<8x256xf32, #tpu.memory_space<hbm>>
    %dma_wait3A_276 = tpu.memref_slice %arg4[%shift_right_logical3A_252, %dma_wait3A_273, %mul3A_258, %mul3A_262] : memref<8x3x512x512xf32, #tpu.memory_space<hbm>> -> memref<1x1x8x256xf32, #tpu.memory_space<hbm>>
    %dma_wait3A_277 = tpu.memref_squeeze %dma_wait3A_276 : memref<1x1x8x256xf32, #tpu.memory_space<hbm>> -> memref<8x256xf32, #tpu.memory_space<hbm>>
    tpu.wait_dma2 semaphore(%arg20 : memref<!tpu.dma_semaphore, #tpu.memory_space<semaphore_mem>>) src(%arg10 : memref<8x256xf32, #tpu.memory_space<vmem>>) dst(%dma_wait3A_277 : memref<8x256xf32, #tpu.memory_space<hbm>>)
    %mul3A_278 = arith.constant 32 : i32
    %mul3A_279 = arith.muli %add3A, %mul3A_278 : i32
    %add3A_280 = arith.constant 31 : i32
    %add3A_281 = arith.addi %mul3A_279, %add3A_280 : i32
    %shift_right_logical3A_282 = arith.constant 7 : i32
    %shift_right_logical3A_283 = arith.shrui %add3A_281, %shift_right_logical3A_282 : i32
    %and3A_284 = arith.constant 127 : i32
    %and3A_285 = arith.andi %add3A_281, %and3A_284 : i32
    %shift_right_logical3A_286 = arith.constant 1 : i32
    %shift_right_logical3A_287 = arith.shrui %and3A_285, %shift_right_logical3A_286 : i32
    %mul3A_288 = arith.constant 8 : i32
    %mul3A_289 = arith.muli %shift_right_logical3A_287, %mul3A_288 : i32
    %and3A_290 = arith.constant 1 : i32
    %and3A_291 = arith.andi %and3A_285, %and3A_290 : i32
    %mul3A_292 = arith.constant 256 : i32
    %mul3A_293 = arith.muli %and3A_291, %mul3A_292 : i32
    %dma_wait3A_294 = arith.constant 0 : i32
    %dma_wait3A_295 = tpu.memref_slice %arg4[%shift_right_logical3A_283, %dma_wait3A_294, %mul3A_289, %mul3A_293] : memref<8x3x512x512xf32, #tpu.memory_space<hbm>> -> memref<1x1x8x256xf32, #tpu.memory_space<hbm>>
    %dma_wait3A_296 = tpu.memref_squeeze %dma_wait3A_295 : memref<1x1x8x256xf32, #tpu.memory_space<hbm>> -> memref<8x256xf32, #tpu.memory_space<hbm>>
    %dma_wait3A_297 = tpu.memref_slice %arg4[%shift_right_logical3A_283, %dma_wait3A_294, %mul3A_289, %mul3A_293] : memref<8x3x512x512xf32, #tpu.memory_space<hbm>> -> memref<1x1x8x256xf32, #tpu.memory_space<hbm>>
    %dma_wait3A_298 = tpu.memref_squeeze %dma_wait3A_297 : memref<1x1x8x256xf32, #tpu.memory_space<hbm>> -> memref<8x256xf32, #tpu.memory_space<hbm>>
    tpu.wait_dma2 semaphore(%arg21 : memref<!tpu.dma_semaphore, #tpu.memory_space<semaphore_mem>>) src(%arg11 : memref<8x256xf32, #tpu.memory_space<vmem>>) dst(%dma_wait3A_298 : memref<8x256xf32, #tpu.memory_space<hbm>>)
    %dma_wait3A_299 = arith.constant 1 : i32
    %dma_wait3A_300 = tpu.memref_slice %arg4[%shift_right_logical3A_283, %dma_wait3A_299, %mul3A_289, %mul3A_293] : memref<8x3x512x512xf32, #tpu.memory_space<hbm>> -> memref<1x1x8x256xf32, #tpu.memory_space<hbm>>
    %dma_wait3A_301 = tpu.memref_squeeze %dma_wait3A_300 : memref<1x1x8x256xf32, #tpu.memory_space<hbm>> -> memref<8x256xf32, #tpu.memory_space<hbm>>
    %dma_wait3A_302 = tpu.memref_slice %arg4[%shift_right_logical3A_283, %dma_wait3A_299, %mul3A_289, %mul3A_293] : memref<8x3x512x512xf32, #tpu.memory_space<hbm>> -> memref<1x1x8x256xf32, #tpu.memory_space<hbm>>
    %dma_wait3A_303 = tpu.memref_squeeze %dma_wait3A_302 : memref<1x1x8x256xf32, #tpu.memory_space<hbm>> -> memref<8x256xf32, #tpu.memory_space<hbm>>
    tpu.wait_dma2 semaphore(%arg21 : memref<!tpu.dma_semaphore, #tpu.memory_space<semaphore_mem>>) src(%arg12 : memref<8x256xf32, #tpu.memory_space<vmem>>) dst(%dma_wait3A_303 : memref<8x256xf32, #tpu.memory_space<hbm>>)
    %dma_wait3A_304 = arith.constant 2 : i32
    %dma_wait3A_305 = tpu.memref_slice %arg4[%shift_right_logical3A_283, %dma_wait3A_304, %mul3A_289, %mul3A_293] : memref<8x3x512x512xf32, #tpu.memory_space<hbm>> -> memref<1x1x8x256xf32, #tpu.memory_space<hbm>>
    %dma_wait3A_306 = tpu.memref_squeeze %dma_wait3A_305 : memref<1x1x8x256xf32, #tpu.memory_space<hbm>> -> memref<8x256xf32, #tpu.memory_space<hbm>>
    %dma_wait3A_307 = tpu.memref_slice %arg4[%shift_right_logical3A_283, %dma_wait3A_304, %mul3A_289, %mul3A_293] : memref<8x3x512x512xf32, #tpu.memory_space<hbm>> -> memref<1x1x8x256xf32, #tpu.memory_space<hbm>>
    %dma_wait3A_308 = tpu.memref_squeeze %dma_wait3A_307 : memref<1x1x8x256xf32, #tpu.memory_space<hbm>> -> memref<8x256xf32, #tpu.memory_space<hbm>>
    tpu.wait_dma2 semaphore(%arg21 : memref<!tpu.dma_semaphore, #tpu.memory_space<semaphore_mem>>) src(%arg13 : memref<8x256xf32, #tpu.memory_space<vmem>>) dst(%dma_wait3A_308 : memref<8x256xf32, #tpu.memory_space<hbm>>)
    return
  }
}

</mosaic_0001>

<sc_bundles>
// kernel: _lut3d.3.cloned.1.call-start
scs
__scs_entry_jumppad:
0x0: {  	(pc) =	sbr.rel $0x88, $3  }
0x1: {  	(tag) =	ssettag $0x0;
	lr =	simm.s32 $0x1  }
0x2: {  	[smem:$0x3F9F] =	sst lr;
	_ =	strace $0xD0000000  }
0x3: {  	_ = 	snop  }
0x4: {  	_ = 	snop  }
0x5: {  	_ = 	snop  }
0x6: {  	_ = 	snop  }
0x7: {  	_ = 	snop  }
__scs_overlays_trampoline_lowered:
0x8: {  	[smem:$0x3FAE] =	sst s0  }
0x9: {  	[smem:$0x3FAF] =	sst s1  }
0xa: {  	[smem:$0x3FB0] =	sst s2  }
0xb: {  	[smem:$0x3FB1] =	sst s3  }
0xc: {  	[smem:$0x3FB2] =	sst s4  }
0xd: {  	[smem:$0x3FB3] =	sst s5  }
0xe: {  	[smem:$0x3FB4] =	sst s6  }
0xf: {  	[smem:$0x3FB5] =	sst s7  }
0x10: {  	[smem:$0x3FB6] =	sst s8  }
0x11: {  	[smem:$0x3FB7] =	sst s9;
	s0 =	simm.s32 @!p0 $0x0  }
0x12: {  	s1 =	sld [smem:$0x3F9D];
	s0 =	simm.s32 @p0 $0x1  }
0x13: {  	[smem:$0x3FB8] =	sst s0;
	s0 =	simm.s32 @!p1 $0x0  }
0x14: {  	s2 =	sld [smem:$0x3F9C];
	s0 =	simm.s32 @p1 $0x1  }
0x15: {  	[smem:$0x3FB9] =	sst s0;
	s0 =	simm.s32 @!p2 $0x0  }
0x16: {  	s3 =	sld [smem:$0x3FDB];
	s0 =	simm.s32 @p2 $0x1  }
0x17: {  	s4 =	simm.s32 $0x1BF5;
	[smem:$0x3FBB] =	sst s0  }
0x18: {  	s0 =	sld [smem:$0x3F9E];
	_ =	swait.ge [sflag:s4], $0x0  }
0x19: {  	s7 =	sld [smem:$0x3F9F]  }
0x1a: {  	s8 =	sadd.s32 $0xFFFFE003, lr  }
0x1b: {  	s9 =	sadd.s32 $0xFFFFFEF7, lr;
	s5 =	simm.s32 $0xFFFFFFFF;
	p2 =	slt.u32 s8, $0xFFFFF086  }
0x1c: {  	p1 =	slt.u32 s9, $0xF7A;
	s5 =	simm.s32 @!p2 $0x0  }
0x1d: {  	s5 =	simm.s32 @p1 $0x1;
	p0 =	seq.s32 s7, s2  }
0x1e: {  	s7 =	smul.u32 @!p0 $0xF7A, s2;
	p2 =	seq.s32 @!p0 s5, $0x0  }
0x1f: {  	s9 =	smul.u32 $0xF7A, s1;
	s8 =	simm.s32 @!p0 $0x1BF5;
	p2 =	por !p2, p0  }
0x20: {  	[sflag:s8] =	ssyncset.s32 @!p0 $0xFFFFF086;
	s6 =	sadd.s32 @!p0 s3, s7;
	s7 =	simm.s32 @!p0 $0x108  }
0x21: {  	s3 =	sadd.s32 s3, s9;
	s6 =	sadd.s32 @!p0 $0x88, s6;
	s7 =	simm.s32 @p2 $0x1082  }
0x22: {  	[simem:s7], [sflag:s8] =	dma.local @!p0 [hbm:s6], $0xF7A  }
0x23: {  	s9 =	sor.u32 $0xD0000000, s2;
	s6 =	simm.s32 $0x108;
	_ =	swait.ge @!p0 [sflag:s8], $0x0  }
0x24: {  	s3 =	sadd.s32 $0x88, s3;
	s6 =	simm.s32 @!p1 $0x1082;
	[sflag:s4] =	ssyncset.s32 $0xFFFFF086  }
0x25: {  	[simem:s6], [sflag:s4] =	dma.local [hbm:s3], $0xF7A  }
0x26: {  	[smem:$0x3F9F] =	sst s1;
	(tag) =	ssettag s2;
	_ =	strace s9  }
0x27: {  	s1 =	sld [smem:$0x3FAF]  }
0x28: {  	s2 =	sld [smem:$0x3FB0]  }
0x29: {  	s4 =	sld [smem:$0x3FB2]  }
0x2a: {  	p0 =	seq.s32 s5, $0x0;
	s5 =	sld [smem:$0x3FB3]  }
0x2b: {  	s6 =	sld [smem:$0x3FB4]  }
0x2c: {  	s7 =	sld [smem:$0x3FB5]  }
0x2d: {  	s3 =	simm.s32 $0x108;
	s8 =	sld [smem:$0x3FB6]  }
0x2e: {  	s3 =	simm.s32 @!p0 $0x1082;
	s9 =	sld [smem:$0x3FB7]  }
0x2f: {  	lr =	sadd.s32 s0, s3;
	s0 =	sld [smem:$0x3FAE]  }
0x30: {  	s3 =	sld [smem:$0x3FB1]  }
0x31: {  	[smem:$0x3FBA] =	sst s10  }
0x32: {  	s10 =	sld [smem:$0x3FB8];
	_ =	sdelay $0x3  }
0x33: {  	p0 =	seq.s32 s10, $0x1;
	s10 =	sld [smem:$0x3FBA];
	_ =	sdelay $0x3  }
0x34: {  	[smem:$0x3FBA] =	sst s10  }
0x35: {  	s10 =	sld [smem:$0x3FB9];
	_ =	sdelay $0x3  }
0x36: {  	p1 =	seq.s32 s10, $0x1;
	s10 =	sld [smem:$0x3FBA];
	_ =	sdelay $0x3  }
0x37: {  	[smem:$0x3FBA] =	sst s10  }
0x38: {  	s10 =	sld [smem:$0x3FBB]  }
0x39: {  	_ = 	snop;
	(pc) =	sbr.ind lr, $3  }
0x3a: {  	_ = 	snop  }
0x3b: {  	_ = 	snop  }
0x3c: {  	p2 =	seq.s32 s10, $0x1;
	s10 =	sld [smem:$0x3FBA]  }
0x3d: {  	_ =	shalt  }
0x3e: {  	_ =	shalt  }
0x3f: {  	_ =	shalt  }
0x40: {  	_ =	shalt  }
0x41: {  	_ =	shalt  }
0x42: {  	_ =	shalt  }
0x43: {  	_ =	shalt  }
0x44: {  	_ =	shalt  }
0x45: {  	_ =	shalt  }
0x46: {  	_ =	shalt  }
0x47: {  	_ =	shalt  }
0x48: {  	_ =	shalt  }
0x49: {  	_ =	shalt  }
0x4a: {  	_ =	shalt  }
0x4b: {  	_ =	shalt  }
0x4c: {  	_ =	shalt  }
0x4d: {  	_ =	shalt  }
0x4e: {  	_ =	shalt  }
0x4f: {  	_ =	shalt  }
0x50: {  	_ =	shalt  }
0x51: {  	_ =	shalt  }
0x52: {  	_ =	shalt  }
0x53: {  	_ =	shalt  }
0x54: {  	_ =	shalt  }
0x55: {  	_ =	shalt  }
0x56: {  	_ =	shalt  }
0x57: {  	_ =	shalt  }
0x58: {  	_ =	shalt  }
0x59: {  	_ =	shalt  }
0x5a: {  	_ =	shalt  }
0x5b: {  	_ =	shalt  }
0x5c: {  	_ =	shalt  }
0x5d: {  	_ =	shalt  }
0x5e: {  	_ =	shalt  }
0x5f: {  	_ =	shalt  }
0x60: {  	_ =	shalt  }
0x61: {  	_ =	shalt  }
0x62: {  	_ =	shalt  }
0x63: {  	_ =	shalt  }
0x64: {  	_ =	shalt  }
0x65: {  	_ =	shalt  }
0x66: {  	_ =	shalt  }
0x67: {  	_ =	shalt  }
0x68: {  	_ =	shalt  }
0x69: {  	_ =	shalt  }
0x6a: {  	_ =	shalt  }
0x6b: {  	_ =	shalt  }
0x6c: {  	_ =	shalt  }
0x6d: {  	_ =	shalt  }
0x6e: {  	_ =	shalt  }
0x6f: {  	_ =	shalt  }
0x70: {  	_ =	shalt  }
0x71: {  	_ =	shalt  }
0x72: {  	_ =	shalt  }
0x73: {  	_ =	shalt  }
0x74: {  	_ =	shalt  }
0x75: {  	_ =	shalt  }
0x76: {  	_ =	shalt  }
0x77: {  	_ =	shalt  }
0x78: {  	_ =	shalt  }
0x79: {  	_ =	shalt  }
0x7a: {  	_ =	shalt  }
0x7b: {  	_ =	shalt  }
0x7c: {  	_ =	shalt  }
0x7d: {  	_ =	shalt  }
0x7e: {  	_ =	shalt  }
0x7f: {  	_ =	shalt  }
0x80: {  	_ =	shalt  }
0x81: {  	_ =	shalt  }
0x82: {  	_ =	shalt  }
0x83: {  	_ =	shalt  }
0x84: {  	_ =	shalt  }
0x85: {  	_ =	shalt  }
0x86: {  	_ =	shalt  }
0x87: {  	_ =	shalt  }
.Lfunc_end0:
.L_simem_size_0:
called_computation_lowered:
.L_overlay_start_0:
0x88: {  	s2 =	sld [smem:$0x3FD9]  }
0x89: {  	s3 =	sld [smem:$0x3FFE];
	_ =	sdelay $0x1  }
0x8a: {  	s1 =	srdreg.scid  }
0x8b: {  	s0 =	sand.u32 $0x1, s1  }
0x8c: {  	s18 =	sshll.u32 s0, $0xA;
	s2 =	sadd.s32 s3, s2  }
0x8d: {  	s2 =	sadd.s32 s2, s18  }
0x8e: {  	[smem:$0x3FC6] =	sst s2  }
0x8f: {  	_ = 	snop  }
0x90: {  	s2 =	sld [smem:$0x3FC9]  }
0x91: {  	s19 =	sld [smem:$0x3FC8]  }
0x92: {  	s4 =	sld [smem:$0x3FD0];
	(tm) =	ssettm $0x1  }
0x93: {  	s5 =	sld [smem:$0x3FFB];
	_ =	sdelay $0x3  }
0x94: {  	_ =	strace s5  }
0x95: {  	s5 =	sld [smem:$0x3FFC];
	_ =	sdelay $0x3  }
0x96: {  	_ =	strace s5  }
0x97: {  	s5 =	sld [smem:$0x3FFD];
	_ =	sdelay $0x3  }
0x98: {  	_ =	strace s5  }
0x99: {  	_ =	strace $0x8FFFFFFF  }
0x9a: {  	s20 =	sld [smem:$0x3FDB];
	_ =	sdelay $0x1  }
0x9b: {  	s6 =	simm.s32 $_scs_section_size  }
0x9c: {  	s7 =	simm.s32 $_size__tile_overlayer_lowered;
	s8 =	simm.s32 $_tile_overlayer_lowered  }
0x9d: {  	s23 =	simm.s32 $0x1BFF;
	s22 =	sshll.u32 s8, $0x1;
	s5 =	sadd.s32 s6, s20  }
0x9e: {  	s9 =	simm.s32 $0x0;
	s21 =	sshll.u32 s7, $0x1;
	s7 =	sadd.s32 s22, s5  }
0x9f: {  	[timem:s9], [sflag:s23] =	dma.local [hbm:s7], s21  }
0xa0: {  	_ =	swait.ge [sflag:s23], s21  }
0xa1: {  	s6 =	ssub.s32 $0x0, s21;
	[sflag:s23] =	ssyncset.done $0x0  }
0xa2: {  	[sflag:s23] =	ssyncadd.s32 s6;
	_ =	sdelay $0x1  }
0xa3: {  	s24 =	simm.s32 $0x1B8B  }
0xa4: {  	_ =	swait.ge [sflag:s24], $0x1  }
0xa5: {  	[sflag:s24] =	ssyncset.done $0x0  }
0xa6: {  	s25 =	simm.s32 $0x1B8E;
	[sflag:s24] =	ssyncadd.s32 $0xFFFFFFFF  }
0xa7: {  	s26 =	simm.s32 $execute0_lowered;
	[smem:$0x3FD2] =	sst s25  }
0xa8: {  	s6 =	sshll.u32 s26, $0x1;
	_ =	strace $0x80000046;
	[dreg:$0x1] =	wrdreg $0xFFFFFFFF  }
0xa9: {  	s28 =	simm.s32 $_size_execute0_lowered;
	s5 =	sadd.s32 s5, s6;
	[dreg:$0x0] =	wrdreg $0x0  }
0xaa: {  	s6 =	sshll.u32 s28, $0x1;
	[dreg:$0x2] =	wrdreg s5  }
0xab: {  	[dreg:$0x3] =	wrdreg s6  }
0xac: {  	[dreg:$0x4] =	wrdreg $0xC0  }
0xad: {  	_ =	task [dreg:s9], $0x5FFFF  }
0xae: {  	[dreg:$0x1] =	wrdreg $0xFFFFFFFF  }
0xaf: {  	[dreg:$0x0] =	wrdreg $0x60  }
0xb0: {  	[dreg:$0x2] =	wrdreg s2  }
0xb1: {  	[dreg:$0x3] =	wrdreg s19  }
0xb2: {  	[dreg:$0x4] =	wrdreg s4  }
0xb3: {  	[dreg:$0x5] =	wrdreg $0x9  }
0xb4: {  	_ =	task.clear_ibuf [dreg:s9], $0x6FFFF;
	_ =	strace $0x90000046  }
0xb5: {  	s29 =	simm.s32 $0x9;
	_ =	strace $0x80000048  }
0xb6: {  	_ =	swait.ge [sflag:s29], $0x1  }
0xb7: {  	[sflag:s29] =	ssyncadd.s32 $0xFFFFFFFF  }
0xb8: {  	_ =	strace $0x90000048  }
0xb9: {  	_ =	sfence  }
0xba: {  	s30 =	sld [smem:$0x0];
	_ =	sdelay $0x2  }
0xbb: {  	s31 =	sshll.u32 s1, $0xD;
	s1 =	sshrl.u32 s1, $0x2  }
0xbc: {  	s3 =	sand.u32 $0x4000, s31;
	s1 =	sadd.s32 s1, s30  }
0xbd: {  	s0 =	sor.u32 s3, s0;
	s1 =	sshll.u32 s1, $0x11  }
0xbe: {  	s0 =	sor.u32 s1, s0  }
0xbf: {  	s0 =	sadd.s32 $0x8F2B, s0  }
0xc0: {  	[sflag:s0] =	ssyncadd.remote.s32 $0x1  }
0xc1: {  	_ =	sfence.sel $0xFFFF  }
0xc2: {  	[dreg:$0x0] =	wrdreg $0xFFFFFFFF;
	(pc) =	sbr.abs _section_cstart, $3  }
0xc3: {  	[dreg:$0x1] =	wrdreg $0xFFFFFFFF  }
0xc4: {  	_ =	task.clear_ibuf [dreg:s9], $0x2FFFF;
	_ =	strace $0x9FFFFFFF  }
0xc5: {  	(tm) =	ssettm $0x7FFFFFFF  }
tec
execute0_lowered:
.L_overlay_start_1:
0x0: {  	(tag) =	ssettag $0x1  }
0x1: {  	s1 =	rddreg [dreg:$0x0]  }
0x2: {  	s0 =	srdreg.scid;
	s7 =	rddreg [dreg:$0x1]  }
0x3: {  	s4 =	stileid.u32;
	s5 =	rddreg [dreg:$0x2];
	s6 =	simm.s32 $0x0  }
0x4: {  	s0 =	sand.u32 $0x1, s0;
	s2 =	sshll.u32 s4, $0x6;
	s10 =	sshrl.u32 s4, $0x1  }
0x5: {  	[smem:$0x7FF] =	sst s6;
	s18 =	sadd.s32 $0x118D, s7;
	s19 =	sadd.s32 $0x231A, s7  }
0x6: {  	s3 =	sshll.u32 s0, $0x5;
	_ =	strace $0x80000047;
	[dreg:$0xa] =	wrdreg s18  }
0x7: {  	s0 =	ssub.s32 $0x2, s0;
	[dreg:$0xb] =	wrdreg s19;
	s2 =	sor.u32 s3, s2  }
0x8: {  	s3 =	smul.u32 $0xC0000, s10;
	s12 =	sshrl.u32 s0, $0x1;
	s11 =	sshll.u32 s2, $0xB  }
0x9: {  	s0 =	ssub.s32 s0, s12;
	s20 =	sor.u32 $0x2, s2;
	s4 =	sand.u32 $0x30000, s11  }
0xa: {  	s21 =	sor.u32 $0x4, s2;
	[dreg:$0xc] =	wrdreg s20;
	s3 =	sor.u32 s3, s4  }
0xb: {  	[dreg:$0xd] =	wrdreg s21;
	s0 =	smax.u32 s0, $0x1;
	s3 =	sshrl.u32 s3, $0x3  }
0xc: {  	[dreg:$0x14] =	wrdreg s0;
	s8 =	sadd.s32 s1, s3  }
0xd: {  	s13 =	sadd.s32 $0x8000, s8;
	[dreg:$0x4] =	wrdreg s8  }
0xe: {  	s28 =	simm.s32 $0x1BD80;
	s14 =	sadd.s32 $0x10000, s8;
	[dreg:$0x5] =	wrdreg s13  }
0xf: {  	s29 =	simm.s32 $0x1C580;
	s15 =	sadd.s32 $0x100, s8;
	[dreg:$0x6] =	wrdreg s14  }
0x10: {  	s30 =	simm.s32 $0x1CD80;
	s16 =	sadd.s32 $0x8100, s8;
	[dreg:$0x7] =	wrdreg s15  }
0x11: {  	s3 =	sadd.s32 s5, s3;
	s17 =	sadd.s32 $0x10100, s8;
	[dreg:$0x8] =	wrdreg s16  }
0x12: {  	s31 =	simm.s32 $0x8C80;
	s22 =	sadd.s32 $0x1E00, s3;
	[dreg:$0x9] =	wrdreg s17  }
0x13: {  	s12 =	simm.s32 $0x3;
	s23 =	sadd.s32 $0x9E00, s3;
	[dreg:$0xe] =	wrdreg s22  }
0x14: {  	s11 =	simm.s32 $0x2;
	s24 =	sadd.s32 $0x11E00, s3;
	[dreg:$0xf] =	wrdreg s23  }
0x15: {  	s0 =	simm.s32 $0x4;
	s25 =	sadd.s32 $0x1F00, s3;
	[dreg:$0x10] =	wrdreg s24  }
0x16: {  	s4 =	simm.s32 $0x1;
	s26 =	sadd.s32 $0x9F00, s3;
	[dreg:$0x11] =	wrdreg s25  }
0x17: {  	s3 =	sadd.s32 $0x11F00, s3;
	s8 =	simm.s32 $0x0;
	[dreg:$0x12] =	wrdreg s26  }
0x18: {  	[dreg:$0x13] =	wrdreg s3;
	s26 =	simm.s32 $0x1B580;
	s3 =	simm.s32 $0x11900  }
0x19: {  	s24 =	simm.s32 $0x1D580;
	s25 =	simm.s32 $0x1DD80;
	s13 =	simm.s32 $0x5  }
.LBB2_1:
0x1a: {  	[dreg:$0x15] =	wrdreg s8  }
0x1b: {  	s7 =	rddreg [dreg:$0x4];
	s14 =	simm.s32 $0x1A580  }
0x1c: {  	[tilespmem:s14], [sflag:$0x1] =	stream.linear.gather [hbm4b:s7+s6], $0x800, $0x38;
	[tilespmem:$0x1ED80] =	vst v63  }
0x1d: {  	s15 =	rddreg [dreg:$0x5];
	s16 =	simm.s32 $0x1AD80  }
0x1e: {  	[tilespmem:s16], [sflag:$0x1] =	stream.linear.gather [hbm4b:s15+s6], $0x800, $0x38;
	[tilespmem:$0x1ED80] =	vst v63  }
0x1f: {  	s17 =	rddreg [dreg:$0x6]  }
0x20: {  	[tilespmem:s26], [sflag:$0x1] =	stream.linear.gather [hbm4b:s17+s6], $0x800, $0x38;
	[tilespmem:$0x1ED80] =	vst v63  }
0x21: {  	s18 =	rddreg [dreg:$0x7]  }
0x22: {  	[tilespmem:s28], [sflag:$0x2] =	stream.linear.gather [hbm4b:s18+s6], $0x800, $0x38;
	[tilespmem:$0x1ED80] =	vst v63  }
0x23: {  	s19 =	rddreg [dreg:$0x8]  }
0x24: {  	[tilespmem:s29], [sflag:$0x2] =	stream.linear.gather [hbm4b:s19+s6], $0x800, $0x38;
	[tilespmem:$0x1ED80] =	vst v63  }
0x25: {  	s20 =	rddreg [dreg:$0x9]  }
0x26: {  	[tilespmem:s30], [sflag:$0x2] =	stream.linear.gather [hbm4b:s20+s6], $0x800, $0x38;
	[tilespmem:$0x1ED80] =	vst v63  }
0x27: {  	s21 =	rddreg [dreg:$0x1]  }
0x28: {  	[tilespmem:s6], [sflag:$0x4] =	stream.linear.gather [hbm4b:s21+s6], $0x8C61, $0x38;
	[tilespmem:$0x1ED80] =	vst v63  }
0x29: {  	s22 =	rddreg [dreg:$0xa]  }
0x2a: {  	[tilespmem:s31], [sflag:$0x4] =	stream.linear.gather [hbm4b:s22+s6], $0x8C61, $0x38;
	[tilespmem:$0x1ED80] =	vst v63  }
0x2b: {  	s23 =	rddreg [dreg:$0xb]  }
0x2c: {  	[tilespmem:s3], [sflag:$0x4] =	stream.linear.gather [hbm4b:s23+s6], $0x8C61, $0x38;
	[tilespmem:$0x1ED80] =	vst v63  }
0x2d: {  	_ =	swait.ge [sflag:s0], $0x8C61  }
0x2e: {  	[sflag:s0] =	ssyncset.done $0x0  }
0x2f: {  	[sflag:s0] =	ssyncadd.s32 $0xFFFF739F  }
0x30: {  	_ =	swait.ge [sflag:s0], $0x8C61  }
0x31: {  	[sflag:s0] =	ssyncset.done $0x0  }
0x32: {  	[sflag:s0] =	ssyncadd.s32 $0xFFFF739F  }
0x33: {  	_ =	swait.ge [sflag:s0], $0x8C61  }
0x34: {  	[sflag:s0] =	ssyncset.done $0x0  }
0x35: {  	s18 =	simm.s32 $0x0;
	[sflag:s0] =	ssyncadd.s32 $0xFFFF739F  }
.LBB2_2:
0x36: {  	_ =	swait.ge [sflag:s4], $0x800  }
0x37: {  	[sflag:s4] =	ssyncset.done $0x0  }
0x38: {  	[sflag:s4] =	ssyncadd.s32 $0xFFFFF800  }
0x39: {  	_ =	swait.ge [sflag:s4], $0x800  }
0x3a: {  	[sflag:s4] =	ssyncset.done $0x0  }
0x3b: {  	s7 =	simm.s32 $0x0;
	[sflag:s4] =	ssyncadd.s32 $0xFFFFF800  }
0x3c: {  	s8 =	sand.u32 $0x400, s7;
	s9 =	sand.u32 $0x380, s7;
	_ =	swait.ge [sflag:s4], $0x800  }
0x3d: {  	s7 =	sand.u32 $0x70, s7;
	s8 =	sor.u32 s9, s8;
	[sflag:s4] =	ssyncset.done $0x0  }
0x3e: {  	s20 =	sor.u32 s7, s8;
	[sflag:s4] =	ssyncadd.s32 $0xFFFFF800  }
0x3f: {  	v0 =	vld [tilespmem:s20+$0x1AD80]  }
0x40: {  	v1 =	vld [tilespmem:s20+$0x1B580]  }
0x41: {  	v2 =	vld [tilespmem:s20+$0x1A580];
	_ =	sdelay $0x2  }
0x42: {  	v0 =	vmul.f32 $3.200000000e+01, v0  }
0x43: {  	v4 =	vmul.f32 $3.200000000e+01, v1  }
0x44: {  	v1 =	vmul.f32 $3.200000000e+01, v2;
	v2 =	vtrunc.f32 v0  }
0x45: {  	v3 =	vtrunc.f32 v4;
	v2 =	vcvt.f32.s32 v2  }
0x46: {  	v5 =	vcvt.f32.s32 v3;
	v3 =	vtrunc.f32 v1  }
0x47: {  	v3 =	vcvt.f32.s32 v3;
	v6 =	vmul.u32 $0x21, v2  }
0x48: {  	s15 =	simm.s32 $0x8;
	s16 =	simm.s32 $0x80;
	v7 =	vmul.u32 $0x441, v5  }
0x49: {  	s17 =	simm.s32 $0x10;
	s8 =	sand.u32 $0x400, s16;
	s7 =	sand.u32 $0x380, s15;
	v6 =	vadd.s32 v3, v6  }
0x4a: {  	s9 =	sand.u32 $0x70, s17;
	s7 =	sor.u32 s7, s8;
	v27 =	vadd.s32 v7, v6  }
0x4b: {  	s7 =	sor.u32 s9, s7;
	v26 =	vadd.s32 $0x1, v27  }
0x4c: {  	v10 =	vld [tilespmem:s7+$0x1AD80];
	v25 =	vadd.s32 $0x462, v27  }
0x4d: {  	v11 =	vld [tilespmem:s7+$0x1B580];
	v29 =	vadd.s32 $0x21, v27  }
0x4e: {  	v12 =	vld [tilespmem:s7+$0x1A580];
	v28 =	vadd.s32 $0x441, v27  }
0x4f: {  	v24 =	vadd.s32 $0x463, v27;
	v6 =	vld.idx.msk [tilespmem:v27+s6+$0x0], $0xffff  }
0x50: {  	v31 =	vadd.s32 $0x442, v27;
	v7 =	vld.idx.msk [tilespmem:v26+s6+$0x0], $0xffff  }
0x51: {  	v34 =	vadd.s32 $0x22, v27;
	v8 =	vld.idx.msk [tilespmem:v25+s6+$0x0], $0xffff  }
0x52: {  	v9 =	vld.idx.msk [tilespmem:v29+s6+$0x0], $0xffff  }
0x53: {  	v13 =	vld.idx.msk [tilespmem:v28+s6+$0x0], $0xffff  }
0x54: {  	v16 =	vmul.f32 $3.200000000e+01, v10;
	v14 =	vld.idx.msk [tilespmem:v24+s6+$0x0], $0xffff  }
0x55: {  	v18 =	vmul.f32 $3.200000000e+01, v11;
	v15 =	vld.idx.msk [tilespmem:v31+s6+$0x0], $0xffff  }
0x56: {  	v11 =	vtrunc.f32 v16;
	v3 =	vcvt.s32.f32 v3;
	v17 =	vld.idx.msk [tilespmem:v34+s6+$0x0], $0xffff  }
0x57: {  	v19 =	vmul.f32 $3.200000000e+01, v12;
	v20 =	vcvt.f32.s32 v11  }
0x58: {  	v10 =	vcvt.s32.f32 v2;
	v2 =	vsub.f32 v1, v3;
	v1 =	vtrunc.f32 v18  }
0x59: {  	v11 =	vmul.u32 $0x21, v20;
	v21 =	vcvt.f32.s32 v1;
	v1 =	vtrunc.f32 v19  }
0x5a: {  	v3 =	vsub.f32 v7, v6;
	v7 =	vsub.f32 v15, v13;
	v15 =	vcvt.f32.s32 v1  }
0x5b: {  	v1 =	vsub.f32 v14, v8;
	v12 =	vsub.f32 v17, v9;
	v14 =	vmul.u32 $0x441, v21  }
0x5c: {  	v17 =	vmul.f32 v3, v2;
	v7 =	vmul.f32 v7, v2;
	v3 =	vadd.s32 v15, v11  }
0x5d: {  	s19 =	simm.s32 $0x10;
	s21 =	simm.s32 $0x100;
	v1 =	vmul.f32 v1, v2;
	v11 =	vmul.f32 v12, v2;
	v3 =	vadd.s32 v14, v3  }
0x5e: {  	s14 =	simm.s32 $0x20;
	s8 =	sand.u32 $0x380, s19;
	s9 =	sand.u32 $0x400, s21;
	v14 =	vadd.f32 v17, v6;
	v17 =	vadd.f32 v7, v13;
	v6 =	vadd.s32 $0x1, v3  }
0x5f: {  	s14 =	sand.u32 $0x70, s14;
	s8 =	sor.u32 s8, s9;
	v8 =	vadd.f32 v1, v8;
	v9 =	vadd.f32 v11, v9;
	v13 =	vadd.s32 $0x462, v3  }
0x60: {  	s14 =	sor.u32 s14, s8;
	v1 =	vsub.f32 v0, v10;
	v12 =	vadd.s32 $0x441, v3  }
0x61: {  	v35 =	vld [tilespmem:s14+$0x1AD80];
	v10 =	vadd.s32 $0x463, v3;
	v0 =	vsub.f32 v8, v17;
	v9 =	vsub.f32 v9, v14  }
0x62: {  	v7 =	vadd.s32 $0x21, v3;
	v22 =	vld.idx.msk [tilespmem:v3+s6+$0x0], $0xffff  }
0x63: {  	v8 =	vadd.s32 $0x442, v3;
	v0 =	vmul.f32 v0, v1;
	v9 =	vmul.f32 v9, v1;
	v23 =	vld.idx.msk [tilespmem:v6+s6+$0x0], $0xffff  }
0x64: {  	v11 =	vadd.s32 $0x22, v3;
	v30 =	vld.idx.msk [tilespmem:v13+s6+$0x0], $0xffff  }
0x65: {  	v5 =	vcvt.s32.f32 v5;
	v32 =	vld.idx.msk [tilespmem:v12+s6+$0x0], $0xffff;
	v17 =	vadd.f32 v0, v17;
	v9 =	vadd.f32 v9, v14  }
0x66: {  	v33 =	vld.idx.msk [tilespmem:v10+s6+$0x0], $0xffff  }
0x67: {  	v14 =	vld.idx.msk [tilespmem:v7+s6+$0x0], $0xffff;
	v0 =	vsub.f32 v4, v5;
	v4 =	vsub.f32 v17, v9  }
0x68: {  	v5 =	vcvt.s32.f32 v15;
	v17 =	vld.idx.msk [tilespmem:v8+s6+$0x0], $0xffff  }
0x69: {  	v15 =	vld.idx.msk [tilespmem:v11+s6+$0x0], $0xffff;
	v4 =	vmul.f32 v4, v0  }
0x6a: {  	v5 =	vsub.f32 v19, v5;
	v19 =	vsub.f32 v23, v22;
	v23 =	vld [tilespmem:s14+$0x1A580]  }
0x6b: {  	v4 =	vadd.f32 v4, v9;
	v9 =	vld [tilespmem:s14+$0x1B580]  }
0x6c: {  	v33 =	vsub.f32 v33, v30  }
0x6d: {  	v35 =	vmul.f32 $3.200000000e+01, v35;
	v17 =	vsub.f32 v17, v32  }
0x6e: {  	v20 =	vcvt.s32.f32 v20;
	v33 =	vmul.f32 v33, v5  }
0x6f: {  	v15 =	vsub.f32 v15, v14;
	[tilespmem:s20+$0x1A580] =	vst v4;
	v4 =	vmul.f32 v19, v5;
	v17 =	vmul.f32 v17, v5  }
0x70: {  	v19 =	vld.idx.msk [tilespmem:v24+s31+$0x0], $0xffff;
	v38 =	vmul.f32 $3.200000000e+01, v23;
	v37 =	vmul.f32 $3.200000000e+01, v9  }
0x71: {  	v36 =	vld.idx.msk [tilespmem:v25+s31+$0x0], $0xffff;
	v9 =	vmul.f32 v15, v5;
	v15 =	vadd.f32 v4, v22;
	v4 =	vtrunc.f32 v35  }
0x72: {  	v53 =	vld.idx.msk [tilespmem:v28+s31+$0x0], $0xffff;
	v17 =	vadd.f32 v17, v32;
	v39 =	vcvt.f32.s32 v4;
	v23 =	vtrunc.f32 v37  }
0x73: {  	v40 =	vld.idx.msk [tilespmem:v29+s31+$0x0], $0xffff;
	v4 =	vadd.f32 v33, v30;
	v54 =	vcvt.f32.s32 v23;
	v23 =	vtrunc.f32 v38  }
0x74: {  	v43 =	vld.idx.msk [tilespmem:v27+s31+$0x0], $0xffff;
	v14 =	vadd.f32 v9, v14;
	v41 =	vmul.u32 $0x21, v39;
	v42 =	vcvt.f32.s32 v23  }
0x75: {  	v30 =	vld.idx.msk [tilespmem:v34+s31+$0x0], $0xffff;
	v9 =	vsub.f32 v16, v20;
	v16 =	vmul.u32 $0x441, v54  }
0x76: {  	s15 =	simm.s32 $0x18;
	s16 =	simm.s32 $0x180;
	v22 =	vld.idx.msk [tilespmem:v31+s31+$0x0], $0xffff;
	v4 =	vsub.f32 v4, v17;
	v14 =	vsub.f32 v14, v15;
	v23 =	vadd.s32 v42, v41  }
0x77: {  	s22 =	simm.s32 $0x30;
	s23 =	sand.u32 $0x400, s16;
	s17 =	sand.u32 $0x380, s15;
	v21 =	vcvt.s32.f32 v21;
	v20 =	vld.idx.msk [tilespmem:v26+s31+$0x0], $0xffff;
	v19 =	vsub.f32 v19, v36;
	v16 =	vadd.s32 v16, v23  }
0x78: {  	s9 =	sor.u32 s17, s23;
	s8 =	sand.u32 $0x70, s22;
	v60 =	vmul.f32 v4, v9;
	v23 =	vmul.f32 v14, v9;
	v14 =	vadd.s32 $0x1, v16  }
0x79: {  	s17 =	sor.u32 s8, s9;
	v19 =	vmul.f32 v19, v2;
	v4 =	vsub.f32 v18, v21;
	v18 =	vadd.s32 $0x462, v16  }
0x7a: {  	v49 =	vld [tilespmem:s17+$0x1A580];
	v30 =	vsub.f32 v30, v40;
	v21 =	vadd.f32 v60, v17;
	v17 =	vadd.s32 $0x441, v16  }
0x7b: {  	v61 =	vsub.f32 v22, v53;
	v60 =	vld [tilespmem:s17+$0x1AD80];
	v22 =	vadd.s32 $0x442, v16;
	v15 =	vadd.f32 v23, v15  }
0x7c: {  	v30 =	vmul.f32 v30, v2;
	v23 =	vsub.f32 v20, v43;
	v20 =	vadd.s32 $0x463, v16;
	v45 =	vld.idx.msk [tilespmem:v16+s6+$0x0], $0xffff  }
0x7d: {  	v41 =	vmul.f32 v61, v2;
	v44 =	vsub.f32 v21, v15;
	v21 =	vadd.s32 $0x21, v16;
	v47 =	vld.idx.msk [tilespmem:v14+s6+$0x0], $0xffff  }
0x7e: {  	v30 =	vadd.f32 v30, v40;
	v46 =	vmul.f32 v23, v2;
	v23 =	vadd.s32 $0x22, v16;
	v40 =	vld.idx.msk [tilespmem:v18+s6+$0x0], $0xffff  }
0x7f: {  	v19 =	vadd.f32 v19, v36;
	v62 =	vmul.f32 v44, v4;
	v63 =	vld.idx.msk [tilespmem:v17+s6+$0x0], $0xffff  }
0x80: {  	v32 =	vadd.f32 v41, v53;
	v43 =	vadd.f32 v46, v43;
	v56 =	vld.idx.msk [tilespmem:v22+s6+$0x0], $0xffff  }
0x81: {  	v55 =	vld.idx.msk [tilespmem:v20+s6+$0x0], $0xffff;
	v15 =	vadd.f32 v62, v15  }
0x82: {  	v42 =	vcvt.s32.f32 v42;
	v19 =	vsub.f32 v19, v32;
	v30 =	vsub.f32 v30, v43;
	v46 =	vld.idx.msk [tilespmem:v21+s6+$0x0], $0xffff  }
0x83: {  	v57 =	vld.idx.msk [tilespmem:v23+s6+$0x0], $0xffff;
	[tilespmem:s7+$0x1A580] =	vst v15  }
0x84: {  	v19 =	vmul.f32 v19, v1;
	v30 =	vmul.f32 v30, v1;
	v15 =	vsub.f32 v38, v42;
	v48 =	vld.idx.msk [tilespmem:v10+s31+$0x0], $0xffff  }
0x85: {  	v59 =	vsub.f32 v56, v63;
	v61 =	vsub.f32 v47, v45;
	v47 =	vld.idx.msk [tilespmem:v13+s31+$0x0], $0xffff  }
0x86: {  	v19 =	vadd.f32 v19, v32;
	v52 =	vld.idx.msk [tilespmem:v8+s31+$0x0], $0xffff;
	v58 =	vadd.f32 v30, v43  }
0x87: {  	v39 =	vcvt.s32.f32 v39;
	v33 =	vld.idx.msk [tilespmem:v12+s31+$0x0], $0xffff;
	v36 =	vsub.f32 v55, v40;
	v32 =	vmul.f32 v59, v15  }
0x88: {  	v50 =	vcvt.s32.f32 v54;
	v30 =	vld [tilespmem:s17+$0x1B580];
	v62 =	vmul.f32 v61, v15;
	v19 =	vsub.f32 v19, v58  }
0x89: {  	v36 =	vmul.f32 v36, v15;
	v38 =	vsub.f32 v57, v46;
	v63 =	vadd.f32 v32, v63  }
0x8a: {  	v32 =	vmul.f32 $3.200000000e+01, v60;
	v45 =	vadd.f32 v62, v45;
	v54 =	vmul.f32 v19, v0  }
0x8b: {  	v57 =	vld.idx.msk [tilespmem:v6+s31+$0x0], $0xffff;
	v36 =	vadd.f32 v36, v40;
	v19 =	vsub.f32 v35, v39;
	v56 =	vmul.f32 v38, v15  }
0x8c: {  	v35 =	vld.idx.msk [tilespmem:v11+s31+$0x0], $0xffff;
	v38 =	vmul.f32 $3.200000000e+01, v49;
	v48 =	vsub.f32 v48, v47;
	v52 =	vsub.f32 v52, v33  }
0x8d: {  	v39 =	vld.idx.msk [tilespmem:v7+s31+$0x0], $0xffff;
	v30 =	vmul.f32 $3.200000000e+01, v30;
	v55 =	vadd.f32 v54, v58;
	v36 =	vsub.f32 v36, v63  }
0x8e: {  	v49 =	vld.idx.msk [tilespmem:v3+s31+$0x0], $0xffff;
	v58 =	vtrunc.f32 v32;
	v59 =	vadd.f32 v56, v46;
	v60 =	vmul.f32 v48, v5  }
0x8f: {  	v52 =	vmul.f32 v52, v5;
	v51 =	vtrunc.f32 v30;
	[tilespmem:s20+$0x1AD80] =	vst v55  }
0x90: {  	v40 =	vcvt.f32.s32 v58;
	v36 =	vmul.f32 v36, v19;
	v62 =	vsub.f32 v59, v45;
	v53 =	vld.idx.msk [tilespmem:v24+s3+$0x0], $0xffff  }
0x91: {  	v41 =	vcvt.f32.s32 v51;
	v43 =	vadd.f32 v60, v47;
	v24 =	vsub.f32 v37, v50;
	v54 =	vld.idx.msk [tilespmem:v29+s3+$0x0], $0xffff  }
0x92: {  	v29 =	vtrunc.f32 v38;
	v61 =	vmul.u32 $0x21, v40;
	v35 =	vsub.f32 v35, v39;
	v55 =	vld.idx.msk [tilespmem:v31+s3+$0x0], $0xffff  }
0x93: {  	v42 =	vsub.f32 v57, v49;
	v50 =	vadd.f32 v36, v63;
	v63 =	vld.idx.msk [tilespmem:v34+s3+$0x0], $0xffff;
	v29 =	vcvt.f32.s32 v29  }
0x94: {  	v37 =	vld.idx.msk [tilespmem:v28+s3+$0x0], $0xffff;
	v47 =	vcvt.s32.f32 v40;
	v51 =	vmul.u32 $0x441, v41;
	v31 =	vmul.f32 v62, v19  }
0x95: {  	v34 =	vld.idx.msk [tilespmem:v25+s3+$0x0], $0xffff;
	v42 =	vmul.f32 v42, v5;
	v48 =	vcvt.s32.f32 v29;
	v25 =	vadd.s32 v29, v61  }
0x96: {  	v60 =	vld.idx.msk [tilespmem:v26+s3+$0x0], $0xffff;
	v29 =	vmul.f32 v35, v5;
	v56 =	vadd.f32 v31, v45;
	v25 =	vadd.s32 v51, v25  }
0x97: {  	v35 =	vld.idx.msk [tilespmem:v27+s3+$0x0], $0xffff;
	v44 =	vadd.f32 v42, v49;
	v28 =	vadd.s32 $0x21, v25;
	v26 =	vadd.s32 $0x1, v25  }
0x98: {  	v27 =	vadd.s32 $0x441, v25;
	v36 =	vadd.s32 $0x462, v25;
	v61 =	vsub.f32 v63, v54  }
0x99: {  	v39 =	vadd.f32 v29, v39;
	v31 =	vadd.s32 $0x463, v25;
	v62 =	vsub.f32 v50, v56  }
0x9a: {  	v40 =	vadd.s32 $0x442, v25;
	v63 =	vsub.f32 v55, v37;
	v46 =	vmul.f32 v61, v2  }
0x9b: {  	v57 =	vsub.f32 v53, v34;
	v51 =	vsub.f32 v39, v44;
	v42 =	vmul.f32 v62, v24;
	v50 =	vld.idx.msk [tilespmem:v25+s6+$0x0], $0xffff  }
0x9c: {  	v45 =	vsub.f32 v60, v35;
	v39 =	vadd.f32 v46, v54;
	v53 =	vld.idx.msk [tilespmem:v26+s6+$0x0], $0xffff;
	v46 =	vmul.f32 v63, v2  }
0x9d: {  	s8 =	simm.s32 $0x40;
	v29 =	vadd.s32 $0x22, v25;
	v49 =	vld.idx.msk [tilespmem:v36+s6+$0x0], $0xffff;
	v54 =	vadd.f32 v42, v56;
	v42 =	vmul.f32 v57, v2  }
.LBB2_3:
0x9e: {  	p0 =	sne.s32 s8, $0x7F0;
	v55 =	vld.idx.msk [tilespmem:v28+s6+$0x0], $0xffff;
	v51 =	vmul.f32 v51, v9;
	v56 =	vmul.f32 v45, v2;
	v37 =	vadd.f32 v46, v37;
	s9 =	smov.u32 s8;
	s8 =	sadd.s32 $0x10, s8  }
0x9f: {  	v45 =	vcvt.s32.f32 v41;
	v41 =	vld.idx.msk [tilespmem:v27+s6+$0x0], $0xffff;
	[tilespmem:s14+$0x1A580] =	vst v54;
	v33 =	vadd.f32 v52, v33;
	v34 =	vadd.f32 v42, v34  }
0xa0: {  	v2 =	vmovc v5;
	v5 =	vmov v15;
	v15 =	vsub.f32 v38, v48;
	v46 =	vld.idx.msk [tilespmem:v31+s6+$0x0], $0xffff;
	v35 =	vadd.f32 v56, v35  }
0xa1: {  	v42 =	vmovc v36;
	v36 =	vmov v22;
	v38 =	vld.idx.msk [tilespmem:v40+s6+$0x0], $0xffff;
	v43 =	vsub.f32 v43, v33;
	v34 =	vsub.f32 v34, v37  }
0xa2: {  	v22 =	vmov v40;
	v48 =	vsub.f32 v53, v50;
	v39 =	vsub.f32 v39, v35  }
0xa3: {  	s15 =	sadd.s32 $0x8, s15;
	s16 =	sadd.s32 $0x80, s16;
	v40 =	vmul.f32 v43, v9;
	v34 =	vmul.f32 v34, v1  }
0xa4: {  	s19 =	sand.u32 $0x400, s16;
	s21 =	sand.u32 $0x380, s15;
	v44 =	vadd.f32 v51, v44;
	v43 =	vmul.f32 v48, v15;
	v48 =	vld.idx.msk [tilespmem:v20+s31+$0x0], $0xffff;
	v39 =	vmul.f32 v39, v1  }
0xa5: {  	s9 =	sand.u32 $0x70, s9;
	s19 =	sor.u32 s21, s19;
	v1 =	vmovc v9;
	v9 =	vmov v19;
	v51 =	vld.idx.msk [tilespmem:v29+s6+$0x0], $0xffff;
	v33 =	vadd.f32 v40, v33;
	v34 =	vadd.f32 v34, v37  }
0xa6: {  	s9 =	sor.u32 s9, s19;
	v40 =	vadd.f32 v43, v50;
	v37 =	vld.idx.msk [tilespmem:v18+s31+$0x0], $0xffff;
	v35 =	vadd.f32 v39, v35  }
0xa7: {  	v19 =	vsub.f32 v38, v41;
	v39 =	vld [tilespmem:s9+$0x1B580];
	v38 =	vsub.f32 v33, v44  }
0xa8: {  	v33 =	vsub.f32 v46, v49;
	v43 =	vld [tilespmem:s9+$0x1AD80];
	v34 =	vsub.f32 v34, v35  }
0xa9: {  	v46 =	vmul.f32 v19, v15;
	v52 =	vld.idx.msk [tilespmem:v36+s31+$0x0], $0xffff  }
0xaa: {  	v19 =	vsub.f32 v32, v47;
	v32 =	vmul.f32 v33, v15;
	v50 =	vld [tilespmem:s9+$0x1A580];
	v34 =	vmul.f32 v34, v0;
	v0 =	vmovc v4  }
0xab: {  	v47 =	vsub.f32 v51, v55;
	v46 =	vadd.f32 v46, v41;
	v33 =	vld.idx.msk [tilespmem:v17+s31+$0x0], $0xffff;
	v38 =	vmul.f32 v38, v0  }
0xac: {  	v4 =	vmov v24;
	v41 =	vadd.f32 v32, v49;
	v49 =	vld.idx.msk [tilespmem:v23+s31+$0x0], $0xffff;
	v34 =	vadd.f32 v34, v35  }
0xad: {  	v35 =	vmul.f32 $3.200000000e+01, v39;
	v32 =	vmul.f32 $3.200000000e+01, v43;
	v39 =	vld.idx.msk [tilespmem:v21+s31+$0x0], $0xffff;
	v24 =	vadd.f32 v38, v44  }
0xae: {  	v43 =	vmul.f32 v47, v15;
	v41 =	vsub.f32 v41, v46;
	v44 =	vld.idx.msk [tilespmem:v14+s31+$0x0], $0xffff;
	[tilespmem:s20+$0x1B580] =	vst v34;
	s20 =	smov.u32 s7;
	s7 =	smov.u32 s14;
	s14 =	smov.u32 s17  }
0xaf: {  	v48 =	vsub.f32 v48, v37;
	s17 =	smov.u32 s9;
	v38 =	vmul.f32 $3.200000000e+01, v50;
	v34 =	vtrunc.f32 v32;
	v47 =	vld.idx.msk [tilespmem:v16+s31+$0x0], $0xffff;
	[tilespmem:s20+$0x1AD80] =	vst v24  }
0xb0: {  	v24 =	vtrunc.f32 v35;
	v50 =	vmul.f32 v41, v19;
	v51 =	vld.idx.msk [tilespmem:v10+s3+$0x0], $0xffff;
	v10 =	vmovc v20;
	v20 =	vmov v31  }
0xb1: {  	v53 =	vcvt.f32.s32 v34;
	v31 =	vadd.f32 v43, v55;
	v43 =	vmul.f32 v48, v5;
	v54 =	vld.idx.msk [tilespmem:v8+s3+$0x0], $0xffff;
	v8 =	vmovc v36  }
0xb2: {  	v41 =	vcvt.f32.s32 v24;
	v24 =	vsub.f32 v30, v45;
	v30 =	vmovc v35;
	v45 =	vadd.f32 v50, v46;
	v46 =	vld.idx.msk [tilespmem:v7+s3+$0x0], $0xffff  }
0xb3: {  	v34 =	vtrunc.f32 v38;
	v35 =	vmul.u32 $0x21, v53;
	v31 =	vsub.f32 v31, v40;
	v7 =	vmovc v21;
	v21 =	vmovc v28;
	v36 =	vld.idx.msk [tilespmem:v11+s3+$0x0], $0xffff  }
0xb4: {  	v28 =	vcvt.f32.s32 v34;
	v50 =	vmul.u32 $0x441, v41;
	v49 =	vsub.f32 v49, v39;
	v11 =	vmovc v23;
	v23 =	vmovc v29;
	v34 =	vld.idx.msk [tilespmem:v13+s3+$0x0], $0xffff  }
0xb5: {  	v43 =	vadd.f32 v43, v37;
	v13 =	vmul.f32 v31, v19;
	v29 =	vsub.f32 v44, v47;
	v37 =	vld.idx.msk [tilespmem:v12+s3+$0x0], $0xffff  }
0xb6: {  	v48 =	vcvt.s32.f32 v28;
	v31 =	vmul.f32 v49, v5;
	v12 =	vadd.s32 v28, v35;
	v35 =	vld.idx.msk [tilespmem:v3+s3+$0x0], $0xffff;
	v3 =	vmovc v16  }
0xb7: {  	v44 =	vadd.s32 v50, v12;
	v55 =	vadd.f32 v13, v40;
	v13 =	vmul.f32 v29, v5;
	v49 =	vld.idx.msk [tilespmem:v6+s3+$0x0], $0xffff  }
0xb8: {  	v39 =	vadd.f32 v31, v39;
	v16 =	vmovc v25;
	v28 =	vadd.s32 $0x21, v44;
	v50 =	vadd.s32 $0x441, v44;
	v25 =	vmovc v44  }
0xb9: {  	v56 =	vadd.s32 $0x1, v25;
	v29 =	vadd.s32 $0x22, v25;
	v40 =	vsub.f32 v36, v46;
	v12 =	vmovc v17;
	v17 =	vmovc v27  }
0xba: {  	v6 =	vmovc v14;
	v36 =	vadd.s32 $0x462, v25;
	v31 =	vadd.s32 $0x463, v25;
	v44 =	vadd.f32 v13, v47;
	v27 =	vmovc v50  }
.Ltmp0:
0xbb: {  	v14 =	vmovc v26;
	v45 =	vsub.f32 v45, v55;
	v57 =	vsub.f32 v51, v34;
	v40 =	vmul.f32 v40, v2;
	(pc) =	sbr.rel @p0 .LBB2_3-.Ltmp0, $4  }
0xbc: {  	v47 =	vcvt.s32.f32 v53;
	v26 =	vmovc v56;
	v51 =	vsub.f32 v39, v44;
	v54 =	vsub.f32 v54, v37;
	v13 =	vmovc v18  }
0xbd: {  	v52 =	vsub.f32 v52, v33;
	v58 =	vmul.f32 v45, v24;
	v39 =	vadd.f32 v40, v46;
	v50 =	vld.idx.msk [tilespmem:v25+s6+$0x0], $0xffff  }
0xbe: {  	v18 =	vmovc v42;
	v40 =	vadd.s32 $0x442, v25;
	v45 =	vsub.f32 v49, v35;
	v46 =	vmul.f32 v54, v2;
	v53 =	vld.idx.msk [tilespmem:v56+s6+$0x0], $0xffff  }
0xbf: {  	v52 =	vmul.f32 v52, v5;
	v42 =	vmul.f32 v57, v2;
	v54 =	vadd.f32 v58, v55;
	v49 =	vld.idx.msk [tilespmem:v36+s6+$0x0], $0xffff  }
0xc0: {  	_ =	sdelay $0x3  }
0xc1: {  	v55 =	vld.idx.msk [tilespmem:v28+s6+$0x0], $0xffff  }
0xc2: {  	v56 =	vld.idx.msk [tilespmem:v27+s6+$0x0], $0xffff  }
0xc3: {  	v57 =	vld.idx.msk [tilespmem:v31+s6+$0x0], $0xffff  }
0xc4: {  	v58 =	vld.idx.msk [tilespmem:v40+s6+$0x0], $0xffff  }
0xc5: {  	v59 =	vld.idx.msk [tilespmem:v29+s6+$0x0], $0xffff;
	_ =	sdelay $0x2  }
0xc6: {  	v38 =	vsub.f32 v38, v48  }
0xc7: {  	v60 =	vsub.f32 v53, v50;
	v61 =	vsub.f32 v58, v56  }
0xc8: {  	v57 =	vsub.f32 v57, v49;
	v62 =	vsub.f32 v59, v55  }
0xc9: {  	v48 =	vmul.f32 v60, v38;
	v53 =	vmul.f32 v61, v38  }
0xca: {  	v57 =	vmul.f32 v57, v38;
	v58 =	vmul.f32 v62, v38  }
0xcb: {  	v48 =	vadd.f32 v48, v50;
	v63 =	vadd.f32 v53, v56  }
0xcc: {  	v56 =	vadd.f32 v57, v49;
	v57 =	vadd.f32 v58, v55  }
0xcd: {  	v32 =	vsub.f32 v32, v47  }
0xce: {  	v58 =	vsub.f32 v56, v63;
	v59 =	vsub.f32 v57, v48;
	_ =	sdelay $0x1  }
0xcf: {  	[tilespmem:s14+$0x1A580] =	vst v54;
	v47 =	vmul.f32 v58, v32;
	v49 =	vmul.f32 v59, v32  }
0xd0: {  	v54 =	vld.idx.msk [tilespmem:v18+s31+$0x0], $0xffff  }
0xd1: {  	v41 =	vcvt.s32.f32 v41;
	v60 =	vld.idx.msk [tilespmem:v20+s31+$0x0], $0xffff;
	v47 =	vadd.f32 v47, v63;
	v48 =	vadd.f32 v49, v48  }
0xd2: {  	v61 =	vld.idx.msk [tilespmem:v23+s31+$0x0], $0xffff  }
0xd3: {  	v30 =	vsub.f32 v30, v41;
	v50 =	vld.idx.msk [tilespmem:v21+s31+$0x0], $0xffff;
	v62 =	vsub.f32 v47, v48  }
0xd4: {  	v55 =	vld.idx.msk [tilespmem:v22+s31+$0x0], $0xffff  }
0xd5: {  	v56 =	vld.idx.msk [tilespmem:v17+s31+$0x0], $0xffff;
	v41 =	vmul.f32 v62, v30  }
0xd6: {  	v57 =	vld.idx.msk [tilespmem:v16+s31+$0x0], $0xffff  }
0xd7: {  	v33 =	vadd.f32 v52, v33;
	v63 =	vld.idx.msk [tilespmem:v14+s31+$0x0], $0xffff;
	v41 =	vadd.f32 v41, v48;
	_ =	sdelay $0x1  }
0xd8: {  	v43 =	vsub.f32 v43, v33;
	v49 =	vsub.f32 v61, v50;
	[tilespmem:s17+$0x1A580] =	vst v41  }
0xd9: {  	v60 =	vsub.f32 v60, v54;
	v59 =	vmul.f32 v51, v9;
	v52 =	vld.idx.msk [tilespmem:v31+s31+$0x0], $0xffff  }
0xda: {  	v61 =	vmul.f32 v43, v9;
	v49 =	vmul.f32 v49, v15;
	v51 =	vld.idx.msk [tilespmem:v36+s31+$0x0], $0xffff  }
0xdb: {  	v62 =	vsub.f32 v63, v57;
	v63 =	vsub.f32 v55, v56;
	v55 =	vmul.f32 v60, v15;
	v60 =	vld.idx.msk [tilespmem:v40+s31+$0x0], $0xffff  }
0xdc: {  	v49 =	vadd.f32 v49, v50;
	v50 =	vld.idx.msk [tilespmem:v27+s31+$0x0], $0xffff  }
0xdd: {  	v44 =	vadd.f32 v59, v44;
	v33 =	vadd.f32 v61, v33;
	v58 =	vmul.f32 v62, v15;
	v61 =	vld.idx.msk [tilespmem:v29+s31+$0x0], $0xffff  }
0xde: {  	v59 =	vmul.f32 v63, v15;
	v48 =	vadd.f32 v55, v54;
	v54 =	vld.idx.msk [tilespmem:v28+s31+$0x0], $0xffff  }
0xdf: {  	v33 =	vsub.f32 v33, v44;
	v41 =	vadd.f32 v58, v57;
	v62 =	vld.idx.msk [tilespmem:v26+s31+$0x0], $0xffff  }
0xe0: {  	v43 =	vadd.f32 v59, v56;
	v63 =	vld.idx.msk [tilespmem:v25+s31+$0x0], $0xffff  }
0xe1: {  	v33 =	vmul.f32 v33, v4;
	v49 =	vsub.f32 v49, v41  }
0xe2: {  	v48 =	vsub.f32 v48, v43  }
0xe3: {  	v33 =	vadd.f32 v33, v44;
	v49 =	vmul.f32 v49, v19  }
0xe4: {  	v48 =	vmul.f32 v48, v19;
	v57 =	vsub.f32 v52, v51;
	v58 =	vsub.f32 v61, v54  }
0xe5: {  	v59 =	vsub.f32 v62, v63;
	v47 =	vsub.f32 v60, v50  }
0xe6: {  	v41 =	vadd.f32 v49, v41;
	v43 =	vadd.f32 v48, v43  }
0xe7: {  	v44 =	vmul.f32 v57, v38;
	v48 =	vmul.f32 v58, v38  }
0xe8: {  	[tilespmem:s7+$0x1AD80] =	vst v33;
	v61 =	vmul.f32 v59, v38;
	v47 =	vmul.f32 v47, v38;
	v60 =	vsub.f32 v43, v41  }
0xe9: {  	v10 =	vld.idx.msk [tilespmem:v10+s3+$0x0], $0xffff;
	v44 =	vadd.f32 v44, v51;
	v48 =	vadd.f32 v48, v54  }
0xea: {  	v8 =	vld.idx.msk [tilespmem:v8+s3+$0x0], $0xffff;
	v43 =	vadd.f32 v61, v63;
	v47 =	vadd.f32 v47, v50  }
0xeb: {  	v7 =	vld.idx.msk [tilespmem:v7+s3+$0x0], $0xffff  }
0xec: {  	v11 =	vld.idx.msk [tilespmem:v11+s3+$0x0], $0xffff;
	v33 =	vmul.f32 v60, v24;
	v48 =	vsub.f32 v48, v43;
	v44 =	vsub.f32 v44, v47  }
0xed: {  	v13 =	vld.idx.msk [tilespmem:v13+s3+$0x0], $0xffff  }
0xee: {  	v12 =	vld.idx.msk [tilespmem:v12+s3+$0x0], $0xffff;
	v33 =	vadd.f32 v33, v41;
	v62 =	vmul.f32 v48, v32;
	v44 =	vmul.f32 v44, v32  }
0xef: {  	v3 =	vld.idx.msk [tilespmem:v3+s3+$0x0], $0xffff  }
0xf0: {  	v6 =	vld.idx.msk [tilespmem:v6+s3+$0x0], $0xffff;
	[tilespmem:s14+$0x1AD80] =	vst v33;
	v63 =	vadd.f32 v62, v43;
	v44 =	vadd.f32 v44, v47  }
0xf1: {  	v20 =	vld.idx.msk [tilespmem:v20+s3+$0x0], $0xffff  }
0xf2: {  	v22 =	vld.idx.msk [tilespmem:v22+s3+$0x0], $0xffff;
	v41 =	vsub.f32 v44, v63  }
0xf3: {  	v21 =	vld.idx.msk [tilespmem:v21+s3+$0x0], $0xffff  }
0xf4: {  	v37 =	vadd.f32 v46, v37;
	v23 =	vld.idx.msk [tilespmem:v23+s3+$0x0], $0xffff;
	v41 =	vmul.f32 v41, v30  }
0xf5: {  	v34 =	vadd.f32 v42, v34;
	v11 =	vsub.f32 v11, v7;
	v18 =	vld.idx.msk [tilespmem:v18+s3+$0x0], $0xffff  }
0xf6: {  	v8 =	vsub.f32 v8, v12;
	v17 =	vld.idx.msk [tilespmem:v17+s3+$0x0], $0xffff;
	v33 =	vadd.f32 v41, v63  }
0xf7: {  	v2 =	vmul.f32 v45, v2;
	v10 =	vsub.f32 v10, v13;
	v6 =	vsub.f32 v6, v3;
	v16 =	vld.idx.msk [tilespmem:v16+s3+$0x0], $0xffff  }
0xf8: {  	v11 =	vmul.f32 v11, v5;
	v8 =	vmul.f32 v8, v5;
	v14 =	vld.idx.msk [tilespmem:v14+s3+$0x0], $0xffff;
	[tilespmem:s17+$0x1AD80] =	vst v33  }
0xf9: {  	v2 =	vadd.f32 v2, v35;
	v10 =	vmul.f32 v10, v5;
	v5 =	vmul.f32 v6, v5;
	v6 =	vld.idx.msk [tilespmem:v31+s3+$0x0], $0xffff  }
0xfa: {  	v7 =	vadd.f32 v11, v7;
	v8 =	vadd.f32 v8, v12;
	v11 =	vld.idx.msk [tilespmem:v40+s3+$0x0], $0xffff  }
0xfb: {  	v10 =	vadd.f32 v10, v13;
	v3 =	vadd.f32 v5, v3;
	v5 =	vld.idx.msk [tilespmem:v28+s3+$0x0], $0xffff  }
0xfc: {  	v12 =	vsub.f32 v34, v37;
	v13 =	vsub.f32 v39, v2;
	v28 =	vld.idx.msk [tilespmem:v29+s3+$0x0], $0xffff  }
0xfd: {  	v10 =	vsub.f32 v10, v8;
	v7 =	vsub.f32 v7, v3;
	v29 =	vld.idx.msk [tilespmem:v36+s3+$0x0], $0xffff  }
0xfe: {  	v12 =	vmul.f32 v12, v1;
	v1 =	vmul.f32 v13, v1;
	v13 =	vsub.f32 v23, v21;
	v23 =	vld.idx.msk [tilespmem:v27+s3+$0x0], $0xffff  }
0xff: {  	v10 =	vmul.f32 v10, v9;
	v7 =	vmul.f32 v7, v9;
	v9 =	vsub.f32 v22, v17;
	v22 =	vld.idx.msk [tilespmem:v25+s3+$0x0], $0xffff  }
0x100: {  	v12 =	vadd.f32 v12, v37;
	v1 =	vadd.f32 v1, v2;
	v2 =	vmul.f32 v13, v15;
	v13 =	vld.idx.msk [tilespmem:v26+s3+$0x0], $0xffff  }
0x101: {  	v8 =	vadd.f32 v10, v8;
	v3 =	vadd.f32 v7, v3;
	v7 =	vmul.f32 v9, v15  }
0x102: {  	v10 =	vsub.f32 v14, v16;
	v9 =	vsub.f32 v20, v18  }
0x103: {  	v2 =	vadd.f32 v2, v21;
	v7 =	vadd.f32 v7, v17  }
0x104: {  	v10 =	vmul.f32 v10, v15;
	v14 =	vsub.f32 v28, v5;
	v11 =	vsub.f32 v11, v23  }
0x105: {  	v9 =	vmul.f32 v9, v15;
	v6 =	vsub.f32 v6, v29;
	v13 =	vsub.f32 v13, v22  }
0x106: {  	v10 =	vadd.f32 v10, v16;
	v14 =	vmul.f32 v14, v38;
	v11 =	vmul.f32 v11, v38  }
0x107: {  	v9 =	vadd.f32 v9, v18;
	v6 =	vmul.f32 v6, v38;
	v13 =	vmul.f32 v13, v38  }
0x108: {  	v5 =	vadd.f32 v14, v5;
	v11 =	vadd.f32 v11, v23  }
0x109: {  	v6 =	vadd.f32 v6, v29;
	v13 =	vadd.f32 v13, v22  }
0x10a: {  	v2 =	vsub.f32 v2, v10;
	v9 =	vsub.f32 v9, v7  }
0x10b: {  	v6 =	vsub.f32 v6, v11;
	v5 =	vsub.f32 v5, v13  }
0x10c: {  	v12 =	vsub.f32 v12, v1;
	v2 =	vmul.f32 v2, v19;
	v9 =	vmul.f32 v9, v19  }
0x10d: {  	v8 =	vsub.f32 v8, v3;
	v6 =	vmul.f32 v6, v32;
	v5 =	vmul.f32 v5, v32  }
0x10e: {  	s19 =	smul.u32 $0x3, s18;
	v2 =	vadd.f32 v2, v10;
	v7 =	vadd.f32 v9, v7  }
0x10f: {  	v6 =	vadd.f32 v6, v11;
	v5 =	vadd.f32 v5, v13  }
0x110: {  	s8 =	sadd.s32 s2, s19;
	v0 =	vmul.f32 v12, v0;
	v7 =	vsub.f32 v7, v2  }
0x111: {  	s9 =	sshrl.u32 s8, $0x7;
	v4 =	vmul.f32 v8, v4;
	v6 =	vsub.f32 v6, v5  }
0x112: {  	s8 =	sshll.u32 s8, $0xB;
	s9 =	smul.u32 $0xC0000, s9;
	v0 =	vadd.f32 v0, v1;
	v1 =	vmul.f32 v7, v24  }
0x113: {  	s15 =	sshll.u32 s18, $0xB;
	s8 =	sand.u32 $0x3F000, s8;
	v3 =	vadd.f32 v4, v3;
	v4 =	vmul.f32 v6, v30  }
0x114: {  	s8 =	sor.u32 s8, s9;
	[tilespmem:s20+$0x1B580] =	vst v0;
	s20 =	sand.u32 $0x800, s15;
	v0 =	vadd.f32 v1, v2  }
0x115: {  	s15 =	sor.u32 s20, s8;
	[tilespmem:s7+$0x1B580] =	vst v3;
	v1 =	vadd.f32 v4, v5  }
0x116: {  	s7 =	sshrl.u32 s15, $0x3;
	[tilespmem:s14+$0x1B580] =	vst v0  }
0x117: {  	s16 =	simm.s32 $0x1A580;
	s7 =	sadd.s32 s5, s7;
	[tilespmem:s17+$0x1B580] =	vst v1  }
0x118: {  	[hbm4b:s7+s6] =	stream.linear.scatter [tilespmem:s16], [sflag:$0x4], $0x800, $0x38;
	[tilespmem:$0x1ED80] =	vst v63  }
0x119: {  	s21 =	simm.s32 $0x1AD80;
	s17 =	sadd.s32 $0x8000, s7  }
0x11a: {  	[hbm4b:s17+s6] =	stream.linear.scatter [tilespmem:s21], [sflag:$0x4], $0x800, $0x38;
	[tilespmem:$0x1ED80] =	vst v63  }
0x11b: {  	p0 =	seq.s32 s18, $0x0;
	s7 =	sadd.s32 $0x10000, s7  }
0x11c: {  	[hbm4b:s7+s6] =	stream.linear.scatter [tilespmem:s26], [sflag:$0x4], $0x800, $0x38;
	[tilespmem:$0x1ED80] =	vst v63  }
0x11d: {  	s7 =	simm.s32 @!p0 $0x6  }
0x11e: {  	_ =	swait.ge @!p0 [sflag:s7], $0x800  }
0x11f: {  	[sflag:s7] =	ssyncset.done @!p0 $0x0;
	s22 =	rddreg [dreg:$0xc]  }
0x120: {  	s8 =	sadd.s32 s19, s22;
	[sflag:s7] =	ssyncadd.s32 @!p0 $0xFFFFF800  }
0x121: {  	s23 =	sshrl.u32 s8, $0x7;
	_ =	swait.ge @!p0 [sflag:s7], $0x800  }
0x122: {  	s8 =	sshll.u32 s8, $0xB;
	s9 =	smul.u32 $0xC0000, s23;
	[sflag:s7] =	ssyncset.done @!p0 $0x0  }
0x123: {  	s8 =	sand.u32 $0x3F000, s8;
	[sflag:s7] =	ssyncadd.s32 @!p0 $0xFFFFF800  }
0x124: {  	s8 =	sor.u32 s8, s9;
	_ =	swait.ge @!p0 [sflag:s7], $0x800  }
0x125: {  	s8 =	sor.u32 s20, s8;
	[sflag:s7] =	ssyncset.done @!p0 $0x0  }
0x126: {  	s21 =	sshrl.u32 s8, $0x3;
	[sflag:s7] =	ssyncadd.s32 @!p0 $0xFFFFF800  }
0x127: {  	s8 =	simm.s32 $0x0;
	s9 =	sadd.s32 s1, s21;
	s22 =	sadd.s32 $0x8000, s21  }
0x128: {  	[tilespmem:s24], [sflag:$0x3] =	stream.linear.gather [hbm4b:s9+s8], $0x800, $0x38;
	[tilespmem:$0x1ED80] =	vst v63  }
0x129: {  	s23 =	sadd.s32 $0x10000, s21;
	s10 =	sadd.s32 s1, s22  }
0x12a: {  	[tilespmem:s25], [sflag:$0x3] =	stream.linear.gather [hbm4b:s10+s8], $0x800, $0x38;
	[tilespmem:$0x1ED80] =	vst v63  }
0x12b: {  	s15 =	simm.s32 $0x1E580;
	s14 =	sadd.s32 s1, s23  }
0x12c: {  	[tilespmem:s15], [sflag:$0x3] =	stream.linear.gather [hbm4b:s14+s8], $0x800, $0x38;
	[tilespmem:$0x1ED80] =	vst v63  }
0x12d: {  	_ =	swait.ge [sflag:s11], $0x800  }
0x12e: {  	[sflag:s11] =	ssyncset.done $0x0  }
0x12f: {  	[sflag:s11] =	ssyncadd.s32 $0xFFFFF800  }
0x130: {  	_ =	swait.ge [sflag:s11], $0x800  }
0x131: {  	[sflag:s11] =	ssyncset.done $0x0  }
0x132: {  	[sflag:s11] =	ssyncadd.s32 $0xFFFFF800  }
0x133: {  	s16 =	sand.u32 $0x400, s8;
	s17 =	sand.u32 $0x380, s8;
	_ =	swait.ge [sflag:s11], $0x800  }
0x134: {  	s7 =	sor.u32 s17, s16;
	s8 =	sand.u32 $0x70, s8;
	[sflag:s11] =	ssyncset.done $0x0  }
0x135: {  	s7 =	sor.u32 s8, s7;
	[sflag:s11] =	ssyncadd.s32 $0xFFFFF800  }
0x136: {  	v0 =	vld [tilespmem:s7+$0x1C580]  }
0x137: {  	v1 =	vld [tilespmem:s7+$0x1CD80]  }
0x138: {  	v2 =	vld [tilespmem:s7+$0x1BD80];
	_ =	sdelay $0x2  }
0x139: {  	v0 =	vmul.f32 $3.200000000e+01, v0  }
0x13a: {  	v4 =	vmul.f32 $3.200000000e+01, v1  }
0x13b: {  	v1 =	vmul.f32 $3.200000000e+01, v2;
	v2 =	vtrunc.f32 v0  }
0x13c: {  	v3 =	vtrunc.f32 v4;
	v2 =	vcvt.f32.s32 v2  }
0x13d: {  	v5 =	vcvt.f32.s32 v3;
	v3 =	vtrunc.f32 v1  }
0x13e: {  	v3 =	vcvt.f32.s32 v3;
	v6 =	vmul.u32 $0x21, v2  }
0x13f: {  	s24 =	simm.s32 $0x8;
	s25 =	simm.s32 $0x80;
	v7 =	vmul.u32 $0x441, v5  }
0x140: {  	s10 =	simm.s32 $0x10;
	s9 =	sand.u32 $0x400, s25;
	s8 =	sand.u32 $0x380, s24;
	v6 =	vadd.s32 v3, v6  }
0x141: {  	s14 =	sand.u32 $0x70, s10;
	s8 =	sor.u32 s8, s9;
	v27 =	vadd.s32 v7, v6  }
0x142: {  	s14 =	sor.u32 s14, s8;
	v26 =	vadd.s32 $0x1, v27  }
0x143: {  	v10 =	vld [tilespmem:s14+$0x1C580];
	v25 =	vadd.s32 $0x462, v27  }
0x144: {  	v11 =	vld [tilespmem:s14+$0x1CD80];
	v29 =	vadd.s32 $0x21, v27  }
0x145: {  	v12 =	vld [tilespmem:s14+$0x1BD80];
	v28 =	vadd.s32 $0x441, v27  }
0x146: {  	v24 =	vadd.s32 $0x463, v27;
	v6 =	vld.idx.msk [tilespmem:v27+s6+$0x0], $0xffff  }
0x147: {  	v31 =	vadd.s32 $0x442, v27;
	v7 =	vld.idx.msk [tilespmem:v26+s6+$0x0], $0xffff  }
0x148: {  	v34 =	vadd.s32 $0x22, v27;
	v8 =	vld.idx.msk [tilespmem:v25+s6+$0x0], $0xffff  }
0x149: {  	v9 =	vld.idx.msk [tilespmem:v29+s6+$0x0], $0xffff  }
0x14a: {  	v13 =	vld.idx.msk [tilespmem:v28+s6+$0x0], $0xffff  }
0x14b: {  	v16 =	vmul.f32 $3.200000000e+01, v10;
	v14 =	vld.idx.msk [tilespmem:v24+s6+$0x0], $0xffff  }
0x14c: {  	v18 =	vmul.f32 $3.200000000e+01, v11;
	v15 =	vld.idx.msk [tilespmem:v31+s6+$0x0], $0xffff  }
0x14d: {  	v11 =	vtrunc.f32 v16;
	v3 =	vcvt.s32.f32 v3;
	v17 =	vld.idx.msk [tilespmem:v34+s6+$0x0], $0xffff  }
0x14e: {  	v19 =	vmul.f32 $3.200000000e+01, v12;
	v20 =	vcvt.f32.s32 v11  }
0x14f: {  	v10 =	vcvt.s32.f32 v2;
	v2 =	vsub.f32 v1, v3;
	v1 =	vtrunc.f32 v18  }
0x150: {  	v11 =	vmul.u32 $0x21, v20;
	v21 =	vcvt.f32.s32 v1;
	v1 =	vtrunc.f32 v19  }
0x151: {  	v3 =	vsub.f32 v7, v6;
	v7 =	vsub.f32 v15, v13;
	v15 =	vcvt.f32.s32 v1  }
0x152: {  	v1 =	vsub.f32 v14, v8;
	v12 =	vsub.f32 v17, v9;
	v14 =	vmul.u32 $0x441, v21  }
0x153: {  	v17 =	vmul.f32 v3, v2;
	v7 =	vmul.f32 v7, v2;
	v3 =	vadd.s32 v15, v11  }
0x154: {  	s16 =	simm.s32 $0x100;
	s15 =	simm.s32 $0x10;
	v1 =	vmul.f32 v1, v2;
	v11 =	vmul.f32 v12, v2;
	v3 =	vadd.s32 v14, v3  }
0x155: {  	s17 =	simm.s32 $0x20;
	s9 =	sand.u32 $0x400, s16;
	s8 =	sand.u32 $0x380, s15;
	v14 =	vadd.f32 v17, v6;
	v17 =	vadd.f32 v7, v13;
	v6 =	vadd.s32 $0x1, v3  }
0x156: {  	s15 =	sand.u32 $0x70, s17;
	s8 =	sor.u32 s8, s9;
	v8 =	vadd.f32 v1, v8;
	v9 =	vadd.f32 v11, v9;
	v13 =	vadd.s32 $0x462, v3  }
0x157: {  	s17 =	sor.u32 s15, s8;
	v1 =	vsub.f32 v0, v10;
	v12 =	vadd.s32 $0x441, v3  }
0x158: {  	v49 =	vld [tilespmem:s17+$0x1C580];
	v10 =	vadd.s32 $0x463, v3;
	v0 =	vsub.f32 v8, v17;
	v9 =	vsub.f32 v9, v14  }
0x159: {  	v7 =	vadd.s32 $0x21, v3;
	v22 =	vld.idx.msk [tilespmem:v3+s6+$0x0], $0xffff  }
0x15a: {  	v8 =	vadd.s32 $0x442, v3;
	v0 =	vmul.f32 v0, v1;
	v9 =	vmul.f32 v9, v1;
	v23 =	vld.idx.msk [tilespmem:v6+s6+$0x0], $0xffff  }
0x15b: {  	v11 =	vadd.s32 $0x22, v3;
	v30 =	vld.idx.msk [tilespmem:v13+s6+$0x0], $0xffff  }
0x15c: {  	v5 =	vcvt.s32.f32 v5;
	v47 =	vld.idx.msk [tilespmem:v12+s6+$0x0], $0xffff;
	v17 =	vadd.f32 v0, v17;
	v9 =	vadd.f32 v9, v14  }
0x15d: {  	v48 =	vld.idx.msk [tilespmem:v10+s6+$0x0], $0xffff  }
0x15e: {  	v14 =	vld.idx.msk [tilespmem:v7+s6+$0x0], $0xffff;
	v0 =	vsub.f32 v4, v5;
	v4 =	vsub.f32 v17, v9  }
0x15f: {  	v5 =	vcvt.s32.f32 v15;
	v17 =	vld.idx.msk [tilespmem:v8+s6+$0x0], $0xffff  }
0x160: {  	v15 =	vld.idx.msk [tilespmem:v11+s6+$0x0], $0xffff;
	v4 =	vmul.f32 v4, v0  }
0x161: {  	v5 =	vsub.f32 v19, v5;
	v19 =	vsub.f32 v23, v22;
	v23 =	vld [tilespmem:s17+$0x1BD80]  }
0x162: {  	v4 =	vadd.f32 v4, v9;
	v9 =	vld [tilespmem:s17+$0x1CD80]  }
0x163: {  	v33 =	vsub.f32 v48, v30  }
0x164: {  	v35 =	vmul.f32 $3.200000000e+01, v49;
	v17 =	vsub.f32 v17, v47  }
0x165: {  	v20 =	vcvt.s32.f32 v20;
	v33 =	vmul.f32 v33, v5  }
0x166: {  	v15 =	vsub.f32 v15, v14;
	[tilespmem:s7+$0x1BD80] =	vst v4;
	v4 =	vmul.f32 v19, v5;
	v17 =	vmul.f32 v17, v5  }
0x167: {  	v38 =	vmul.f32 $3.200000000e+01, v23;
	v37 =	vmul.f32 $3.200000000e+01, v9  }
0x168: {  	v19 =	vld.idx.msk [tilespmem:v24+s31+$0x0], $0xffff;
	v9 =	vmul.f32 v15, v5;
	v15 =	vadd.f32 v4, v22;
	v4 =	vtrunc.f32 v35  }
0x169: {  	v50 =	vld.idx.msk [tilespmem:v25+s31+$0x0], $0xffff;
	v17 =	vadd.f32 v17, v47;
	v39 =	vcvt.f32.s32 v4;
	v23 =	vtrunc.f32 v37  }
0x16a: {  	v51 =	vld.idx.msk [tilespmem:v28+s31+$0x0], $0xffff;
	v4 =	vadd.f32 v33, v30;
	v52 =	vcvt.f32.s32 v23;
	v23 =	vtrunc.f32 v38  }
0x16b: {  	v53 =	vld.idx.msk [tilespmem:v29+s31+$0x0], $0xffff;
	v14 =	vadd.f32 v9, v14;
	v54 =	vmul.u32 $0x21, v39;
	v55 =	vcvt.f32.s32 v23  }
0x16c: {  	v56 =	vld.idx.msk [tilespmem:v27+s31+$0x0], $0xffff;
	v9 =	vsub.f32 v16, v20;
	v16 =	vmul.u32 $0x441, v52  }
0x16d: {  	v22 =	vld.idx.msk [tilespmem:v31+s31+$0x0], $0xffff;
	v4 =	vsub.f32 v4, v17;
	v14 =	vsub.f32 v14, v15;
	v23 =	vadd.s32 v55, v54  }
0x16e: {  	s16 =	simm.s32 $0x18;
	s8 =	simm.s32 $0x180;
	v21 =	vcvt.s32.f32 v21;
	v30 =	vld.idx.msk [tilespmem:v34+s31+$0x0], $0xffff;
	v16 =	vadd.s32 v16, v23  }
0x16f: {  	s24 =	simm.s32 $0x30;
	s10 =	sand.u32 $0x380, s16;
	s25 =	sand.u32 $0x400, s8;
	v20 =	vld.idx.msk [tilespmem:v26+s31+$0x0], $0xffff;
	v57 =	vmul.f32 v4, v9;
	v23 =	vmul.f32 v14, v9;
	v14 =	vadd.s32 $0x1, v16  }
0x170: {  	s9 =	sand.u32 $0x70, s24;
	s10 =	sor.u32 s10, s25;
	v4 =	vsub.f32 v18, v21;
	v18 =	vadd.s32 $0x462, v16  }
0x171: {  	s15 =	sor.u32 s9, s10;
	v19 =	vsub.f32 v19, v50;
	v21 =	vadd.f32 v57, v17;
	v17 =	vadd.s32 $0x441, v16  }
0x172: {  	v58 =	vsub.f32 v22, v51;
	v57 =	vld [tilespmem:s15+$0x1C580];
	v22 =	vadd.s32 $0x442, v16  }
0x173: {  	v19 =	vmul.f32 v19, v2;
	v15 =	vadd.f32 v23, v15;
	v45 =	vld.idx.msk [tilespmem:v16+s6+$0x0], $0xffff  }
0x174: {  	v30 =	vsub.f32 v30, v53;
	v23 =	vsub.f32 v20, v56;
	v20 =	vadd.s32 $0x463, v16;
	v61 =	vld.idx.msk [tilespmem:v14+s6+$0x0], $0xffff  }
0x175: {  	v41 =	vmul.f32 v58, v2;
	v59 =	vsub.f32 v21, v15;
	v21 =	vadd.s32 $0x21, v16;
	v40 =	vld.idx.msk [tilespmem:v18+s6+$0x0], $0xffff  }
0x176: {  	v30 =	vmul.f32 v30, v2;
	v60 =	vmul.f32 v23, v2;
	v23 =	vadd.s32 $0x22, v16;
	v63 =	vld.idx.msk [tilespmem:v17+s6+$0x0], $0xffff  }
0x177: {  	v19 =	vadd.f32 v19, v50;
	v32 =	vadd.f32 v41, v51;
	v62 =	vmul.f32 v59, v4;
	v54 =	vld.idx.msk [tilespmem:v22+s6+$0x0], $0xffff  }
0x178: {  	v30 =	vadd.f32 v30, v53;
	v43 =	vadd.f32 v60, v56;
	v59 =	vld [tilespmem:s15+$0x1BD80]  }
0x179: {  	v19 =	vsub.f32 v19, v32;
	v53 =	vld.idx.msk [tilespmem:v20+s6+$0x0], $0xffff;
	v15 =	vadd.f32 v62, v15  }
0x17a: {  	v30 =	vsub.f32 v30, v43;
	v46 =	vld.idx.msk [tilespmem:v21+s6+$0x0], $0xffff  }
0x17b: {  	v42 =	vcvt.s32.f32 v55;
	v19 =	vmul.f32 v19, v1;
	v55 =	vld.idx.msk [tilespmem:v23+s6+$0x0], $0xffff;
	[tilespmem:s14+$0x1BD80] =	vst v15  }
0x17c: {  	v30 =	vmul.f32 v30, v1;
	v48 =	vld.idx.msk [tilespmem:v10+s31+$0x0], $0xffff  }
0x17d: {  	v19 =	vadd.f32 v19, v32;
	v15 =	vsub.f32 v38, v42;
	v47 =	vld.idx.msk [tilespmem:v13+s31+$0x0], $0xffff  }
0x17e: {  	v50 =	vcvt.s32.f32 v52;
	v56 =	vsub.f32 v54, v63;
	v52 =	vld.idx.msk [tilespmem:v8+s31+$0x0], $0xffff;
	v42 =	vadd.f32 v30, v43  }
0x17f: {  	v58 =	vsub.f32 v61, v45;
	v33 =	vld.idx.msk [tilespmem:v12+s31+$0x0], $0xffff;
	v36 =	vsub.f32 v53, v40  }
0x180: {  	v39 =	vcvt.s32.f32 v39;
	v30 =	vld [tilespmem:s15+$0x1CD80];
	v32 =	vmul.f32 v56, v15;
	v19 =	vsub.f32 v19, v42  }
0x181: {  	v60 =	vmul.f32 v58, v15;
	v36 =	vmul.f32 v36, v15;
	v38 =	vsub.f32 v55, v46  }
0x182: {  	v61 =	vadd.f32 v32, v63;
	v32 =	vmul.f32 $3.200000000e+01, v57;
	v62 =	vmul.f32 v19, v0  }
0x183: {  	v36 =	vadd.f32 v36, v40;
	v19 =	vsub.f32 v35, v39;
	v55 =	vmul.f32 v38, v15  }
0x184: {  	v49 =	vld.idx.msk [tilespmem:v3+s31+$0x0], $0xffff;
	v38 =	vmul.f32 $3.200000000e+01, v59;
	v48 =	vsub.f32 v48, v47;
	v52 =	vsub.f32 v52, v33  }
0x185: {  	v63 =	vld.idx.msk [tilespmem:v11+s31+$0x0], $0xffff;
	v30 =	vmul.f32 $3.200000000e+01, v30;
	v56 =	vtrunc.f32 v32;
	v54 =	vadd.f32 v62, v42  }
0x186: {  	v39 =	vld.idx.msk [tilespmem:v7+s31+$0x0], $0xffff;
	v36 =	vsub.f32 v36, v61;
	v40 =	vcvt.f32.s32 v56;
	v59 =	vmul.f32 v48, v5  }
0x187: {  	v45 =	vadd.f32 v60, v45;
	v42 =	vld.idx.msk [tilespmem:v6+s31+$0x0], $0xffff;
	v52 =	vmul.f32 v52, v5;
	v57 =	vtrunc.f32 v30;
	[tilespmem:s7+$0x1C580] =	vst v54  }
0x188: {  	v58 =	vadd.f32 v55, v46;
	v36 =	vmul.f32 v36, v19;
	v41 =	vcvt.f32.s32 v57;
	v53 =	vld.idx.msk [tilespmem:v24+s3+$0x0], $0xffff  }
0x189: {  	v60 =	vmul.u32 $0x21, v40;
	v43 =	vadd.f32 v59, v47;
	v24 =	vsub.f32 v37, v50;
	v54 =	vld.idx.msk [tilespmem:v29+s3+$0x0], $0xffff  }
0x18a: {  	v29 =	vtrunc.f32 v38;
	v62 =	vld.idx.msk [tilespmem:v34+s3+$0x0], $0xffff;
	v50 =	vadd.f32 v36, v61;
	v61 =	vsub.f32 v58, v45  }
0x18b: {  	v47 =	vcvt.s32.f32 v40;
	v35 =	vsub.f32 v63, v39;
	v63 =	vld.idx.msk [tilespmem:v31+s3+$0x0], $0xffff;
	v29 =	vcvt.f32.s32 v29  }
0x18c: {  	v34 =	vld.idx.msk [tilespmem:v25+s3+$0x0], $0xffff;
	v51 =	vmul.u32 $0x441, v41;
	v42 =	vsub.f32 v42, v49;
	v31 =	vmul.f32 v61, v19  }
0x18d: {  	v37 =	vld.idx.msk [tilespmem:v28+s3+$0x0], $0xffff;
	v48 =	vcvt.s32.f32 v29;
	v25 =	vadd.s32 v29, v60;
	v29 =	vmul.f32 v35, v5  }
0x18e: {  	v35 =	vld.idx.msk [tilespmem:v27+s3+$0x0], $0xffff;
	v25 =	vadd.s32 v51, v25;
	v42 =	vmul.f32 v42, v5;
	v56 =	vadd.f32 v31, v45  }
0x18f: {  	v28 =	vadd.s32 $0x21, v25;
	v27 =	vadd.s32 $0x441, v25;
	v45 =	vld.idx.msk [tilespmem:v26+s3+$0x0], $0xffff;
	v26 =	vadd.s32 $0x1, v25  }
0x190: {  	v39 =	vadd.f32 v29, v39;
	v60 =	vsub.f32 v62, v54;
	v36 =	vadd.s32 $0x462, v25  }
0x191: {  	v31 =	vadd.s32 $0x463, v25;
	v44 =	vadd.f32 v42, v49;
	v61 =	vsub.f32 v50, v56  }
0x192: {  	v62 =	vsub.f32 v53, v34;
	v63 =	vsub.f32 v63, v37;
	v46 =	vmul.f32 v60, v2  }
0x193: {  	v40 =	vadd.s32 $0x442, v25;
	v51 =	vsub.f32 v39, v44;
	v50 =	vld.idx.msk [tilespmem:v25+s6+$0x0], $0xffff;
	v42 =	vmul.f32 v61, v24  }
0x194: {  	v39 =	vadd.f32 v46, v54;
	v46 =	vmul.f32 v63, v2;
	v53 =	vld.idx.msk [tilespmem:v26+s6+$0x0], $0xffff;
	v45 =	vsub.f32 v45, v35  }
0x195: {  	s9 =	simm.s32 $0x40;
	v29 =	vadd.s32 $0x22, v25;
	v49 =	vld.idx.msk [tilespmem:v36+s6+$0x0], $0xffff;
	v54 =	vadd.f32 v42, v56;
	v42 =	vmul.f32 v62, v2  }
.LBB2_5:
0x196: {  	p0 =	sne.s32 s9, $0x7F0;
	v55 =	vld.idx.msk [tilespmem:v28+s6+$0x0], $0xffff;
	v51 =	vmul.f32 v51, v9;
	v56 =	vmul.f32 v45, v2;
	v37 =	vadd.f32 v46, v37;
	s10 =	smov.u32 s9;
	s9 =	sadd.s32 $0x10, s9  }
0x197: {  	v45 =	vcvt.s32.f32 v41;
	v41 =	vld.idx.msk [tilespmem:v27+s6+$0x0], $0xffff;
	[tilespmem:s17+$0x1BD80] =	vst v54;
	v33 =	vadd.f32 v52, v33;
	v34 =	vadd.f32 v42, v34  }
0x198: {  	v2 =	vmovc v5;
	v5 =	vmov v15;
	v15 =	vsub.f32 v38, v48;
	v46 =	vld.idx.msk [tilespmem:v31+s6+$0x0], $0xffff;
	v35 =	vadd.f32 v56, v35  }
0x199: {  	v42 =	vmovc v36;
	v36 =	vmov v22;
	v38 =	vld.idx.msk [tilespmem:v40+s6+$0x0], $0xffff;
	v43 =	vsub.f32 v43, v33;
	v34 =	vsub.f32 v34, v37  }
0x19a: {  	v22 =	vmov v40;
	v48 =	vsub.f32 v53, v50;
	v39 =	vsub.f32 v39, v35  }
0x19b: {  	s16 =	sadd.s32 $0x8, s16;
	s8 =	sadd.s32 $0x80, s8;
	v40 =	vmul.f32 v43, v9;
	v34 =	vmul.f32 v34, v1  }
0x19c: {  	s24 =	sand.u32 $0x400, s8;
	s25 =	sand.u32 $0x380, s16;
	v44 =	vadd.f32 v51, v44;
	v43 =	vmul.f32 v48, v15;
	v48 =	vld.idx.msk [tilespmem:v20+s31+$0x0], $0xffff;
	v39 =	vmul.f32 v39, v1  }
0x19d: {  	s10 =	sand.u32 $0x70, s10;
	s24 =	sor.u32 s25, s24;
	v1 =	vmovc v9;
	v9 =	vmov v19;
	v51 =	vld.idx.msk [tilespmem:v29+s6+$0x0], $0xffff;
	v33 =	vadd.f32 v40, v33;
	v34 =	vadd.f32 v34, v37  }
0x19e: {  	s10 =	sor.u32 s10, s24;
	v40 =	vadd.f32 v43, v50;
	v37 =	vld.idx.msk [tilespmem:v18+s31+$0x0], $0xffff;
	v35 =	vadd.f32 v39, v35  }
0x19f: {  	v19 =	vsub.f32 v38, v41;
	v39 =	vld [tilespmem:s10+$0x1CD80];
	v38 =	vsub.f32 v33, v44  }
0x1a0: {  	v33 =	vsub.f32 v46, v49;
	v43 =	vld [tilespmem:s10+$0x1C580];
	v34 =	vsub.f32 v34, v35  }
0x1a1: {  	v46 =	vmul.f32 v19, v15;
	v52 =	vld.idx.msk [tilespmem:v36+s31+$0x0], $0xffff  }
0x1a2: {  	v19 =	vsub.f32 v32, v47;
	v32 =	vmul.f32 v33, v15;
	v50 =	vld [tilespmem:s10+$0x1BD80];
	v34 =	vmul.f32 v34, v0;
	v0 =	vmovc v4  }
0x1a3: {  	v47 =	vsub.f32 v51, v55;
	v46 =	vadd.f32 v46, v41;
	v33 =	vld.idx.msk [tilespmem:v17+s31+$0x0], $0xffff;
	v38 =	vmul.f32 v38, v0  }
0x1a4: {  	v4 =	vmov v24;
	v41 =	vadd.f32 v32, v49;
	v49 =	vld.idx.msk [tilespmem:v23+s31+$0x0], $0xffff;
	v34 =	vadd.f32 v34, v35  }
0x1a5: {  	v35 =	vmul.f32 $3.200000000e+01, v39;
	v32 =	vmul.f32 $3.200000000e+01, v43;
	v39 =	vld.idx.msk [tilespmem:v21+s31+$0x0], $0xffff;
	v24 =	vadd.f32 v38, v44  }
0x1a6: {  	v43 =	vmul.f32 v47, v15;
	v41 =	vsub.f32 v41, v46;
	v44 =	vld.idx.msk [tilespmem:v14+s31+$0x0], $0xffff;
	[tilespmem:s7+$0x1CD80] =	vst v34;
	s7 =	smov.u32 s14;
	s14 =	smov.u32 s17;
	s17 =	smov.u32 s15  }
0x1a7: {  	v48 =	vsub.f32 v48, v37;
	s15 =	smov.u32 s10;
	v38 =	vmul.f32 $3.200000000e+01, v50;
	v34 =	vtrunc.f32 v32;
	v47 =	vld.idx.msk [tilespmem:v16+s31+$0x0], $0xffff;
	[tilespmem:s7+$0x1C580] =	vst v24  }
0x1a8: {  	v24 =	vtrunc.f32 v35;
	v50 =	vmul.f32 v41, v19;
	v51 =	vld.idx.msk [tilespmem:v10+s3+$0x0], $0xffff;
	v10 =	vmovc v20;
	v20 =	vmov v31  }
0x1a9: {  	v53 =	vcvt.f32.s32 v34;
	v31 =	vadd.f32 v43, v55;
	v43 =	vmul.f32 v48, v5;
	v54 =	vld.idx.msk [tilespmem:v8+s3+$0x0], $0xffff;
	v8 =	vmovc v36  }
0x1aa: {  	v41 =	vcvt.f32.s32 v24;
	v24 =	vsub.f32 v30, v45;
	v30 =	vmovc v35;
	v45 =	vadd.f32 v50, v46;
	v46 =	vld.idx.msk [tilespmem:v7+s3+$0x0], $0xffff  }
0x1ab: {  	v34 =	vtrunc.f32 v38;
	v35 =	vmul.u32 $0x21, v53;
	v31 =	vsub.f32 v31, v40;
	v7 =	vmovc v21;
	v21 =	vmovc v28;
	v36 =	vld.idx.msk [tilespmem:v11+s3+$0x0], $0xffff  }
0x1ac: {  	v28 =	vcvt.f32.s32 v34;
	v50 =	vmul.u32 $0x441, v41;
	v49 =	vsub.f32 v49, v39;
	v11 =	vmovc v23;
	v23 =	vmovc v29;
	v34 =	vld.idx.msk [tilespmem:v13+s3+$0x0], $0xffff  }
0x1ad: {  	v43 =	vadd.f32 v43, v37;
	v13 =	vmul.f32 v31, v19;
	v29 =	vsub.f32 v44, v47;
	v37 =	vld.idx.msk [tilespmem:v12+s3+$0x0], $0xffff  }
0x1ae: {  	v48 =	vcvt.s32.f32 v28;
	v31 =	vmul.f32 v49, v5;
	v12 =	vadd.s32 v28, v35;
	v35 =	vld.idx.msk [tilespmem:v3+s3+$0x0], $0xffff;
	v3 =	vmovc v16  }
0x1af: {  	v44 =	vadd.s32 v50, v12;
	v55 =	vadd.f32 v13, v40;
	v13 =	vmul.f32 v29, v5;
	v49 =	vld.idx.msk [tilespmem:v6+s3+$0x0], $0xffff  }
0x1b0: {  	v39 =	vadd.f32 v31, v39;
	v16 =	vmovc v25;
	v28 =	vadd.s32 $0x21, v44;
	v50 =	vadd.s32 $0x441, v44;
	v25 =	vmovc v44  }
0x1b1: {  	v56 =	vadd.s32 $0x1, v25;
	v29 =	vadd.s32 $0x22, v25;
	v40 =	vsub.f32 v36, v46;
	v12 =	vmovc v17;
	v17 =	vmovc v27  }
0x1b2: {  	v6 =	vmovc v14;
	v36 =	vadd.s32 $0x462, v25;
	v31 =	vadd.s32 $0x463, v25;
	v44 =	vadd.f32 v13, v47;
	v27 =	vmovc v50  }
.Ltmp1:
0x1b3: {  	v14 =	vmovc v26;
	v45 =	vsub.f32 v45, v55;
	v57 =	vsub.f32 v51, v34;
	v40 =	vmul.f32 v40, v2;
	(pc) =	sbr.rel @p0 .LBB2_5-.Ltmp1, $4  }
0x1b4: {  	v47 =	vcvt.s32.f32 v53;
	v26 =	vmovc v56;
	v51 =	vsub.f32 v39, v44;
	v54 =	vsub.f32 v54, v37;
	v13 =	vmovc v18  }
0x1b5: {  	v52 =	vsub.f32 v52, v33;
	v58 =	vmul.f32 v45, v24;
	v39 =	vadd.f32 v40, v46;
	v50 =	vld.idx.msk [tilespmem:v25+s6+$0x0], $0xffff  }
0x1b6: {  	v18 =	vmovc v42;
	v40 =	vadd.s32 $0x442, v25;
	v45 =	vsub.f32 v49, v35;
	v46 =	vmul.f32 v54, v2;
	v53 =	vld.idx.msk [tilespmem:v56+s6+$0x0], $0xffff  }
0x1b7: {  	v52 =	vmul.f32 v52, v5;
	v42 =	vmul.f32 v57, v2;
	v54 =	vadd.f32 v58, v55;
	v49 =	vld.idx.msk [tilespmem:v36+s6+$0x0], $0xffff  }
0x1b8: {  	_ =	sdelay $0x3  }
0x1b9: {  	v55 =	vld.idx.msk [tilespmem:v28+s6+$0x0], $0xffff  }
0x1ba: {  	v56 =	vld.idx.msk [tilespmem:v27+s6+$0x0], $0xffff  }
0x1bb: {  	v57 =	vld.idx.msk [tilespmem:v31+s6+$0x0], $0xffff  }
0x1bc: {  	v58 =	vld.idx.msk [tilespmem:v40+s6+$0x0], $0xffff  }
0x1bd: {  	v59 =	vld.idx.msk [tilespmem:v29+s6+$0x0], $0xffff;
	_ =	sdelay $0x2  }
0x1be: {  	v38 =	vsub.f32 v38, v48  }
0x1bf: {  	v60 =	vsub.f32 v53, v50;
	v61 =	vsub.f32 v58, v56  }
0x1c0: {  	v57 =	vsub.f32 v57, v49;
	v62 =	vsub.f32 v59, v55  }
0x1c1: {  	v48 =	vmul.f32 v60, v38;
	v53 =	vmul.f32 v61, v38  }
0x1c2: {  	v57 =	vmul.f32 v57, v38;
	v58 =	vmul.f32 v62, v38  }
0x1c3: {  	v48 =	vadd.f32 v48, v50;
	v63 =	vadd.f32 v53, v56  }
0x1c4: {  	v56 =	vadd.f32 v57, v49;
	v57 =	vadd.f32 v58, v55  }
0x1c5: {  	v32 =	vsub.f32 v32, v47  }
0x1c6: {  	v58 =	vsub.f32 v56, v63;
	v59 =	vsub.f32 v57, v48;
	_ =	sdelay $0x1  }
0x1c7: {  	[tilespmem:s17+$0x1BD80] =	vst v54;
	v47 =	vmul.f32 v58, v32;
	v49 =	vmul.f32 v59, v32  }
0x1c8: {  	v54 =	vld.idx.msk [tilespmem:v18+s31+$0x0], $0xffff  }
0x1c9: {  	v41 =	vcvt.s32.f32 v41;
	v60 =	vld.idx.msk [tilespmem:v20+s31+$0x0], $0xffff;
	v47 =	vadd.f32 v47, v63;
	v48 =	vadd.f32 v49, v48  }
0x1ca: {  	v61 =	vld.idx.msk [tilespmem:v23+s31+$0x0], $0xffff  }
0x1cb: {  	v30 =	vsub.f32 v30, v41;
	v50 =	vld.idx.msk [tilespmem:v21+s31+$0x0], $0xffff;
	v62 =	vsub.f32 v47, v48  }
0x1cc: {  	v55 =	vld.idx.msk [tilespmem:v22+s31+$0x0], $0xffff  }
0x1cd: {  	v56 =	vld.idx.msk [tilespmem:v17+s31+$0x0], $0xffff;
	v41 =	vmul.f32 v62, v30  }
0x1ce: {  	v57 =	vld.idx.msk [tilespmem:v16+s31+$0x0], $0xffff  }
0x1cf: {  	v33 =	vadd.f32 v52, v33;
	v63 =	vld.idx.msk [tilespmem:v14+s31+$0x0], $0xffff;
	v41 =	vadd.f32 v41, v48;
	_ =	sdelay $0x1  }
0x1d0: {  	v43 =	vsub.f32 v43, v33;
	v49 =	vsub.f32 v61, v50;
	[tilespmem:s15+$0x1BD80] =	vst v41  }
0x1d1: {  	v60 =	vsub.f32 v60, v54;
	v59 =	vmul.f32 v51, v9;
	v52 =	vld.idx.msk [tilespmem:v31+s31+$0x0], $0xffff  }
0x1d2: {  	v61 =	vmul.f32 v43, v9;
	v49 =	vmul.f32 v49, v15;
	v51 =	vld.idx.msk [tilespmem:v36+s31+$0x0], $0xffff  }
0x1d3: {  	v62 =	vsub.f32 v63, v57;
	v63 =	vsub.f32 v55, v56;
	v55 =	vmul.f32 v60, v15;
	v60 =	vld.idx.msk [tilespmem:v40+s31+$0x0], $0xffff  }
0x1d4: {  	v49 =	vadd.f32 v49, v50;
	v50 =	vld.idx.msk [tilespmem:v27+s31+$0x0], $0xffff  }
0x1d5: {  	v44 =	vadd.f32 v59, v44;
	v33 =	vadd.f32 v61, v33;
	v58 =	vmul.f32 v62, v15;
	v61 =	vld.idx.msk [tilespmem:v29+s31+$0x0], $0xffff  }
0x1d6: {  	v59 =	vmul.f32 v63, v15;
	v48 =	vadd.f32 v55, v54;
	v54 =	vld.idx.msk [tilespmem:v28+s31+$0x0], $0xffff  }
0x1d7: {  	v33 =	vsub.f32 v33, v44;
	v41 =	vadd.f32 v58, v57;
	v62 =	vld.idx.msk [tilespmem:v26+s31+$0x0], $0xffff  }
0x1d8: {  	v43 =	vadd.f32 v59, v56;
	v63 =	vld.idx.msk [tilespmem:v25+s31+$0x0], $0xffff  }
0x1d9: {  	v33 =	vmul.f32 v33, v4;
	v49 =	vsub.f32 v49, v41  }
0x1da: {  	v48 =	vsub.f32 v48, v43  }
0x1db: {  	v33 =	vadd.f32 v33, v44;
	v49 =	vmul.f32 v49, v19  }
0x1dc: {  	v48 =	vmul.f32 v48, v19;
	v57 =	vsub.f32 v52, v51;
	v58 =	vsub.f32 v61, v54  }
0x1dd: {  	v59 =	vsub.f32 v62, v63;
	v47 =	vsub.f32 v60, v50  }
0x1de: {  	v41 =	vadd.f32 v49, v41;
	v43 =	vadd.f32 v48, v43  }
0x1df: {  	v44 =	vmul.f32 v57, v38;
	v48 =	vmul.f32 v58, v38  }
0x1e0: {  	[tilespmem:s14+$0x1C580] =	vst v33;
	v61 =	vmul.f32 v59, v38;
	v47 =	vmul.f32 v47, v38;
	v60 =	vsub.f32 v43, v41  }
0x1e1: {  	v10 =	vld.idx.msk [tilespmem:v10+s3+$0x0], $0xffff;
	v44 =	vadd.f32 v44, v51;
	v48 =	vadd.f32 v48, v54  }
0x1e2: {  	v8 =	vld.idx.msk [tilespmem:v8+s3+$0x0], $0xffff;
	v43 =	vadd.f32 v61, v63;
	v47 =	vadd.f32 v47, v50  }
0x1e3: {  	v7 =	vld.idx.msk [tilespmem:v7+s3+$0x0], $0xffff  }
0x1e4: {  	v11 =	vld.idx.msk [tilespmem:v11+s3+$0x0], $0xffff;
	v33 =	vmul.f32 v60, v24;
	v48 =	vsub.f32 v48, v43;
	v44 =	vsub.f32 v44, v47  }
0x1e5: {  	v13 =	vld.idx.msk [tilespmem:v13+s3+$0x0], $0xffff  }
0x1e6: {  	v12 =	vld.idx.msk [tilespmem:v12+s3+$0x0], $0xffff;
	v33 =	vadd.f32 v33, v41;
	v62 =	vmul.f32 v48, v32;
	v44 =	vmul.f32 v44, v32  }
0x1e7: {  	v3 =	vld.idx.msk [tilespmem:v3+s3+$0x0], $0xffff  }
0x1e8: {  	v6 =	vld.idx.msk [tilespmem:v6+s3+$0x0], $0xffff;
	[tilespmem:s17+$0x1C580] =	vst v33;
	v63 =	vadd.f32 v62, v43;
	v44 =	vadd.f32 v44, v47  }
0x1e9: {  	v20 =	vld.idx.msk [tilespmem:v20+s3+$0x0], $0xffff  }
0x1ea: {  	v22 =	vld.idx.msk [tilespmem:v22+s3+$0x0], $0xffff;
	v41 =	vsub.f32 v44, v63  }
0x1eb: {  	v21 =	vld.idx.msk [tilespmem:v21+s3+$0x0], $0xffff  }
0x1ec: {  	v37 =	vadd.f32 v46, v37;
	v23 =	vld.idx.msk [tilespmem:v23+s3+$0x0], $0xffff;
	v41 =	vmul.f32 v41, v30  }
0x1ed: {  	v34 =	vadd.f32 v42, v34;
	v11 =	vsub.f32 v11, v7;
	v18 =	vld.idx.msk [tilespmem:v18+s3+$0x0], $0xffff  }
0x1ee: {  	v8 =	vsub.f32 v8, v12;
	v17 =	vld.idx.msk [tilespmem:v17+s3+$0x0], $0xffff;
	v33 =	vadd.f32 v41, v63  }
0x1ef: {  	v2 =	vmul.f32 v45, v2;
	v10 =	vsub.f32 v10, v13;
	v6 =	vsub.f32 v6, v3;
	v16 =	vld.idx.msk [tilespmem:v16+s3+$0x0], $0xffff  }
0x1f0: {  	v11 =	vmul.f32 v11, v5;
	v8 =	vmul.f32 v8, v5;
	v14 =	vld.idx.msk [tilespmem:v14+s3+$0x0], $0xffff;
	[tilespmem:s15+$0x1C580] =	vst v33  }
0x1f1: {  	v2 =	vadd.f32 v2, v35;
	v10 =	vmul.f32 v10, v5;
	v5 =	vmul.f32 v6, v5;
	v6 =	vld.idx.msk [tilespmem:v31+s3+$0x0], $0xffff  }
0x1f2: {  	v7 =	vadd.f32 v11, v7;
	v8 =	vadd.f32 v8, v12;
	v11 =	vld.idx.msk [tilespmem:v40+s3+$0x0], $0xffff  }
0x1f3: {  	v10 =	vadd.f32 v10, v13;
	v3 =	vadd.f32 v5, v3;
	v5 =	vld.idx.msk [tilespmem:v28+s3+$0x0], $0xffff  }
0x1f4: {  	v12 =	vsub.f32 v34, v37;
	v13 =	vsub.f32 v39, v2;
	v28 =	vld.idx.msk [tilespmem:v29+s3+$0x0], $0xffff  }
0x1f5: {  	v10 =	vsub.f32 v10, v8;
	v7 =	vsub.f32 v7, v3;
	v29 =	vld.idx.msk [tilespmem:v36+s3+$0x0], $0xffff  }
0x1f6: {  	v12 =	vmul.f32 v12, v1;
	v1 =	vmul.f32 v13, v1;
	v13 =	vsub.f32 v23, v21;
	v23 =	vld.idx.msk [tilespmem:v27+s3+$0x0], $0xffff  }
0x1f7: {  	v10 =	vmul.f32 v10, v9;
	v7 =	vmul.f32 v7, v9;
	v9 =	vsub.f32 v22, v17;
	v22 =	vld.idx.msk [tilespmem:v25+s3+$0x0], $0xffff  }
0x1f8: {  	v12 =	vadd.f32 v12, v37;
	v1 =	vadd.f32 v1, v2;
	v2 =	vmul.f32 v13, v15;
	v13 =	vld.idx.msk [tilespmem:v26+s3+$0x0], $0xffff  }
0x1f9: {  	v8 =	vadd.f32 v10, v8;
	v3 =	vadd.f32 v7, v3;
	v7 =	vmul.f32 v9, v15  }
0x1fa: {  	v10 =	vsub.f32 v14, v16;
	v9 =	vsub.f32 v20, v18  }
0x1fb: {  	v2 =	vadd.f32 v2, v21;
	v7 =	vadd.f32 v7, v17  }
0x1fc: {  	v10 =	vmul.f32 v10, v15;
	v14 =	vsub.f32 v28, v5;
	v11 =	vsub.f32 v11, v23  }
0x1fd: {  	v9 =	vmul.f32 v9, v15;
	v6 =	vsub.f32 v6, v29;
	v13 =	vsub.f32 v13, v22  }
0x1fe: {  	v10 =	vadd.f32 v10, v16;
	v14 =	vmul.f32 v14, v38;
	v11 =	vmul.f32 v11, v38  }
0x1ff: {  	v9 =	vadd.f32 v9, v18;
	v6 =	vmul.f32 v6, v38;
	v13 =	vmul.f32 v13, v38  }
0x200: {  	v5 =	vadd.f32 v14, v5;
	v11 =	vadd.f32 v11, v23  }
0x201: {  	v6 =	vadd.f32 v6, v29;
	v13 =	vadd.f32 v13, v22  }
0x202: {  	v2 =	vsub.f32 v2, v10;
	v9 =	vsub.f32 v9, v7  }
0x203: {  	v6 =	vsub.f32 v6, v11;
	v5 =	vsub.f32 v5, v13  }
0x204: {  	v12 =	vsub.f32 v12, v1;
	v2 =	vmul.f32 v2, v19;
	v9 =	vmul.f32 v9, v19  }
0x205: {  	v8 =	vsub.f32 v8, v3;
	v6 =	vmul.f32 v6, v32;
	v5 =	vmul.f32 v5, v32  }
0x206: {  	v2 =	vadd.f32 v2, v10;
	v7 =	vadd.f32 v9, v7  }
0x207: {  	s8 =	sadd.s32 $0x1, s19;
	v6 =	vadd.f32 v6, v11;
	v5 =	vadd.f32 v5, v13  }
0x208: {  	s9 =	sadd.s32 s2, s8;
	v0 =	vmul.f32 v12, v0;
	v7 =	vsub.f32 v7, v2  }
0x209: {  	s10 =	sshrl.u32 s9, $0x7;
	v4 =	vmul.f32 v8, v4;
	v6 =	vsub.f32 v6, v5  }
0x20a: {  	s9 =	sshll.u32 s9, $0xB;
	s10 =	smul.u32 $0xC0000, s10;
	v0 =	vadd.f32 v0, v1;
	v1 =	vmul.f32 v7, v24  }
0x20b: {  	s8 =	sshll.u32 s8, $0xB;
	s9 =	sand.u32 $0x3F000, s9;
	v3 =	vadd.f32 v4, v3;
	v4 =	vmul.f32 v6, v30  }
0x20c: {  	s8 =	sand.u32 $0x800, s8;
	s9 =	sor.u32 s9, s10;
	[tilespmem:s7+$0x1CD80] =	vst v0;
	v0 =	vadd.f32 v1, v2  }
0x20d: {  	s7 =	sor.u32 s8, s9;
	[tilespmem:s14+$0x1CD80] =	vst v3;
	v1 =	vadd.f32 v4, v5  }
0x20e: {  	s7 =	sshrl.u32 s7, $0x3;
	[tilespmem:s17+$0x1CD80] =	vst v0  }
0x20f: {  	s8 =	simm.s32 $0x0;
	s7 =	sadd.s32 s5, s7;
	[tilespmem:s15+$0x1CD80] =	vst v1  }
0x210: {  	[hbm4b:s7+s8] =	stream.linear.scatter [tilespmem:s28], [sflag:$0x5], $0x800, $0x38;
	[tilespmem:$0x1ED80] =	vst v63  }
0x211: {  	s10 =	sadd.s32 $0x8000, s7  }
0x212: {  	[hbm4b:s10+s8] =	stream.linear.scatter [tilespmem:s29], [sflag:$0x5], $0x800, $0x38;
	[tilespmem:$0x1ED80] =	vst v63  }
0x213: {  	s7 =	sadd.s32 $0x10000, s7  }
0x214: {  	[hbm4b:s7+s8] =	stream.linear.scatter [tilespmem:s30], [sflag:$0x5], $0x800, $0x38;
	[tilespmem:$0x1ED80] =	vst v63  }
0x215: {  	s14 =	sadd.s32 $0x3, s19;
	_ =	swait.ge [sflag:s0], $0x800  }
0x216: {  	s15 =	sadd.s32 s2, s14;
	[sflag:s0] =	ssyncset.done $0x0  }
0x217: {  	s16 =	sshrl.u32 s15, $0x7;
	[sflag:s0] =	ssyncadd.s32 $0xFFFFF800  }
0x218: {  	s9 =	sshll.u32 s15, $0xB;
	s10 =	smul.u32 $0xC0000, s16;
	_ =	swait.ge [sflag:s0], $0x800  }
0x219: {  	s9 =	sand.u32 $0x3F000, s9;
	s7 =	sshll.u32 s14, $0xB;
	[sflag:s0] =	ssyncset.done $0x0  }
0x21a: {  	s9 =	sor.u32 s9, s10;
	s7 =	sand.u32 $0x800, s7;
	[sflag:s0] =	ssyncadd.s32 $0xFFFFF800  }
0x21b: {  	s7 =	sor.u32 s7, s9;
	_ =	swait.ge [sflag:s0], $0x800  }
0x21c: {  	s7 =	sshrl.u32 s7, $0x3;
	[sflag:s0] =	ssyncset.done $0x0  }
0x21d: {  	s17 =	simm.s32 $0x1A580;
	s7 =	sadd.s32 s1, s7;
	[sflag:s0] =	ssyncadd.s32 $0xFFFFF800  }
0x21e: {  	[tilespmem:s17], [sflag:$0x1] =	stream.linear.gather [hbm4b:s7+s8], $0x800, $0x38;
	[tilespmem:$0x1ED80] =	vst v63  }
0x21f: {  	s25 =	simm.s32 $0x1AD80;
	s24 =	sadd.s32 $0x8000, s7  }
0x220: {  	[tilespmem:s25], [sflag:$0x1] =	stream.linear.gather [hbm4b:s24+s8], $0x800, $0x38;
	[tilespmem:$0x1ED80] =	vst v63  }
0x221: {  	s7 =	sadd.s32 $0x10000, s7  }
0x222: {  	[tilespmem:s26], [sflag:$0x1] =	stream.linear.gather [hbm4b:s7+s8], $0x800, $0x38;
	[tilespmem:$0x1ED80] =	vst v63  }
0x223: {  	_ =	swait.ge [sflag:s12], $0x800  }
0x224: {  	[sflag:s12] =	ssyncset.done $0x0  }
0x225: {  	[sflag:s12] =	ssyncadd.s32 $0xFFFFF800  }
0x226: {  	_ =	swait.ge [sflag:s12], $0x800  }
0x227: {  	[sflag:s12] =	ssyncset.done $0x0  }
0x228: {  	[sflag:s12] =	ssyncadd.s32 $0xFFFFF800  }
0x229: {  	s10 =	sand.u32 $0x380, s8;
	s9 =	sand.u32 $0x400, s8;
	_ =	swait.ge [sflag:s12], $0x800  }
0x22a: {  	s8 =	sand.u32 $0x70, s8;
	s7 =	sor.u32 s10, s9;
	[sflag:s12] =	ssyncset.done $0x0  }
0x22b: {  	s7 =	sor.u32 s8, s7;
	[sflag:s12] =	ssyncadd.s32 $0xFFFFF800  }
0x22c: {  	v0 =	vld [tilespmem:s7+$0x1DD80]  }
0x22d: {  	v1 =	vld [tilespmem:s7+$0x1E580]  }
0x22e: {  	v2 =	vld [tilespmem:s7+$0x1D580];
	_ =	sdelay $0x2  }
0x22f: {  	v0 =	vmul.f32 $3.200000000e+01, v0  }
0x230: {  	v4 =	vmul.f32 $3.200000000e+01, v1  }
0x231: {  	v1 =	vmul.f32 $3.200000000e+01, v2;
	v2 =	vtrunc.f32 v0  }
0x232: {  	v3 =	vtrunc.f32 v4;
	v2 =	vcvt.f32.s32 v2  }
0x233: {  	v5 =	vcvt.f32.s32 v3;
	v3 =	vtrunc.f32 v1  }
0x234: {  	v3 =	vcvt.f32.s32 v3;
	v6 =	vmul.u32 $0x21, v2  }
0x235: {  	s15 =	simm.s32 $0x80;
	s14 =	simm.s32 $0x8;
	v7 =	vmul.u32 $0x441, v5  }
0x236: {  	s16 =	simm.s32 $0x10;
	s9 =	sand.u32 $0x400, s15;
	s8 =	sand.u32 $0x380, s14;
	v6 =	vadd.s32 v3, v6  }
0x237: {  	s10 =	sand.u32 $0x70, s16;
	s8 =	sor.u32 s8, s9;
	v27 =	vadd.s32 v7, v6  }
0x238: {  	s14 =	sor.u32 s10, s8;
	v26 =	vadd.s32 $0x1, v27  }
0x239: {  	v10 =	vld [tilespmem:s14+$0x1DD80];
	v25 =	vadd.s32 $0x462, v27  }
0x23a: {  	v11 =	vld [tilespmem:s14+$0x1E580];
	v29 =	vadd.s32 $0x21, v27  }
0x23b: {  	v12 =	vld [tilespmem:s14+$0x1D580];
	v28 =	vadd.s32 $0x441, v27  }
0x23c: {  	v24 =	vadd.s32 $0x463, v27;
	v6 =	vld.idx.msk [tilespmem:v27+s6+$0x0], $0xffff  }
0x23d: {  	v31 =	vadd.s32 $0x442, v27;
	v7 =	vld.idx.msk [tilespmem:v26+s6+$0x0], $0xffff  }
0x23e: {  	v34 =	vadd.s32 $0x22, v27;
	v8 =	vld.idx.msk [tilespmem:v25+s6+$0x0], $0xffff  }
0x23f: {  	v9 =	vld.idx.msk [tilespmem:v29+s6+$0x0], $0xffff  }
0x240: {  	v13 =	vld.idx.msk [tilespmem:v28+s6+$0x0], $0xffff  }
0x241: {  	v16 =	vmul.f32 $3.200000000e+01, v10;
	v14 =	vld.idx.msk [tilespmem:v24+s6+$0x0], $0xffff  }
0x242: {  	v18 =	vmul.f32 $3.200000000e+01, v11;
	v15 =	vld.idx.msk [tilespmem:v31+s6+$0x0], $0xffff  }
0x243: {  	v11 =	vtrunc.f32 v16;
	v3 =	vcvt.s32.f32 v3;
	v17 =	vld.idx.msk [tilespmem:v34+s6+$0x0], $0xffff  }
0x244: {  	v19 =	vmul.f32 $3.200000000e+01, v12;
	v20 =	vcvt.f32.s32 v11  }
0x245: {  	v10 =	vcvt.s32.f32 v2;
	v2 =	vsub.f32 v1, v3;
	v1 =	vtrunc.f32 v18  }
0x246: {  	v11 =	vmul.u32 $0x21, v20;
	v21 =	vcvt.f32.s32 v1;
	v1 =	vtrunc.f32 v19  }
0x247: {  	v3 =	vsub.f32 v7, v6;
	v7 =	vsub.f32 v15, v13;
	v15 =	vcvt.f32.s32 v1  }
0x248: {  	v1 =	vsub.f32 v14, v8;
	v12 =	vsub.f32 v17, v9;
	v14 =	vmul.u32 $0x441, v21  }
0x249: {  	v17 =	vmul.f32 v3, v2;
	v7 =	vmul.f32 v7, v2;
	v3 =	vadd.s32 v15, v11  }
0x24a: {  	s17 =	simm.s32 $0x10;
	s24 =	simm.s32 $0x100;
	v1 =	vmul.f32 v1, v2;
	v11 =	vmul.f32 v12, v2;
	v3 =	vadd.s32 v14, v3  }
0x24b: {  	s25 =	simm.s32 $0x20;
	s9 =	sand.u32 $0x400, s24;
	s8 =	sand.u32 $0x380, s17;
	v14 =	vadd.f32 v17, v6;
	v17 =	vadd.f32 v7, v13;
	v6 =	vadd.s32 $0x1, v3  }
0x24c: {  	s10 =	sand.u32 $0x70, s25;
	s8 =	sor.u32 s8, s9;
	v8 =	vadd.f32 v1, v8;
	v9 =	vadd.f32 v11, v9;
	v13 =	vadd.s32 $0x462, v3  }
0x24d: {  	s17 =	sor.u32 s10, s8;
	v1 =	vsub.f32 v0, v10;
	v12 =	vadd.s32 $0x441, v3  }
0x24e: {  	v49 =	vld [tilespmem:s17+$0x1DD80];
	v10 =	vadd.s32 $0x463, v3;
	v0 =	vsub.f32 v8, v17;
	v9 =	vsub.f32 v9, v14  }
0x24f: {  	v7 =	vadd.s32 $0x21, v3;
	v22 =	vld.idx.msk [tilespmem:v3+s6+$0x0], $0xffff  }
0x250: {  	v8 =	vadd.s32 $0x442, v3;
	v0 =	vmul.f32 v0, v1;
	v9 =	vmul.f32 v9, v1;
	v23 =	vld.idx.msk [tilespmem:v6+s6+$0x0], $0xffff  }
0x251: {  	v11 =	vadd.s32 $0x22, v3;
	v30 =	vld.idx.msk [tilespmem:v13+s6+$0x0], $0xffff  }
0x252: {  	v5 =	vcvt.s32.f32 v5;
	v47 =	vld.idx.msk [tilespmem:v12+s6+$0x0], $0xffff;
	v17 =	vadd.f32 v0, v17;
	v9 =	vadd.f32 v9, v14  }
0x253: {  	v48 =	vld.idx.msk [tilespmem:v10+s6+$0x0], $0xffff  }
0x254: {  	v14 =	vld.idx.msk [tilespmem:v7+s6+$0x0], $0xffff;
	v0 =	vsub.f32 v4, v5;
	v4 =	vsub.f32 v17, v9  }
0x255: {  	v5 =	vcvt.s32.f32 v15;
	v17 =	vld.idx.msk [tilespmem:v8+s6+$0x0], $0xffff  }
0x256: {  	v15 =	vld.idx.msk [tilespmem:v11+s6+$0x0], $0xffff;
	v4 =	vmul.f32 v4, v0  }
0x257: {  	v5 =	vsub.f32 v19, v5;
	v19 =	vsub.f32 v23, v22;
	v23 =	vld [tilespmem:s17+$0x1D580]  }
0x258: {  	v4 =	vadd.f32 v4, v9;
	v9 =	vld [tilespmem:s17+$0x1E580]  }
0x259: {  	v33 =	vsub.f32 v48, v30  }
0x25a: {  	v35 =	vmul.f32 $3.200000000e+01, v49;
	v17 =	vsub.f32 v17, v47  }
0x25b: {  	v20 =	vcvt.s32.f32 v20;
	v33 =	vmul.f32 v33, v5  }
0x25c: {  	v15 =	vsub.f32 v15, v14;
	[tilespmem:s7+$0x1D580] =	vst v4;
	v4 =	vmul.f32 v19, v5;
	v17 =	vmul.f32 v17, v5  }
0x25d: {  	v38 =	vmul.f32 $3.200000000e+01, v23;
	v37 =	vmul.f32 $3.200000000e+01, v9  }
0x25e: {  	v19 =	vld.idx.msk [tilespmem:v24+s31+$0x0], $0xffff;
	v9 =	vmul.f32 v15, v5;
	v15 =	vadd.f32 v4, v22;
	v4 =	vtrunc.f32 v35  }
0x25f: {  	v50 =	vld.idx.msk [tilespmem:v25+s31+$0x0], $0xffff;
	v17 =	vadd.f32 v17, v47;
	v39 =	vcvt.f32.s32 v4;
	v23 =	vtrunc.f32 v37  }
0x260: {  	v51 =	vld.idx.msk [tilespmem:v28+s31+$0x0], $0xffff;
	v4 =	vadd.f32 v33, v30;
	v52 =	vcvt.f32.s32 v23;
	v23 =	vtrunc.f32 v38  }
0x261: {  	v53 =	vld.idx.msk [tilespmem:v29+s31+$0x0], $0xffff;
	v14 =	vadd.f32 v9, v14;
	v54 =	vmul.u32 $0x21, v39;
	v55 =	vcvt.f32.s32 v23  }
0x262: {  	v56 =	vld.idx.msk [tilespmem:v27+s31+$0x0], $0xffff;
	v9 =	vsub.f32 v16, v20;
	v16 =	vmul.u32 $0x441, v52  }
0x263: {  	v22 =	vld.idx.msk [tilespmem:v31+s31+$0x0], $0xffff;
	v4 =	vsub.f32 v4, v17;
	v14 =	vsub.f32 v14, v15;
	v23 =	vadd.s32 v55, v54  }
0x264: {  	s16 =	simm.s32 $0x18;
	s8 =	simm.s32 $0x180;
	v21 =	vcvt.s32.f32 v21;
	v30 =	vld.idx.msk [tilespmem:v34+s31+$0x0], $0xffff;
	v16 =	vadd.s32 v16, v23  }
0x265: {  	s15 =	simm.s32 $0x30;
	s25 =	sand.u32 $0x380, s16;
	s24 =	sand.u32 $0x400, s8;
	v20 =	vld.idx.msk [tilespmem:v26+s31+$0x0], $0xffff;
	v57 =	vmul.f32 v4, v9;
	v23 =	vmul.f32 v14, v9;
	v14 =	vadd.s32 $0x1, v16  }
0x266: {  	s9 =	sand.u32 $0x70, s15;
	s10 =	sor.u32 s25, s24;
	v4 =	vsub.f32 v18, v21;
	v18 =	vadd.s32 $0x462, v16  }
0x267: {  	s15 =	sor.u32 s9, s10;
	v19 =	vsub.f32 v19, v50;
	v21 =	vadd.f32 v57, v17;
	v17 =	vadd.s32 $0x441, v16  }
0x268: {  	v58 =	vsub.f32 v22, v51;
	v57 =	vld [tilespmem:s15+$0x1DD80];
	v22 =	vadd.s32 $0x442, v16  }
0x269: {  	v19 =	vmul.f32 v19, v2;
	v15 =	vadd.f32 v23, v15;
	v45 =	vld.idx.msk [tilespmem:v16+s6+$0x0], $0xffff  }
0x26a: {  	v30 =	vsub.f32 v30, v53;
	v23 =	vsub.f32 v20, v56;
	v20 =	vadd.s32 $0x463, v16;
	v61 =	vld.idx.msk [tilespmem:v14+s6+$0x0], $0xffff  }
0x26b: {  	v41 =	vmul.f32 v58, v2;
	v59 =	vsub.f32 v21, v15;
	v21 =	vadd.s32 $0x21, v16;
	v40 =	vld.idx.msk [tilespmem:v18+s6+$0x0], $0xffff  }
0x26c: {  	v30 =	vmul.f32 v30, v2;
	v60 =	vmul.f32 v23, v2;
	v23 =	vadd.s32 $0x22, v16;
	v63 =	vld.idx.msk [tilespmem:v17+s6+$0x0], $0xffff  }
0x26d: {  	v19 =	vadd.f32 v19, v50;
	v32 =	vadd.f32 v41, v51;
	v62 =	vmul.f32 v59, v4;
	v54 =	vld.idx.msk [tilespmem:v22+s6+$0x0], $0xffff  }
0x26e: {  	v30 =	vadd.f32 v30, v53;
	v43 =	vadd.f32 v60, v56;
	v59 =	vld [tilespmem:s15+$0x1D580]  }
0x26f: {  	v19 =	vsub.f32 v19, v32;
	v53 =	vld.idx.msk [tilespmem:v20+s6+$0x0], $0xffff;
	v15 =	vadd.f32 v62, v15  }
0x270: {  	v30 =	vsub.f32 v30, v43;
	v46 =	vld.idx.msk [tilespmem:v21+s6+$0x0], $0xffff  }
0x271: {  	v42 =	vcvt.s32.f32 v55;
	v19 =	vmul.f32 v19, v1;
	v55 =	vld.idx.msk [tilespmem:v23+s6+$0x0], $0xffff;
	[tilespmem:s14+$0x1D580] =	vst v15  }
0x272: {  	v30 =	vmul.f32 v30, v1;
	v48 =	vld.idx.msk [tilespmem:v10+s31+$0x0], $0xffff  }
0x273: {  	v19 =	vadd.f32 v19, v32;
	v15 =	vsub.f32 v38, v42;
	v47 =	vld.idx.msk [tilespmem:v13+s31+$0x0], $0xffff  }
0x274: {  	v50 =	vcvt.s32.f32 v52;
	v56 =	vsub.f32 v54, v63;
	v52 =	vld.idx.msk [tilespmem:v8+s31+$0x0], $0xffff;
	v42 =	vadd.f32 v30, v43  }
0x275: {  	v58 =	vsub.f32 v61, v45;
	v33 =	vld.idx.msk [tilespmem:v12+s31+$0x0], $0xffff;
	v36 =	vsub.f32 v53, v40  }
0x276: {  	v39 =	vcvt.s32.f32 v39;
	v30 =	vld [tilespmem:s15+$0x1E580];
	v32 =	vmul.f32 v56, v15;
	v19 =	vsub.f32 v19, v42  }
0x277: {  	v60 =	vmul.f32 v58, v15;
	v36 =	vmul.f32 v36, v15;
	v38 =	vsub.f32 v55, v46  }
0x278: {  	v61 =	vadd.f32 v32, v63;
	v32 =	vmul.f32 $3.200000000e+01, v57;
	v62 =	vmul.f32 v19, v0  }
0x279: {  	v36 =	vadd.f32 v36, v40;
	v19 =	vsub.f32 v35, v39;
	v55 =	vmul.f32 v38, v15  }
0x27a: {  	v49 =	vld.idx.msk [tilespmem:v3+s31+$0x0], $0xffff;
	v38 =	vmul.f32 $3.200000000e+01, v59;
	v48 =	vsub.f32 v48, v47;
	v52 =	vsub.f32 v52, v33  }
0x27b: {  	v63 =	vld.idx.msk [tilespmem:v11+s31+$0x0], $0xffff;
	v30 =	vmul.f32 $3.200000000e+01, v30;
	v56 =	vtrunc.f32 v32;
	v54 =	vadd.f32 v62, v42  }
0x27c: {  	v39 =	vld.idx.msk [tilespmem:v7+s31+$0x0], $0xffff;
	v36 =	vsub.f32 v36, v61;
	v40 =	vcvt.f32.s32 v56;
	v59 =	vmul.f32 v48, v5  }
0x27d: {  	v45 =	vadd.f32 v60, v45;
	v42 =	vld.idx.msk [tilespmem:v6+s31+$0x0], $0xffff;
	v52 =	vmul.f32 v52, v5;
	v57 =	vtrunc.f32 v30;
	[tilespmem:s7+$0x1DD80] =	vst v54  }
0x27e: {  	v58 =	vadd.f32 v55, v46;
	v36 =	vmul.f32 v36, v19;
	v41 =	vcvt.f32.s32 v57;
	v53 =	vld.idx.msk [tilespmem:v24+s3+$0x0], $0xffff  }
0x27f: {  	v60 =	vmul.u32 $0x21, v40;
	v43 =	vadd.f32 v59, v47;
	v24 =	vsub.f32 v37, v50;
	v54 =	vld.idx.msk [tilespmem:v29+s3+$0x0], $0xffff  }
0x280: {  	v29 =	vtrunc.f32 v38;
	v62 =	vld.idx.msk [tilespmem:v34+s3+$0x0], $0xffff;
	v50 =	vadd.f32 v36, v61;
	v61 =	vsub.f32 v58, v45  }
0x281: {  	v47 =	vcvt.s32.f32 v40;
	v35 =	vsub.f32 v63, v39;
	v63 =	vld.idx.msk [tilespmem:v31+s3+$0x0], $0xffff;
	v29 =	vcvt.f32.s32 v29  }
0x282: {  	v34 =	vld.idx.msk [tilespmem:v25+s3+$0x0], $0xffff;
	v51 =	vmul.u32 $0x441, v41;
	v42 =	vsub.f32 v42, v49;
	v31 =	vmul.f32 v61, v19  }
0x283: {  	v37 =	vld.idx.msk [tilespmem:v28+s3+$0x0], $0xffff;
	v48 =	vcvt.s32.f32 v29;
	v25 =	vadd.s32 v29, v60;
	v29 =	vmul.f32 v35, v5  }
0x284: {  	v35 =	vld.idx.msk [tilespmem:v27+s3+$0x0], $0xffff;
	v25 =	vadd.s32 v51, v25;
	v42 =	vmul.f32 v42, v5;
	v56 =	vadd.f32 v31, v45  }
0x285: {  	v28 =	vadd.s32 $0x21, v25;
	v27 =	vadd.s32 $0x441, v25;
	v45 =	vld.idx.msk [tilespmem:v26+s3+$0x0], $0xffff;
	v26 =	vadd.s32 $0x1, v25  }
0x286: {  	v39 =	vadd.f32 v29, v39;
	v60 =	vsub.f32 v62, v54;
	v36 =	vadd.s32 $0x462, v25  }
0x287: {  	v31 =	vadd.s32 $0x463, v25;
	v44 =	vadd.f32 v42, v49;
	v61 =	vsub.f32 v50, v56  }
0x288: {  	v62 =	vsub.f32 v53, v34;
	v63 =	vsub.f32 v63, v37;
	v46 =	vmul.f32 v60, v2  }
0x289: {  	v40 =	vadd.s32 $0x442, v25;
	v51 =	vsub.f32 v39, v44;
	v50 =	vld.idx.msk [tilespmem:v25+s6+$0x0], $0xffff;
	v42 =	vmul.f32 v61, v24  }
0x28a: {  	v39 =	vadd.f32 v46, v54;
	v46 =	vmul.f32 v63, v2;
	v53 =	vld.idx.msk [tilespmem:v26+s6+$0x0], $0xffff;
	v45 =	vsub.f32 v45, v35  }
0x28b: {  	s9 =	simm.s32 $0x40;
	v29 =	vadd.s32 $0x22, v25;
	v49 =	vld.idx.msk [tilespmem:v36+s6+$0x0], $0xffff;
	v54 =	vadd.f32 v42, v56;
	v42 =	vmul.f32 v62, v2  }
.LBB2_7:
0x28c: {  	p0 =	sne.s32 s9, $0x7F0;
	v55 =	vld.idx.msk [tilespmem:v28+s6+$0x0], $0xffff;
	v51 =	vmul.f32 v51, v9;
	v56 =	vmul.f32 v45, v2;
	v37 =	vadd.f32 v46, v37;
	s10 =	smov.u32 s9;
	s9 =	sadd.s32 $0x10, s9  }
0x28d: {  	v45 =	vcvt.s32.f32 v41;
	v41 =	vld.idx.msk [tilespmem:v27+s6+$0x0], $0xffff;
	[tilespmem:s17+$0x1D580] =	vst v54;
	v33 =	vadd.f32 v52, v33;
	v34 =	vadd.f32 v42, v34  }
0x28e: {  	v2 =	vmovc v5;
	v5 =	vmov v15;
	v15 =	vsub.f32 v38, v48;
	v46 =	vld.idx.msk [tilespmem:v31+s6+$0x0], $0xffff;
	v35 =	vadd.f32 v56, v35  }
0x28f: {  	v42 =	vmovc v36;
	v36 =	vmov v22;
	v38 =	vld.idx.msk [tilespmem:v40+s6+$0x0], $0xffff;
	v43 =	vsub.f32 v43, v33;
	v34 =	vsub.f32 v34, v37  }
0x290: {  	v22 =	vmov v40;
	v48 =	vsub.f32 v53, v50;
	v39 =	vsub.f32 v39, v35  }
0x291: {  	s16 =	sadd.s32 $0x8, s16;
	s8 =	sadd.s32 $0x80, s8;
	v40 =	vmul.f32 v43, v9;
	v34 =	vmul.f32 v34, v1  }
0x292: {  	s24 =	sand.u32 $0x400, s8;
	s25 =	sand.u32 $0x380, s16;
	v44 =	vadd.f32 v51, v44;
	v43 =	vmul.f32 v48, v15;
	v48 =	vld.idx.msk [tilespmem:v20+s31+$0x0], $0xffff;
	v39 =	vmul.f32 v39, v1  }
0x293: {  	s10 =	sand.u32 $0x70, s10;
	s24 =	sor.u32 s25, s24;
	v1 =	vmovc v9;
	v9 =	vmov v19;
	v51 =	vld.idx.msk [tilespmem:v29+s6+$0x0], $0xffff;
	v33 =	vadd.f32 v40, v33;
	v34 =	vadd.f32 v34, v37  }
0x294: {  	s10 =	sor.u32 s10, s24;
	v40 =	vadd.f32 v43, v50;
	v37 =	vld.idx.msk [tilespmem:v18+s31+$0x0], $0xffff;
	v35 =	vadd.f32 v39, v35  }
0x295: {  	v19 =	vsub.f32 v38, v41;
	v39 =	vld [tilespmem:s10+$0x1E580];
	v38 =	vsub.f32 v33, v44  }
0x296: {  	v33 =	vsub.f32 v46, v49;
	v43 =	vld [tilespmem:s10+$0x1DD80];
	v34 =	vsub.f32 v34, v35  }
0x297: {  	v46 =	vmul.f32 v19, v15;
	v52 =	vld.idx.msk [tilespmem:v36+s31+$0x0], $0xffff  }
0x298: {  	v19 =	vsub.f32 v32, v47;
	v32 =	vmul.f32 v33, v15;
	v50 =	vld [tilespmem:s10+$0x1D580];
	v34 =	vmul.f32 v34, v0;
	v0 =	vmovc v4  }
0x299: {  	v47 =	vsub.f32 v51, v55;
	v46 =	vadd.f32 v46, v41;
	v33 =	vld.idx.msk [tilespmem:v17+s31+$0x0], $0xffff;
	v38 =	vmul.f32 v38, v0  }
0x29a: {  	v4 =	vmov v24;
	v41 =	vadd.f32 v32, v49;
	v49 =	vld.idx.msk [tilespmem:v23+s31+$0x0], $0xffff;
	v34 =	vadd.f32 v34, v35  }
0x29b: {  	v35 =	vmul.f32 $3.200000000e+01, v39;
	v32 =	vmul.f32 $3.200000000e+01, v43;
	v39 =	vld.idx.msk [tilespmem:v21+s31+$0x0], $0xffff;
	v24 =	vadd.f32 v38, v44  }
0x29c: {  	v43 =	vmul.f32 v47, v15;
	v41 =	vsub.f32 v41, v46;
	v44 =	vld.idx.msk [tilespmem:v14+s31+$0x0], $0xffff;
	[tilespmem:s7+$0x1E580] =	vst v34;
	s7 =	smov.u32 s14;
	s14 =	smov.u32 s17;
	s17 =	smov.u32 s15  }
0x29d: {  	v48 =	vsub.f32 v48, v37;
	s15 =	smov.u32 s10;
	v38 =	vmul.f32 $3.200000000e+01, v50;
	v34 =	vtrunc.f32 v32;
	v47 =	vld.idx.msk [tilespmem:v16+s31+$0x0], $0xffff;
	[tilespmem:s7+$0x1DD80] =	vst v24  }
0x29e: {  	v24 =	vtrunc.f32 v35;
	v50 =	vmul.f32 v41, v19;
	v51 =	vld.idx.msk [tilespmem:v10+s3+$0x0], $0xffff;
	v10 =	vmovc v20;
	v20 =	vmov v31  }
0x29f: {  	v53 =	vcvt.f32.s32 v34;
	v31 =	vadd.f32 v43, v55;
	v43 =	vmul.f32 v48, v5;
	v54 =	vld.idx.msk [tilespmem:v8+s3+$0x0], $0xffff;
	v8 =	vmovc v36  }
0x2a0: {  	v41 =	vcvt.f32.s32 v24;
	v24 =	vsub.f32 v30, v45;
	v30 =	vmovc v35;
	v45 =	vadd.f32 v50, v46;
	v46 =	vld.idx.msk [tilespmem:v7+s3+$0x0], $0xffff  }
0x2a1: {  	v34 =	vtrunc.f32 v38;
	v35 =	vmul.u32 $0x21, v53;
	v31 =	vsub.f32 v31, v40;
	v7 =	vmovc v21;
	v21 =	vmovc v28;
	v36 =	vld.idx.msk [tilespmem:v11+s3+$0x0], $0xffff  }
0x2a2: {  	v28 =	vcvt.f32.s32 v34;
	v50 =	vmul.u32 $0x441, v41;
	v49 =	vsub.f32 v49, v39;
	v11 =	vmovc v23;
	v23 =	vmovc v29;
	v34 =	vld.idx.msk [tilespmem:v13+s3+$0x0], $0xffff  }
0x2a3: {  	v43 =	vadd.f32 v43, v37;
	v13 =	vmul.f32 v31, v19;
	v29 =	vsub.f32 v44, v47;
	v37 =	vld.idx.msk [tilespmem:v12+s3+$0x0], $0xffff  }
0x2a4: {  	v48 =	vcvt.s32.f32 v28;
	v31 =	vmul.f32 v49, v5;
	v12 =	vadd.s32 v28, v35;
	v35 =	vld.idx.msk [tilespmem:v3+s3+$0x0], $0xffff;
	v3 =	vmovc v16  }
0x2a5: {  	v44 =	vadd.s32 v50, v12;
	v55 =	vadd.f32 v13, v40;
	v13 =	vmul.f32 v29, v5;
	v49 =	vld.idx.msk [tilespmem:v6+s3+$0x0], $0xffff  }
0x2a6: {  	v39 =	vadd.f32 v31, v39;
	v16 =	vmovc v25;
	v28 =	vadd.s32 $0x21, v44;
	v50 =	vadd.s32 $0x441, v44;
	v25 =	vmovc v44  }
0x2a7: {  	v56 =	vadd.s32 $0x1, v25;
	v29 =	vadd.s32 $0x22, v25;
	v40 =	vsub.f32 v36, v46;
	v12 =	vmovc v17;
	v17 =	vmovc v27  }
0x2a8: {  	v6 =	vmovc v14;
	v36 =	vadd.s32 $0x462, v25;
	v31 =	vadd.s32 $0x463, v25;
	v44 =	vadd.f32 v13, v47;
	v27 =	vmovc v50  }
.Ltmp2:
0x2a9: {  	v14 =	vmovc v26;
	v45 =	vsub.f32 v45, v55;
	v57 =	vsub.f32 v51, v34;
	v40 =	vmul.f32 v40, v2;
	(pc) =	sbr.rel @p0 .LBB2_7-.Ltmp2, $4  }
0x2aa: {  	v47 =	vcvt.s32.f32 v53;
	v26 =	vmovc v56;
	v51 =	vsub.f32 v39, v44;
	v54 =	vsub.f32 v54, v37;
	v13 =	vmovc v18  }
0x2ab: {  	v52 =	vsub.f32 v52, v33;
	v58 =	vmul.f32 v45, v24;
	v39 =	vadd.f32 v40, v46;
	v50 =	vld.idx.msk [tilespmem:v25+s6+$0x0], $0xffff  }
0x2ac: {  	v18 =	vmovc v42;
	v40 =	vadd.s32 $0x442, v25;
	v45 =	vsub.f32 v49, v35;
	v46 =	vmul.f32 v54, v2;
	v53 =	vld.idx.msk [tilespmem:v56+s6+$0x0], $0xffff  }
0x2ad: {  	v52 =	vmul.f32 v52, v5;
	v42 =	vmul.f32 v57, v2;
	v54 =	vadd.f32 v58, v55;
	v49 =	vld.idx.msk [tilespmem:v36+s6+$0x0], $0xffff  }
0x2ae: {  	_ =	sdelay $0x3  }
0x2af: {  	v55 =	vld.idx.msk [tilespmem:v28+s6+$0x0], $0xffff  }
0x2b0: {  	v56 =	vld.idx.msk [tilespmem:v27+s6+$0x0], $0xffff  }
0x2b1: {  	v57 =	vld.idx.msk [tilespmem:v31+s6+$0x0], $0xffff  }
0x2b2: {  	v58 =	vld.idx.msk [tilespmem:v40+s6+$0x0], $0xffff  }
0x2b3: {  	v59 =	vld.idx.msk [tilespmem:v29+s6+$0x0], $0xffff;
	_ =	sdelay $0x2  }
0x2b4: {  	v38 =	vsub.f32 v38, v48  }
0x2b5: {  	v60 =	vsub.f32 v53, v50;
	v61 =	vsub.f32 v58, v56  }
0x2b6: {  	v57 =	vsub.f32 v57, v49;
	v62 =	vsub.f32 v59, v55  }
0x2b7: {  	v48 =	vmul.f32 v60, v38;
	v53 =	vmul.f32 v61, v38  }
0x2b8: {  	v57 =	vmul.f32 v57, v38;
	v58 =	vmul.f32 v62, v38  }
0x2b9: {  	v48 =	vadd.f32 v48, v50;
	v63 =	vadd.f32 v53, v56  }
0x2ba: {  	v57 =	vadd.f32 v57, v49;
	v58 =	vadd.f32 v58, v55  }
0x2bb: {  	v32 =	vsub.f32 v32, v47  }
0x2bc: {  	v59 =	vsub.f32 v57, v63;
	v60 =	vsub.f32 v58, v48  }
0x2bd: {  	[tilespmem:s17+$0x1D580] =	vst v54  }
0x2be: {  	v54 =	vld.idx.msk [tilespmem:v18+s31+$0x0], $0xffff;
	v47 =	vmul.f32 v59, v32;
	v49 =	vmul.f32 v60, v32  }
0x2bf: {  	v61 =	vld.idx.msk [tilespmem:v20+s31+$0x0], $0xffff  }
0x2c0: {  	v41 =	vcvt.s32.f32 v41;
	v55 =	vld.idx.msk [tilespmem:v22+s31+$0x0], $0xffff;
	v47 =	vadd.f32 v47, v63;
	v48 =	vadd.f32 v49, v48  }
0x2c1: {  	v56 =	vld.idx.msk [tilespmem:v17+s31+$0x0], $0xffff  }
0x2c2: {  	v30 =	vsub.f32 v30, v41;
	v62 =	vsub.f32 v47, v48  }
0x2c3: {  	v50 =	vld.idx.msk [tilespmem:v21+s31+$0x0], $0xffff  }
0x2c4: {  	v57 =	vld.idx.msk [tilespmem:v16+s31+$0x0], $0xffff;
	v41 =	vmul.f32 v62, v30  }
0x2c5: {  	v33 =	vadd.f32 v52, v33;
	v61 =	vsub.f32 v61, v54;
	v49 =	vld.idx.msk [tilespmem:v23+s31+$0x0], $0xffff  }
0x2c6: {  	v58 =	vsub.f32 v55, v56;
	v63 =	vld.idx.msk [tilespmem:v14+s31+$0x0], $0xffff;
	v41 =	vadd.f32 v41, v48  }
0x2c7: {  	v60 =	vmul.f32 v51, v9  }
0x2c8: {  	v43 =	vsub.f32 v43, v33;
	v59 =	vmul.f32 v61, v15;
	v61 =	vmul.f32 v58, v15;
	[tilespmem:s15+$0x1D580] =	vst v41  }
0x2c9: {  	v52 =	vld.idx.msk [tilespmem:v31+s31+$0x0], $0xffff  }
0x2ca: {  	v44 =	vadd.f32 v60, v44;
	v62 =	vmul.f32 v43, v9;
	v43 =	vadd.f32 v61, v56;
	v51 =	vld.idx.msk [tilespmem:v36+s31+$0x0], $0xffff  }
0x2cb: {  	v49 =	vsub.f32 v49, v50;
	v63 =	vsub.f32 v63, v57;
	v47 =	vld.idx.msk [tilespmem:v40+s31+$0x0], $0xffff  }
0x2cc: {  	v33 =	vadd.f32 v62, v33;
	v48 =	vadd.f32 v59, v54;
	v62 =	vld.idx.msk [tilespmem:v29+s31+$0x0], $0xffff  }
0x2cd: {  	v49 =	vmul.f32 v49, v15;
	v60 =	vmul.f32 v63, v15;
	v54 =	vld.idx.msk [tilespmem:v28+s31+$0x0], $0xffff  }
0x2ce: {  	v33 =	vsub.f32 v33, v44;
	v48 =	vsub.f32 v48, v43;
	v63 =	vld.idx.msk [tilespmem:v26+s31+$0x0], $0xffff  }
0x2cf: {  	v49 =	vadd.f32 v49, v50;
	v41 =	vadd.f32 v60, v57;
	v56 =	vld.idx.msk [tilespmem:v25+s31+$0x0], $0xffff  }
0x2d0: {  	v50 =	vld.idx.msk [tilespmem:v27+s31+$0x0], $0xffff;
	v33 =	vmul.f32 v33, v4  }
0x2d1: {  	v48 =	vmul.f32 v48, v19;
	v49 =	vsub.f32 v49, v41  }
0x2d2: {  	v33 =	vadd.f32 v33, v44  }
0x2d3: {  	v43 =	vadd.f32 v48, v43;
	v49 =	vmul.f32 v49, v19;
	v60 =	vsub.f32 v52, v51  }
0x2d4: {  	v61 =	vsub.f32 v62, v54;
	v62 =	vsub.f32 v63, v56  }
0x2d5: {  	v47 =	vsub.f32 v47, v50;
	v41 =	vadd.f32 v49, v41  }
0x2d6: {  	v44 =	vmul.f32 v60, v38;
	v48 =	vmul.f32 v61, v38  }
0x2d7: {  	[tilespmem:s14+$0x1DD80] =	vst v33;
	v52 =	vmul.f32 v62, v38;
	v47 =	vmul.f32 v47, v38;
	v63 =	vsub.f32 v43, v41  }
0x2d8: {  	v10 =	vld.idx.msk [tilespmem:v10+s3+$0x0], $0xffff;
	v44 =	vadd.f32 v44, v51;
	v48 =	vadd.f32 v48, v54  }
0x2d9: {  	v8 =	vld.idx.msk [tilespmem:v8+s3+$0x0], $0xffff;
	v43 =	vadd.f32 v52, v56;
	v47 =	vadd.f32 v47, v50  }
0x2da: {  	v7 =	vld.idx.msk [tilespmem:v7+s3+$0x0], $0xffff  }
0x2db: {  	v11 =	vld.idx.msk [tilespmem:v11+s3+$0x0], $0xffff;
	v33 =	vmul.f32 v63, v24;
	v48 =	vsub.f32 v48, v43;
	v44 =	vsub.f32 v44, v47  }
0x2dc: {  	v13 =	vld.idx.msk [tilespmem:v13+s3+$0x0], $0xffff  }
0x2dd: {  	v12 =	vld.idx.msk [tilespmem:v12+s3+$0x0], $0xffff;
	v33 =	vadd.f32 v33, v41;
	v53 =	vmul.f32 v48, v32;
	v44 =	vmul.f32 v44, v32  }
0x2de: {  	v3 =	vld.idx.msk [tilespmem:v3+s3+$0x0], $0xffff  }
0x2df: {  	v6 =	vld.idx.msk [tilespmem:v6+s3+$0x0], $0xffff;
	[tilespmem:s17+$0x1DD80] =	vst v33;
	v54 =	vadd.f32 v53, v43;
	v55 =	vadd.f32 v44, v47  }
0x2e0: {  	v56 =	vld.idx.msk [tilespmem:v20+s3+$0x0], $0xffff  }
0x2e1: {  	v57 =	vld.idx.msk [tilespmem:v22+s3+$0x0], $0xffff;
	v41 =	vsub.f32 v55, v54  }
0x2e2: {  	v2 =	vmul.f32 v45, v2;
	v58 =	vld.idx.msk [tilespmem:v21+s3+$0x0], $0xffff  }
0x2e3: {  	v59 =	vld.idx.msk [tilespmem:v23+s3+$0x0], $0xffff;
	v41 =	vmul.f32 v41, v30  }
0x2e4: {  	v37 =	vadd.f32 v46, v37;
	v2 =	vadd.f32 v2, v35;
	v60 =	vld.idx.msk [tilespmem:v18+s3+$0x0], $0xffff  }
0x2e5: {  	v11 =	vsub.f32 v11, v7;
	v61 =	vld.idx.msk [tilespmem:v17+s3+$0x0], $0xffff;
	v33 =	vadd.f32 v41, v54  }
0x2e6: {  	v8 =	vsub.f32 v8, v12;
	v10 =	vsub.f32 v10, v13;
	v62 =	vld.idx.msk [tilespmem:v16+s3+$0x0], $0xffff  }
0x2e7: {  	v6 =	vsub.f32 v6, v3;
	v11 =	vmul.f32 v11, v5;
	v63 =	vld.idx.msk [tilespmem:v14+s3+$0x0], $0xffff;
	[tilespmem:s15+$0x1DD80] =	vst v33  }
0x2e8: {  	v34 =	vadd.f32 v42, v34;
	v8 =	vmul.f32 v8, v5;
	v10 =	vmul.f32 v10, v5;
	v41 =	vld.idx.msk [tilespmem:v31+s3+$0x0], $0xffff  }
0x2e9: {  	v45 =	vsub.f32 v39, v2;
	v35 =	vmul.f32 v6, v5;
	v7 =	vadd.f32 v11, v7;
	v42 =	vld.idx.msk [tilespmem:v40+s3+$0x0], $0xffff  }
0x2ea: {  	v8 =	vadd.f32 v8, v12;
	v10 =	vadd.f32 v10, v13;
	v43 =	vld.idx.msk [tilespmem:v28+s3+$0x0], $0xffff  }
0x2eb: {  	v48 =	vmul.f32 v45, v1;
	v3 =	vadd.f32 v35, v3;
	v44 =	vsub.f32 v34, v37;
	v46 =	vld.idx.msk [tilespmem:v29+s3+$0x0], $0xffff  }
0x2ec: {  	v10 =	vsub.f32 v10, v8;
	v47 =	vld.idx.msk [tilespmem:v36+s3+$0x0], $0xffff  }
0x2ed: {  	v7 =	vsub.f32 v7, v3;
	v12 =	vmul.f32 v44, v1;
	v1 =	vadd.f32 v48, v2;
	v50 =	vld.idx.msk [tilespmem:v27+s3+$0x0], $0xffff  }
0x2ee: {  	v10 =	vmul.f32 v10, v9;
	v49 =	vsub.f32 v59, v58;
	v51 =	vsub.f32 v57, v61;
	v52 =	vld.idx.msk [tilespmem:v25+s3+$0x0], $0xffff  }
0x2ef: {  	v7 =	vmul.f32 v7, v9;
	v12 =	vadd.f32 v12, v37;
	v56 =	vsub.f32 v56, v60;
	v54 =	vld.idx.msk [tilespmem:v26+s3+$0x0], $0xffff  }
0x2f0: {  	v57 =	vsub.f32 v63, v62;
	v53 =	vmul.f32 v49, v15;
	v55 =	vmul.f32 v51, v15  }
0x2f1: {  	v8 =	vadd.f32 v10, v8;
	v3 =	vadd.f32 v7, v3  }
0x2f2: {  	v2 =	vadd.f32 v53, v58;
	v7 =	vadd.f32 v55, v61  }
0x2f3: {  	v9 =	vmul.f32 v56, v15;
	v58 =	vsub.f32 v46, v43;
	v11 =	vsub.f32 v42, v50  }
0x2f4: {  	v10 =	vmul.f32 v57, v15;
	v6 =	vsub.f32 v41, v47;
	v13 =	vsub.f32 v54, v52  }
0x2f5: {  	v9 =	vadd.f32 v9, v60;
	v14 =	vmul.f32 v58, v38;
	v11 =	vmul.f32 v11, v38  }
0x2f6: {  	v10 =	vadd.f32 v10, v62;
	v6 =	vmul.f32 v6, v38;
	v13 =	vmul.f32 v13, v38  }
0x2f7: {  	v5 =	vadd.f32 v14, v43;
	v11 =	vadd.f32 v11, v50  }
0x2f8: {  	v6 =	vadd.f32 v6, v47;
	v13 =	vadd.f32 v13, v52  }
0x2f9: {  	v9 =	vsub.f32 v9, v7;
	v2 =	vsub.f32 v2, v10  }
0x2fa: {  	v6 =	vsub.f32 v6, v11;
	v5 =	vsub.f32 v5, v13  }
0x2fb: {  	v12 =	vsub.f32 v12, v1;
	v9 =	vmul.f32 v9, v19;
	v2 =	vmul.f32 v2, v19  }
0x2fc: {  	v8 =	vsub.f32 v8, v3;
	v6 =	vmul.f32 v6, v32;
	v5 =	vmul.f32 v5, v32  }
0x2fd: {  	v7 =	vadd.f32 v9, v7;
	v2 =	vadd.f32 v2, v10  }
0x2fe: {  	v6 =	vadd.f32 v6, v11;
	v5 =	vadd.f32 v5, v13  }
0x2ff: {  	v0 =	vmul.f32 v12, v0;
	v7 =	vsub.f32 v7, v2  }
0x300: {  	v59 =	vmul.f32 v8, v4;
	v6 =	vsub.f32 v6, v5  }
0x301: {  	v0 =	vadd.f32 v0, v1;
	v60 =	vmul.f32 v7, v24  }
0x302: {  	v3 =	vadd.f32 v59, v3;
	v61 =	vmul.f32 v6, v30  }
0x303: {  	[tilespmem:s7+$0x1E580] =	vst v0;
	v62 =	vadd.f32 v60, v2  }
0x304: {  	[tilespmem:s14+$0x1E580] =	vst v3;
	v63 =	vadd.f32 v61, v5  }
0x305: {  	[tilespmem:s17+$0x1E580] =	vst v62  }
0x306: {  	s24 =	simm.s32 $0x1D580;
	[tilespmem:s15+$0x1E580] =	vst v63;
	s15 =	sadd.s32 s5, s21  }
0x307: {  	[hbm4b:s15+s6] =	stream.linear.scatter [tilespmem:s24], [sflag:$0x6], $0x800, $0x38;
	[tilespmem:$0x1ED80] =	vst v63  }
0x308: {  	s16 =	sadd.s32 s5, s22;
	s25 =	simm.s32 $0x1DD80  }
0x309: {  	[hbm4b:s16+s6] =	stream.linear.scatter [tilespmem:s25], [sflag:$0x6], $0x800, $0x38;
	[tilespmem:$0x1ED80] =	vst v63  }
0x30a: {  	s8 =	simm.s32 $0x1E580;
	s17 =	sadd.s32 s5, s23  }
0x30b: {  	[hbm4b:s17+s6] =	stream.linear.scatter [tilespmem:s8], [sflag:$0x6], $0x800, $0x38;
	[tilespmem:$0x1ED80] =	vst v63  }
0x30c: {  	_ =	swait.ge [sflag:s13], $0x800  }
0x30d: {  	s21 =	rddreg [dreg:$0xd]  }
0x30e: {  	[sflag:s13] =	ssyncset.done $0x0;
	s7 =	sadd.s32 s19, s21  }
0x30f: {  	[sflag:s13] =	ssyncadd.s32 $0xFFFFF800;
	s22 =	sshrl.u32 s7, $0x7  }
0x310: {  	_ =	swait.ge [sflag:s13], $0x800;
	s7 =	sshll.u32 s7, $0xB;
	s8 =	smul.u32 $0xC0000, s22  }
0x311: {  	[sflag:s13] =	ssyncset.done $0x0;
	s7 =	sand.u32 $0x3F000, s7  }
0x312: {  	[sflag:s13] =	ssyncadd.s32 $0xFFFFF800;
	s7 =	sor.u32 s7, s8  }
0x313: {  	_ =	swait.ge [sflag:s13], $0x800;
	s7 =	sor.u32 s20, s7  }
0x314: {  	s18 =	sadd.s32 $0x1, s18;
	[sflag:s13] =	ssyncset.done $0x0;
	s7 =	sshrl.u32 s7, $0x3  }
0x315: {  	p0 =	sne.s32 s18, $0xA;
	[sflag:s13] =	ssyncadd.s32 $0xFFFFF800;
	s7 =	sadd.s32 s1, s7  }
0x316: {  	[tilespmem:s28], [sflag:$0x2] =	stream.linear.gather [hbm4b:s7+s6], $0x800, $0x38;
	[tilespmem:$0x1ED80] =	vst v63  }
.Ltmp3:
0x317: {  	_ = 	snop;
	(pc) =	sbr.rel @p0 .LBB2_2-.Ltmp3, $4  }
0x318: {  	s23 =	sadd.s32 $0x8000, s7  }
0x319: {  	[tilespmem:s29], [sflag:$0x2] =	stream.linear.gather [hbm4b:s23+s6], $0x800, $0x38;
	[tilespmem:$0x1ED80] =	vst v63  }
0x31a: {  	s7 =	sadd.s32 $0x10000, s7  }
0x31b: {  	[tilespmem:s30], [sflag:$0x2] =	stream.linear.gather [hbm4b:s7+s6], $0x800, $0x38;
	[tilespmem:$0x1ED80] =	vst v63  }
0x31c: {  	_ =	swait.ge [sflag:s4], $0x800  }
0x31d: {  	[sflag:s4] =	ssyncset.done $0x0  }
0x31e: {  	[sflag:s4] =	ssyncadd.s32 $0xFFFFF800  }
0x31f: {  	_ =	swait.ge [sflag:s4], $0x800  }
0x320: {  	[sflag:s4] =	ssyncset.done $0x0  }
0x321: {  	s7 =	simm.s32 $0x0;
	[sflag:s4] =	ssyncadd.s32 $0xFFFFF800  }
0x322: {  	s8 =	sand.u32 $0x400, s7;
	s9 =	sand.u32 $0x380, s7;
	_ =	swait.ge [sflag:s4], $0x800  }
0x323: {  	s7 =	sand.u32 $0x70, s7;
	s8 =	sor.u32 s9, s8;
	[sflag:s4] =	ssyncset.done $0x0  }
0x324: {  	s7 =	sor.u32 s7, s8;
	[sflag:s4] =	ssyncadd.s32 $0xFFFFF800  }
0x325: {  	v0 =	vld [tilespmem:s7+$0x1AD80]  }
0x326: {  	v1 =	vld [tilespmem:s7+$0x1B580]  }
0x327: {  	v2 =	vld [tilespmem:s7+$0x1A580];
	_ =	sdelay $0x2  }
0x328: {  	v0 =	vmul.f32 $3.200000000e+01, v0  }
0x329: {  	v4 =	vmul.f32 $3.200000000e+01, v1  }
0x32a: {  	v1 =	vmul.f32 $3.200000000e+01, v2;
	v2 =	vtrunc.f32 v0  }
0x32b: {  	v3 =	vtrunc.f32 v4;
	v2 =	vcvt.f32.s32 v2  }
0x32c: {  	v5 =	vcvt.f32.s32 v3;
	v3 =	vtrunc.f32 v1  }
0x32d: {  	v3 =	vcvt.f32.s32 v3;
	v6 =	vmul.u32 $0x21, v2  }
0x32e: {  	s17 =	simm.s32 $0x8;
	s18 =	simm.s32 $0x80;
	v7 =	vmul.u32 $0x441, v5  }
0x32f: {  	s10 =	simm.s32 $0x10;
	s9 =	sand.u32 $0x400, s18;
	s8 =	sand.u32 $0x380, s17;
	v6 =	vadd.s32 v3, v6  }
0x330: {  	s10 =	sand.u32 $0x70, s10;
	s8 =	sor.u32 s8, s9;
	v27 =	vadd.s32 v7, v6  }
0x331: {  	s14 =	sor.u32 s10, s8;
	v26 =	vadd.s32 $0x1, v27  }
0x332: {  	v10 =	vld [tilespmem:s14+$0x1AD80];
	v25 =	vadd.s32 $0x462, v27  }
0x333: {  	v11 =	vld [tilespmem:s14+$0x1B580];
	v29 =	vadd.s32 $0x21, v27  }
0x334: {  	v12 =	vld [tilespmem:s14+$0x1A580];
	v28 =	vadd.s32 $0x441, v27  }
0x335: {  	v24 =	vadd.s32 $0x463, v27;
	v6 =	vld.idx.msk [tilespmem:v27+s6+$0x0], $0xffff  }
0x336: {  	v31 =	vadd.s32 $0x442, v27;
	v7 =	vld.idx.msk [tilespmem:v26+s6+$0x0], $0xffff  }
0x337: {  	v34 =	vadd.s32 $0x22, v27;
	v8 =	vld.idx.msk [tilespmem:v25+s6+$0x0], $0xffff  }
0x338: {  	v9 =	vld.idx.msk [tilespmem:v29+s6+$0x0], $0xffff  }
0x339: {  	v13 =	vld.idx.msk [tilespmem:v28+s6+$0x0], $0xffff  }
0x33a: {  	v16 =	vmul.f32 $3.200000000e+01, v10;
	v14 =	vld.idx.msk [tilespmem:v24+s6+$0x0], $0xffff  }
0x33b: {  	v18 =	vmul.f32 $3.200000000e+01, v11;
	v15 =	vld.idx.msk [tilespmem:v31+s6+$0x0], $0xffff  }
0x33c: {  	v11 =	vtrunc.f32 v16;
	v3 =	vcvt.s32.f32 v3;
	v17 =	vld.idx.msk [tilespmem:v34+s6+$0x0], $0xffff  }
0x33d: {  	v19 =	vmul.f32 $3.200000000e+01, v12;
	v20 =	vcvt.f32.s32 v11  }
0x33e: {  	v10 =	vcvt.s32.f32 v2;
	v2 =	vsub.f32 v1, v3;
	v1 =	vtrunc.f32 v18  }
0x33f: {  	v11 =	vmul.u32 $0x21, v20;
	v21 =	vcvt.f32.s32 v1;
	v1 =	vtrunc.f32 v19  }
0x340: {  	v3 =	vsub.f32 v7, v6;
	v7 =	vsub.f32 v15, v13;
	v15 =	vcvt.f32.s32 v1  }
0x341: {  	v1 =	vsub.f32 v14, v8;
	v12 =	vsub.f32 v17, v9;
	v14 =	vmul.u32 $0x441, v21  }
0x342: {  	v17 =	vmul.f32 v3, v2;
	v7 =	vmul.f32 v7, v2;
	v3 =	vadd.s32 v15, v11  }
0x343: {  	s19 =	simm.s32 $0x10;
	s20 =	simm.s32 $0x100;
	v1 =	vmul.f32 v1, v2;
	v11 =	vmul.f32 v12, v2;
	v3 =	vadd.s32 v14, v3  }
0x344: {  	s21 =	simm.s32 $0x20;
	s9 =	sand.u32 $0x400, s20;
	s8 =	sand.u32 $0x380, s19;
	v14 =	vadd.f32 v17, v6;
	v17 =	vadd.f32 v7, v13;
	v6 =	vadd.s32 $0x1, v3  }
0x345: {  	s10 =	sand.u32 $0x70, s21;
	s8 =	sor.u32 s8, s9;
	v8 =	vadd.f32 v1, v8;
	v9 =	vadd.f32 v11, v9;
	v13 =	vadd.s32 $0x462, v3  }
0x346: {  	s17 =	sor.u32 s10, s8;
	v1 =	vsub.f32 v0, v10;
	v12 =	vadd.s32 $0x441, v3  }
0x347: {  	v35 =	vld [tilespmem:s17+$0x1AD80];
	v10 =	vadd.s32 $0x463, v3;
	v0 =	vsub.f32 v8, v17;
	v9 =	vsub.f32 v9, v14  }
0x348: {  	v7 =	vadd.s32 $0x21, v3;
	v22 =	vld.idx.msk [tilespmem:v3+s6+$0x0], $0xffff  }
0x349: {  	v8 =	vadd.s32 $0x442, v3;
	v0 =	vmul.f32 v0, v1;
	v9 =	vmul.f32 v9, v1;
	v23 =	vld.idx.msk [tilespmem:v6+s6+$0x0], $0xffff  }
0x34a: {  	v11 =	vadd.s32 $0x22, v3;
	v30 =	vld.idx.msk [tilespmem:v13+s6+$0x0], $0xffff  }
0x34b: {  	v5 =	vcvt.s32.f32 v5;
	v32 =	vld.idx.msk [tilespmem:v12+s6+$0x0], $0xffff;
	v17 =	vadd.f32 v0, v17;
	v9 =	vadd.f32 v9, v14  }
0x34c: {  	v33 =	vld.idx.msk [tilespmem:v10+s6+$0x0], $0xffff  }
0x34d: {  	v14 =	vld.idx.msk [tilespmem:v7+s6+$0x0], $0xffff;
	v0 =	vsub.f32 v4, v5;
	v4 =	vsub.f32 v17, v9  }
0x34e: {  	v5 =	vcvt.s32.f32 v15;
	v17 =	vld.idx.msk [tilespmem:v8+s6+$0x0], $0xffff  }
0x34f: {  	v15 =	vld.idx.msk [tilespmem:v11+s6+$0x0], $0xffff;
	v4 =	vmul.f32 v4, v0  }
0x350: {  	v5 =	vsub.f32 v19, v5;
	v19 =	vsub.f32 v23, v22;
	v23 =	vld [tilespmem:s17+$0x1A580]  }
0x351: {  	v4 =	vadd.f32 v4, v9;
	v9 =	vld [tilespmem:s17+$0x1B580]  }
0x352: {  	v33 =	vsub.f32 v33, v30  }
0x353: {  	v35 =	vmul.f32 $3.200000000e+01, v35;
	v17 =	vsub.f32 v17, v32  }
0x354: {  	v20 =	vcvt.s32.f32 v20;
	v33 =	vmul.f32 v33, v5  }
0x355: {  	v15 =	vsub.f32 v15, v14;
	[tilespmem:s7+$0x1A580] =	vst v4;
	v4 =	vmul.f32 v19, v5;
	v17 =	vmul.f32 v17, v5  }
0x356: {  	v19 =	vld.idx.msk [tilespmem:v24+s31+$0x0], $0xffff;
	v38 =	vmul.f32 $3.200000000e+01, v23;
	v37 =	vmul.f32 $3.200000000e+01, v9  }
0x357: {  	v36 =	vld.idx.msk [tilespmem:v25+s31+$0x0], $0xffff;
	v9 =	vmul.f32 v15, v5;
	v15 =	vadd.f32 v4, v22;
	v4 =	vtrunc.f32 v35  }
0x358: {  	v53 =	vld.idx.msk [tilespmem:v28+s31+$0x0], $0xffff;
	v17 =	vadd.f32 v17, v32;
	v39 =	vcvt.f32.s32 v4;
	v23 =	vtrunc.f32 v37  }
0x359: {  	v40 =	vld.idx.msk [tilespmem:v29+s31+$0x0], $0xffff;
	v4 =	vadd.f32 v33, v30;
	v54 =	vcvt.f32.s32 v23;
	v23 =	vtrunc.f32 v38  }
0x35a: {  	v43 =	vld.idx.msk [tilespmem:v27+s31+$0x0], $0xffff;
	v14 =	vadd.f32 v9, v14;
	v41 =	vmul.u32 $0x21, v39;
	v42 =	vcvt.f32.s32 v23  }
0x35b: {  	v30 =	vld.idx.msk [tilespmem:v34+s31+$0x0], $0xffff;
	v9 =	vsub.f32 v16, v20;
	v16 =	vmul.u32 $0x441, v54  }
0x35c: {  	s16 =	simm.s32 $0x18;
	s8 =	simm.s32 $0x180;
	v22 =	vld.idx.msk [tilespmem:v31+s31+$0x0], $0xffff;
	v4 =	vsub.f32 v4, v17;
	v14 =	vsub.f32 v14, v15;
	v23 =	vadd.s32 v42, v41  }
0x35d: {  	s22 =	simm.s32 $0x30;
	s15 =	sand.u32 $0x380, s16;
	s23 =	sand.u32 $0x400, s8;
	v21 =	vcvt.s32.f32 v21;
	v20 =	vld.idx.msk [tilespmem:v26+s31+$0x0], $0xffff;
	v19 =	vsub.f32 v19, v36;
	v16 =	vadd.s32 v16, v23  }
0x35e: {  	s9 =	sand.u32 $0x70, s22;
	s10 =	sor.u32 s15, s23;
	v60 =	vmul.f32 v4, v9;
	v23 =	vmul.f32 v14, v9;
	v14 =	vadd.s32 $0x1, v16  }
0x35f: {  	s15 =	sor.u32 s9, s10;
	v19 =	vmul.f32 v19, v2;
	v4 =	vsub.f32 v18, v21;
	v18 =	vadd.s32 $0x462, v16  }
0x360: {  	v49 =	vld [tilespmem:s15+$0x1A580];
	v30 =	vsub.f32 v30, v40;
	v21 =	vadd.f32 v60, v17;
	v17 =	vadd.s32 $0x441, v16  }
0x361: {  	v61 =	vsub.f32 v22, v53;
	v60 =	vld [tilespmem:s15+$0x1AD80];
	v22 =	vadd.s32 $0x442, v16;
	v15 =	vadd.f32 v23, v15  }
0x362: {  	v30 =	vmul.f32 v30, v2;
	v23 =	vsub.f32 v20, v43;
	v20 =	vadd.s32 $0x463, v16;
	v45 =	vld.idx.msk [tilespmem:v16+s6+$0x0], $0xffff  }
0x363: {  	v41 =	vmul.f32 v61, v2;
	v44 =	vsub.f32 v21, v15;
	v21 =	vadd.s32 $0x21, v16;
	v47 =	vld.idx.msk [tilespmem:v14+s6+$0x0], $0xffff  }
0x364: {  	v30 =	vadd.f32 v30, v40;
	v46 =	vmul.f32 v23, v2;
	v23 =	vadd.s32 $0x22, v16;
	v40 =	vld.idx.msk [tilespmem:v18+s6+$0x0], $0xffff  }
0x365: {  	v19 =	vadd.f32 v19, v36;
	v62 =	vmul.f32 v44, v4;
	v63 =	vld.idx.msk [tilespmem:v17+s6+$0x0], $0xffff  }
0x366: {  	v32 =	vadd.f32 v41, v53;
	v43 =	vadd.f32 v46, v43;
	v56 =	vld.idx.msk [tilespmem:v22+s6+$0x0], $0xffff  }
0x367: {  	v55 =	vld.idx.msk [tilespmem:v20+s6+$0x0], $0xffff;
	v15 =	vadd.f32 v62, v15  }
0x368: {  	v42 =	vcvt.s32.f32 v42;
	v19 =	vsub.f32 v19, v32;
	v30 =	vsub.f32 v30, v43;
	v46 =	vld.idx.msk [tilespmem:v21+s6+$0x0], $0xffff  }
0x369: {  	v57 =	vld.idx.msk [tilespmem:v23+s6+$0x0], $0xffff;
	[tilespmem:s14+$0x1A580] =	vst v15  }
0x36a: {  	v19 =	vmul.f32 v19, v1;
	v30 =	vmul.f32 v30, v1;
	v15 =	vsub.f32 v38, v42;
	v48 =	vld.idx.msk [tilespmem:v10+s31+$0x0], $0xffff  }
0x36b: {  	v59 =	vsub.f32 v56, v63;
	v61 =	vsub.f32 v47, v45;
	v47 =	vld.idx.msk [tilespmem:v13+s31+$0x0], $0xffff  }
0x36c: {  	v19 =	vadd.f32 v19, v32;
	v52 =	vld.idx.msk [tilespmem:v8+s31+$0x0], $0xffff;
	v58 =	vadd.f32 v30, v43  }
0x36d: {  	v39 =	vcvt.s32.f32 v39;
	v33 =	vld.idx.msk [tilespmem:v12+s31+$0x0], $0xffff;
	v36 =	vsub.f32 v55, v40;
	v32 =	vmul.f32 v59, v15  }
0x36e: {  	v50 =	vcvt.s32.f32 v54;
	v30 =	vld [tilespmem:s15+$0x1B580];
	v62 =	vmul.f32 v61, v15;
	v19 =	vsub.f32 v19, v58  }
0x36f: {  	v36 =	vmul.f32 v36, v15;
	v38 =	vsub.f32 v57, v46;
	v63 =	vadd.f32 v32, v63  }
0x370: {  	v32 =	vmul.f32 $3.200000000e+01, v60;
	v45 =	vadd.f32 v62, v45;
	v54 =	vmul.f32 v19, v0  }
0x371: {  	v57 =	vld.idx.msk [tilespmem:v6+s31+$0x0], $0xffff;
	v36 =	vadd.f32 v36, v40;
	v19 =	vsub.f32 v35, v39;
	v56 =	vmul.f32 v38, v15  }
0x372: {  	v35 =	vld.idx.msk [tilespmem:v11+s31+$0x0], $0xffff;
	v38 =	vmul.f32 $3.200000000e+01, v49;
	v48 =	vsub.f32 v48, v47;
	v52 =	vsub.f32 v52, v33  }
0x373: {  	v39 =	vld.idx.msk [tilespmem:v7+s31+$0x0], $0xffff;
	v30 =	vmul.f32 $3.200000000e+01, v30;
	v55 =	vadd.f32 v54, v58;
	v36 =	vsub.f32 v36, v63  }
0x374: {  	v49 =	vld.idx.msk [tilespmem:v3+s31+$0x0], $0xffff;
	v58 =	vtrunc.f32 v32;
	v59 =	vadd.f32 v56, v46;
	v60 =	vmul.f32 v48, v5  }
0x375: {  	v52 =	vmul.f32 v52, v5;
	v51 =	vtrunc.f32 v30;
	[tilespmem:s7+$0x1AD80] =	vst v55  }
0x376: {  	v40 =	vcvt.f32.s32 v58;
	v36 =	vmul.f32 v36, v19;
	v62 =	vsub.f32 v59, v45;
	v53 =	vld.idx.msk [tilespmem:v24+s3+$0x0], $0xffff  }
0x377: {  	v41 =	vcvt.f32.s32 v51;
	v43 =	vadd.f32 v60, v47;
	v24 =	vsub.f32 v37, v50;
	v54 =	vld.idx.msk [tilespmem:v29+s3+$0x0], $0xffff  }
0x378: {  	v29 =	vtrunc.f32 v38;
	v61 =	vmul.u32 $0x21, v40;
	v35 =	vsub.f32 v35, v39;
	v55 =	vld.idx.msk [tilespmem:v31+s3+$0x0], $0xffff  }
0x379: {  	v42 =	vsub.f32 v57, v49;
	v50 =	vadd.f32 v36, v63;
	v63 =	vld.idx.msk [tilespmem:v34+s3+$0x0], $0xffff;
	v29 =	vcvt.f32.s32 v29  }
0x37a: {  	v37 =	vld.idx.msk [tilespmem:v28+s3+$0x0], $0xffff;
	v47 =	vcvt.s32.f32 v40;
	v51 =	vmul.u32 $0x441, v41;
	v31 =	vmul.f32 v62, v19  }
0x37b: {  	v34 =	vld.idx.msk [tilespmem:v25+s3+$0x0], $0xffff;
	v42 =	vmul.f32 v42, v5;
	v48 =	vcvt.s32.f32 v29;
	v25 =	vadd.s32 v29, v61  }
0x37c: {  	v60 =	vld.idx.msk [tilespmem:v26+s3+$0x0], $0xffff;
	v29 =	vmul.f32 v35, v5;
	v56 =	vadd.f32 v31, v45;
	v25 =	vadd.s32 v51, v25  }
0x37d: {  	v35 =	vld.idx.msk [tilespmem:v27+s3+$0x0], $0xffff;
	v44 =	vadd.f32 v42, v49;
	v28 =	vadd.s32 $0x21, v25;
	v26 =	vadd.s32 $0x1, v25  }
0x37e: {  	v27 =	vadd.s32 $0x441, v25;
	v36 =	vadd.s32 $0x462, v25;
	v61 =	vsub.f32 v63, v54  }
0x37f: {  	v39 =	vadd.f32 v29, v39;
	v31 =	vadd.s32 $0x463, v25;
	v62 =	vsub.f32 v50, v56  }
0x380: {  	v40 =	vadd.s32 $0x442, v25;
	v63 =	vsub.f32 v55, v37;
	v46 =	vmul.f32 v61, v2  }
0x381: {  	v57 =	vsub.f32 v53, v34;
	v51 =	vsub.f32 v39, v44;
	v42 =	vmul.f32 v62, v24;
	v50 =	vld.idx.msk [tilespmem:v25+s6+$0x0], $0xffff  }
0x382: {  	v45 =	vsub.f32 v60, v35;
	v39 =	vadd.f32 v46, v54;
	v53 =	vld.idx.msk [tilespmem:v26+s6+$0x0], $0xffff;
	v46 =	vmul.f32 v63, v2  }
0x383: {  	s9 =	simm.s32 $0x40;
	v29 =	vadd.s32 $0x22, v25;
	v49 =	vld.idx.msk [tilespmem:v36+s6+$0x0], $0xffff;
	v54 =	vadd.f32 v42, v56;
	v42 =	vmul.f32 v57, v2  }
.LBB2_10:
0x384: {  	p0 =	sne.s32 s9, $0x7F0;
	v55 =	vld.idx.msk [tilespmem:v28+s6+$0x0], $0xffff;
	v51 =	vmul.f32 v51, v9;
	v56 =	vmul.f32 v45, v2;
	v37 =	vadd.f32 v46, v37;
	s10 =	smov.u32 s9;
	s9 =	sadd.s32 $0x10, s9  }
0x385: {  	v45 =	vcvt.s32.f32 v41;
	v41 =	vld.idx.msk [tilespmem:v27+s6+$0x0], $0xffff;
	[tilespmem:s17+$0x1A580] =	vst v54;
	v33 =	vadd.f32 v52, v33;
	v34 =	vadd.f32 v42, v34  }
0x386: {  	v2 =	vmovc v5;
	v5 =	vmov v15;
	v15 =	vsub.f32 v38, v48;
	v46 =	vld.idx.msk [tilespmem:v31+s6+$0x0], $0xffff;
	v35 =	vadd.f32 v56, v35  }
0x387: {  	v42 =	vmovc v36;
	v36 =	vmov v22;
	v38 =	vld.idx.msk [tilespmem:v40+s6+$0x0], $0xffff;
	v43 =	vsub.f32 v43, v33;
	v34 =	vsub.f32 v34, v37  }
0x388: {  	v22 =	vmov v40;
	v48 =	vsub.f32 v53, v50;
	v39 =	vsub.f32 v39, v35  }
0x389: {  	s16 =	sadd.s32 $0x8, s16;
	s8 =	sadd.s32 $0x80, s8;
	v40 =	vmul.f32 v43, v9;
	v34 =	vmul.f32 v34, v1  }
0x38a: {  	s18 =	sand.u32 $0x400, s8;
	s19 =	sand.u32 $0x380, s16;
	v44 =	vadd.f32 v51, v44;
	v43 =	vmul.f32 v48, v15;
	v48 =	vld.idx.msk [tilespmem:v20+s31+$0x0], $0xffff;
	v39 =	vmul.f32 v39, v1  }
0x38b: {  	s10 =	sand.u32 $0x70, s10;
	s18 =	sor.u32 s19, s18;
	v1 =	vmovc v9;
	v9 =	vmov v19;
	v51 =	vld.idx.msk [tilespmem:v29+s6+$0x0], $0xffff;
	v33 =	vadd.f32 v40, v33;
	v34 =	vadd.f32 v34, v37  }
0x38c: {  	s10 =	sor.u32 s10, s18;
	v40 =	vadd.f32 v43, v50;
	v37 =	vld.idx.msk [tilespmem:v18+s31+$0x0], $0xffff;
	v35 =	vadd.f32 v39, v35  }
0x38d: {  	v19 =	vsub.f32 v38, v41;
	v39 =	vld [tilespmem:s10+$0x1B580];
	v38 =	vsub.f32 v33, v44  }
0x38e: {  	v33 =	vsub.f32 v46, v49;
	v43 =	vld [tilespmem:s10+$0x1AD80];
	v34 =	vsub.f32 v34, v35  }
0x38f: {  	v46 =	vmul.f32 v19, v15;
	v52 =	vld.idx.msk [tilespmem:v36+s31+$0x0], $0xffff  }
0x390: {  	v19 =	vsub.f32 v32, v47;
	v32 =	vmul.f32 v33, v15;
	v50 =	vld [tilespmem:s10+$0x1A580];
	v34 =	vmul.f32 v34, v0;
	v0 =	vmovc v4  }
0x391: {  	v47 =	vsub.f32 v51, v55;
	v46 =	vadd.f32 v46, v41;
	v33 =	vld.idx.msk [tilespmem:v17+s31+$0x0], $0xffff;
	v38 =	vmul.f32 v38, v0  }
0x392: {  	v4 =	vmov v24;
	v41 =	vadd.f32 v32, v49;
	v49 =	vld.idx.msk [tilespmem:v23+s31+$0x0], $0xffff;
	v34 =	vadd.f32 v34, v35  }
0x393: {  	v35 =	vmul.f32 $3.200000000e+01, v39;
	v32 =	vmul.f32 $3.200000000e+01, v43;
	v39 =	vld.idx.msk [tilespmem:v21+s31+$0x0], $0xffff;
	v24 =	vadd.f32 v38, v44  }
0x394: {  	v43 =	vmul.f32 v47, v15;
	v41 =	vsub.f32 v41, v46;
	v44 =	vld.idx.msk [tilespmem:v14+s31+$0x0], $0xffff;
	[tilespmem:s7+$0x1B580] =	vst v34;
	s7 =	smov.u32 s14;
	s14 =	smov.u32 s17;
	s17 =	smov.u32 s15  }
0x395: {  	v48 =	vsub.f32 v48, v37;
	s15 =	smov.u32 s10;
	v38 =	vmul.f32 $3.200000000e+01, v50;
	v34 =	vtrunc.f32 v32;
	v47 =	vld.idx.msk [tilespmem:v16+s31+$0x0], $0xffff;
	[tilespmem:s7+$0x1AD80] =	vst v24  }
0x396: {  	v24 =	vtrunc.f32 v35;
	v50 =	vmul.f32 v41, v19;
	v51 =	vld.idx.msk [tilespmem:v10+s3+$0x0], $0xffff;
	v10 =	vmovc v20;
	v20 =	vmov v31  }
0x397: {  	v53 =	vcvt.f32.s32 v34;
	v31 =	vadd.f32 v43, v55;
	v43 =	vmul.f32 v48, v5;
	v54 =	vld.idx.msk [tilespmem:v8+s3+$0x0], $0xffff;
	v8 =	vmovc v36  }
0x398: {  	v41 =	vcvt.f32.s32 v24;
	v24 =	vsub.f32 v30, v45;
	v30 =	vmovc v35;
	v45 =	vadd.f32 v50, v46;
	v46 =	vld.idx.msk [tilespmem:v7+s3+$0x0], $0xffff  }
0x399: {  	v34 =	vtrunc.f32 v38;
	v35 =	vmul.u32 $0x21, v53;
	v31 =	vsub.f32 v31, v40;
	v7 =	vmovc v21;
	v21 =	vmovc v28;
	v36 =	vld.idx.msk [tilespmem:v11+s3+$0x0], $0xffff  }
0x39a: {  	v28 =	vcvt.f32.s32 v34;
	v50 =	vmul.u32 $0x441, v41;
	v49 =	vsub.f32 v49, v39;
	v11 =	vmovc v23;
	v23 =	vmovc v29;
	v34 =	vld.idx.msk [tilespmem:v13+s3+$0x0], $0xffff  }
0x39b: {  	v43 =	vadd.f32 v43, v37;
	v13 =	vmul.f32 v31, v19;
	v29 =	vsub.f32 v44, v47;
	v37 =	vld.idx.msk [tilespmem:v12+s3+$0x0], $0xffff  }
0x39c: {  	v48 =	vcvt.s32.f32 v28;
	v31 =	vmul.f32 v49, v5;
	v12 =	vadd.s32 v28, v35;
	v35 =	vld.idx.msk [tilespmem:v3+s3+$0x0], $0xffff;
	v3 =	vmovc v16  }
0x39d: {  	v44 =	vadd.s32 v50, v12;
	v55 =	vadd.f32 v13, v40;
	v13 =	vmul.f32 v29, v5;
	v49 =	vld.idx.msk [tilespmem:v6+s3+$0x0], $0xffff  }
0x39e: {  	v39 =	vadd.f32 v31, v39;
	v16 =	vmovc v25;
	v28 =	vadd.s32 $0x21, v44;
	v50 =	vadd.s32 $0x441, v44;
	v25 =	vmovc v44  }
0x39f: {  	v56 =	vadd.s32 $0x1, v25;
	v29 =	vadd.s32 $0x22, v25;
	v40 =	vsub.f32 v36, v46;
	v12 =	vmovc v17;
	v17 =	vmovc v27  }
0x3a0: {  	v6 =	vmovc v14;
	v36 =	vadd.s32 $0x462, v25;
	v31 =	vadd.s32 $0x463, v25;
	v44 =	vadd.f32 v13, v47;
	v27 =	vmovc v50  }
.Ltmp4:
0x3a1: {  	v14 =	vmovc v26;
	v45 =	vsub.f32 v45, v55;
	v57 =	vsub.f32 v51, v34;
	v40 =	vmul.f32 v40, v2;
	(pc) =	sbr.rel @p0 .LBB2_10-.Ltmp4, $4  }
0x3a2: {  	v47 =	vcvt.s32.f32 v53;
	v26 =	vmovc v56;
	v51 =	vsub.f32 v39, v44;
	v54 =	vsub.f32 v54, v37;
	v13 =	vmovc v18  }
0x3a3: {  	v52 =	vsub.f32 v52, v33;
	v58 =	vmul.f32 v45, v24;
	v39 =	vadd.f32 v40, v46;
	v50 =	vld.idx.msk [tilespmem:v25+s6+$0x0], $0xffff  }
0x3a4: {  	v18 =	vmovc v42;
	v40 =	vadd.s32 $0x442, v25;
	v45 =	vsub.f32 v49, v35;
	v46 =	vmul.f32 v54, v2;
	v53 =	vld.idx.msk [tilespmem:v56+s6+$0x0], $0xffff  }
0x3a5: {  	v52 =	vmul.f32 v52, v5;
	v42 =	vmul.f32 v57, v2;
	v54 =	vadd.f32 v58, v55;
	v49 =	vld.idx.msk [tilespmem:v36+s6+$0x0], $0xffff  }
0x3a6: {  	_ =	sdelay $0x3  }
0x3a7: {  	v55 =	vld.idx.msk [tilespmem:v28+s6+$0x0], $0xffff  }
0x3a8: {  	v56 =	vld.idx.msk [tilespmem:v27+s6+$0x0], $0xffff  }
0x3a9: {  	v57 =	vld.idx.msk [tilespmem:v31+s6+$0x0], $0xffff  }
0x3aa: {  	v58 =	vld.idx.msk [tilespmem:v40+s6+$0x0], $0xffff  }
0x3ab: {  	v59 =	vld.idx.msk [tilespmem:v29+s6+$0x0], $0xffff;
	_ =	sdelay $0x2  }
0x3ac: {  	v38 =	vsub.f32 v38, v48  }
0x3ad: {  	v60 =	vsub.f32 v53, v50;
	v61 =	vsub.f32 v58, v56  }
0x3ae: {  	v57 =	vsub.f32 v57, v49;
	v62 =	vsub.f32 v59, v55  }
0x3af: {  	v48 =	vmul.f32 v60, v38;
	v53 =	vmul.f32 v61, v38  }
0x3b0: {  	v57 =	vmul.f32 v57, v38;
	v58 =	vmul.f32 v62, v38  }
0x3b1: {  	v48 =	vadd.f32 v48, v50;
	v63 =	vadd.f32 v53, v56  }
0x3b2: {  	v56 =	vadd.f32 v57, v49;
	v57 =	vadd.f32 v58, v55  }
0x3b3: {  	v32 =	vsub.f32 v32, v47  }
0x3b4: {  	v58 =	vsub.f32 v56, v63;
	v59 =	vsub.f32 v57, v48;
	_ =	sdelay $0x1  }
0x3b5: {  	[tilespmem:s17+$0x1A580] =	vst v54;
	v47 =	vmul.f32 v58, v32;
	v49 =	vmul.f32 v59, v32  }
0x3b6: {  	v54 =	vld.idx.msk [tilespmem:v18+s31+$0x0], $0xffff  }
0x3b7: {  	v41 =	vcvt.s32.f32 v41;
	v60 =	vld.idx.msk [tilespmem:v20+s31+$0x0], $0xffff;
	v47 =	vadd.f32 v47, v63;
	v48 =	vadd.f32 v49, v48  }
0x3b8: {  	v61 =	vld.idx.msk [tilespmem:v23+s31+$0x0], $0xffff  }
0x3b9: {  	v30 =	vsub.f32 v30, v41;
	v50 =	vld.idx.msk [tilespmem:v21+s31+$0x0], $0xffff;
	v62 =	vsub.f32 v47, v48  }
0x3ba: {  	v55 =	vld.idx.msk [tilespmem:v22+s31+$0x0], $0xffff  }
0x3bb: {  	v56 =	vld.idx.msk [tilespmem:v17+s31+$0x0], $0xffff;
	v41 =	vmul.f32 v62, v30  }
0x3bc: {  	v57 =	vld.idx.msk [tilespmem:v16+s31+$0x0], $0xffff  }
0x3bd: {  	v33 =	vadd.f32 v52, v33;
	v63 =	vld.idx.msk [tilespmem:v14+s31+$0x0], $0xffff;
	v41 =	vadd.f32 v41, v48;
	_ =	sdelay $0x1  }
0x3be: {  	v43 =	vsub.f32 v43, v33;
	v49 =	vsub.f32 v61, v50;
	[tilespmem:s15+$0x1A580] =	vst v41  }
0x3bf: {  	v60 =	vsub.f32 v60, v54;
	v59 =	vmul.f32 v51, v9;
	v52 =	vld.idx.msk [tilespmem:v31+s31+$0x0], $0xffff  }
0x3c0: {  	v61 =	vmul.f32 v43, v9;
	v49 =	vmul.f32 v49, v15;
	v51 =	vld.idx.msk [tilespmem:v36+s31+$0x0], $0xffff  }
0x3c1: {  	v62 =	vsub.f32 v63, v57;
	v63 =	vsub.f32 v55, v56;
	v55 =	vmul.f32 v60, v15;
	v60 =	vld.idx.msk [tilespmem:v40+s31+$0x0], $0xffff  }
0x3c2: {  	v49 =	vadd.f32 v49, v50;
	v50 =	vld.idx.msk [tilespmem:v27+s31+$0x0], $0xffff  }
0x3c3: {  	v44 =	vadd.f32 v59, v44;
	v33 =	vadd.f32 v61, v33;
	v58 =	vmul.f32 v62, v15;
	v61 =	vld.idx.msk [tilespmem:v29+s31+$0x0], $0xffff  }
0x3c4: {  	v59 =	vmul.f32 v63, v15;
	v48 =	vadd.f32 v55, v54;
	v54 =	vld.idx.msk [tilespmem:v28+s31+$0x0], $0xffff  }
0x3c5: {  	v33 =	vsub.f32 v33, v44;
	v41 =	vadd.f32 v58, v57;
	v62 =	vld.idx.msk [tilespmem:v26+s31+$0x0], $0xffff  }
0x3c6: {  	v43 =	vadd.f32 v59, v56;
	v63 =	vld.idx.msk [tilespmem:v25+s31+$0x0], $0xffff  }
0x3c7: {  	v33 =	vmul.f32 v33, v4;
	v49 =	vsub.f32 v49, v41  }
0x3c8: {  	v48 =	vsub.f32 v48, v43  }
0x3c9: {  	v33 =	vadd.f32 v33, v44;
	v49 =	vmul.f32 v49, v19  }
0x3ca: {  	v48 =	vmul.f32 v48, v19;
	v57 =	vsub.f32 v52, v51;
	v58 =	vsub.f32 v61, v54  }
0x3cb: {  	v59 =	vsub.f32 v62, v63;
	v47 =	vsub.f32 v60, v50  }
0x3cc: {  	v41 =	vadd.f32 v49, v41;
	v43 =	vadd.f32 v48, v43  }
0x3cd: {  	v44 =	vmul.f32 v57, v38;
	v48 =	vmul.f32 v58, v38  }
0x3ce: {  	[tilespmem:s14+$0x1AD80] =	vst v33;
	v61 =	vmul.f32 v59, v38;
	v47 =	vmul.f32 v47, v38;
	v60 =	vsub.f32 v43, v41  }
0x3cf: {  	v10 =	vld.idx.msk [tilespmem:v10+s3+$0x0], $0xffff;
	v44 =	vadd.f32 v44, v51;
	v48 =	vadd.f32 v48, v54  }
0x3d0: {  	v8 =	vld.idx.msk [tilespmem:v8+s3+$0x0], $0xffff;
	v43 =	vadd.f32 v61, v63;
	v47 =	vadd.f32 v47, v50  }
0x3d1: {  	v7 =	vld.idx.msk [tilespmem:v7+s3+$0x0], $0xffff  }
0x3d2: {  	v11 =	vld.idx.msk [tilespmem:v11+s3+$0x0], $0xffff;
	v33 =	vmul.f32 v60, v24;
	v48 =	vsub.f32 v48, v43;
	v44 =	vsub.f32 v44, v47  }
0x3d3: {  	v13 =	vld.idx.msk [tilespmem:v13+s3+$0x0], $0xffff  }
0x3d4: {  	v12 =	vld.idx.msk [tilespmem:v12+s3+$0x0], $0xffff;
	v33 =	vadd.f32 v33, v41;
	v62 =	vmul.f32 v48, v32;
	v44 =	vmul.f32 v44, v32  }
0x3d5: {  	v3 =	vld.idx.msk [tilespmem:v3+s3+$0x0], $0xffff  }
0x3d6: {  	v6 =	vld.idx.msk [tilespmem:v6+s3+$0x0], $0xffff;
	[tilespmem:s17+$0x1AD80] =	vst v33;
	v63 =	vadd.f32 v62, v43;
	v44 =	vadd.f32 v44, v47  }
0x3d7: {  	v20 =	vld.idx.msk [tilespmem:v20+s3+$0x0], $0xffff  }
0x3d8: {  	v22 =	vld.idx.msk [tilespmem:v22+s3+$0x0], $0xffff;
	v41 =	vsub.f32 v44, v63  }
0x3d9: {  	v21 =	vld.idx.msk [tilespmem:v21+s3+$0x0], $0xffff  }
0x3da: {  	v37 =	vadd.f32 v46, v37;
	v23 =	vld.idx.msk [tilespmem:v23+s3+$0x0], $0xffff;
	v41 =	vmul.f32 v41, v30  }
0x3db: {  	v34 =	vadd.f32 v42, v34;
	v11 =	vsub.f32 v11, v7;
	v18 =	vld.idx.msk [tilespmem:v18+s3+$0x0], $0xffff  }
0x3dc: {  	v8 =	vsub.f32 v8, v12;
	v17 =	vld.idx.msk [tilespmem:v17+s3+$0x0], $0xffff;
	v33 =	vadd.f32 v41, v63  }
0x3dd: {  	v2 =	vmul.f32 v45, v2;
	v10 =	vsub.f32 v10, v13;
	v6 =	vsub.f32 v6, v3;
	v16 =	vld.idx.msk [tilespmem:v16+s3+$0x0], $0xffff  }
0x3de: {  	v11 =	vmul.f32 v11, v5;
	v8 =	vmul.f32 v8, v5;
	v14 =	vld.idx.msk [tilespmem:v14+s3+$0x0], $0xffff;
	[tilespmem:s15+$0x1AD80] =	vst v33  }
0x3df: {  	v2 =	vadd.f32 v2, v35;
	v10 =	vmul.f32 v10, v5;
	v5 =	vmul.f32 v6, v5;
	v6 =	vld.idx.msk [tilespmem:v31+s3+$0x0], $0xffff  }
0x3e0: {  	v7 =	vadd.f32 v11, v7;
	v8 =	vadd.f32 v8, v12;
	v11 =	vld.idx.msk [tilespmem:v40+s3+$0x0], $0xffff  }
0x3e1: {  	v10 =	vadd.f32 v10, v13;
	v3 =	vadd.f32 v5, v3;
	v5 =	vld.idx.msk [tilespmem:v28+s3+$0x0], $0xffff  }
0x3e2: {  	v12 =	vsub.f32 v34, v37;
	v13 =	vsub.f32 v39, v2;
	v28 =	vld.idx.msk [tilespmem:v29+s3+$0x0], $0xffff  }
0x3e3: {  	v10 =	vsub.f32 v10, v8;
	v7 =	vsub.f32 v7, v3;
	v29 =	vld.idx.msk [tilespmem:v36+s3+$0x0], $0xffff  }
0x3e4: {  	v12 =	vmul.f32 v12, v1;
	v1 =	vmul.f32 v13, v1;
	v13 =	vsub.f32 v23, v21;
	v23 =	vld.idx.msk [tilespmem:v27+s3+$0x0], $0xffff  }
0x3e5: {  	v10 =	vmul.f32 v10, v9;
	v7 =	vmul.f32 v7, v9;
	v9 =	vsub.f32 v22, v17;
	v22 =	vld.idx.msk [tilespmem:v25+s3+$0x0], $0xffff  }
0x3e6: {  	v12 =	vadd.f32 v12, v37;
	v1 =	vadd.f32 v1, v2;
	v2 =	vmul.f32 v13, v15;
	v13 =	vld.idx.msk [tilespmem:v26+s3+$0x0], $0xffff  }
0x3e7: {  	v8 =	vadd.f32 v10, v8;
	v3 =	vadd.f32 v7, v3;
	v7 =	vmul.f32 v9, v15  }
0x3e8: {  	v10 =	vsub.f32 v14, v16;
	v9 =	vsub.f32 v20, v18  }
0x3e9: {  	v2 =	vadd.f32 v2, v21;
	v7 =	vadd.f32 v7, v17  }
0x3ea: {  	v10 =	vmul.f32 v10, v15;
	v14 =	vsub.f32 v28, v5;
	v11 =	vsub.f32 v11, v23  }
0x3eb: {  	v9 =	vmul.f32 v9, v15;
	v6 =	vsub.f32 v6, v29;
	v13 =	vsub.f32 v13, v22  }
0x3ec: {  	v10 =	vadd.f32 v10, v16;
	v14 =	vmul.f32 v14, v38;
	v11 =	vmul.f32 v11, v38  }
0x3ed: {  	v9 =	vadd.f32 v9, v18;
	v6 =	vmul.f32 v6, v38;
	v13 =	vmul.f32 v13, v38  }
0x3ee: {  	v5 =	vadd.f32 v14, v5;
	v11 =	vadd.f32 v11, v23  }
0x3ef: {  	v6 =	vadd.f32 v6, v29;
	v13 =	vadd.f32 v13, v22  }
0x3f0: {  	v2 =	vsub.f32 v2, v10;
	v9 =	vsub.f32 v9, v7  }
0x3f1: {  	v6 =	vsub.f32 v6, v11;
	v5 =	vsub.f32 v5, v13  }
0x3f2: {  	v12 =	vsub.f32 v12, v1;
	v2 =	vmul.f32 v2, v19;
	v9 =	vmul.f32 v9, v19  }
0x3f3: {  	v8 =	vsub.f32 v8, v3;
	v6 =	vmul.f32 v6, v32;
	v5 =	vmul.f32 v5, v32  }
0x3f4: {  	v2 =	vadd.f32 v2, v10;
	v7 =	vadd.f32 v9, v7  }
0x3f5: {  	v6 =	vadd.f32 v6, v11;
	v5 =	vadd.f32 v5, v13  }
0x3f6: {  	v0 =	vmul.f32 v12, v0;
	v7 =	vsub.f32 v7, v2  }
0x3f7: {  	v4 =	vmul.f32 v8, v4;
	v6 =	vsub.f32 v6, v5  }
0x3f8: {  	v0 =	vadd.f32 v0, v1;
	v1 =	vmul.f32 v7, v24  }
0x3f9: {  	v3 =	vadd.f32 v4, v3;
	v4 =	vmul.f32 v6, v30  }
0x3fa: {  	[tilespmem:s7+$0x1B580] =	vst v0;
	v0 =	vadd.f32 v1, v2  }
0x3fb: {  	[tilespmem:s14+$0x1B580] =	vst v3;
	v1 =	vadd.f32 v4, v5  }
0x3fc: {  	[tilespmem:s17+$0x1B580] =	vst v0  }
0x3fd: {  	[tilespmem:s15+$0x1B580] =	vst v1  }
0x3fe: {  	s21 =	simm.s32 $0x0;
	s9 =	simm.s32 $0x1A580;
	s8 =	rddreg [dreg:$0xe]  }
0x3ff: {  	[hbm4b:s8+s21] =	stream.linear.scatter [tilespmem:s9], [sflag:$0x4], $0x800, $0x38;
	[tilespmem:$0x1ED80] =	vst v63  }
0x400: {  	s23 =	simm.s32 $0x1AD80;
	s22 =	rddreg [dreg:$0xf]  }
0x401: {  	[hbm4b:s22+s21] =	stream.linear.scatter [tilespmem:s23], [sflag:$0x4], $0x800, $0x38;
	[tilespmem:$0x1ED80] =	vst v63  }
0x402: {  	s10 =	simm.s32 $0x6;
	s9 =	rddreg [dreg:$0x10]  }
0x403: {  	[hbm4b:s9+s21] =	stream.linear.scatter [tilespmem:s26], [sflag:$0x4], $0x800, $0x38;
	[tilespmem:$0x1ED80] =	vst v63  }
0x404: {  	_ =	swait.ge [sflag:s10], $0x800  }
0x405: {  	[sflag:s10] =	ssyncset.done $0x0  }
0x406: {  	[sflag:s10] =	ssyncadd.s32 $0xFFFFF800  }
0x407: {  	_ =	swait.ge [sflag:s10], $0x800  }
0x408: {  	[sflag:s10] =	ssyncset.done $0x0  }
0x409: {  	[sflag:s10] =	ssyncadd.s32 $0xFFFFF800  }
0x40a: {  	_ =	swait.ge [sflag:s10], $0x800  }
0x40b: {  	[sflag:s10] =	ssyncset.done $0x0  }
0x40c: {  	[sflag:s10] =	ssyncadd.s32 $0xFFFFF800  }
0x40d: {  	_ =	swait.ge [sflag:s11], $0x800  }
0x40e: {  	[sflag:s11] =	ssyncset.done $0x0  }
0x40f: {  	[sflag:s11] =	ssyncadd.s32 $0xFFFFF800  }
0x410: {  	_ =	swait.ge [sflag:s11], $0x800  }
0x411: {  	[sflag:s11] =	ssyncset.done $0x0  }
0x412: {  	[sflag:s11] =	ssyncadd.s32 $0xFFFFF800  }
0x413: {  	s14 =	sand.u32 $0x400, s21;
	s15 =	sand.u32 $0x380, s21;
	_ =	swait.ge [sflag:s11], $0x800  }
0x414: {  	s7 =	sand.u32 $0x70, s21;
	s8 =	sor.u32 s15, s14;
	[sflag:s11] =	ssyncset.done $0x0  }
0x415: {  	s7 =	sor.u32 s7, s8;
	[sflag:s11] =	ssyncadd.s32 $0xFFFFF800  }
0x416: {  	v0 =	vld [tilespmem:s7+$0x1C580]  }
0x417: {  	v1 =	vld [tilespmem:s7+$0x1CD80]  }
0x418: {  	v2 =	vld [tilespmem:s7+$0x1BD80];
	_ =	sdelay $0x2  }
0x419: {  	v0 =	vmul.f32 $3.200000000e+01, v0  }
0x41a: {  	v4 =	vmul.f32 $3.200000000e+01, v1  }
0x41b: {  	v1 =	vmul.f32 $3.200000000e+01, v2;
	v2 =	vtrunc.f32 v0  }
0x41c: {  	v3 =	vtrunc.f32 v4;
	v2 =	vcvt.f32.s32 v2  }
0x41d: {  	v5 =	vcvt.f32.s32 v3;
	v3 =	vtrunc.f32 v1  }
0x41e: {  	v3 =	vcvt.f32.s32 v3;
	v6 =	vmul.u32 $0x21, v2  }
0x41f: {  	s16 =	simm.s32 $0x8;
	s17 =	simm.s32 $0x80;
	v7 =	vmul.u32 $0x441, v5  }
0x420: {  	s8 =	sand.u32 $0x380, s16;
	s9 =	sand.u32 $0x400, s17;
	s10 =	simm.s32 $0x10;
	v6 =	vadd.s32 v3, v6  }
0x421: {  	s8 =	sor.u32 s8, s9;
	s10 =	sand.u32 $0x70, s10;
	v27 =	vadd.s32 v7, v6  }
0x422: {  	s14 =	sor.u32 s10, s8;
	v26 =	vadd.s32 $0x1, v27  }
0x423: {  	v10 =	vld [tilespmem:s14+$0x1C580];
	v25 =	vadd.s32 $0x462, v27  }
0x424: {  	v11 =	vld [tilespmem:s14+$0x1CD80];
	v29 =	vadd.s32 $0x21, v27  }
0x425: {  	v12 =	vld [tilespmem:s14+$0x1BD80];
	v28 =	vadd.s32 $0x441, v27  }
0x426: {  	v24 =	vadd.s32 $0x463, v27;
	v6 =	vld.idx.msk [tilespmem:v27+s6+$0x0], $0xffff  }
0x427: {  	v31 =	vadd.s32 $0x442, v27;
	v7 =	vld.idx.msk [tilespmem:v26+s6+$0x0], $0xffff  }
0x428: {  	v34 =	vadd.s32 $0x22, v27;
	v8 =	vld.idx.msk [tilespmem:v25+s6+$0x0], $0xffff  }
0x429: {  	v9 =	vld.idx.msk [tilespmem:v29+s6+$0x0], $0xffff  }
0x42a: {  	v13 =	vld.idx.msk [tilespmem:v28+s6+$0x0], $0xffff  }
0x42b: {  	v16 =	vmul.f32 $3.200000000e+01, v10;
	v14 =	vld.idx.msk [tilespmem:v24+s6+$0x0], $0xffff  }
0x42c: {  	v18 =	vmul.f32 $3.200000000e+01, v11;
	v15 =	vld.idx.msk [tilespmem:v31+s6+$0x0], $0xffff  }
0x42d: {  	v11 =	vtrunc.f32 v16;
	v3 =	vcvt.s32.f32 v3;
	v17 =	vld.idx.msk [tilespmem:v34+s6+$0x0], $0xffff  }
0x42e: {  	v19 =	vmul.f32 $3.200000000e+01, v12;
	v20 =	vcvt.f32.s32 v11  }
0x42f: {  	v10 =	vcvt.s32.f32 v2;
	v2 =	vsub.f32 v1, v3;
	v1 =	vtrunc.f32 v18  }
0x430: {  	v11 =	vmul.u32 $0x21, v20;
	v21 =	vcvt.f32.s32 v1;
	v1 =	vtrunc.f32 v19  }
0x431: {  	v3 =	vsub.f32 v7, v6;
	v7 =	vsub.f32 v15, v13;
	v15 =	vcvt.f32.s32 v1  }
0x432: {  	v1 =	vsub.f32 v14, v8;
	v12 =	vsub.f32 v17, v9;
	v14 =	vmul.u32 $0x441, v21  }
0x433: {  	v17 =	vmul.f32 v3, v2;
	v7 =	vmul.f32 v7, v2;
	v3 =	vadd.s32 v15, v11  }
0x434: {  	s18 =	simm.s32 $0x10;
	s19 =	simm.s32 $0x100;
	v1 =	vmul.f32 v1, v2;
	v11 =	vmul.f32 v12, v2;
	v3 =	vadd.s32 v14, v3  }
0x435: {  	s20 =	simm.s32 $0x20;
	s9 =	sand.u32 $0x400, s19;
	s8 =	sand.u32 $0x380, s18;
	v14 =	vadd.f32 v17, v6;
	v17 =	vadd.f32 v7, v13;
	v6 =	vadd.s32 $0x1, v3  }
0x436: {  	s10 =	sand.u32 $0x70, s20;
	s8 =	sor.u32 s8, s9;
	v8 =	vadd.f32 v1, v8;
	v9 =	vadd.f32 v11, v9;
	v13 =	vadd.s32 $0x462, v3  }
0x437: {  	s17 =	sor.u32 s10, s8;
	v1 =	vsub.f32 v0, v10;
	v12 =	vadd.s32 $0x441, v3  }
0x438: {  	v49 =	vld [tilespmem:s17+$0x1C580];
	v10 =	vadd.s32 $0x463, v3;
	v0 =	vsub.f32 v8, v17;
	v9 =	vsub.f32 v9, v14  }
0x439: {  	v7 =	vadd.s32 $0x21, v3;
	v22 =	vld.idx.msk [tilespmem:v3+s6+$0x0], $0xffff  }
0x43a: {  	v8 =	vadd.s32 $0x442, v3;
	v0 =	vmul.f32 v0, v1;
	v9 =	vmul.f32 v9, v1;
	v23 =	vld.idx.msk [tilespmem:v6+s6+$0x0], $0xffff  }
0x43b: {  	v11 =	vadd.s32 $0x22, v3;
	v30 =	vld.idx.msk [tilespmem:v13+s6+$0x0], $0xffff  }
0x43c: {  	v5 =	vcvt.s32.f32 v5;
	v47 =	vld.idx.msk [tilespmem:v12+s6+$0x0], $0xffff;
	v17 =	vadd.f32 v0, v17;
	v9 =	vadd.f32 v9, v14  }
0x43d: {  	v48 =	vld.idx.msk [tilespmem:v10+s6+$0x0], $0xffff  }
0x43e: {  	v14 =	vld.idx.msk [tilespmem:v7+s6+$0x0], $0xffff;
	v0 =	vsub.f32 v4, v5;
	v4 =	vsub.f32 v17, v9  }
0x43f: {  	v5 =	vcvt.s32.f32 v15;
	v17 =	vld.idx.msk [tilespmem:v8+s6+$0x0], $0xffff  }
0x440: {  	v15 =	vld.idx.msk [tilespmem:v11+s6+$0x0], $0xffff;
	v4 =	vmul.f32 v4, v0  }
0x441: {  	v5 =	vsub.f32 v19, v5;
	v19 =	vsub.f32 v23, v22;
	v23 =	vld [tilespmem:s17+$0x1BD80]  }
0x442: {  	v4 =	vadd.f32 v4, v9;
	v9 =	vld [tilespmem:s17+$0x1CD80]  }
0x443: {  	v33 =	vsub.f32 v48, v30  }
0x444: {  	v35 =	vmul.f32 $3.200000000e+01, v49;
	v17 =	vsub.f32 v17, v47  }
0x445: {  	v20 =	vcvt.s32.f32 v20;
	v33 =	vmul.f32 v33, v5  }
0x446: {  	v15 =	vsub.f32 v15, v14;
	[tilespmem:s7+$0x1BD80] =	vst v4;
	v4 =	vmul.f32 v19, v5;
	v17 =	vmul.f32 v17, v5  }
0x447: {  	v38 =	vmul.f32 $3.200000000e+01, v23;
	v37 =	vmul.f32 $3.200000000e+01, v9  }
0x448: {  	v19 =	vld.idx.msk [tilespmem:v24+s31+$0x0], $0xffff;
	v9 =	vmul.f32 v15, v5;
	v15 =	vadd.f32 v4, v22;
	v4 =	vtrunc.f32 v35  }
0x449: {  	v50 =	vld.idx.msk [tilespmem:v25+s31+$0x0], $0xffff;
	v17 =	vadd.f32 v17, v47;
	v39 =	vcvt.f32.s32 v4;
	v23 =	vtrunc.f32 v37  }
0x44a: {  	v51 =	vld.idx.msk [tilespmem:v28+s31+$0x0], $0xffff;
	v4 =	vadd.f32 v33, v30;
	v52 =	vcvt.f32.s32 v23;
	v23 =	vtrunc.f32 v38  }
0x44b: {  	v53 =	vld.idx.msk [tilespmem:v29+s31+$0x0], $0xffff;
	v14 =	vadd.f32 v9, v14;
	v54 =	vmul.u32 $0x21, v39;
	v55 =	vcvt.f32.s32 v23  }
0x44c: {  	v56 =	vld.idx.msk [tilespmem:v27+s31+$0x0], $0xffff;
	v9 =	vsub.f32 v16, v20;
	v16 =	vmul.u32 $0x441, v52  }
0x44d: {  	v22 =	vld.idx.msk [tilespmem:v31+s31+$0x0], $0xffff;
	v4 =	vsub.f32 v4, v17;
	v14 =	vsub.f32 v14, v15;
	v23 =	vadd.s32 v55, v54  }
0x44e: {  	s16 =	simm.s32 $0x18;
	s8 =	simm.s32 $0x180;
	v21 =	vcvt.s32.f32 v21;
	v30 =	vld.idx.msk [tilespmem:v34+s31+$0x0], $0xffff;
	v16 =	vadd.s32 v16, v23  }
0x44f: {  	s23 =	sand.u32 $0x380, s16;
	s21 =	simm.s32 $0x30;
	s22 =	sand.u32 $0x400, s8;
	v20 =	vld.idx.msk [tilespmem:v26+s31+$0x0], $0xffff;
	v57 =	vmul.f32 v4, v9;
	v23 =	vmul.f32 v14, v9;
	v14 =	vadd.s32 $0x1, v16  }
0x450: {  	s9 =	sand.u32 $0x70, s21;
	s10 =	sor.u32 s23, s22;
	v4 =	vsub.f32 v18, v21;
	v18 =	vadd.s32 $0x462, v16  }
0x451: {  	s15 =	sor.u32 s9, s10;
	v19 =	vsub.f32 v19, v50;
	v21 =	vadd.f32 v57, v17;
	v17 =	vadd.s32 $0x441, v16  }
0x452: {  	v58 =	vsub.f32 v22, v51;
	v57 =	vld [tilespmem:s15+$0x1C580];
	v22 =	vadd.s32 $0x442, v16  }
0x453: {  	v19 =	vmul.f32 v19, v2;
	v15 =	vadd.f32 v23, v15;
	v45 =	vld.idx.msk [tilespmem:v16+s6+$0x0], $0xffff  }
0x454: {  	v30 =	vsub.f32 v30, v53;
	v23 =	vsub.f32 v20, v56;
	v20 =	vadd.s32 $0x463, v16;
	v61 =	vld.idx.msk [tilespmem:v14+s6+$0x0], $0xffff  }
0x455: {  	v41 =	vmul.f32 v58, v2;
	v59 =	vsub.f32 v21, v15;
	v21 =	vadd.s32 $0x21, v16;
	v40 =	vld.idx.msk [tilespmem:v18+s6+$0x0], $0xffff  }
0x456: {  	v30 =	vmul.f32 v30, v2;
	v60 =	vmul.f32 v23, v2;
	v23 =	vadd.s32 $0x22, v16;
	v63 =	vld.idx.msk [tilespmem:v17+s6+$0x0], $0xffff  }
0x457: {  	v19 =	vadd.f32 v19, v50;
	v32 =	vadd.f32 v41, v51;
	v62 =	vmul.f32 v59, v4;
	v54 =	vld.idx.msk [tilespmem:v22+s6+$0x0], $0xffff  }
0x458: {  	v30 =	vadd.f32 v30, v53;
	v43 =	vadd.f32 v60, v56;
	v59 =	vld [tilespmem:s15+$0x1BD80]  }
0x459: {  	v19 =	vsub.f32 v19, v32;
	v53 =	vld.idx.msk [tilespmem:v20+s6+$0x0], $0xffff;
	v15 =	vadd.f32 v62, v15  }
0x45a: {  	v30 =	vsub.f32 v30, v43;
	v46 =	vld.idx.msk [tilespmem:v21+s6+$0x0], $0xffff  }
0x45b: {  	v42 =	vcvt.s32.f32 v55;
	v19 =	vmul.f32 v19, v1;
	v55 =	vld.idx.msk [tilespmem:v23+s6+$0x0], $0xffff;
	[tilespmem:s14+$0x1BD80] =	vst v15  }
0x45c: {  	v30 =	vmul.f32 v30, v1;
	v48 =	vld.idx.msk [tilespmem:v10+s31+$0x0], $0xffff  }
0x45d: {  	v19 =	vadd.f32 v19, v32;
	v15 =	vsub.f32 v38, v42;
	v47 =	vld.idx.msk [tilespmem:v13+s31+$0x0], $0xffff  }
0x45e: {  	v50 =	vcvt.s32.f32 v52;
	v56 =	vsub.f32 v54, v63;
	v52 =	vld.idx.msk [tilespmem:v8+s31+$0x0], $0xffff;
	v42 =	vadd.f32 v30, v43  }
0x45f: {  	v58 =	vsub.f32 v61, v45;
	v33 =	vld.idx.msk [tilespmem:v12+s31+$0x0], $0xffff;
	v36 =	vsub.f32 v53, v40  }
0x460: {  	v39 =	vcvt.s32.f32 v39;
	v30 =	vld [tilespmem:s15+$0x1CD80];
	v32 =	vmul.f32 v56, v15;
	v19 =	vsub.f32 v19, v42  }
0x461: {  	v60 =	vmul.f32 v58, v15;
	v36 =	vmul.f32 v36, v15;
	v38 =	vsub.f32 v55, v46  }
0x462: {  	v61 =	vadd.f32 v32, v63;
	v32 =	vmul.f32 $3.200000000e+01, v57;
	v62 =	vmul.f32 v19, v0  }
0x463: {  	v36 =	vadd.f32 v36, v40;
	v19 =	vsub.f32 v35, v39;
	v55 =	vmul.f32 v38, v15  }
0x464: {  	v49 =	vld.idx.msk [tilespmem:v3+s31+$0x0], $0xffff;
	v38 =	vmul.f32 $3.200000000e+01, v59;
	v48 =	vsub.f32 v48, v47;
	v52 =	vsub.f32 v52, v33  }
0x465: {  	v63 =	vld.idx.msk [tilespmem:v11+s31+$0x0], $0xffff;
	v30 =	vmul.f32 $3.200000000e+01, v30;
	v56 =	vtrunc.f32 v32;
	v54 =	vadd.f32 v62, v42  }
0x466: {  	v39 =	vld.idx.msk [tilespmem:v7+s31+$0x0], $0xffff;
	v36 =	vsub.f32 v36, v61;
	v40 =	vcvt.f32.s32 v56;
	v59 =	vmul.f32 v48, v5  }
0x467: {  	v45 =	vadd.f32 v60, v45;
	v42 =	vld.idx.msk [tilespmem:v6+s31+$0x0], $0xffff;
	v52 =	vmul.f32 v52, v5;
	v57 =	vtrunc.f32 v30;
	[tilespmem:s7+$0x1C580] =	vst v54  }
0x468: {  	v58 =	vadd.f32 v55, v46;
	v36 =	vmul.f32 v36, v19;
	v41 =	vcvt.f32.s32 v57;
	v53 =	vld.idx.msk [tilespmem:v24+s3+$0x0], $0xffff  }
0x469: {  	v60 =	vmul.u32 $0x21, v40;
	v43 =	vadd.f32 v59, v47;
	v24 =	vsub.f32 v37, v50;
	v54 =	vld.idx.msk [tilespmem:v29+s3+$0x0], $0xffff  }
0x46a: {  	v29 =	vtrunc.f32 v38;
	v62 =	vld.idx.msk [tilespmem:v34+s3+$0x0], $0xffff;
	v50 =	vadd.f32 v36, v61;
	v61 =	vsub.f32 v58, v45  }
0x46b: {  	v47 =	vcvt.s32.f32 v40;
	v35 =	vsub.f32 v63, v39;
	v63 =	vld.idx.msk [tilespmem:v31+s3+$0x0], $0xffff;
	v29 =	vcvt.f32.s32 v29  }
0x46c: {  	v34 =	vld.idx.msk [tilespmem:v25+s3+$0x0], $0xffff;
	v51 =	vmul.u32 $0x441, v41;
	v42 =	vsub.f32 v42, v49;
	v31 =	vmul.f32 v61, v19  }
0x46d: {  	v37 =	vld.idx.msk [tilespmem:v28+s3+$0x0], $0xffff;
	v48 =	vcvt.s32.f32 v29;
	v25 =	vadd.s32 v29, v60;
	v29 =	vmul.f32 v35, v5  }
0x46e: {  	v35 =	vld.idx.msk [tilespmem:v27+s3+$0x0], $0xffff;
	v25 =	vadd.s32 v51, v25;
	v42 =	vmul.f32 v42, v5;
	v56 =	vadd.f32 v31, v45  }
0x46f: {  	v28 =	vadd.s32 $0x21, v25;
	v27 =	vadd.s32 $0x441, v25;
	v45 =	vld.idx.msk [tilespmem:v26+s3+$0x0], $0xffff;
	v26 =	vadd.s32 $0x1, v25  }
0x470: {  	v39 =	vadd.f32 v29, v39;
	v60 =	vsub.f32 v62, v54;
	v36 =	vadd.s32 $0x462, v25  }
0x471: {  	v31 =	vadd.s32 $0x463, v25;
	v44 =	vadd.f32 v42, v49;
	v61 =	vsub.f32 v50, v56  }
0x472: {  	v62 =	vsub.f32 v53, v34;
	v63 =	vsub.f32 v63, v37;
	v46 =	vmul.f32 v60, v2  }
0x473: {  	v40 =	vadd.s32 $0x442, v25;
	v51 =	vsub.f32 v39, v44;
	v50 =	vld.idx.msk [tilespmem:v25+s6+$0x0], $0xffff;
	v42 =	vmul.f32 v61, v24  }
0x474: {  	v39 =	vadd.f32 v46, v54;
	v46 =	vmul.f32 v63, v2;
	v53 =	vld.idx.msk [tilespmem:v26+s6+$0x0], $0xffff;
	v45 =	vsub.f32 v45, v35  }
0x475: {  	s9 =	simm.s32 $0x40;
	v29 =	vadd.s32 $0x22, v25;
	v49 =	vld.idx.msk [tilespmem:v36+s6+$0x0], $0xffff;
	v54 =	vadd.f32 v42, v56;
	v42 =	vmul.f32 v62, v2  }
.LBB2_12:
0x476: {  	p0 =	sne.s32 s9, $0x7F0;
	v55 =	vld.idx.msk [tilespmem:v28+s6+$0x0], $0xffff;
	v51 =	vmul.f32 v51, v9;
	v56 =	vmul.f32 v45, v2;
	v37 =	vadd.f32 v46, v37;
	s10 =	smov.u32 s9;
	s9 =	sadd.s32 $0x10, s9  }
0x477: {  	v45 =	vcvt.s32.f32 v41;
	v41 =	vld.idx.msk [tilespmem:v27+s6+$0x0], $0xffff;
	[tilespmem:s17+$0x1BD80] =	vst v54;
	v33 =	vadd.f32 v52, v33;
	v34 =	vadd.f32 v42, v34  }
0x478: {  	v2 =	vmovc v5;
	v5 =	vmov v15;
	v15 =	vsub.f32 v38, v48;
	v46 =	vld.idx.msk [tilespmem:v31+s6+$0x0], $0xffff;
	v35 =	vadd.f32 v56, v35  }
0x479: {  	v42 =	vmovc v36;
	v36 =	vmov v22;
	v38 =	vld.idx.msk [tilespmem:v40+s6+$0x0], $0xffff;
	v43 =	vsub.f32 v43, v33;
	v34 =	vsub.f32 v34, v37  }
0x47a: {  	v22 =	vmov v40;
	v48 =	vsub.f32 v53, v50;
	v39 =	vsub.f32 v39, v35  }
0x47b: {  	s16 =	sadd.s32 $0x8, s16;
	s8 =	sadd.s32 $0x80, s8;
	v40 =	vmul.f32 v43, v9;
	v34 =	vmul.f32 v34, v1  }
0x47c: {  	s18 =	sand.u32 $0x400, s8;
	s19 =	sand.u32 $0x380, s16;
	v44 =	vadd.f32 v51, v44;
	v43 =	vmul.f32 v48, v15;
	v48 =	vld.idx.msk [tilespmem:v20+s31+$0x0], $0xffff;
	v39 =	vmul.f32 v39, v1  }
0x47d: {  	s10 =	sand.u32 $0x70, s10;
	s18 =	sor.u32 s19, s18;
	v1 =	vmovc v9;
	v9 =	vmov v19;
	v51 =	vld.idx.msk [tilespmem:v29+s6+$0x0], $0xffff;
	v33 =	vadd.f32 v40, v33;
	v34 =	vadd.f32 v34, v37  }
0x47e: {  	s10 =	sor.u32 s10, s18;
	v40 =	vadd.f32 v43, v50;
	v37 =	vld.idx.msk [tilespmem:v18+s31+$0x0], $0xffff;
	v35 =	vadd.f32 v39, v35  }
0x47f: {  	v19 =	vsub.f32 v38, v41;
	v39 =	vld [tilespmem:s10+$0x1CD80];
	v38 =	vsub.f32 v33, v44  }
0x480: {  	v33 =	vsub.f32 v46, v49;
	v43 =	vld [tilespmem:s10+$0x1C580];
	v34 =	vsub.f32 v34, v35  }
0x481: {  	v46 =	vmul.f32 v19, v15;
	v52 =	vld.idx.msk [tilespmem:v36+s31+$0x0], $0xffff  }
0x482: {  	v19 =	vsub.f32 v32, v47;
	v32 =	vmul.f32 v33, v15;
	v50 =	vld [tilespmem:s10+$0x1BD80];
	v34 =	vmul.f32 v34, v0;
	v0 =	vmovc v4  }
0x483: {  	v47 =	vsub.f32 v51, v55;
	v46 =	vadd.f32 v46, v41;
	v33 =	vld.idx.msk [tilespmem:v17+s31+$0x0], $0xffff;
	v38 =	vmul.f32 v38, v0  }
0x484: {  	v4 =	vmov v24;
	v41 =	vadd.f32 v32, v49;
	v49 =	vld.idx.msk [tilespmem:v23+s31+$0x0], $0xffff;
	v34 =	vadd.f32 v34, v35  }
0x485: {  	v35 =	vmul.f32 $3.200000000e+01, v39;
	v32 =	vmul.f32 $3.200000000e+01, v43;
	v39 =	vld.idx.msk [tilespmem:v21+s31+$0x0], $0xffff;
	v24 =	vadd.f32 v38, v44  }
0x486: {  	v43 =	vmul.f32 v47, v15;
	v41 =	vsub.f32 v41, v46;
	v44 =	vld.idx.msk [tilespmem:v14+s31+$0x0], $0xffff;
	[tilespmem:s7+$0x1CD80] =	vst v34;
	s7 =	smov.u32 s14;
	s14 =	smov.u32 s17;
	s17 =	smov.u32 s15  }
0x487: {  	v48 =	vsub.f32 v48, v37;
	s15 =	smov.u32 s10;
	v38 =	vmul.f32 $3.200000000e+01, v50;
	v34 =	vtrunc.f32 v32;
	v47 =	vld.idx.msk [tilespmem:v16+s31+$0x0], $0xffff;
	[tilespmem:s7+$0x1C580] =	vst v24  }
0x488: {  	v24 =	vtrunc.f32 v35;
	v50 =	vmul.f32 v41, v19;
	v51 =	vld.idx.msk [tilespmem:v10+s3+$0x0], $0xffff;
	v10 =	vmovc v20;
	v20 =	vmov v31  }
0x489: {  	v53 =	vcvt.f32.s32 v34;
	v31 =	vadd.f32 v43, v55;
	v43 =	vmul.f32 v48, v5;
	v54 =	vld.idx.msk [tilespmem:v8+s3+$0x0], $0xffff;
	v8 =	vmovc v36  }
0x48a: {  	v41 =	vcvt.f32.s32 v24;
	v24 =	vsub.f32 v30, v45;
	v30 =	vmovc v35;
	v45 =	vadd.f32 v50, v46;
	v46 =	vld.idx.msk [tilespmem:v7+s3+$0x0], $0xffff  }
0x48b: {  	v34 =	vtrunc.f32 v38;
	v35 =	vmul.u32 $0x21, v53;
	v31 =	vsub.f32 v31, v40;
	v7 =	vmovc v21;
	v21 =	vmovc v28;
	v36 =	vld.idx.msk [tilespmem:v11+s3+$0x0], $0xffff  }
0x48c: {  	v28 =	vcvt.f32.s32 v34;
	v50 =	vmul.u32 $0x441, v41;
	v49 =	vsub.f32 v49, v39;
	v11 =	vmovc v23;
	v23 =	vmovc v29;
	v34 =	vld.idx.msk [tilespmem:v13+s3+$0x0], $0xffff  }
0x48d: {  	v43 =	vadd.f32 v43, v37;
	v13 =	vmul.f32 v31, v19;
	v29 =	vsub.f32 v44, v47;
	v37 =	vld.idx.msk [tilespmem:v12+s3+$0x0], $0xffff  }
0x48e: {  	v48 =	vcvt.s32.f32 v28;
	v31 =	vmul.f32 v49, v5;
	v12 =	vadd.s32 v28, v35;
	v35 =	vld.idx.msk [tilespmem:v3+s3+$0x0], $0xffff;
	v3 =	vmovc v16  }
0x48f: {  	v44 =	vadd.s32 v50, v12;
	v55 =	vadd.f32 v13, v40;
	v13 =	vmul.f32 v29, v5;
	v49 =	vld.idx.msk [tilespmem:v6+s3+$0x0], $0xffff  }
0x490: {  	v39 =	vadd.f32 v31, v39;
	v16 =	vmovc v25;
	v28 =	vadd.s32 $0x21, v44;
	v50 =	vadd.s32 $0x441, v44;
	v25 =	vmovc v44  }
0x491: {  	v56 =	vadd.s32 $0x1, v25;
	v29 =	vadd.s32 $0x22, v25;
	v40 =	vsub.f32 v36, v46;
	v12 =	vmovc v17;
	v17 =	vmovc v27  }
0x492: {  	v6 =	vmovc v14;
	v36 =	vadd.s32 $0x462, v25;
	v31 =	vadd.s32 $0x463, v25;
	v44 =	vadd.f32 v13, v47;
	v27 =	vmovc v50  }
.Ltmp5:
0x493: {  	v14 =	vmovc v26;
	v45 =	vsub.f32 v45, v55;
	v57 =	vsub.f32 v51, v34;
	v40 =	vmul.f32 v40, v2;
	(pc) =	sbr.rel @p0 .LBB2_12-.Ltmp5, $4  }
0x494: {  	v47 =	vcvt.s32.f32 v53;
	v26 =	vmovc v56;
	v51 =	vsub.f32 v39, v44;
	v54 =	vsub.f32 v54, v37;
	v13 =	vmovc v18  }
0x495: {  	v52 =	vsub.f32 v52, v33;
	v58 =	vmul.f32 v45, v24;
	v39 =	vadd.f32 v40, v46;
	v50 =	vld.idx.msk [tilespmem:v25+s6+$0x0], $0xffff  }
0x496: {  	v18 =	vmovc v42;
	v40 =	vadd.s32 $0x442, v25;
	v45 =	vsub.f32 v49, v35;
	v46 =	vmul.f32 v54, v2;
	v53 =	vld.idx.msk [tilespmem:v56+s6+$0x0], $0xffff  }
0x497: {  	v52 =	vmul.f32 v52, v5;
	v42 =	vmul.f32 v57, v2;
	v54 =	vadd.f32 v58, v55;
	v49 =	vld.idx.msk [tilespmem:v36+s6+$0x0], $0xffff  }
0x498: {  	_ =	sdelay $0x3  }
0x499: {  	v55 =	vld.idx.msk [tilespmem:v28+s6+$0x0], $0xffff  }
0x49a: {  	v56 =	vld.idx.msk [tilespmem:v27+s6+$0x0], $0xffff  }
0x49b: {  	v57 =	vld.idx.msk [tilespmem:v31+s6+$0x0], $0xffff  }
0x49c: {  	v58 =	vld.idx.msk [tilespmem:v40+s6+$0x0], $0xffff  }
0x49d: {  	v59 =	vld.idx.msk [tilespmem:v29+s6+$0x0], $0xffff;
	_ =	sdelay $0x2  }
0x49e: {  	v38 =	vsub.f32 v38, v48  }
0x49f: {  	v60 =	vsub.f32 v53, v50;
	v61 =	vsub.f32 v58, v56  }
0x4a0: {  	v57 =	vsub.f32 v57, v49;
	v62 =	vsub.f32 v59, v55  }
0x4a1: {  	v48 =	vmul.f32 v60, v38;
	v53 =	vmul.f32 v61, v38  }
0x4a2: {  	v57 =	vmul.f32 v57, v38;
	v58 =	vmul.f32 v62, v38  }
0x4a3: {  	v48 =	vadd.f32 v48, v50;
	v63 =	vadd.f32 v53, v56  }
0x4a4: {  	v57 =	vadd.f32 v57, v49;
	v58 =	vadd.f32 v58, v55  }
0x4a5: {  	v32 =	vsub.f32 v32, v47  }
0x4a6: {  	v59 =	vsub.f32 v57, v63;
	v60 =	vsub.f32 v58, v48  }
0x4a7: {  	[tilespmem:s17+$0x1BD80] =	vst v54  }
0x4a8: {  	v54 =	vld.idx.msk [tilespmem:v18+s31+$0x0], $0xffff;
	v47 =	vmul.f32 v59, v32;
	v49 =	vmul.f32 v60, v32  }
0x4a9: {  	v61 =	vld.idx.msk [tilespmem:v20+s31+$0x0], $0xffff  }
0x4aa: {  	v41 =	vcvt.s32.f32 v41;
	v55 =	vld.idx.msk [tilespmem:v22+s31+$0x0], $0xffff;
	v47 =	vadd.f32 v47, v63;
	v48 =	vadd.f32 v49, v48  }
0x4ab: {  	v56 =	vld.idx.msk [tilespmem:v17+s31+$0x0], $0xffff  }
0x4ac: {  	v30 =	vsub.f32 v30, v41;
	v62 =	vsub.f32 v47, v48  }
0x4ad: {  	v50 =	vld.idx.msk [tilespmem:v21+s31+$0x0], $0xffff  }
0x4ae: {  	v57 =	vld.idx.msk [tilespmem:v16+s31+$0x0], $0xffff;
	v41 =	vmul.f32 v62, v30  }
0x4af: {  	v33 =	vadd.f32 v52, v33;
	v61 =	vsub.f32 v61, v54;
	v49 =	vld.idx.msk [tilespmem:v23+s31+$0x0], $0xffff  }
0x4b0: {  	v58 =	vsub.f32 v55, v56;
	v63 =	vld.idx.msk [tilespmem:v14+s31+$0x0], $0xffff;
	v41 =	vadd.f32 v41, v48  }
0x4b1: {  	v60 =	vmul.f32 v51, v9  }
0x4b2: {  	v43 =	vsub.f32 v43, v33;
	v59 =	vmul.f32 v61, v15;
	v61 =	vmul.f32 v58, v15;
	[tilespmem:s15+$0x1BD80] =	vst v41  }
0x4b3: {  	v52 =	vld.idx.msk [tilespmem:v31+s31+$0x0], $0xffff  }
0x4b4: {  	v44 =	vadd.f32 v60, v44;
	v62 =	vmul.f32 v43, v9;
	v43 =	vadd.f32 v61, v56;
	v51 =	vld.idx.msk [tilespmem:v36+s31+$0x0], $0xffff  }
0x4b5: {  	v49 =	vsub.f32 v49, v50;
	v63 =	vsub.f32 v63, v57;
	v47 =	vld.idx.msk [tilespmem:v40+s31+$0x0], $0xffff  }
0x4b6: {  	v33 =	vadd.f32 v62, v33;
	v48 =	vadd.f32 v59, v54;
	v62 =	vld.idx.msk [tilespmem:v29+s31+$0x0], $0xffff  }
0x4b7: {  	v49 =	vmul.f32 v49, v15;
	v60 =	vmul.f32 v63, v15;
	v54 =	vld.idx.msk [tilespmem:v28+s31+$0x0], $0xffff  }
0x4b8: {  	v33 =	vsub.f32 v33, v44;
	v48 =	vsub.f32 v48, v43;
	v63 =	vld.idx.msk [tilespmem:v26+s31+$0x0], $0xffff  }
0x4b9: {  	v49 =	vadd.f32 v49, v50;
	v41 =	vadd.f32 v60, v57;
	v56 =	vld.idx.msk [tilespmem:v25+s31+$0x0], $0xffff  }
0x4ba: {  	v50 =	vld.idx.msk [tilespmem:v27+s31+$0x0], $0xffff;
	v33 =	vmul.f32 v33, v4  }
0x4bb: {  	v48 =	vmul.f32 v48, v19;
	v49 =	vsub.f32 v49, v41  }
0x4bc: {  	v33 =	vadd.f32 v33, v44  }
0x4bd: {  	v43 =	vadd.f32 v48, v43;
	v49 =	vmul.f32 v49, v19;
	v60 =	vsub.f32 v52, v51  }
0x4be: {  	v61 =	vsub.f32 v62, v54;
	v62 =	vsub.f32 v63, v56  }
0x4bf: {  	v47 =	vsub.f32 v47, v50;
	v41 =	vadd.f32 v49, v41  }
0x4c0: {  	v44 =	vmul.f32 v60, v38;
	v48 =	vmul.f32 v61, v38  }
0x4c1: {  	[tilespmem:s14+$0x1C580] =	vst v33;
	v52 =	vmul.f32 v62, v38;
	v47 =	vmul.f32 v47, v38;
	v63 =	vsub.f32 v43, v41  }
0x4c2: {  	v10 =	vld.idx.msk [tilespmem:v10+s3+$0x0], $0xffff;
	v44 =	vadd.f32 v44, v51;
	v48 =	vadd.f32 v48, v54  }
0x4c3: {  	v8 =	vld.idx.msk [tilespmem:v8+s3+$0x0], $0xffff;
	v43 =	vadd.f32 v52, v56;
	v47 =	vadd.f32 v47, v50  }
0x4c4: {  	v7 =	vld.idx.msk [tilespmem:v7+s3+$0x0], $0xffff  }
0x4c5: {  	v11 =	vld.idx.msk [tilespmem:v11+s3+$0x0], $0xffff;
	v33 =	vmul.f32 v63, v24;
	v48 =	vsub.f32 v48, v43;
	v44 =	vsub.f32 v44, v47  }
0x4c6: {  	v13 =	vld.idx.msk [tilespmem:v13+s3+$0x0], $0xffff  }
0x4c7: {  	v12 =	vld.idx.msk [tilespmem:v12+s3+$0x0], $0xffff;
	v33 =	vadd.f32 v33, v41;
	v53 =	vmul.f32 v48, v32;
	v44 =	vmul.f32 v44, v32  }
0x4c8: {  	v3 =	vld.idx.msk [tilespmem:v3+s3+$0x0], $0xffff  }
0x4c9: {  	v6 =	vld.idx.msk [tilespmem:v6+s3+$0x0], $0xffff;
	[tilespmem:s17+$0x1C580] =	vst v33;
	v54 =	vadd.f32 v53, v43;
	v55 =	vadd.f32 v44, v47  }
0x4ca: {  	v56 =	vld.idx.msk [tilespmem:v20+s3+$0x0], $0xffff  }
0x4cb: {  	v57 =	vld.idx.msk [tilespmem:v22+s3+$0x0], $0xffff;
	v41 =	vsub.f32 v55, v54  }
0x4cc: {  	v2 =	vmul.f32 v45, v2;
	v58 =	vld.idx.msk [tilespmem:v21+s3+$0x0], $0xffff  }
0x4cd: {  	v59 =	vld.idx.msk [tilespmem:v23+s3+$0x0], $0xffff;
	v41 =	vmul.f32 v41, v30  }
0x4ce: {  	v37 =	vadd.f32 v46, v37;
	v2 =	vadd.f32 v2, v35;
	v60 =	vld.idx.msk [tilespmem:v18+s3+$0x0], $0xffff  }
0x4cf: {  	v11 =	vsub.f32 v11, v7;
	v61 =	vld.idx.msk [tilespmem:v17+s3+$0x0], $0xffff;
	v33 =	vadd.f32 v41, v54  }
0x4d0: {  	v8 =	vsub.f32 v8, v12;
	v10 =	vsub.f32 v10, v13;
	v62 =	vld.idx.msk [tilespmem:v16+s3+$0x0], $0xffff  }
0x4d1: {  	v6 =	vsub.f32 v6, v3;
	v11 =	vmul.f32 v11, v5;
	v63 =	vld.idx.msk [tilespmem:v14+s3+$0x0], $0xffff;
	[tilespmem:s15+$0x1C580] =	vst v33  }
0x4d2: {  	v34 =	vadd.f32 v42, v34;
	v8 =	vmul.f32 v8, v5;
	v10 =	vmul.f32 v10, v5;
	v41 =	vld.idx.msk [tilespmem:v31+s3+$0x0], $0xffff  }
0x4d3: {  	v45 =	vsub.f32 v39, v2;
	v35 =	vmul.f32 v6, v5;
	v7 =	vadd.f32 v11, v7;
	v42 =	vld.idx.msk [tilespmem:v40+s3+$0x0], $0xffff  }
0x4d4: {  	v8 =	vadd.f32 v8, v12;
	v10 =	vadd.f32 v10, v13;
	v43 =	vld.idx.msk [tilespmem:v28+s3+$0x0], $0xffff  }
0x4d5: {  	v48 =	vmul.f32 v45, v1;
	v3 =	vadd.f32 v35, v3;
	v44 =	vsub.f32 v34, v37;
	v46 =	vld.idx.msk [tilespmem:v29+s3+$0x0], $0xffff  }
0x4d6: {  	v10 =	vsub.f32 v10, v8;
	v47 =	vld.idx.msk [tilespmem:v36+s3+$0x0], $0xffff  }
0x4d7: {  	v7 =	vsub.f32 v7, v3;
	v12 =	vmul.f32 v44, v1;
	v1 =	vadd.f32 v48, v2;
	v50 =	vld.idx.msk [tilespmem:v27+s3+$0x0], $0xffff  }
0x4d8: {  	v10 =	vmul.f32 v10, v9;
	v49 =	vsub.f32 v59, v58;
	v51 =	vsub.f32 v57, v61;
	v52 =	vld.idx.msk [tilespmem:v25+s3+$0x0], $0xffff  }
0x4d9: {  	v7 =	vmul.f32 v7, v9;
	v12 =	vadd.f32 v12, v37;
	v56 =	vsub.f32 v56, v60;
	v54 =	vld.idx.msk [tilespmem:v26+s3+$0x0], $0xffff  }
0x4da: {  	v57 =	vsub.f32 v63, v62;
	v53 =	vmul.f32 v49, v15;
	v55 =	vmul.f32 v51, v15  }
0x4db: {  	v8 =	vadd.f32 v10, v8;
	v3 =	vadd.f32 v7, v3  }
0x4dc: {  	v2 =	vadd.f32 v53, v58;
	v7 =	vadd.f32 v55, v61  }
0x4dd: {  	v9 =	vmul.f32 v56, v15;
	v58 =	vsub.f32 v46, v43;
	v11 =	vsub.f32 v42, v50  }
0x4de: {  	v10 =	vmul.f32 v57, v15;
	v6 =	vsub.f32 v41, v47;
	v13 =	vsub.f32 v54, v52  }
0x4df: {  	v9 =	vadd.f32 v9, v60;
	v14 =	vmul.f32 v58, v38;
	v11 =	vmul.f32 v11, v38  }
0x4e0: {  	v10 =	vadd.f32 v10, v62;
	v6 =	vmul.f32 v6, v38;
	v13 =	vmul.f32 v13, v38  }
0x4e1: {  	v5 =	vadd.f32 v14, v43;
	v11 =	vadd.f32 v11, v50  }
0x4e2: {  	v6 =	vadd.f32 v6, v47;
	v13 =	vadd.f32 v13, v52  }
0x4e3: {  	v9 =	vsub.f32 v9, v7;
	v2 =	vsub.f32 v2, v10  }
0x4e4: {  	v6 =	vsub.f32 v6, v11;
	v5 =	vsub.f32 v5, v13  }
0x4e5: {  	v12 =	vsub.f32 v12, v1;
	v9 =	vmul.f32 v9, v19;
	v2 =	vmul.f32 v2, v19  }
0x4e6: {  	v8 =	vsub.f32 v8, v3;
	v6 =	vmul.f32 v6, v32;
	v5 =	vmul.f32 v5, v32  }
0x4e7: {  	v7 =	vadd.f32 v9, v7;
	v2 =	vadd.f32 v2, v10  }
0x4e8: {  	v6 =	vadd.f32 v6, v11;
	v5 =	vadd.f32 v5, v13  }
0x4e9: {  	v0 =	vmul.f32 v12, v0;
	v7 =	vsub.f32 v7, v2  }
0x4ea: {  	v59 =	vmul.f32 v8, v4;
	v6 =	vsub.f32 v6, v5  }
0x4eb: {  	v0 =	vadd.f32 v0, v1;
	v60 =	vmul.f32 v7, v24  }
0x4ec: {  	v3 =	vadd.f32 v59, v3;
	v61 =	vmul.f32 v6, v30  }
0x4ed: {  	[tilespmem:s7+$0x1CD80] =	vst v0;
	v62 =	vadd.f32 v60, v2  }
0x4ee: {  	[tilespmem:s14+$0x1CD80] =	vst v3;
	v63 =	vadd.f32 v61, v5  }
0x4ef: {  	[tilespmem:s17+$0x1CD80] =	vst v62  }
0x4f0: {  	[tilespmem:s15+$0x1CD80] =	vst v63  }
0x4f1: {  	s7 =	rddreg [dreg:$0x11]  }
0x4f2: {  	[hbm4b:s7+s6] =	stream.linear.scatter [tilespmem:s28], [sflag:$0x5], $0x800, $0x38;
	[tilespmem:$0x1ED80] =	vst v63  }
0x4f3: {  	s21 =	rddreg [dreg:$0x12]  }
0x4f4: {  	[hbm4b:s21+s6] =	stream.linear.scatter [tilespmem:s29], [sflag:$0x5], $0x800, $0x38;
	[tilespmem:$0x1ED80] =	vst v63  }
0x4f5: {  	s22 =	rddreg [dreg:$0x13]  }
0x4f6: {  	[hbm4b:s22+s6] =	stream.linear.scatter [tilespmem:s30], [sflag:$0x5], $0x800, $0x38;
	[tilespmem:$0x1ED80] =	vst v63  }
0x4f7: {  	_ =	swait.ge [sflag:s0], $0x800  }
0x4f8: {  	[sflag:s0] =	ssyncset.done $0x0  }
0x4f9: {  	[sflag:s0] =	ssyncadd.s32 $0xFFFFF800  }
0x4fa: {  	_ =	swait.ge [sflag:s0], $0x800  }
0x4fb: {  	[sflag:s0] =	ssyncset.done $0x0  }
0x4fc: {  	[sflag:s0] =	ssyncadd.s32 $0xFFFFF800  }
0x4fd: {  	_ =	swait.ge [sflag:s0], $0x800  }
0x4fe: {  	[sflag:s0] =	ssyncset.done $0x0  }
0x4ff: {  	[sflag:s0] =	ssyncadd.s32 $0xFFFFF800  }
0x500: {  	_ =	swait.ge [sflag:s13], $0x800  }
0x501: {  	[sflag:s13] =	ssyncset.done $0x0  }
0x502: {  	[sflag:s13] =	ssyncadd.s32 $0xFFFFF800  }
0x503: {  	_ =	swait.ge [sflag:s13], $0x800  }
0x504: {  	[sflag:s13] =	ssyncset.done $0x0  }
0x505: {  	[sflag:s13] =	ssyncadd.s32 $0xFFFFF800  }
0x506: {  	_ =	swait.ge [sflag:s13], $0x800  }
0x507: {  	s8 =	rddreg [dreg:$0x15]  }
0x508: {  	s23 =	rddreg [dreg:$0x14];
	s8 =	sadd.s32 $0x1, s8  }
0x509: {  	p0 =	sne.s32 s8, s23  }
.Ltmp6:
0x50a: {  	_ = 	snop;
	(pc) =	sbr.rel @p0 .LBB2_1-.Ltmp6, $3  }
0x50b: {  	_ =	sdelay $0x1  }
0x50c: {  	[sflag:s13] =	ssyncset.done $0x0  }
0x50d: {  	[sflag:s13] =	ssyncadd.s32 $0xFFFFF800  }
0x50e: {  	_ =	sfence.sel $0x180000  }
0x50f: {  	[bflag:$0x0] =	sbarrier.arrive $0xFFFF  }
0x510: {  	_ =	strace $0x90000047  }
0x511: {  	s0 =	stileid.u32;
	[bflag:$0x2] =	sbarrier.arrive $0xFFFF  }
0x512: {  	p0 =	sne.s32 s0, $0x0;
	s0 =	rddreg [dreg:$0x3]  }
0x513: {  	s0 =	sadd.s32 @!p0 $0x100000, s0  }
0x514: {  	[sflag:s0] =	ssyncadd.tile.s32 @!p0 $0x1;
	_ =	shalt  }
.Lfunc_end2:
_tile_overlayer_lowered:
.L_overlay_start_2:
0x515: {  	(tag) =	ssettag $0x2  }
0x516: {  	s0 =	rddreg [dreg:$0x0];
	s2 =	stileid.u32  }
0x517: {  	s1 =	rddreg [dreg:$0x1];
	p0 =	sne.s32 s2, $0x0  }
0x518: {  	s3 =	rddreg [dreg:$0x2];
	[bflag:$0x3] =	sbarrier.arrive $0xFFFF;
	s2 =	simm.s32 @!p0 $0x1C07  }
0x519: {  	[timem:s3], [sflag:s2] =	dma.local @!p0 [hbm:s0], s1  }
0x51a: {  	s0 =	simm.s32 @!p0 $0x7  }
0x51b: {  	_ =	swait.ge @!p0 [sflag:s0], s1  }
0x51c: {  	s1 =	ssub.s32 @!p0 $0x0, s1;
	[sflag:s0] =	ssyncset.done @!p0 $0x0  }
0x51d: {  	[sflag:s0] =	ssyncadd.s32 @!p0 s1  }
0x51e: {  	[bflag:$0x3] =	sbarrier.arrive $0xFFFF  }
0x51f: {  	_ =	shalt  }

</sc_bundles>
